<compile_context>
chip_gen: v7x
topology: tpu7x:2x2x1
jax: 0.10.2.dev20260603
libtpu: 0.0.44.dev20260713+nightly
codegen_flags: <defaults>
</compile_context>

<pallas_src>
import functools

import jax
import jax.numpy as jnp
from jax import lax
from jax.experimental import pallas as pl
from jax.experimental.pallas import tpu as pltpu
from jax.experimental.pallas import tpu_sc as plsc

N_NODES = 10000
N_EDGES = 320000
D_FEAT = 128
HIDDEN = 16
D_OUT = 64

NC = 2
NS = 16
CHUNK = 128
K = 4
NCHUNK = 2616
E_PAD = NCHUNK * CHUNK
N_PAD = 10240
DUMMY = N_NODES
RPW = N_PAD // NS

J0, J1 = 80, 80
G0, G1 = J0 // K, J1 // K
GROWS = N_NODES // NS
JD0, JD1 = 82, 81

_mesh = plsc.VectorSubcoreMesh(core_axis_name="c", subcore_axis_name="s")
_sc_params = pltpu.CompilerParams(use_tc_tiling_on_sc=False)


def _make_deg_kernel():

    @functools.partial(
        pl.kernel,
        out_type=jax.ShapeDtypeStruct((NC, N_PAD), jnp.float32),
        mesh=_mesh,
        compiler_params=_sc_params,
        scratch_types=[
            pltpu.VMEM((JD0, CHUNK), jnp.int32),
            pltpu.VMEM((CHUNK,), jnp.float32),
            pltpu.VMEM((RPW,), jnp.float32),
            pltpu.VMEM_SHARED((N_PAD,), jnp.float32),
            pltpu.SemaphoreType.DMA,
        ],
    )
    def deg_kernel(dst_hbm, out_hbm, dst_v, ones_v, obuf_v, acc_sh, sem):
        c = lax.axis_index("c")
        s = lax.axis_index("s")
        j_n = jnp.where(c == 0, JD0, JD1)
        base = jnp.where(c == 0, s * JD0, NS * JD0 + s * JD1)

        pltpu.sync_copy(dst_hbm.at[pl.ds(base, JD0)], dst_v)

        zero16 = jnp.zeros((16,), jnp.float32)
        ones16 = jnp.full((16,), 1.0, jnp.float32)
        for k in range(CHUNK // 16):
            ones_v[pl.ds(k * 16, 16)] = ones16

        def zrow(i, _):
            obuf_v[pl.ds(i * 16, 16)] = zero16
            return 0

        lax.fori_loop(0, RPW // 16, zrow, 0)
        pltpu.sync_copy(obuf_v, acc_sh.at[pl.ds(s * RPW, RPW)])
        plsc.subcore_barrier()

        def group(g, _):
            for b in range(8):
                pltpu.async_copy(ones_v, acc_sh.at[dst_v.at[g * 8 + b]],
                                 sem, add=True)
            for b in range(8):
                pltpu.make_async_copy(ones_v, acc_sh.at[dst_v.at[0]],
                                      sem).wait()
            return 0

        lax.fori_loop(0, j_n // 8, group, 0)

        def tail(j, _):
            pltpu.sync_copy(ones_v, acc_sh.at[dst_v.at[j]], add=True)
            return 0

        lax.fori_loop((j_n // 8) * 8, j_n, tail, 0)

        plsc.subcore_barrier()
        pltpu.sync_copy(acc_sh.at[pl.ds(s * RPW, RPW)], obuf_v)
        pltpu.sync_copy(obuf_v, out_hbm.at[c, pl.ds(s * RPW, RPW)])

    return deg_kernel


def _make_scatter_kernel(d_feat: int):

    @functools.partial(
        pl.kernel,
        out_type=jax.ShapeDtypeStruct((NC, N_PAD, d_feat), jnp.float32),
        mesh=_mesh,
        compiler_params=_sc_params,
        scratch_types=[
            pltpu.VMEM((J0, CHUNK), jnp.int32),
            pltpu.VMEM((J0, CHUNK), jnp.int32),
            pltpu.VMEM((2, K, CHUNK, d_feat), jnp.float32),
            pltpu.VMEM((RPW, d_feat), jnp.float32),
            pltpu.VMEM_SHARED((N_PAD, d_feat), jnp.float32),
            pltpu.VMEM_SHARED((N_NODES, d_feat), jnp.float32),
            pltpu.SemaphoreType.DMA,
            pltpu.SemaphoreType.DMA,
        ],
    )
    def scat_kernel(g_hbm, src_hbm, dst_hbm, out_hbm,
                    src_v, dst_v, rows_v, buf_v, acc_sh, g_sh, gsem, ssem):
        c = lax.axis_index("c")
        s = lax.axis_index("s")
        g_n = jnp.where(c == 0, G0, G1)
        base = jnp.where(c == 0, s * J0, NS * J0 + s * J1)

        pltpu.sync_copy(src_hbm.at[pl.ds(base, J0)], src_v)
        pltpu.sync_copy(dst_hbm.at[pl.ds(base, J0)], dst_v)

        pltpu.sync_copy(g_hbm.at[pl.ds(s * GROWS, GROWS)],
                        g_sh.at[pl.ds(s * GROWS, GROWS)])

        zero16 = jnp.zeros((16,), jnp.float32)

        def zrow(i, _):
            for k in range(d_feat // 16):
                buf_v[i, pl.ds(k * 16, 16)] = zero16
            return 0

        lax.fori_loop(0, RPW, zrow, 0)
        pltpu.sync_copy(buf_v, acc_sh.at[pl.ds(s * RPW, RPW)])
        plsc.subcore_barrier()

        for b in range(K):
            pltpu.async_copy(g_sh.at[src_v.at[b]], rows_v.at[0, b], gsem)

        def pair(g2, _):
            for p in range(2):
                g = g2 * 2 + p
                for b in range(K):
                    pltpu.make_async_copy(
                        g_hbm.at[src_v.at[0]], rows_v.at[p, b], gsem).wait()
                for b in range(K):
                    pltpu.async_copy(rows_v.at[p, b],
                                     acc_sh.at[dst_v.at[g * K + b]],
                                     ssem, add=True)
                q = 1 - p

                @pl.when(g >= 1)
                def _drain():
                    for b in range(K):
                        pltpu.make_async_copy(
                            g_hbm.at[src_v.at[0]], rows_v.at[q, b],
                            ssem).wait()

                @pl.when(g + 1 < g_n)
                def _refill():
                    for b in range(K):
                        pltpu.async_copy(
                            g_sh.at[src_v.at[(g + 1) * K + b]],
                            rows_v.at[q, b], gsem)
            return 0

        lax.fori_loop(0, g_n // 2, pair, 0)
        for b in range(K):
            pltpu.make_async_copy(
                g_hbm.at[src_v.at[0]], rows_v.at[0, b], ssem).wait()

        plsc.subcore_barrier()
        pltpu.sync_copy(acc_sh.at[pl.ds(s * RPW, RPW)], buf_v)
        pltpu.sync_copy(buf_v, out_hbm.at[c, pl.ds(s * RPW, RPW)])

    return scat_kernel


_deg_kernel = _make_deg_kernel()
_scat16 = _make_scatter_kernel(HIDDEN)



def _mm1_body(x_ref, w_ref, h_ref):
    h_ref[...] = jnp.dot(x_ref[...], w_ref[...],
                         preferred_element_type=jnp.float32)


def _dinv_g1_body(degp_ref, h_ref, dinv_ref, g_ref):
    deg = degp_ref[0, :N_NODES] + degp_ref[1, :N_NODES] + 1.0
    dinv = lax.rsqrt(deg).reshape(N_NODES, 1)
    dinv_ref[...] = dinv
    g_ref[...] = h_ref[...] * dinv


def _mid_body(accp_ref, g1_ref, dinv_ref, b1_ref, gz_ref):
    a = (accp_ref[0] + accp_ref[1])[:N_NODES] + g1_ref[...]
    z = jnp.maximum(a * dinv_ref[...] + b1_ref[...], 0.0)
    gz_ref[...] = z * dinv_ref[...]


def _out_body(accp_ref, gz_ref, dinv_ref, b2_ref, w2_ref, out_ref):
    a = (accp_ref[0] + accp_ref[1])[:N_NODES] + gz_ref[...]
    out_ref[...] = (
        jnp.dot(a, w2_ref[...], preferred_element_type=jnp.float32)
        * dinv_ref[...]
        + b2_ref[...]
    )


def kernel(x, edge_index, W1, b1, W2, b2):
    src = edge_index[0]
    dst = edge_index[1]
    pad = E_PAD - N_EDGES
    src2 = jnp.concatenate(
        [src, jnp.zeros((pad,), jnp.int32)]).reshape(NCHUNK, CHUNK)
    dst2 = jnp.concatenate(
        [dst, jnp.full((pad,), DUMMY, jnp.int32)]).reshape(NCHUNK, CHUNK)

    deg_p = _deg_kernel(dst2)
    h1 = pl.pallas_call(
        _mm1_body,
        out_shape=jax.ShapeDtypeStruct((N_NODES, HIDDEN), jnp.float32),
    )(x, W1)

    dinv, g1 = pl.pallas_call(
        _dinv_g1_body,
        out_shape=[
            jax.ShapeDtypeStruct((N_NODES, 1), jnp.float32),
            jax.ShapeDtypeStruct((N_NODES, HIDDEN), jnp.float32),
        ],
    )(deg_p, h1)

    acc1p = _scat16(g1, src2, dst2)

    gz = pl.pallas_call(
        _mid_body,
        out_shape=jax.ShapeDtypeStruct((N_NODES, HIDDEN), jnp.float32),
    )(acc1p, g1, dinv, b1.reshape(1, HIDDEN))

    acczp = _scat16(gz, src2, dst2)

    out = pl.pallas_call(
        _out_body,
        out_shape=jax.ShapeDtypeStruct((N_NODES, D_OUT), jnp.float32),
    )(acczp, gz, dinv, b2.reshape(1, D_OUT), W2)

    return out

# --- scband reference (transcript-rebuilt; emitter-appended) ---
"""Pipeline reference for scband-drop-edge-model-17222818857596 (READ-ONLY COPY).

The authoritative reference and input builder live on the scoring server;
editing this copy changes nothing except your own understanding.
"""

import jax, jax.numpy as jnp
import numpy as np

N_NODES = 10000
N_EDGES = 320000
D_FEAT = 128
HIDDEN = 16
D_OUT = 64


def setup_inputs(seed: int = 0) -> dict:
    key = jax.random.key(seed)
    k1, k2, k3, k4, k5, k6 = jax.random.split(key, 6)
    x = jax.random.normal(k1, (N_NODES, D_FEAT), dtype=jnp.float32)
    edge_index = jax.random.randint(k2, (2, N_EDGES), 0, N_NODES, dtype=jnp.int32)
    # GCNConv(feature_num=128, 16) and GCNConv(16, output_num=64) parameters
    W1 = jax.random.normal(k3, (D_FEAT, HIDDEN), dtype=jnp.float32) * (1.0 / np.sqrt(D_FEAT))
    b1 = jnp.zeros((HIDDEN,), dtype=jnp.float32)
    W2 = jax.random.normal(k4, (HIDDEN, D_OUT), dtype=jnp.float32) * (1.0 / np.sqrt(HIDDEN))
    b2 = jnp.zeros((D_OUT,), dtype=jnp.float32)
    return {"x": x, "edge_index": edge_index, "W1": W1, "b1": b1, "W2": W2, "b2": b2}


def gcn_conv(x, edge_index, W, b):
    # Faithful GCNConv: add self-loops, symmetric normalization D^-1/2 (A+I) D^-1/2,
    # linear transform, gather messages, scatter-add to destination nodes, add bias.
    num_nodes = x.shape[0]
    src = edge_index[0]
    dst = edge_index[1]
    loop = jnp.arange(num_nodes, dtype=src.dtype)
    src = jnp.concatenate([src, loop])
    dst = jnp.concatenate([dst, loop])
    h = x @ W
    ones = jnp.ones(dst.shape[0], dtype=h.dtype)
    deg = jax.ops.segment_sum(ones, dst, num_segments=num_nodes)
    dinv = jnp.where(deg > 0, jax.lax.rsqrt(jnp.maximum(deg, 1e-12)), 0.0)
    norm = dinv[src] * dinv[dst]
    msg = h[src] * norm[:, None]
    out = jax.ops.segment_sum(msg, dst, num_segments=num_nodes)
    return out + b


def reference(x, edge_index, W1, b1, W2, b2):
    # Eval-mode forward (self.training == False): no drop_edge, no dropout,
    # adj = edge_index directly.
    h = jax.nn.relu(gcn_conv(x, edge_index, W1, b1))
    out = gcn_conv(h, edge_index, W2, b2)
    return out

if __name__ == "__main__":
    import jax
    _d = setup_inputs()
    print(jax.jit(kernel)(*tuple(_d.values())))

</pallas_src>

<mosaic_0001>
#map = affine_map<(d0, d1) -> (0, 0)>
#map1 = affine_map<(d0, d1) -> (0, 0, 0)>
module attributes {stable_mosaic.version = 14 : i64} {
  func.func @scat_kernel(%arg0: i32, %arg1: i32, %arg2: memref<10000x16xf32, #tpu.memory_space<hbm>>, %arg3: memref<2616x128xi32, #tpu.memory_space<hbm>>, %arg4: memref<2616x128xi32, #tpu.memory_space<hbm>>, %arg5: memref<2x10240x16xf32, #tpu.memory_space<hbm>>, %arg6: memref<80x128xi32, #tpu.memory_space<vmem>>, %arg7: memref<80x128xi32, #tpu.memory_space<vmem>>, %arg8: memref<2x4x128x16xf32, #tpu.memory_space<vmem>>, %arg9: memref<640x16xf32, #tpu.memory_space<vmem>>, %arg10: memref<10240x16xf32, #tpu.memory_space<vmem_shared>>, %arg11: memref<10000x16xf32, #tpu.memory_space<vmem_shared>>, %arg12: memref<!tpu.dma_semaphore, #tpu.memory_space<semaphore_mem>>, %arg13: memref<!tpu.dma_semaphore, #tpu.memory_space<semaphore_mem>>) attributes {dimension_semantics = [#tpu.dimension_semantics<core_parallel>, #tpu.dimension_semantics<subcore_parallel>], iteration_bounds = array<i64: 2, 16>, scalar_prefetch = 0 : i64, scratch_operands = 8 : i64, tpu.core_type = #tpu.core_type<sc_vector_subcore>, window_params = [{transform_indices = #map}, {transform_indices = #map}, {transform_indices = #map}, {transform_indices = #map1}]} {
    %eq3A = arith.constant 0 : i32
    %eq3A_0 = arith.cmpi eq, %arg0, %eq3A : i32
    %jit3A = arith.constant 20 : i32
    %jit3A_1 = arith.constant 20 : i32
    %select_n3A = arith.select %eq3A_0, %jit3A, %jit3A_1 : i32
    %eq3A_2 = arith.constant 0 : i32
    %eq3A_3 = arith.cmpi eq, %arg0, %eq3A_2 : i32
    %mul3A = arith.constant 80 : i32
    %mul3A_4 = arith.muli %arg1, %mul3A : i32
    %mul3A_5 = arith.constant 80 : i32
    %mul3A_6 = arith.muli %arg1, %mul3A_5 : i32
    %add3A = arith.constant 1280 : i32
    %add3A_7 = arith.addi %add3A, %mul3A_6 : i32
    %select_n3A_8 = arith.select %eq3A_3, %mul3A_4, %add3A_7 : i32
    "tpu.region"() ({
      %run_scoped3A = tpu.sem_alloc : memref<!tpu.dma_semaphore, #tpu.memory_space<semaphore_mem>>
      %dma_start3A_158 = arith.constant 0 : i32
      %dma_start3A_159 = tpu.memref_slice %arg3[%select_n3A_8, %dma_start3A_158] : memref<2616x128xi32, #tpu.memory_space<hbm>> -> memref<80x128xi32, #tpu.memory_space<hbm>>
      %dma_start3A_160 = arith.constant 0 : i32
      %dma_start3A_161 = tpu.memref_slice %arg3[%select_n3A_8, %dma_start3A_160] : memref<2616x128xi32, #tpu.memory_space<hbm>> -> memref<80x128xi32, #tpu.memory_space<hbm>>
      tpu.enqueue_dma source(%dma_start3A_161 : memref<80x128xi32, #tpu.memory_space<hbm>>) target(%arg6 : memref<80x128xi32, #tpu.memory_space<vmem>>) target_semaphore(%run_scoped3A : memref<!tpu.dma_semaphore, #tpu.memory_space<semaphore_mem>>)
      %dma_wait3A_162 = arith.constant 0 : i32
      %dma_wait3A_163 = tpu.memref_slice %arg3[%select_n3A_8, %dma_wait3A_162] : memref<2616x128xi32, #tpu.memory_space<hbm>> -> memref<80x128xi32, #tpu.memory_space<hbm>>
      %dma_wait3A_164 = arith.constant 0 : i32
      %dma_wait3A_165 = tpu.memref_slice %arg3[%select_n3A_8, %dma_wait3A_164] : memref<2616x128xi32, #tpu.memory_space<hbm>> -> memref<80x128xi32, #tpu.memory_space<hbm>>
      tpu.wait_dma2 semaphore(%run_scoped3A : memref<!tpu.dma_semaphore, #tpu.memory_space<semaphore_mem>>) src(%dma_wait3A_165 : memref<80x128xi32, #tpu.memory_space<hbm>>) dst(%arg6 : memref<80x128xi32, #tpu.memory_space<vmem>>)
      tpu.yield
    }) : () -> ()
    "tpu.region"() ({
      %run_scoped3A = tpu.sem_alloc : memref<!tpu.dma_semaphore, #tpu.memory_space<semaphore_mem>>
      %dma_start3A_158 = arith.constant 0 : i32
      %dma_start3A_159 = tpu.memref_slice %arg4[%select_n3A_8, %dma_start3A_158] : memref<2616x128xi32, #tpu.memory_space<hbm>> -> memref<80x128xi32, #tpu.memory_space<hbm>>
      %dma_start3A_160 = arith.constant 0 : i32
      %dma_start3A_161 = tpu.memref_slice %arg4[%select_n3A_8, %dma_start3A_160] : memref<2616x128xi32, #tpu.memory_space<hbm>> -> memref<80x128xi32, #tpu.memory_space<hbm>>
      tpu.enqueue_dma source(%dma_start3A_161 : memref<80x128xi32, #tpu.memory_space<hbm>>) target(%arg7 : memref<80x128xi32, #tpu.memory_space<vmem>>) target_semaphore(%run_scoped3A : memref<!tpu.dma_semaphore, #tpu.memory_space<semaphore_mem>>)
      %dma_wait3A_162 = arith.constant 0 : i32
      %dma_wait3A_163 = tpu.memref_slice %arg4[%select_n3A_8, %dma_wait3A_162] : memref<2616x128xi32, #tpu.memory_space<hbm>> -> memref<80x128xi32, #tpu.memory_space<hbm>>
      %dma_wait3A_164 = arith.constant 0 : i32
      %dma_wait3A_165 = tpu.memref_slice %arg4[%select_n3A_8, %dma_wait3A_164] : memref<2616x128xi32, #tpu.memory_space<hbm>> -> memref<80x128xi32, #tpu.memory_space<hbm>>
      tpu.wait_dma2 semaphore(%run_scoped3A : memref<!tpu.dma_semaphore, #tpu.memory_space<semaphore_mem>>) src(%dma_wait3A_165 : memref<80x128xi32, #tpu.memory_space<hbm>>) dst(%arg7 : memref<80x128xi32, #tpu.memory_space<vmem>>)
      tpu.yield
    }) : () -> ()
    %mul3A_9 = arith.constant 625 : i32
    %mul3A_10 = arith.muli %arg1, %mul3A_9 : i32
    %mul3A_11 = arith.constant 625 : i32
    %mul3A_12 = arith.muli %arg1, %mul3A_11 : i32
    "tpu.region"() ({
      %run_scoped3A = tpu.sem_alloc : memref<!tpu.dma_semaphore, #tpu.memory_space<semaphore_mem>>
      %dma_start3A_158 = arith.constant 0 : i32
      %dma_start3A_159 = tpu.memref_slice %arg11[%mul3A_12, %dma_start3A_158] : memref<10000x16xf32, #tpu.memory_space<vmem_shared>> -> memref<625x16xf32, #tpu.memory_space<vmem_shared>>
      %dma_start3A_160 = arith.constant 0 : i32
      %dma_start3A_161 = tpu.memref_slice %arg2[%mul3A_10, %dma_start3A_160] : memref<10000x16xf32, #tpu.memory_space<hbm>> -> memref<625x16xf32, #tpu.memory_space<hbm>>
      tpu.enqueue_dma source(%dma_start3A_161 : memref<625x16xf32, #tpu.memory_space<hbm>>) target(%dma_start3A_159 : memref<625x16xf32, #tpu.memory_space<vmem_shared>>) target_semaphore(%run_scoped3A : memref<!tpu.dma_semaphore, #tpu.memory_space<semaphore_mem>>)
      %dma_wait3A_162 = arith.constant 0 : i32
      %dma_wait3A_163 = tpu.memref_slice %arg11[%mul3A_12, %dma_wait3A_162] : memref<10000x16xf32, #tpu.memory_space<vmem_shared>> -> memref<625x16xf32, #tpu.memory_space<vmem_shared>>
      %dma_wait3A_164 = arith.constant 0 : i32
      %dma_wait3A_165 = tpu.memref_slice %arg2[%mul3A_10, %dma_wait3A_164] : memref<10000x16xf32, #tpu.memory_space<hbm>> -> memref<625x16xf32, #tpu.memory_space<hbm>>
      tpu.wait_dma2 semaphore(%run_scoped3A : memref<!tpu.dma_semaphore, #tpu.memory_space<semaphore_mem>>) src(%dma_wait3A_165 : memref<625x16xf32, #tpu.memory_space<hbm>>) dst(%dma_wait3A_163 : memref<625x16xf32, #tpu.memory_space<vmem_shared>>)
      tpu.yield
    }) : () -> ()
    %broadcast_in_dim3A = arith.constant 0.000000e+00 : f32
    %broadcast_in_dim3A_13 = vector.broadcast %broadcast_in_dim3A : f32 to vector<16xf32>
    %scan3A = arith.constant 0 : i32
    %scan3A_14 = arith.constant 0 : i32
    %scan3A_15 = arith.constant 640 : i32
    %scan3A_16 = arith.addi %scan3A_14, %scan3A_15 : i32
    %scan3A_17 = arith.constant 1 : i32
    %scan3A_18 = scf.for %scan3A_158 = %scan3A_14 to %scan3A_16 step %scan3A_17 iter_args(%scan3A_159 = %scan3A) -> (i32)  : i32 {
      %swap3A = arith.index_cast %scan3A_158 : i32 to index
      %swap3A_160 = arith.constant 0 : index
      %swap3A_161 = tpu.vector_load %arg9[%swap3A, %swap3A_160] {strides = array<i32>} : memref<640x16xf32, #tpu.memory_space<vmem>>, vector<1x16xf32>,
      %swap3A_162 = vector.shape_cast %swap3A_161 : vector<1x16xf32> to vector<16xf32>
      %swap3A_163 = vector.shape_cast %broadcast_in_dim3A_13 : vector<16xf32> to vector<1x16xf32>
      tpu.vector_store %arg9[%swap3A, %swap3A_160], %swap3A_163 {strides = array<i32>} : memref<640x16xf32, #tpu.memory_space<vmem>>, vector<1x16xf32>,
      %scan3A_164 = arith.constant 0 : i32
      scf.yield %scan3A_164 : i32
    }
    %scan3A_19 = arith.constant 640 : i32
    %mul3A_20 = arith.constant 640 : i32
    %mul3A_21 = arith.muli %arg1, %mul3A_20 : i32
    "tpu.region"() ({
      %run_scoped3A = tpu.sem_alloc : memref<!tpu.dma_semaphore, #tpu.memory_space<semaphore_mem>>
      %dma_start3A_158 = arith.constant 0 : i32
      %dma_start3A_159 = tpu.memref_slice %arg10[%mul3A_21, %dma_start3A_158] : memref<10240x16xf32, #tpu.memory_space<vmem_shared>> -> memref<640x16xf32, #tpu.memory_space<vmem_shared>>
      %dma_start3A_160 = arith.constant 0 : i32
      %dma_start3A_161 = tpu.memref_slice %arg10[%mul3A_21, %dma_start3A_160] : memref<10240x16xf32, #tpu.memory_space<vmem_shared>> -> memref<640x16xf32, #tpu.memory_space<vmem_shared>>
      tpu.enqueue_dma source(%arg9 : memref<640x16xf32, #tpu.memory_space<vmem>>) target(%dma_start3A_161 : memref<640x16xf32, #tpu.memory_space<vmem_shared>>) target_semaphore(%run_scoped3A : memref<!tpu.dma_semaphore, #tpu.memory_space<semaphore_mem>>)
      %dma_wait3A_162 = arith.constant 0 : i32
      %dma_wait3A_163 = tpu.memref_slice %arg10[%mul3A_21, %dma_wait3A_162] : memref<10240x16xf32, #tpu.memory_space<vmem_shared>> -> memref<640x16xf32, #tpu.memory_space<vmem_shared>>
      %dma_wait3A_164 = arith.constant 0 : i32
      %dma_wait3A_165 = tpu.memref_slice %arg10[%mul3A_21, %dma_wait3A_164] : memref<10240x16xf32, #tpu.memory_space<vmem_shared>> -> memref<640x16xf32, #tpu.memory_space<vmem_shared>>
      tpu.wait_dma2 semaphore(%run_scoped3A : memref<!tpu.dma_semaphore, #tpu.memory_space<semaphore_mem>>) src(%arg9 : memref<640x16xf32, #tpu.memory_space<vmem>>) dst(%dma_wait3A_165 : memref<640x16xf32, #tpu.memory_space<vmem_shared>>)
      tpu.yield
    }) : () -> ()
    %barrier3A = arith.constant 0 : index
    tpu.barrier barrier_id(%barrier3A)
    %dma_start3A = arith.constant 0 : i32
    %dma_start3A_22 = arith.constant 0 : i32
    %dma_start3A_23 = arith.constant 0 : i32
    %dma_start3A_24 = arith.constant 0 : i32
    %dma_start3A_25 = arith.constant 0 : i32
    %dma_start3A_26 = tpu.memref_slice %arg8[%dma_start3A_22, %dma_start3A_23, %dma_start3A_24, %dma_start3A_25] : memref<2x4x128x16xf32, #tpu.memory_space<vmem>> -> memref<1x1x128x16xf32, #tpu.memory_space<vmem>>
    %dma_start3A_27 = tpu.memref_squeeze %dma_start3A_26 : memref<1x1x128x16xf32, #tpu.memory_space<vmem>> -> memref<128x16xf32, #tpu.memory_space<vmem>>
    %dma_start3A_28 = arith.constant 0 : i32
    %dma_start3A_29 = tpu.memref_slice %arg6[%dma_start3A, %dma_start3A_28] : memref<80x128xi32, #tpu.memory_space<vmem>> -> memref<1x128xi32, #tpu.memory_space<vmem>>
    %dma_start3A_30 = tpu.memref_squeeze %dma_start3A_29 : memref<1x128xi32, #tpu.memory_space<vmem>> -> memref<128xi32, #tpu.memory_space<vmem>>
    %dma_start3A_31 = arith.constant 0 : i32
    %dma_start3A_32 = arith.constant 0 : i32
    %dma_start3A_33 = tpu.memref_slice %arg11[%dma_start3A_31, %dma_start3A_32] : memref<10000x16xf32, #tpu.memory_space<vmem_shared>> -> memref<10000x16xf32, #tpu.memory_space<vmem_shared>>
    tpu.enqueue_indirect_dma source(%dma_start3A_33 : memref<10000x16xf32, #tpu.memory_space<vmem_shared>>) target(%dma_start3A_27 : memref<128x16xf32, #tpu.memory_space<vmem>>) offsets(%dma_start3A_30 : memref<128xi32, #tpu.memory_space<vmem>>) semaphore(%arg12 : memref<!tpu.dma_semaphore, #tpu.memory_space<semaphore_mem>>)
    %dma_start3A_34 = arith.constant 1 : i32
    %dma_start3A_35 = arith.constant 0 : i32
    %dma_start3A_36 = arith.constant 1 : i32
    %dma_start3A_37 = arith.constant 0 : i32
    %dma_start3A_38 = arith.constant 0 : i32
    %dma_start3A_39 = tpu.memref_slice %arg8[%dma_start3A_35, %dma_start3A_36, %dma_start3A_37, %dma_start3A_38] : memref<2x4x128x16xf32, #tpu.memory_space<vmem>> -> memref<1x1x128x16xf32, #tpu.memory_space<vmem>>
    %dma_start3A_40 = tpu.memref_squeeze %dma_start3A_39 : memref<1x1x128x16xf32, #tpu.memory_space<vmem>> -> memref<128x16xf32, #tpu.memory_space<vmem>>
    %dma_start3A_41 = arith.constant 0 : i32
    %dma_start3A_42 = tpu.memref_slice %arg6[%dma_start3A_34, %dma_start3A_41] : memref<80x128xi32, #tpu.memory_space<vmem>> -> memref<1x128xi32, #tpu.memory_space<vmem>>
    %dma_start3A_43 = tpu.memref_squeeze %dma_start3A_42 : memref<1x128xi32, #tpu.memory_space<vmem>> -> memref<128xi32, #tpu.memory_space<vmem>>
    %dma_start3A_44 = arith.constant 0 : i32
    %dma_start3A_45 = arith.constant 0 : i32
    %dma_start3A_46 = tpu.memref_slice %arg11[%dma_start3A_44, %dma_start3A_45] : memref<10000x16xf32, #tpu.memory_space<vmem_shared>> -> memref<10000x16xf32, #tpu.memory_space<vmem_shared>>
    tpu.enqueue_indirect_dma source(%dma_start3A_46 : memref<10000x16xf32, #tpu.memory_space<vmem_shared>>) target(%dma_start3A_40 : memref<128x16xf32, #tpu.memory_space<vmem>>) offsets(%dma_start3A_43 : memref<128xi32, #tpu.memory_space<vmem>>) semaphore(%arg12 : memref<!tpu.dma_semaphore, #tpu.memory_space<semaphore_mem>>)
    %dma_start3A_47 = arith.constant 2 : i32
    %dma_start3A_48 = arith.constant 0 : i32
    %dma_start3A_49 = arith.constant 2 : i32
    %dma_start3A_50 = arith.constant 0 : i32
    %dma_start3A_51 = arith.constant 0 : i32
    %dma_start3A_52 = tpu.memref_slice %arg8[%dma_start3A_48, %dma_start3A_49, %dma_start3A_50, %dma_start3A_51] : memref<2x4x128x16xf32, #tpu.memory_space<vmem>> -> memref<1x1x128x16xf32, #tpu.memory_space<vmem>>
    %dma_start3A_53 = tpu.memref_squeeze %dma_start3A_52 : memref<1x1x128x16xf32, #tpu.memory_space<vmem>> -> memref<128x16xf32, #tpu.memory_space<vmem>>
    %dma_start3A_54 = arith.constant 0 : i32
    %dma_start3A_55 = tpu.memref_slice %arg6[%dma_start3A_47, %dma_start3A_54] : memref<80x128xi32, #tpu.memory_space<vmem>> -> memref<1x128xi32, #tpu.memory_space<vmem>>
    %dma_start3A_56 = tpu.memref_squeeze %dma_start3A_55 : memref<1x128xi32, #tpu.memory_space<vmem>> -> memref<128xi32, #tpu.memory_space<vmem>>
    %dma_start3A_57 = arith.constant 0 : i32
    %dma_start3A_58 = arith.constant 0 : i32
    %dma_start3A_59 = tpu.memref_slice %arg11[%dma_start3A_57, %dma_start3A_58] : memref<10000x16xf32, #tpu.memory_space<vmem_shared>> -> memref<10000x16xf32, #tpu.memory_space<vmem_shared>>
    tpu.enqueue_indirect_dma source(%dma_start3A_59 : memref<10000x16xf32, #tpu.memory_space<vmem_shared>>) target(%dma_start3A_53 : memref<128x16xf32, #tpu.memory_space<vmem>>) offsets(%dma_start3A_56 : memref<128xi32, #tpu.memory_space<vmem>>) semaphore(%arg12 : memref<!tpu.dma_semaphore, #tpu.memory_space<semaphore_mem>>)
    %dma_start3A_60 = arith.constant 3 : i32
    %dma_start3A_61 = arith.constant 0 : i32
    %dma_start3A_62 = arith.constant 3 : i32
    %dma_start3A_63 = arith.constant 0 : i32
    %dma_start3A_64 = arith.constant 0 : i32
    %dma_start3A_65 = tpu.memref_slice %arg8[%dma_start3A_61, %dma_start3A_62, %dma_start3A_63, %dma_start3A_64] : memref<2x4x128x16xf32, #tpu.memory_space<vmem>> -> memref<1x1x128x16xf32, #tpu.memory_space<vmem>>
    %dma_start3A_66 = tpu.memref_squeeze %dma_start3A_65 : memref<1x1x128x16xf32, #tpu.memory_space<vmem>> -> memref<128x16xf32, #tpu.memory_space<vmem>>
    %dma_start3A_67 = arith.constant 0 : i32
    %dma_start3A_68 = tpu.memref_slice %arg6[%dma_start3A_60, %dma_start3A_67] : memref<80x128xi32, #tpu.memory_space<vmem>> -> memref<1x128xi32, #tpu.memory_space<vmem>>
    %dma_start3A_69 = tpu.memref_squeeze %dma_start3A_68 : memref<1x128xi32, #tpu.memory_space<vmem>> -> memref<128xi32, #tpu.memory_space<vmem>>
    %dma_start3A_70 = arith.constant 0 : i32
    %dma_start3A_71 = arith.constant 0 : i32
    %dma_start3A_72 = tpu.memref_slice %arg11[%dma_start3A_70, %dma_start3A_71] : memref<10000x16xf32, #tpu.memory_space<vmem_shared>> -> memref<10000x16xf32, #tpu.memory_space<vmem_shared>>
    tpu.enqueue_indirect_dma source(%dma_start3A_72 : memref<10000x16xf32, #tpu.memory_space<vmem_shared>>) target(%dma_start3A_66 : memref<128x16xf32, #tpu.memory_space<vmem>>) offsets(%dma_start3A_69 : memref<128xi32, #tpu.memory_space<vmem>>) semaphore(%arg12 : memref<!tpu.dma_semaphore, #tpu.memory_space<semaphore_mem>>)
    %jit3A_73 = arith.constant 2 : i32
    %div3A = arith.divsi %select_n3A, %jit3A_73 : i32
    %sign3A = arith.constant 0 : i32
    %sign3A_74 = arith.cmpi sgt, %select_n3A, %sign3A : i32
    %sign3A_75 = arith.extui %sign3A_74 : i1 to i32
    %sign3A_76 = arith.constant 0 : i32
    %sign3A_77 = arith.cmpi slt, %select_n3A, %sign3A_76 : i32
    %sign3A_78 = arith.extui %sign3A_77 : i1 to i32
    %sign3A_79 = arith.subi %sign3A_75, %sign3A_78 : i32
    %sign3A_80 = arith.constant 0 : i32
    %sign3A_81 = arith.cmpi sgt, %jit3A_73, %sign3A_80 : i32
    %sign3A_82 = arith.extui %sign3A_81 : i1 to i32
    %sign3A_83 = arith.constant 0 : i32
    %sign3A_84 = arith.cmpi slt, %jit3A_73, %sign3A_83 : i32
    %sign3A_85 = arith.extui %sign3A_84 : i1 to i32
    %sign3A_86 = arith.subi %sign3A_82, %sign3A_85 : i32
    %ne3A = arith.cmpi ne, %sign3A_79, %sign3A_86 : i32
    %rem3A = arith.remsi %select_n3A, %jit3A_73 : i32
    %ne3A_87 = arith.constant 0 : i32
    %ne3A_88 = arith.cmpi ne, %rem3A, %ne3A_87 : i32
    %and3A = arith.andi %ne3A, %ne3A_88 : i1
    %sub3A = arith.constant 1 : i32
    %sub3A_89 = arith.subi %div3A, %sub3A : i32
    %select_n3A_90 = arith.select %and3A, %sub3A_89, %div3A : i32
    %while3A = arith.constant 0 : i32
    %while3A_91 = arith.constant 0 : i32
    %while3A_92 = arith.subi %select_n3A_90, %while3A : i32
    %while3A_93 = arith.addi %while3A, %while3A_92 : i32
    %while3A_94 = arith.constant 1 : i32
    %while3A_95 = arith.divsi %while3A_92, %while3A_94 : i32
    %while3A_96 = arith.muli %while3A_95, %while3A_94 : i32
    %while3A_97 = arith.addi %while3A, %while3A_96 : i32
    %while3A_98 = arith.constant 1 : i32
    %while3A_99 = scf.for %while3A_158 = %while3A to %while3A_97 step %while3A_98 iter_args(%while3A_159 = %while3A_91) -> (i32)  : i32 {
      %mul3A_160 = arith.constant 2 : i32
      %mul3A_161 = arith.muli %while3A_158, %mul3A_160 : i32
      %add3A_162 = arith.constant 0 : i32
      %add3A_163 = arith.addi %mul3A_161, %add3A_162 : i32
      %dma_wait3A_164 = arith.constant 0 : i32
      %dma_wait3A_165 = arith.constant 0 : i32
      %dma_wait3A_166 = arith.constant 0 : i32
      %dma_wait3A_167 = arith.constant 0 : i32
      %dma_wait3A_168 = arith.constant 0 : i32
      %dma_wait3A_169 = tpu.memref_slice %arg8[%dma_wait3A_165, %dma_wait3A_166, %dma_wait3A_167, %dma_wait3A_168] : memref<2x4x128x16xf32, #tpu.memory_space<vmem>> -> memref<1x1x128x16xf32, #tpu.memory_space<vmem>>
      %dma_wait3A_170 = tpu.memref_squeeze %dma_wait3A_169 : memref<1x1x128x16xf32, #tpu.memory_space<vmem>> -> memref<128x16xf32, #tpu.memory_space<vmem>>
      %dma_wait3A_171 = arith.constant 0 : i32
      %dma_wait3A_172 = tpu.memref_slice %arg6[%dma_wait3A_164, %dma_wait3A_171] : memref<80x128xi32, #tpu.memory_space<vmem>> -> memref<1x128xi32, #tpu.memory_space<vmem>>
      %dma_wait3A_173 = tpu.memref_squeeze %dma_wait3A_172 : memref<1x128xi32, #tpu.memory_space<vmem>> -> memref<128xi32, #tpu.memory_space<vmem>>
      %dma_wait3A_174 = arith.constant 0 : i32
      %dma_wait3A_175 = arith.constant 0 : i32
      %dma_wait3A_176 = tpu.memref_slice %arg2[%dma_wait3A_174, %dma_wait3A_175] : memref<10000x16xf32, #tpu.memory_space<hbm>> -> memref<10000x16xf32, #tpu.memory_space<hbm>>
      tpu.wait_indirect_dma semaphore(%arg12 : memref<!tpu.dma_semaphore, #tpu.memory_space<semaphore_mem>>) src(%dma_wait3A_176 : memref<10000x16xf32, #tpu.memory_space<hbm>>) dst(%dma_wait3A_170 : memref<128x16xf32, #tpu.memory_space<vmem>>)
      %dma_wait3A_177 = arith.constant 0 : i32
      %dma_wait3A_178 = arith.constant 0 : i32
      %dma_wait3A_179 = arith.constant 1 : i32
      %dma_wait3A_180 = arith.constant 0 : i32
      %dma_wait3A_181 = arith.constant 0 : i32
      %dma_wait3A_182 = tpu.memref_slice %arg8[%dma_wait3A_178, %dma_wait3A_179, %dma_wait3A_180, %dma_wait3A_181] : memref<2x4x128x16xf32, #tpu.memory_space<vmem>> -> memref<1x1x128x16xf32, #tpu.memory_space<vmem>>
      %dma_wait3A_183 = tpu.memref_squeeze %dma_wait3A_182 : memref<1x1x128x16xf32, #tpu.memory_space<vmem>> -> memref<128x16xf32, #tpu.memory_space<vmem>>
      %dma_wait3A_184 = arith.constant 0 : i32
      %dma_wait3A_185 = tpu.memref_slice %arg6[%dma_wait3A_177, %dma_wait3A_184] : memref<80x128xi32, #tpu.memory_space<vmem>> -> memref<1x128xi32, #tpu.memory_space<vmem>>
      %dma_wait3A_186 = tpu.memref_squeeze %dma_wait3A_185 : memref<1x128xi32, #tpu.memory_space<vmem>> -> memref<128xi32, #tpu.memory_space<vmem>>
      %dma_wait3A_187 = arith.constant 0 : i32
      %dma_wait3A_188 = arith.constant 0 : i32
      %dma_wait3A_189 = tpu.memref_slice %arg2[%dma_wait3A_187, %dma_wait3A_188] : memref<10000x16xf32, #tpu.memory_space<hbm>> -> memref<10000x16xf32, #tpu.memory_space<hbm>>
      tpu.wait_indirect_dma semaphore(%arg12 : memref<!tpu.dma_semaphore, #tpu.memory_space<semaphore_mem>>) src(%dma_wait3A_189 : memref<10000x16xf32, #tpu.memory_space<hbm>>) dst(%dma_wait3A_183 : memref<128x16xf32, #tpu.memory_space<vmem>>)
      %dma_wait3A_190 = arith.constant 0 : i32
      %dma_wait3A_191 = arith.constant 0 : i32
      %dma_wait3A_192 = arith.constant 2 : i32
      %dma_wait3A_193 = arith.constant 0 : i32
      %dma_wait3A_194 = arith.constant 0 : i32
      %dma_wait3A_195 = tpu.memref_slice %arg8[%dma_wait3A_191, %dma_wait3A_192, %dma_wait3A_193, %dma_wait3A_194] : memref<2x4x128x16xf32, #tpu.memory_space<vmem>> -> memref<1x1x128x16xf32, #tpu.memory_space<vmem>>
      %dma_wait3A_196 = tpu.memref_squeeze %dma_wait3A_195 : memref<1x1x128x16xf32, #tpu.memory_space<vmem>> -> memref<128x16xf32, #tpu.memory_space<vmem>>
      %dma_wait3A_197 = arith.constant 0 : i32
      %dma_wait3A_198 = tpu.memref_slice %arg6[%dma_wait3A_190, %dma_wait3A_197] : memref<80x128xi32, #tpu.memory_space<vmem>> -> memref<1x128xi32, #tpu.memory_space<vmem>>
      %dma_wait3A_199 = tpu.memref_squeeze %dma_wait3A_198 : memref<1x128xi32, #tpu.memory_space<vmem>> -> memref<128xi32, #tpu.memory_space<vmem>>
      %dma_wait3A_200 = arith.constant 0 : i32
      %dma_wait3A_201 = arith.constant 0 : i32
      %dma_wait3A_202 = tpu.memref_slice %arg2[%dma_wait3A_200, %dma_wait3A_201] : memref<10000x16xf32, #tpu.memory_space<hbm>> -> memref<10000x16xf32, #tpu.memory_space<hbm>>
      tpu.wait_indirect_dma semaphore(%arg12 : memref<!tpu.dma_semaphore, #tpu.memory_space<semaphore_mem>>) src(%dma_wait3A_202 : memref<10000x16xf32, #tpu.memory_space<hbm>>) dst(%dma_wait3A_196 : memref<128x16xf32, #tpu.memory_space<vmem>>)
      %dma_wait3A_203 = arith.constant 0 : i32
      %dma_wait3A_204 = arith.constant 0 : i32
      %dma_wait3A_205 = arith.constant 3 : i32
      %dma_wait3A_206 = arith.constant 0 : i32
      %dma_wait3A_207 = arith.constant 0 : i32
      %dma_wait3A_208 = tpu.memref_slice %arg8[%dma_wait3A_204, %dma_wait3A_205, %dma_wait3A_206, %dma_wait3A_207] : memref<2x4x128x16xf32, #tpu.memory_space<vmem>> -> memref<1x1x128x16xf32, #tpu.memory_space<vmem>>
      %dma_wait3A_209 = tpu.memref_squeeze %dma_wait3A_208 : memref<1x1x128x16xf32, #tpu.memory_space<vmem>> -> memref<128x16xf32, #tpu.memory_space<vmem>>
      %dma_wait3A_210 = arith.constant 0 : i32
      %dma_wait3A_211 = tpu.memref_slice %arg6[%dma_wait3A_203, %dma_wait3A_210] : memref<80x128xi32, #tpu.memory_space<vmem>> -> memref<1x128xi32, #tpu.memory_space<vmem>>
      %dma_wait3A_212 = tpu.memref_squeeze %dma_wait3A_211 : memref<1x128xi32, #tpu.memory_space<vmem>> -> memref<128xi32, #tpu.memory_space<vmem>>
      %dma_wait3A_213 = arith.constant 0 : i32
      %dma_wait3A_214 = arith.constant 0 : i32
      %dma_wait3A_215 = tpu.memref_slice %arg2[%dma_wait3A_213, %dma_wait3A_214] : memref<10000x16xf32, #tpu.memory_space<hbm>> -> memref<10000x16xf32, #tpu.memory_space<hbm>>
      tpu.wait_indirect_dma semaphore(%arg12 : memref<!tpu.dma_semaphore, #tpu.memory_space<semaphore_mem>>) src(%dma_wait3A_215 : memref<10000x16xf32, #tpu.memory_space<hbm>>) dst(%dma_wait3A_209 : memref<128x16xf32, #tpu.memory_space<vmem>>)
      %mul3A_216 = arith.constant 4 : i32
      %mul3A_217 = arith.muli %add3A_163, %mul3A_216 : i32
      %add3A_218 = arith.constant 0 : i32
      %add3A_219 = arith.addi %mul3A_217, %add3A_218 : i32
      %dma_start3A_220 = arith.constant 0 : i32
      %dma_start3A_221 = arith.constant 0 : i32
      %dma_start3A_222 = arith.constant 0 : i32
      %dma_start3A_223 = arith.constant 0 : i32
      %dma_start3A_224 = tpu.memref_slice %arg8[%dma_start3A_220, %dma_start3A_221, %dma_start3A_222, %dma_start3A_223] : memref<2x4x128x16xf32, #tpu.memory_space<vmem>> -> memref<1x1x128x16xf32, #tpu.memory_space<vmem>>
      %dma_start3A_225 = tpu.memref_squeeze %dma_start3A_224 : memref<1x1x128x16xf32, #tpu.memory_space<vmem>> -> memref<128x16xf32, #tpu.memory_space<vmem>>
      %dma_start3A_226 = arith.constant 0 : i32
      %dma_start3A_227 = tpu.memref_slice %arg7[%add3A_219, %dma_start3A_226] : memref<80x128xi32, #tpu.memory_space<vmem>> -> memref<1x128xi32, #tpu.memory_space<vmem>>
      %dma_start3A_228 = tpu.memref_squeeze %dma_start3A_227 : memref<1x128xi32, #tpu.memory_space<vmem>> -> memref<128xi32, #tpu.memory_space<vmem>>
      %dma_start3A_229 = arith.constant 0 : i32
      %dma_start3A_230 = arith.constant 0 : i32
      %dma_start3A_231 = tpu.memref_slice %arg10[%dma_start3A_229, %dma_start3A_230] : memref<10240x16xf32, #tpu.memory_space<vmem_shared>> -> memref<10240x16xf32, #tpu.memory_space<vmem_shared>>
      tpu.enqueue_indirect_dma source(%dma_start3A_225 : memref<128x16xf32, #tpu.memory_space<vmem>>) target(%dma_start3A_231 : memref<10240x16xf32, #tpu.memory_space<vmem_shared>>) offsets(%dma_start3A_228 : memref<128xi32, #tpu.memory_space<vmem>>) semaphore(%arg13 : memref<!tpu.dma_semaphore, #tpu.memory_space<semaphore_mem>>) {add = true}
      %mul3A_232 = arith.constant 4 : i32
      %mul3A_233 = arith.muli %add3A_163, %mul3A_232 : i32
      %add3A_234 = arith.constant 1 : i32
      %add3A_235 = arith.addi %mul3A_233, %add3A_234 : i32
      %dma_start3A_236 = arith.constant 0 : i32
      %dma_start3A_237 = arith.constant 1 : i32
      %dma_start3A_238 = arith.constant 0 : i32
      %dma_start3A_239 = arith.constant 0 : i32
      %dma_start3A_240 = tpu.memref_slice %arg8[%dma_start3A_236, %dma_start3A_237, %dma_start3A_238, %dma_start3A_239] : memref<2x4x128x16xf32, #tpu.memory_space<vmem>> -> memref<1x1x128x16xf32, #tpu.memory_space<vmem>>
      %dma_start3A_241 = tpu.memref_squeeze %dma_start3A_240 : memref<1x1x128x16xf32, #tpu.memory_space<vmem>> -> memref<128x16xf32, #tpu.memory_space<vmem>>
      %dma_start3A_242 = arith.constant 0 : i32
      %dma_start3A_243 = tpu.memref_slice %arg7[%add3A_235, %dma_start3A_242] : memref<80x128xi32, #tpu.memory_space<vmem>> -> memref<1x128xi32, #tpu.memory_space<vmem>>
      %dma_start3A_244 = tpu.memref_squeeze %dma_start3A_243 : memref<1x128xi32, #tpu.memory_space<vmem>> -> memref<128xi32, #tpu.memory_space<vmem>>
      %dma_start3A_245 = arith.constant 0 : i32
      %dma_start3A_246 = arith.constant 0 : i32
      %dma_start3A_247 = tpu.memref_slice %arg10[%dma_start3A_245, %dma_start3A_246] : memref<10240x16xf32, #tpu.memory_space<vmem_shared>> -> memref<10240x16xf32, #tpu.memory_space<vmem_shared>>
      tpu.enqueue_indirect_dma source(%dma_start3A_241 : memref<128x16xf32, #tpu.memory_space<vmem>>) target(%dma_start3A_247 : memref<10240x16xf32, #tpu.memory_space<vmem_shared>>) offsets(%dma_start3A_244 : memref<128xi32, #tpu.memory_space<vmem>>) semaphore(%arg13 : memref<!tpu.dma_semaphore, #tpu.memory_space<semaphore_mem>>) {add = true}
      %mul3A_248 = arith.constant 4 : i32
      %mul3A_249 = arith.muli %add3A_163, %mul3A_248 : i32
      %add3A_250 = arith.constant 2 : i32
      %add3A_251 = arith.addi %mul3A_249, %add3A_250 : i32
      %dma_start3A_252 = arith.constant 0 : i32
      %dma_start3A_253 = arith.constant 2 : i32
      %dma_start3A_254 = arith.constant 0 : i32
      %dma_start3A_255 = arith.constant 0 : i32
      %dma_start3A_256 = tpu.memref_slice %arg8[%dma_start3A_252, %dma_start3A_253, %dma_start3A_254, %dma_start3A_255] : memref<2x4x128x16xf32, #tpu.memory_space<vmem>> -> memref<1x1x128x16xf32, #tpu.memory_space<vmem>>
      %dma_start3A_257 = tpu.memref_squeeze %dma_start3A_256 : memref<1x1x128x16xf32, #tpu.memory_space<vmem>> -> memref<128x16xf32, #tpu.memory_space<vmem>>
      %dma_start3A_258 = arith.constant 0 : i32
      %dma_start3A_259 = tpu.memref_slice %arg7[%add3A_251, %dma_start3A_258] : memref<80x128xi32, #tpu.memory_space<vmem>> -> memref<1x128xi32, #tpu.memory_space<vmem>>
      %dma_start3A_260 = tpu.memref_squeeze %dma_start3A_259 : memref<1x128xi32, #tpu.memory_space<vmem>> -> memref<128xi32, #tpu.memory_space<vmem>>
      %dma_start3A_261 = arith.constant 0 : i32
      %dma_start3A_262 = arith.constant 0 : i32
      %dma_start3A_263 = tpu.memref_slice %arg10[%dma_start3A_261, %dma_start3A_262] : memref<10240x16xf32, #tpu.memory_space<vmem_shared>> -> memref<10240x16xf32, #tpu.memory_space<vmem_shared>>
      tpu.enqueue_indirect_dma source(%dma_start3A_257 : memref<128x16xf32, #tpu.memory_space<vmem>>) target(%dma_start3A_263 : memref<10240x16xf32, #tpu.memory_space<vmem_shared>>) offsets(%dma_start3A_260 : memref<128xi32, #tpu.memory_space<vmem>>) semaphore(%arg13 : memref<!tpu.dma_semaphore, #tpu.memory_space<semaphore_mem>>) {add = true}
      %mul3A_264 = arith.constant 4 : i32
      %mul3A_265 = arith.muli %add3A_163, %mul3A_264 : i32
      %add3A_266 = arith.constant 3 : i32
      %add3A_267 = arith.addi %mul3A_265, %add3A_266 : i32
      %dma_start3A_268 = arith.constant 0 : i32
      %dma_start3A_269 = arith.constant 3 : i32
      %dma_start3A_270 = arith.constant 0 : i32
      %dma_start3A_271 = arith.constant 0 : i32
      %dma_start3A_272 = tpu.memref_slice %arg8[%dma_start3A_268, %dma_start3A_269, %dma_start3A_270, %dma_start3A_271] : memref<2x4x128x16xf32, #tpu.memory_space<vmem>> -> memref<1x1x128x16xf32, #tpu.memory_space<vmem>>
      %dma_start3A_273 = tpu.memref_squeeze %dma_start3A_272 : memref<1x1x128x16xf32, #tpu.memory_space<vmem>> -> memref<128x16xf32, #tpu.memory_space<vmem>>
      %dma_start3A_274 = arith.constant 0 : i32
      %dma_start3A_275 = tpu.memref_slice %arg7[%add3A_267, %dma_start3A_274] : memref<80x128xi32, #tpu.memory_space<vmem>> -> memref<1x128xi32, #tpu.memory_space<vmem>>
      %dma_start3A_276 = tpu.memref_squeeze %dma_start3A_275 : memref<1x128xi32, #tpu.memory_space<vmem>> -> memref<128xi32, #tpu.memory_space<vmem>>
      %dma_start3A_277 = arith.constant 0 : i32
      %dma_start3A_278 = arith.constant 0 : i32
      %dma_start3A_279 = tpu.memref_slice %arg10[%dma_start3A_277, %dma_start3A_278] : memref<10240x16xf32, #tpu.memory_space<vmem_shared>> -> memref<10240x16xf32, #tpu.memory_space<vmem_shared>>
      tpu.enqueue_indirect_dma source(%dma_start3A_273 : memref<128x16xf32, #tpu.memory_space<vmem>>) target(%dma_start3A_279 : memref<10240x16xf32, #tpu.memory_space<vmem_shared>>) offsets(%dma_start3A_276 : memref<128xi32, #tpu.memory_space<vmem>>) semaphore(%arg13 : memref<!tpu.dma_semaphore, #tpu.memory_space<semaphore_mem>>) {add = true}
      %ge3A = arith.constant 1 : i32
      %ge3A_280 = arith.cmpi sge, %add3A_163, %ge3A : i32
      %convert_element_type3A = arith.extui %ge3A_280 : i1 to i32
      %cond3A = arith.constant 0 : i32
      %cond3A_281 = arith.cmpi ne, %convert_element_type3A, %cond3A : i32
      scf.if %cond3A_281 {
        %dma_wait3A_419 = arith.constant 0 : i32
        %dma_wait3A_420 = arith.constant 1 : i32
        %dma_wait3A_421 = arith.constant 0 : i32
        %dma_wait3A_422 = arith.constant 0 : i32
        %dma_wait3A_423 = arith.constant 0 : i32
        %dma_wait3A_424 = tpu.memref_slice %arg8[%dma_wait3A_420, %dma_wait3A_421, %dma_wait3A_422, %dma_wait3A_423] : memref<2x4x128x16xf32, #tpu.memory_space<vmem>> -> memref<1x1x128x16xf32, #tpu.memory_space<vmem>>
        %dma_wait3A_425 = tpu.memref_squeeze %dma_wait3A_424 : memref<1x1x128x16xf32, #tpu.memory_space<vmem>> -> memref<128x16xf32, #tpu.memory_space<vmem>>
        %dma_wait3A_426 = arith.constant 0 : i32
        %dma_wait3A_427 = tpu.memref_slice %arg6[%dma_wait3A_419, %dma_wait3A_426] : memref<80x128xi32, #tpu.memory_space<vmem>> -> memref<1x128xi32, #tpu.memory_space<vmem>>
        %dma_wait3A_428 = tpu.memref_squeeze %dma_wait3A_427 : memref<1x128xi32, #tpu.memory_space<vmem>> -> memref<128xi32, #tpu.memory_space<vmem>>
        %dma_wait3A_429 = arith.constant 0 : i32
        %dma_wait3A_430 = arith.constant 0 : i32
        %dma_wait3A_431 = tpu.memref_slice %arg2[%dma_wait3A_429, %dma_wait3A_430] : memref<10000x16xf32, #tpu.memory_space<hbm>> -> memref<10000x16xf32, #tpu.memory_space<hbm>>
        tpu.wait_indirect_dma semaphore(%arg13 : memref<!tpu.dma_semaphore, #tpu.memory_space<semaphore_mem>>) src(%dma_wait3A_431 : memref<10000x16xf32, #tpu.memory_space<hbm>>) dst(%dma_wait3A_425 : memref<128x16xf32, #tpu.memory_space<vmem>>)
        %dma_wait3A_432 = arith.constant 0 : i32
        %dma_wait3A_433 = arith.constant 1 : i32
        %dma_wait3A_434 = arith.constant 1 : i32
        %dma_wait3A_435 = arith.constant 0 : i32
        %dma_wait3A_436 = arith.constant 0 : i32
        %dma_wait3A_437 = tpu.memref_slice %arg8[%dma_wait3A_433, %dma_wait3A_434, %dma_wait3A_435, %dma_wait3A_436] : memref<2x4x128x16xf32, #tpu.memory_space<vmem>> -> memref<1x1x128x16xf32, #tpu.memory_space<vmem>>
        %dma_wait3A_438 = tpu.memref_squeeze %dma_wait3A_437 : memref<1x1x128x16xf32, #tpu.memory_space<vmem>> -> memref<128x16xf32, #tpu.memory_space<vmem>>
        %dma_wait3A_439 = arith.constant 0 : i32
        %dma_wait3A_440 = tpu.memref_slice %arg6[%dma_wait3A_432, %dma_wait3A_439] : memref<80x128xi32, #tpu.memory_space<vmem>> -> memref<1x128xi32, #tpu.memory_space<vmem>>
        %dma_wait3A_441 = tpu.memref_squeeze %dma_wait3A_440 : memref<1x128xi32, #tpu.memory_space<vmem>> -> memref<128xi32, #tpu.memory_space<vmem>>
        %dma_wait3A_442 = arith.constant 0 : i32
        %dma_wait3A_443 = arith.constant 0 : i32
        %dma_wait3A_444 = tpu.memref_slice %arg2[%dma_wait3A_442, %dma_wait3A_443] : memref<10000x16xf32, #tpu.memory_space<hbm>> -> memref<10000x16xf32, #tpu.memory_space<hbm>>
        tpu.wait_indirect_dma semaphore(%arg13 : memref<!tpu.dma_semaphore, #tpu.memory_space<semaphore_mem>>) src(%dma_wait3A_444 : memref<10000x16xf32, #tpu.memory_space<hbm>>) dst(%dma_wait3A_438 : memref<128x16xf32, #tpu.memory_space<vmem>>)
        %dma_wait3A_445 = arith.constant 0 : i32
        %dma_wait3A_446 = arith.constant 1 : i32
        %dma_wait3A_447 = arith.constant 2 : i32
        %dma_wait3A_448 = arith.constant 0 : i32
        %dma_wait3A_449 = arith.constant 0 : i32
        %dma_wait3A_450 = tpu.memref_slice %arg8[%dma_wait3A_446, %dma_wait3A_447, %dma_wait3A_448, %dma_wait3A_449] : memref<2x4x128x16xf32, #tpu.memory_space<vmem>> -> memref<1x1x128x16xf32, #tpu.memory_space<vmem>>
        %dma_wait3A_451 = tpu.memref_squeeze %dma_wait3A_450 : memref<1x1x128x16xf32, #tpu.memory_space<vmem>> -> memref<128x16xf32, #tpu.memory_space<vmem>>
        %dma_wait3A_452 = arith.constant 0 : i32
        %dma_wait3A_453 = tpu.memref_slice %arg6[%dma_wait3A_445, %dma_wait3A_452] : memref<80x128xi32, #tpu.memory_space<vmem>> -> memref<1x128xi32, #tpu.memory_space<vmem>>
        %dma_wait3A_454 = tpu.memref_squeeze %dma_wait3A_453 : memref<1x128xi32, #tpu.memory_space<vmem>> -> memref<128xi32, #tpu.memory_space<vmem>>
        %dma_wait3A_455 = arith.constant 0 : i32
        %dma_wait3A_456 = arith.constant 0 : i32
        %dma_wait3A_457 = tpu.memref_slice %arg2[%dma_wait3A_455, %dma_wait3A_456] : memref<10000x16xf32, #tpu.memory_space<hbm>> -> memref<10000x16xf32, #tpu.memory_space<hbm>>
        tpu.wait_indirect_dma semaphore(%arg13 : memref<!tpu.dma_semaphore, #tpu.memory_space<semaphore_mem>>) src(%dma_wait3A_457 : memref<10000x16xf32, #tpu.memory_space<hbm>>) dst(%dma_wait3A_451 : memref<128x16xf32, #tpu.memory_space<vmem>>)
        %dma_wait3A_458 = arith.constant 0 : i32
        %dma_wait3A_459 = arith.constant 1 : i32
        %dma_wait3A_460 = arith.constant 3 : i32
        %dma_wait3A_461 = arith.constant 0 : i32
        %dma_wait3A_462 = arith.constant 0 : i32
        %dma_wait3A_463 = tpu.memref_slice %arg8[%dma_wait3A_459, %dma_wait3A_460, %dma_wait3A_461, %dma_wait3A_462] : memref<2x4x128x16xf32, #tpu.memory_space<vmem>> -> memref<1x1x128x16xf32, #tpu.memory_space<vmem>>
        %dma_wait3A_464 = tpu.memref_squeeze %dma_wait3A_463 : memref<1x1x128x16xf32, #tpu.memory_space<vmem>> -> memref<128x16xf32, #tpu.memory_space<vmem>>
        %dma_wait3A_465 = arith.constant 0 : i32
        %dma_wait3A_466 = tpu.memref_slice %arg6[%dma_wait3A_458, %dma_wait3A_465] : memref<80x128xi32, #tpu.memory_space<vmem>> -> memref<1x128xi32, #tpu.memory_space<vmem>>
        %dma_wait3A_467 = tpu.memref_squeeze %dma_wait3A_466 : memref<1x128xi32, #tpu.memory_space<vmem>> -> memref<128xi32, #tpu.memory_space<vmem>>
        %dma_wait3A_468 = arith.constant 0 : i32
        %dma_wait3A_469 = arith.constant 0 : i32
        %dma_wait3A_470 = tpu.memref_slice %arg2[%dma_wait3A_468, %dma_wait3A_469] : memref<10000x16xf32, #tpu.memory_space<hbm>> -> memref<10000x16xf32, #tpu.memory_space<hbm>>
        tpu.wait_indirect_dma semaphore(%arg13 : memref<!tpu.dma_semaphore, #tpu.memory_space<semaphore_mem>>) src(%dma_wait3A_470 : memref<10000x16xf32, #tpu.memory_space<hbm>>) dst(%dma_wait3A_464 : memref<128x16xf32, #tpu.memory_space<vmem>>)
      } else {
      }
      %add3A_282 = arith.constant 1 : i32
      %add3A_283 = arith.addi %add3A_163, %add3A_282 : i32
      %lt3A = arith.cmpi slt, %add3A_283, %select_n3A : i32
      %convert_element_type3A_284 = arith.extui %lt3A : i1 to i32
      %cond3A_285 = arith.constant 0 : i32
      %cond3A_286 = arith.cmpi ne, %convert_element_type3A_284, %cond3A_285 : i32
      scf.if %cond3A_286 {
        %add3A_419 = arith.constant 1 : i32
        %add3A_420 = arith.addi %add3A_163, %add3A_419 : i32
        %mul3A_421 = arith.constant 4 : i32
        %mul3A_422 = arith.muli %add3A_420, %mul3A_421 : i32
        %add3A_423 = arith.constant 0 : i32
        %add3A_424 = arith.addi %mul3A_422, %add3A_423 : i32
        %dma_start3A_425 = arith.constant 1 : i32
        %dma_start3A_426 = arith.constant 0 : i32
        %dma_start3A_427 = arith.constant 0 : i32
        %dma_start3A_428 = arith.constant 0 : i32
        %dma_start3A_429 = tpu.memref_slice %arg8[%dma_start3A_425, %dma_start3A_426, %dma_start3A_427, %dma_start3A_428] : memref<2x4x128x16xf32, #tpu.memory_space<vmem>> -> memref<1x1x128x16xf32, #tpu.memory_space<vmem>>
        %dma_start3A_430 = tpu.memref_squeeze %dma_start3A_429 : memref<1x1x128x16xf32, #tpu.memory_space<vmem>> -> memref<128x16xf32, #tpu.memory_space<vmem>>
        %dma_start3A_431 = arith.constant 0 : i32
        %dma_start3A_432 = tpu.memref_slice %arg6[%add3A_424, %dma_start3A_431] : memref<80x128xi32, #tpu.memory_space<vmem>> -> memref<1x128xi32, #tpu.memory_space<vmem>>
        %dma_start3A_433 = tpu.memref_squeeze %dma_start3A_432 : memref<1x128xi32, #tpu.memory_space<vmem>> -> memref<128xi32, #tpu.memory_space<vmem>>
        %dma_start3A_434 = arith.constant 0 : i32
        %dma_start3A_435 = arith.constant 0 : i32
        %dma_start3A_436 = tpu.memref_slice %arg11[%dma_start3A_434, %dma_start3A_435] : memref<10000x16xf32, #tpu.memory_space<vmem_shared>> -> memref<10000x16xf32, #tpu.memory_space<vmem_shared>>
        tpu.enqueue_indirect_dma source(%dma_start3A_436 : memref<10000x16xf32, #tpu.memory_space<vmem_shared>>) target(%dma_start3A_430 : memref<128x16xf32, #tpu.memory_space<vmem>>) offsets(%dma_start3A_433 : memref<128xi32, #tpu.memory_space<vmem>>) semaphore(%arg12 : memref<!tpu.dma_semaphore, #tpu.memory_space<semaphore_mem>>)
        %add3A_437 = arith.constant 1 : i32
        %add3A_438 = arith.addi %add3A_163, %add3A_437 : i32
        %mul3A_439 = arith.constant 4 : i32
        %mul3A_440 = arith.muli %add3A_438, %mul3A_439 : i32
        %add3A_441 = arith.constant 1 : i32
        %add3A_442 = arith.addi %mul3A_440, %add3A_441 : i32
        %dma_start3A_443 = arith.constant 1 : i32
        %dma_start3A_444 = arith.constant 1 : i32
        %dma_start3A_445 = arith.constant 0 : i32
        %dma_start3A_446 = arith.constant 0 : i32
        %dma_start3A_447 = tpu.memref_slice %arg8[%dma_start3A_443, %dma_start3A_444, %dma_start3A_445, %dma_start3A_446] : memref<2x4x128x16xf32, #tpu.memory_space<vmem>> -> memref<1x1x128x16xf32, #tpu.memory_space<vmem>>
        %dma_start3A_448 = tpu.memref_squeeze %dma_start3A_447 : memref<1x1x128x16xf32, #tpu.memory_space<vmem>> -> memref<128x16xf32, #tpu.memory_space<vmem>>
        %dma_start3A_449 = arith.constant 0 : i32
        %dma_start3A_450 = tpu.memref_slice %arg6[%add3A_442, %dma_start3A_449] : memref<80x128xi32, #tpu.memory_space<vmem>> -> memref<1x128xi32, #tpu.memory_space<vmem>>
        %dma_start3A_451 = tpu.memref_squeeze %dma_start3A_450 : memref<1x128xi32, #tpu.memory_space<vmem>> -> memref<128xi32, #tpu.memory_space<vmem>>
        %dma_start3A_452 = arith.constant 0 : i32
        %dma_start3A_453 = arith.constant 0 : i32
        %dma_start3A_454 = tpu.memref_slice %arg11[%dma_start3A_452, %dma_start3A_453] : memref<10000x16xf32, #tpu.memory_space<vmem_shared>> -> memref<10000x16xf32, #tpu.memory_space<vmem_shared>>
        tpu.enqueue_indirect_dma source(%dma_start3A_454 : memref<10000x16xf32, #tpu.memory_space<vmem_shared>>) target(%dma_start3A_448 : memref<128x16xf32, #tpu.memory_space<vmem>>) offsets(%dma_start3A_451 : memref<128xi32, #tpu.memory_space<vmem>>) semaphore(%arg12 : memref<!tpu.dma_semaphore, #tpu.memory_space<semaphore_mem>>)
        %add3A_455 = arith.constant 1 : i32
        %add3A_456 = arith.addi %add3A_163, %add3A_455 : i32
        %mul3A_457 = arith.constant 4 : i32
        %mul3A_458 = arith.muli %add3A_456, %mul3A_457 : i32
        %add3A_459 = arith.constant 2 : i32
        %add3A_460 = arith.addi %mul3A_458, %add3A_459 : i32
        %dma_start3A_461 = arith.constant 1 : i32
        %dma_start3A_462 = arith.constant 2 : i32
        %dma_start3A_463 = arith.constant 0 : i32
        %dma_start3A_464 = arith.constant 0 : i32
        %dma_start3A_465 = tpu.memref_slice %arg8[%dma_start3A_461, %dma_start3A_462, %dma_start3A_463, %dma_start3A_464] : memref<2x4x128x16xf32, #tpu.memory_space<vmem>> -> memref<1x1x128x16xf32, #tpu.memory_space<vmem>>
        %dma_start3A_466 = tpu.memref_squeeze %dma_start3A_465 : memref<1x1x128x16xf32, #tpu.memory_space<vmem>> -> memref<128x16xf32, #tpu.memory_space<vmem>>
        %dma_start3A_467 = arith.constant 0 : i32
        %dma_start3A_468 = tpu.memref_slice %arg6[%add3A_460, %dma_start3A_467] : memref<80x128xi32, #tpu.memory_space<vmem>> -> memref<1x128xi32, #tpu.memory_space<vmem>>
        %dma_start3A_469 = tpu.memref_squeeze %dma_start3A_468 : memref<1x128xi32, #tpu.memory_space<vmem>> -> memref<128xi32, #tpu.memory_space<vmem>>
        %dma_start3A_470 = arith.constant 0 : i32
        %dma_start3A_471 = arith.constant 0 : i32
        %dma_start3A_472 = tpu.memref_slice %arg11[%dma_start3A_470, %dma_start3A_471] : memref<10000x16xf32, #tpu.memory_space<vmem_shared>> -> memref<10000x16xf32, #tpu.memory_space<vmem_shared>>
        tpu.enqueue_indirect_dma source(%dma_start3A_472 : memref<10000x16xf32, #tpu.memory_space<vmem_shared>>) target(%dma_start3A_466 : memref<128x16xf32, #tpu.memory_space<vmem>>) offsets(%dma_start3A_469 : memref<128xi32, #tpu.memory_space<vmem>>) semaphore(%arg12 : memref<!tpu.dma_semaphore, #tpu.memory_space<semaphore_mem>>)
        %add3A_473 = arith.constant 1 : i32
        %add3A_474 = arith.addi %add3A_163, %add3A_473 : i32
        %mul3A_475 = arith.constant 4 : i32
        %mul3A_476 = arith.muli %add3A_474, %mul3A_475 : i32
        %add3A_477 = arith.constant 3 : i32
        %add3A_478 = arith.addi %mul3A_476, %add3A_477 : i32
        %dma_start3A_479 = arith.constant 1 : i32
        %dma_start3A_480 = arith.constant 3 : i32
        %dma_start3A_481 = arith.constant 0 : i32
        %dma_start3A_482 = arith.constant 0 : i32
        %dma_start3A_483 = tpu.memref_slice %arg8[%dma_start3A_479, %dma_start3A_480, %dma_start3A_481, %dma_start3A_482] : memref<2x4x128x16xf32, #tpu.memory_space<vmem>> -> memref<1x1x128x16xf32, #tpu.memory_space<vmem>>
        %dma_start3A_484 = tpu.memref_squeeze %dma_start3A_483 : memref<1x1x128x16xf32, #tpu.memory_space<vmem>> -> memref<128x16xf32, #tpu.memory_space<vmem>>
        %dma_start3A_485 = arith.constant 0 : i32
        %dma_start3A_486 = tpu.memref_slice %arg6[%add3A_478, %dma_start3A_485] : memref<80x128xi32, #tpu.memory_space<vmem>> -> memref<1x128xi32, #tpu.memory_space<vmem>>
        %dma_start3A_487 = tpu.memref_squeeze %dma_start3A_486 : memref<1x128xi32, #tpu.memory_space<vmem>> -> memref<128xi32, #tpu.memory_space<vmem>>
        %dma_start3A_488 = arith.constant 0 : i32
        %dma_start3A_489 = arith.constant 0 : i32
        %dma_start3A_490 = tpu.memref_slice %arg11[%dma_start3A_488, %dma_start3A_489] : memref<10000x16xf32, #tpu.memory_space<vmem_shared>> -> memref<10000x16xf32, #tpu.memory_space<vmem_shared>>
        tpu.enqueue_indirect_dma source(%dma_start3A_490 : memref<10000x16xf32, #tpu.memory_space<vmem_shared>>) target(%dma_start3A_484 : memref<128x16xf32, #tpu.memory_space<vmem>>) offsets(%dma_start3A_487 : memref<128xi32, #tpu.memory_space<vmem>>) semaphore(%arg12 : memref<!tpu.dma_semaphore, #tpu.memory_space<semaphore_mem>>)
      } else {
      }
      %mul3A_287 = arith.constant 2 : i32
      %mul3A_288 = arith.muli %while3A_158, %mul3A_287 : i32
      %add3A_289 = arith.constant 1 : i32
      %add3A_290 = arith.addi %mul3A_288, %add3A_289 : i32
      %dma_wait3A_291 = arith.constant 0 : i32
      %dma_wait3A_292 = arith.constant 1 : i32
      %dma_wait3A_293 = arith.constant 0 : i32
      %dma_wait3A_294 = arith.constant 0 : i32
      %dma_wait3A_295 = arith.constant 0 : i32
      %dma_wait3A_296 = tpu.memref_slice %arg8[%dma_wait3A_292, %dma_wait3A_293, %dma_wait3A_294, %dma_wait3A_295] : memref<2x4x128x16xf32, #tpu.memory_space<vmem>> -> memref<1x1x128x16xf32, #tpu.memory_space<vmem>>
      %dma_wait3A_297 = tpu.memref_squeeze %dma_wait3A_296 : memref<1x1x128x16xf32, #tpu.memory_space<vmem>> -> memref<128x16xf32, #tpu.memory_space<vmem>>
      %dma_wait3A_298 = arith.constant 0 : i32
      %dma_wait3A_299 = tpu.memref_slice %arg6[%dma_wait3A_291, %dma_wait3A_298] : memref<80x128xi32, #tpu.memory_space<vmem>> -> memref<1x128xi32, #tpu.memory_space<vmem>>
      %dma_wait3A_300 = tpu.memref_squeeze %dma_wait3A_299 : memref<1x128xi32, #tpu.memory_space<vmem>> -> memref<128xi32, #tpu.memory_space<vmem>>
      %dma_wait3A_301 = arith.constant 0 : i32
      %dma_wait3A_302 = arith.constant 0 : i32
      %dma_wait3A_303 = tpu.memref_slice %arg2[%dma_wait3A_301, %dma_wait3A_302] : memref<10000x16xf32, #tpu.memory_space<hbm>> -> memref<10000x16xf32, #tpu.memory_space<hbm>>
      tpu.wait_indirect_dma semaphore(%arg12 : memref<!tpu.dma_semaphore, #tpu.memory_space<semaphore_mem>>) src(%dma_wait3A_303 : memref<10000x16xf32, #tpu.memory_space<hbm>>) dst(%dma_wait3A_297 : memref<128x16xf32, #tpu.memory_space<vmem>>)
      %dma_wait3A_304 = arith.constant 0 : i32
      %dma_wait3A_305 = arith.constant 1 : i32
      %dma_wait3A_306 = arith.constant 1 : i32
      %dma_wait3A_307 = arith.constant 0 : i32
      %dma_wait3A_308 = arith.constant 0 : i32
      %dma_wait3A_309 = tpu.memref_slice %arg8[%dma_wait3A_305, %dma_wait3A_306, %dma_wait3A_307, %dma_wait3A_308] : memref<2x4x128x16xf32, #tpu.memory_space<vmem>> -> memref<1x1x128x16xf32, #tpu.memory_space<vmem>>
      %dma_wait3A_310 = tpu.memref_squeeze %dma_wait3A_309 : memref<1x1x128x16xf32, #tpu.memory_space<vmem>> -> memref<128x16xf32, #tpu.memory_space<vmem>>
      %dma_wait3A_311 = arith.constant 0 : i32
      %dma_wait3A_312 = tpu.memref_slice %arg6[%dma_wait3A_304, %dma_wait3A_311] : memref<80x128xi32, #tpu.memory_space<vmem>> -> memref<1x128xi32, #tpu.memory_space<vmem>>
      %dma_wait3A_313 = tpu.memref_squeeze %dma_wait3A_312 : memref<1x128xi32, #tpu.memory_space<vmem>> -> memref<128xi32, #tpu.memory_space<vmem>>
      %dma_wait3A_314 = arith.constant 0 : i32
      %dma_wait3A_315 = arith.constant 0 : i32
      %dma_wait3A_316 = tpu.memref_slice %arg2[%dma_wait3A_314, %dma_wait3A_315] : memref<10000x16xf32, #tpu.memory_space<hbm>> -> memref<10000x16xf32, #tpu.memory_space<hbm>>
      tpu.wait_indirect_dma semaphore(%arg12 : memref<!tpu.dma_semaphore, #tpu.memory_space<semaphore_mem>>) src(%dma_wait3A_316 : memref<10000x16xf32, #tpu.memory_space<hbm>>) dst(%dma_wait3A_310 : memref<128x16xf32, #tpu.memory_space<vmem>>)
      %dma_wait3A_317 = arith.constant 0 : i32
      %dma_wait3A_318 = arith.constant 1 : i32
      %dma_wait3A_319 = arith.constant 2 : i32
      %dma_wait3A_320 = arith.constant 0 : i32
      %dma_wait3A_321 = arith.constant 0 : i32
      %dma_wait3A_322 = tpu.memref_slice %arg8[%dma_wait3A_318, %dma_wait3A_319, %dma_wait3A_320, %dma_wait3A_321] : memref<2x4x128x16xf32, #tpu.memory_space<vmem>> -> memref<1x1x128x16xf32, #tpu.memory_space<vmem>>
      %dma_wait3A_323 = tpu.memref_squeeze %dma_wait3A_322 : memref<1x1x128x16xf32, #tpu.memory_space<vmem>> -> memref<128x16xf32, #tpu.memory_space<vmem>>
      %dma_wait3A_324 = arith.constant 0 : i32
      %dma_wait3A_325 = tpu.memref_slice %arg6[%dma_wait3A_317, %dma_wait3A_324] : memref<80x128xi32, #tpu.memory_space<vmem>> -> memref<1x128xi32, #tpu.memory_space<vmem>>
      %dma_wait3A_326 = tpu.memref_squeeze %dma_wait3A_325 : memref<1x128xi32, #tpu.memory_space<vmem>> -> memref<128xi32, #tpu.memory_space<vmem>>
      %dma_wait3A_327 = arith.constant 0 : i32
      %dma_wait3A_328 = arith.constant 0 : i32
      %dma_wait3A_329 = tpu.memref_slice %arg2[%dma_wait3A_327, %dma_wait3A_328] : memref<10000x16xf32, #tpu.memory_space<hbm>> -> memref<10000x16xf32, #tpu.memory_space<hbm>>
      tpu.wait_indirect_dma semaphore(%arg12 : memref<!tpu.dma_semaphore, #tpu.memory_space<semaphore_mem>>) src(%dma_wait3A_329 : memref<10000x16xf32, #tpu.memory_space<hbm>>) dst(%dma_wait3A_323 : memref<128x16xf32, #tpu.memory_space<vmem>>)
      %dma_wait3A_330 = arith.constant 0 : i32
      %dma_wait3A_331 = arith.constant 1 : i32
      %dma_wait3A_332 = arith.constant 3 : i32
      %dma_wait3A_333 = arith.constant 0 : i32
      %dma_wait3A_334 = arith.constant 0 : i32
      %dma_wait3A_335 = tpu.memref_slice %arg8[%dma_wait3A_331, %dma_wait3A_332, %dma_wait3A_333, %dma_wait3A_334] : memref<2x4x128x16xf32, #tpu.memory_space<vmem>> -> memref<1x1x128x16xf32, #tpu.memory_space<vmem>>
      %dma_wait3A_336 = tpu.memref_squeeze %dma_wait3A_335 : memref<1x1x128x16xf32, #tpu.memory_space<vmem>> -> memref<128x16xf32, #tpu.memory_space<vmem>>
      %dma_wait3A_337 = arith.constant 0 : i32
      %dma_wait3A_338 = tpu.memref_slice %arg6[%dma_wait3A_330, %dma_wait3A_337] : memref<80x128xi32, #tpu.memory_space<vmem>> -> memref<1x128xi32, #tpu.memory_space<vmem>>
      %dma_wait3A_339 = tpu.memref_squeeze %dma_wait3A_338 : memref<1x128xi32, #tpu.memory_space<vmem>> -> memref<128xi32, #tpu.memory_space<vmem>>
      %dma_wait3A_340 = arith.constant 0 : i32
      %dma_wait3A_341 = arith.constant 0 : i32
      %dma_wait3A_342 = tpu.memref_slice %arg2[%dma_wait3A_340, %dma_wait3A_341] : memref<10000x16xf32, #tpu.memory_space<hbm>> -> memref<10000x16xf32, #tpu.memory_space<hbm>>
      tpu.wait_indirect_dma semaphore(%arg12 : memref<!tpu.dma_semaphore, #tpu.memory_space<semaphore_mem>>) src(%dma_wait3A_342 : memref<10000x16xf32, #tpu.memory_space<hbm>>) dst(%dma_wait3A_336 : memref<128x16xf32, #tpu.memory_space<vmem>>)
      %mul3A_343 = arith.constant 4 : i32
      %mul3A_344 = arith.muli %add3A_290, %mul3A_343 : i32
      %add3A_345 = arith.constant 0 : i32
      %add3A_346 = arith.addi %mul3A_344, %add3A_345 : i32
      %dma_start3A_347 = arith.constant 1 : i32
      %dma_start3A_348 = arith.constant 0 : i32
      %dma_start3A_349 = arith.constant 0 : i32
      %dma_start3A_350 = arith.constant 0 : i32
      %dma_start3A_351 = tpu.memref_slice %arg8[%dma_start3A_347, %dma_start3A_348, %dma_start3A_349, %dma_start3A_350] : memref<2x4x128x16xf32, #tpu.memory_space<vmem>> -> memref<1x1x128x16xf32, #tpu.memory_space<vmem>>
      %dma_start3A_352 = tpu.memref_squeeze %dma_start3A_351 : memref<1x1x128x16xf32, #tpu.memory_space<vmem>> -> memref<128x16xf32, #tpu.memory_space<vmem>>
      %dma_start3A_353 = arith.constant 0 : i32
      %dma_start3A_354 = tpu.memref_slice %arg7[%add3A_346, %dma_start3A_353] : memref<80x128xi32, #tpu.memory_space<vmem>> -> memref<1x128xi32, #tpu.memory_space<vmem>>
      %dma_start3A_355 = tpu.memref_squeeze %dma_start3A_354 : memref<1x128xi32, #tpu.memory_space<vmem>> -> memref<128xi32, #tpu.memory_space<vmem>>
      %dma_start3A_356 = arith.constant 0 : i32
      %dma_start3A_357 = arith.constant 0 : i32
      %dma_start3A_358 = tpu.memref_slice %arg10[%dma_start3A_356, %dma_start3A_357] : memref<10240x16xf32, #tpu.memory_space<vmem_shared>> -> memref<10240x16xf32, #tpu.memory_space<vmem_shared>>
      tpu.enqueue_indirect_dma source(%dma_start3A_352 : memref<128x16xf32, #tpu.memory_space<vmem>>) target(%dma_start3A_358 : memref<10240x16xf32, #tpu.memory_space<vmem_shared>>) offsets(%dma_start3A_355 : memref<128xi32, #tpu.memory_space<vmem>>) semaphore(%arg13 : memref<!tpu.dma_semaphore, #tpu.memory_space<semaphore_mem>>) {add = true}
      %mul3A_359 = arith.constant 4 : i32
      %mul3A_360 = arith.muli %add3A_290, %mul3A_359 : i32
      %add3A_361 = arith.constant 1 : i32
      %add3A_362 = arith.addi %mul3A_360, %add3A_361 : i32
      %dma_start3A_363 = arith.constant 1 : i32
      %dma_start3A_364 = arith.constant 1 : i32
      %dma_start3A_365 = arith.constant 0 : i32
      %dma_start3A_366 = arith.constant 0 : i32
      %dma_start3A_367 = tpu.memref_slice %arg8[%dma_start3A_363, %dma_start3A_364, %dma_start3A_365, %dma_start3A_366] : memref<2x4x128x16xf32, #tpu.memory_space<vmem>> -> memref<1x1x128x16xf32, #tpu.memory_space<vmem>>
      %dma_start3A_368 = tpu.memref_squeeze %dma_start3A_367 : memref<1x1x128x16xf32, #tpu.memory_space<vmem>> -> memref<128x16xf32, #tpu.memory_space<vmem>>
      %dma_start3A_369 = arith.constant 0 : i32
      %dma_start3A_370 = tpu.memref_slice %arg7[%add3A_362, %dma_start3A_369] : memref<80x128xi32, #tpu.memory_space<vmem>> -> memref<1x128xi32, #tpu.memory_space<vmem>>
      %dma_start3A_371 = tpu.memref_squeeze %dma_start3A_370 : memref<1x128xi32, #tpu.memory_space<vmem>> -> memref<128xi32, #tpu.memory_space<vmem>>
      %dma_start3A_372 = arith.constant 0 : i32
      %dma_start3A_373 = arith.constant 0 : i32
      %dma_start3A_374 = tpu.memref_slice %arg10[%dma_start3A_372, %dma_start3A_373] : memref<10240x16xf32, #tpu.memory_space<vmem_shared>> -> memref<10240x16xf32, #tpu.memory_space<vmem_shared>>
      tpu.enqueue_indirect_dma source(%dma_start3A_368 : memref<128x16xf32, #tpu.memory_space<vmem>>) target(%dma_start3A_374 : memref<10240x16xf32, #tpu.memory_space<vmem_shared>>) offsets(%dma_start3A_371 : memref<128xi32, #tpu.memory_space<vmem>>) semaphore(%arg13 : memref<!tpu.dma_semaphore, #tpu.memory_space<semaphore_mem>>) {add = true}
      %mul3A_375 = arith.constant 4 : i32
      %mul3A_376 = arith.muli %add3A_290, %mul3A_375 : i32
      %add3A_377 = arith.constant 2 : i32
      %add3A_378 = arith.addi %mul3A_376, %add3A_377 : i32
      %dma_start3A_379 = arith.constant 1 : i32
      %dma_start3A_380 = arith.constant 2 : i32
      %dma_start3A_381 = arith.constant 0 : i32
      %dma_start3A_382 = arith.constant 0 : i32
      %dma_start3A_383 = tpu.memref_slice %arg8[%dma_start3A_379, %dma_start3A_380, %dma_start3A_381, %dma_start3A_382] : memref<2x4x128x16xf32, #tpu.memory_space<vmem>> -> memref<1x1x128x16xf32, #tpu.memory_space<vmem>>
      %dma_start3A_384 = tpu.memref_squeeze %dma_start3A_383 : memref<1x1x128x16xf32, #tpu.memory_space<vmem>> -> memref<128x16xf32, #tpu.memory_space<vmem>>
      %dma_start3A_385 = arith.constant 0 : i32
      %dma_start3A_386 = tpu.memref_slice %arg7[%add3A_378, %dma_start3A_385] : memref<80x128xi32, #tpu.memory_space<vmem>> -> memref<1x128xi32, #tpu.memory_space<vmem>>
      %dma_start3A_387 = tpu.memref_squeeze %dma_start3A_386 : memref<1x128xi32, #tpu.memory_space<vmem>> -> memref<128xi32, #tpu.memory_space<vmem>>
      %dma_start3A_388 = arith.constant 0 : i32
      %dma_start3A_389 = arith.constant 0 : i32
      %dma_start3A_390 = tpu.memref_slice %arg10[%dma_start3A_388, %dma_start3A_389] : memref<10240x16xf32, #tpu.memory_space<vmem_shared>> -> memref<10240x16xf32, #tpu.memory_space<vmem_shared>>
      tpu.enqueue_indirect_dma source(%dma_start3A_384 : memref<128x16xf32, #tpu.memory_space<vmem>>) target(%dma_start3A_390 : memref<10240x16xf32, #tpu.memory_space<vmem_shared>>) offsets(%dma_start3A_387 : memref<128xi32, #tpu.memory_space<vmem>>) semaphore(%arg13 : memref<!tpu.dma_semaphore, #tpu.memory_space<semaphore_mem>>) {add = true}
      %mul3A_391 = arith.constant 4 : i32
      %mul3A_392 = arith.muli %add3A_290, %mul3A_391 : i32
      %add3A_393 = arith.constant 3 : i32
      %add3A_394 = arith.addi %mul3A_392, %add3A_393 : i32
      %dma_start3A_395 = arith.constant 1 : i32
      %dma_start3A_396 = arith.constant 3 : i32
      %dma_start3A_397 = arith.constant 0 : i32
      %dma_start3A_398 = arith.constant 0 : i32
      %dma_start3A_399 = tpu.memref_slice %arg8[%dma_start3A_395, %dma_start3A_396, %dma_start3A_397, %dma_start3A_398] : memref<2x4x128x16xf32, #tpu.memory_space<vmem>> -> memref<1x1x128x16xf32, #tpu.memory_space<vmem>>
      %dma_start3A_400 = tpu.memref_squeeze %dma_start3A_399 : memref<1x1x128x16xf32, #tpu.memory_space<vmem>> -> memref<128x16xf32, #tpu.memory_space<vmem>>
      %dma_start3A_401 = arith.constant 0 : i32
      %dma_start3A_402 = tpu.memref_slice %arg7[%add3A_394, %dma_start3A_401] : memref<80x128xi32, #tpu.memory_space<vmem>> -> memref<1x128xi32, #tpu.memory_space<vmem>>
      %dma_start3A_403 = tpu.memref_squeeze %dma_start3A_402 : memref<1x128xi32, #tpu.memory_space<vmem>> -> memref<128xi32, #tpu.memory_space<vmem>>
      %dma_start3A_404 = arith.constant 0 : i32
      %dma_start3A_405 = arith.constant 0 : i32
      %dma_start3A_406 = tpu.memref_slice %arg10[%dma_start3A_404, %dma_start3A_405] : memref<10240x16xf32, #tpu.memory_space<vmem_shared>> -> memref<10240x16xf32, #tpu.memory_space<vmem_shared>>
      tpu.enqueue_indirect_dma source(%dma_start3A_400 : memref<128x16xf32, #tpu.memory_space<vmem>>) target(%dma_start3A_406 : memref<10240x16xf32, #tpu.memory_space<vmem_shared>>) offsets(%dma_start3A_403 : memref<128xi32, #tpu.memory_space<vmem>>) semaphore(%arg13 : memref<!tpu.dma_semaphore, #tpu.memory_space<semaphore_mem>>) {add = true}
      %ge3A_407 = arith.constant 1 : i32
      %ge3A_408 = arith.cmpi sge, %add3A_290, %ge3A_407 : i32
      %convert_element_type3A_409 = arith.extui %ge3A_408 : i1 to i32
      %cond3A_410 = arith.constant 0 : i32
      %cond3A_411 = arith.cmpi ne, %convert_element_type3A_409, %cond3A_410 : i32
      scf.if %cond3A_411 {
        %dma_wait3A_419 = arith.constant 0 : i32
        %dma_wait3A_420 = arith.constant 0 : i32
        %dma_wait3A_421 = arith.constant 0 : i32
        %dma_wait3A_422 = arith.constant 0 : i32
        %dma_wait3A_423 = arith.constant 0 : i32
        %dma_wait3A_424 = tpu.memref_slice %arg8[%dma_wait3A_420, %dma_wait3A_421, %dma_wait3A_422, %dma_wait3A_423] : memref<2x4x128x16xf32, #tpu.memory_space<vmem>> -> memref<1x1x128x16xf32, #tpu.memory_space<vmem>>
        %dma_wait3A_425 = tpu.memref_squeeze %dma_wait3A_424 : memref<1x1x128x16xf32, #tpu.memory_space<vmem>> -> memref<128x16xf32, #tpu.memory_space<vmem>>
        %dma_wait3A_426 = arith.constant 0 : i32
        %dma_wait3A_427 = tpu.memref_slice %arg6[%dma_wait3A_419, %dma_wait3A_426] : memref<80x128xi32, #tpu.memory_space<vmem>> -> memref<1x128xi32, #tpu.memory_space<vmem>>
        %dma_wait3A_428 = tpu.memref_squeeze %dma_wait3A_427 : memref<1x128xi32, #tpu.memory_space<vmem>> -> memref<128xi32, #tpu.memory_space<vmem>>
        %dma_wait3A_429 = arith.constant 0 : i32
        %dma_wait3A_430 = arith.constant 0 : i32
        %dma_wait3A_431 = tpu.memref_slice %arg2[%dma_wait3A_429, %dma_wait3A_430] : memref<10000x16xf32, #tpu.memory_space<hbm>> -> memref<10000x16xf32, #tpu.memory_space<hbm>>
        tpu.wait_indirect_dma semaphore(%arg13 : memref<!tpu.dma_semaphore, #tpu.memory_space<semaphore_mem>>) src(%dma_wait3A_431 : memref<10000x16xf32, #tpu.memory_space<hbm>>) dst(%dma_wait3A_425 : memref<128x16xf32, #tpu.memory_space<vmem>>)
        %dma_wait3A_432 = arith.constant 0 : i32
        %dma_wait3A_433 = arith.constant 0 : i32
        %dma_wait3A_434 = arith.constant 1 : i32
        %dma_wait3A_435 = arith.constant 0 : i32
        %dma_wait3A_436 = arith.constant 0 : i32
        %dma_wait3A_437 = tpu.memref_slice %arg8[%dma_wait3A_433, %dma_wait3A_434, %dma_wait3A_435, %dma_wait3A_436] : memref<2x4x128x16xf32, #tpu.memory_space<vmem>> -> memref<1x1x128x16xf32, #tpu.memory_space<vmem>>
        %dma_wait3A_438 = tpu.memref_squeeze %dma_wait3A_437 : memref<1x1x128x16xf32, #tpu.memory_space<vmem>> -> memref<128x16xf32, #tpu.memory_space<vmem>>
        %dma_wait3A_439 = arith.constant 0 : i32
        %dma_wait3A_440 = tpu.memref_slice %arg6[%dma_wait3A_432, %dma_wait3A_439] : memref<80x128xi32, #tpu.memory_space<vmem>> -> memref<1x128xi32, #tpu.memory_space<vmem>>
        %dma_wait3A_441 = tpu.memref_squeeze %dma_wait3A_440 : memref<1x128xi32, #tpu.memory_space<vmem>> -> memref<128xi32, #tpu.memory_space<vmem>>
        %dma_wait3A_442 = arith.constant 0 : i32
        %dma_wait3A_443 = arith.constant 0 : i32
        %dma_wait3A_444 = tpu.memref_slice %arg2[%dma_wait3A_442, %dma_wait3A_443] : memref<10000x16xf32, #tpu.memory_space<hbm>> -> memref<10000x16xf32, #tpu.memory_space<hbm>>
        tpu.wait_indirect_dma semaphore(%arg13 : memref<!tpu.dma_semaphore, #tpu.memory_space<semaphore_mem>>) src(%dma_wait3A_444 : memref<10000x16xf32, #tpu.memory_space<hbm>>) dst(%dma_wait3A_438 : memref<128x16xf32, #tpu.memory_space<vmem>>)
        %dma_wait3A_445 = arith.constant 0 : i32
        %dma_wait3A_446 = arith.constant 0 : i32
        %dma_wait3A_447 = arith.constant 2 : i32
        %dma_wait3A_448 = arith.constant 0 : i32
        %dma_wait3A_449 = arith.constant 0 : i32
        %dma_wait3A_450 = tpu.memref_slice %arg8[%dma_wait3A_446, %dma_wait3A_447, %dma_wait3A_448, %dma_wait3A_449] : memref<2x4x128x16xf32, #tpu.memory_space<vmem>> -> memref<1x1x128x16xf32, #tpu.memory_space<vmem>>
        %dma_wait3A_451 = tpu.memref_squeeze %dma_wait3A_450 : memref<1x1x128x16xf32, #tpu.memory_space<vmem>> -> memref<128x16xf32, #tpu.memory_space<vmem>>
        %dma_wait3A_452 = arith.constant 0 : i32
        %dma_wait3A_453 = tpu.memref_slice %arg6[%dma_wait3A_445, %dma_wait3A_452] : memref<80x128xi32, #tpu.memory_space<vmem>> -> memref<1x128xi32, #tpu.memory_space<vmem>>
        %dma_wait3A_454 = tpu.memref_squeeze %dma_wait3A_453 : memref<1x128xi32, #tpu.memory_space<vmem>> -> memref<128xi32, #tpu.memory_space<vmem>>
        %dma_wait3A_455 = arith.constant 0 : i32
        %dma_wait3A_456 = arith.constant 0 : i32
        %dma_wait3A_457 = tpu.memref_slice %arg2[%dma_wait3A_455, %dma_wait3A_456] : memref<10000x16xf32, #tpu.memory_space<hbm>> -> memref<10000x16xf32, #tpu.memory_space<hbm>>
        tpu.wait_indirect_dma semaphore(%arg13 : memref<!tpu.dma_semaphore, #tpu.memory_space<semaphore_mem>>) src(%dma_wait3A_457 : memref<10000x16xf32, #tpu.memory_space<hbm>>) dst(%dma_wait3A_451 : memref<128x16xf32, #tpu.memory_space<vmem>>)
        %dma_wait3A_458 = arith.constant 0 : i32
        %dma_wait3A_459 = arith.constant 0 : i32
        %dma_wait3A_460 = arith.constant 3 : i32
        %dma_wait3A_461 = arith.constant 0 : i32
        %dma_wait3A_462 = arith.constant 0 : i32
        %dma_wait3A_463 = tpu.memref_slice %arg8[%dma_wait3A_459, %dma_wait3A_460, %dma_wait3A_461, %dma_wait3A_462] : memref<2x4x128x16xf32, #tpu.memory_space<vmem>> -> memref<1x1x128x16xf32, #tpu.memory_space<vmem>>
        %dma_wait3A_464 = tpu.memref_squeeze %dma_wait3A_463 : memref<1x1x128x16xf32, #tpu.memory_space<vmem>> -> memref<128x16xf32, #tpu.memory_space<vmem>>
        %dma_wait3A_465 = arith.constant 0 : i32
        %dma_wait3A_466 = tpu.memref_slice %arg6[%dma_wait3A_458, %dma_wait3A_465] : memref<80x128xi32, #tpu.memory_space<vmem>> -> memref<1x128xi32, #tpu.memory_space<vmem>>
        %dma_wait3A_467 = tpu.memref_squeeze %dma_wait3A_466 : memref<1x128xi32, #tpu.memory_space<vmem>> -> memref<128xi32, #tpu.memory_space<vmem>>
        %dma_wait3A_468 = arith.constant 0 : i32
        %dma_wait3A_469 = arith.constant 0 : i32
        %dma_wait3A_470 = tpu.memref_slice %arg2[%dma_wait3A_468, %dma_wait3A_469] : memref<10000x16xf32, #tpu.memory_space<hbm>> -> memref<10000x16xf32, #tpu.memory_space<hbm>>
        tpu.wait_indirect_dma semaphore(%arg13 : memref<!tpu.dma_semaphore, #tpu.memory_space<semaphore_mem>>) src(%dma_wait3A_470 : memref<10000x16xf32, #tpu.memory_space<hbm>>) dst(%dma_wait3A_464 : memref<128x16xf32, #tpu.memory_space<vmem>>)
      } else {
      }
      %add3A_412 = arith.constant 1 : i32
      %add3A_413 = arith.addi %add3A_290, %add3A_412 : i32
      %lt3A_414 = arith.cmpi slt, %add3A_413, %select_n3A : i32
      %convert_element_type3A_415 = arith.extui %lt3A_414 : i1 to i32
      %cond3A_416 = arith.constant 0 : i32
      %cond3A_417 = arith.cmpi ne, %convert_element_type3A_415, %cond3A_416 : i32
      scf.if %cond3A_417 {
        %add3A_419 = arith.constant 1 : i32
        %add3A_420 = arith.addi %add3A_290, %add3A_419 : i32
        %mul3A_421 = arith.constant 4 : i32
        %mul3A_422 = arith.muli %add3A_420, %mul3A_421 : i32
        %add3A_423 = arith.constant 0 : i32
        %add3A_424 = arith.addi %mul3A_422, %add3A_423 : i32
        %dma_start3A_425 = arith.constant 0 : i32
        %dma_start3A_426 = arith.constant 0 : i32
        %dma_start3A_427 = arith.constant 0 : i32
        %dma_start3A_428 = arith.constant 0 : i32
        %dma_start3A_429 = tpu.memref_slice %arg8[%dma_start3A_425, %dma_start3A_426, %dma_start3A_427, %dma_start3A_428] : memref<2x4x128x16xf32, #tpu.memory_space<vmem>> -> memref<1x1x128x16xf32, #tpu.memory_space<vmem>>
        %dma_start3A_430 = tpu.memref_squeeze %dma_start3A_429 : memref<1x1x128x16xf32, #tpu.memory_space<vmem>> -> memref<128x16xf32, #tpu.memory_space<vmem>>
        %dma_start3A_431 = arith.constant 0 : i32
        %dma_start3A_432 = tpu.memref_slice %arg6[%add3A_424, %dma_start3A_431] : memref<80x128xi32, #tpu.memory_space<vmem>> -> memref<1x128xi32, #tpu.memory_space<vmem>>
        %dma_start3A_433 = tpu.memref_squeeze %dma_start3A_432 : memref<1x128xi32, #tpu.memory_space<vmem>> -> memref<128xi32, #tpu.memory_space<vmem>>
        %dma_start3A_434 = arith.constant 0 : i32
        %dma_start3A_435 = arith.constant 0 : i32
        %dma_start3A_436 = tpu.memref_slice %arg11[%dma_start3A_434, %dma_start3A_435] : memref<10000x16xf32, #tpu.memory_space<vmem_shared>> -> memref<10000x16xf32, #tpu.memory_space<vmem_shared>>
        tpu.enqueue_indirect_dma source(%dma_start3A_436 : memref<10000x16xf32, #tpu.memory_space<vmem_shared>>) target(%dma_start3A_430 : memref<128x16xf32, #tpu.memory_space<vmem>>) offsets(%dma_start3A_433 : memref<128xi32, #tpu.memory_space<vmem>>) semaphore(%arg12 : memref<!tpu.dma_semaphore, #tpu.memory_space<semaphore_mem>>)
        %add3A_437 = arith.constant 1 : i32
        %add3A_438 = arith.addi %add3A_290, %add3A_437 : i32
        %mul3A_439 = arith.constant 4 : i32
        %mul3A_440 = arith.muli %add3A_438, %mul3A_439 : i32
        %add3A_441 = arith.constant 1 : i32
        %add3A_442 = arith.addi %mul3A_440, %add3A_441 : i32
        %dma_start3A_443 = arith.constant 0 : i32
        %dma_start3A_444 = arith.constant 1 : i32
        %dma_start3A_445 = arith.constant 0 : i32
        %dma_start3A_446 = arith.constant 0 : i32
        %dma_start3A_447 = tpu.memref_slice %arg8[%dma_start3A_443, %dma_start3A_444, %dma_start3A_445, %dma_start3A_446] : memref<2x4x128x16xf32, #tpu.memory_space<vmem>> -> memref<1x1x128x16xf32, #tpu.memory_space<vmem>>
        %dma_start3A_448 = tpu.memref_squeeze %dma_start3A_447 : memref<1x1x128x16xf32, #tpu.memory_space<vmem>> -> memref<128x16xf32, #tpu.memory_space<vmem>>
        %dma_start3A_449 = arith.constant 0 : i32
        %dma_start3A_450 = tpu.memref_slice %arg6[%add3A_442, %dma_start3A_449] : memref<80x128xi32, #tpu.memory_space<vmem>> -> memref<1x128xi32, #tpu.memory_space<vmem>>
        %dma_start3A_451 = tpu.memref_squeeze %dma_start3A_450 : memref<1x128xi32, #tpu.memory_space<vmem>> -> memref<128xi32, #tpu.memory_space<vmem>>
        %dma_start3A_452 = arith.constant 0 : i32
        %dma_start3A_453 = arith.constant 0 : i32
        %dma_start3A_454 = tpu.memref_slice %arg11[%dma_start3A_452, %dma_start3A_453] : memref<10000x16xf32, #tpu.memory_space<vmem_shared>> -> memref<10000x16xf32, #tpu.memory_space<vmem_shared>>
        tpu.enqueue_indirect_dma source(%dma_start3A_454 : memref<10000x16xf32, #tpu.memory_space<vmem_shared>>) target(%dma_start3A_448 : memref<128x16xf32, #tpu.memory_space<vmem>>) offsets(%dma_start3A_451 : memref<128xi32, #tpu.memory_space<vmem>>) semaphore(%arg12 : memref<!tpu.dma_semaphore, #tpu.memory_space<semaphore_mem>>)
        %add3A_455 = arith.constant 1 : i32
        %add3A_456 = arith.addi %add3A_290, %add3A_455 : i32
        %mul3A_457 = arith.constant 4 : i32
        %mul3A_458 = arith.muli %add3A_456, %mul3A_457 : i32
        %add3A_459 = arith.constant 2 : i32
        %add3A_460 = arith.addi %mul3A_458, %add3A_459 : i32
        %dma_start3A_461 = arith.constant 0 : i32
        %dma_start3A_462 = arith.constant 2 : i32
        %dma_start3A_463 = arith.constant 0 : i32
        %dma_start3A_464 = arith.constant 0 : i32
        %dma_start3A_465 = tpu.memref_slice %arg8[%dma_start3A_461, %dma_start3A_462, %dma_start3A_463, %dma_start3A_464] : memref<2x4x128x16xf32, #tpu.memory_space<vmem>> -> memref<1x1x128x16xf32, #tpu.memory_space<vmem>>
        %dma_start3A_466 = tpu.memref_squeeze %dma_start3A_465 : memref<1x1x128x16xf32, #tpu.memory_space<vmem>> -> memref<128x16xf32, #tpu.memory_space<vmem>>
        %dma_start3A_467 = arith.constant 0 : i32
        %dma_start3A_468 = tpu.memref_slice %arg6[%add3A_460, %dma_start3A_467] : memref<80x128xi32, #tpu.memory_space<vmem>> -> memref<1x128xi32, #tpu.memory_space<vmem>>
        %dma_start3A_469 = tpu.memref_squeeze %dma_start3A_468 : memref<1x128xi32, #tpu.memory_space<vmem>> -> memref<128xi32, #tpu.memory_space<vmem>>
        %dma_start3A_470 = arith.constant 0 : i32
        %dma_start3A_471 = arith.constant 0 : i32
        %dma_start3A_472 = tpu.memref_slice %arg11[%dma_start3A_470, %dma_start3A_471] : memref<10000x16xf32, #tpu.memory_space<vmem_shared>> -> memref<10000x16xf32, #tpu.memory_space<vmem_shared>>
        tpu.enqueue_indirect_dma source(%dma_start3A_472 : memref<10000x16xf32, #tpu.memory_space<vmem_shared>>) target(%dma_start3A_466 : memref<128x16xf32, #tpu.memory_space<vmem>>) offsets(%dma_start3A_469 : memref<128xi32, #tpu.memory_space<vmem>>) semaphore(%arg12 : memref<!tpu.dma_semaphore, #tpu.memory_space<semaphore_mem>>)
        %add3A_473 = arith.constant 1 : i32
        %add3A_474 = arith.addi %add3A_290, %add3A_473 : i32
        %mul3A_475 = arith.constant 4 : i32
        %mul3A_476 = arith.muli %add3A_474, %mul3A_475 : i32
        %add3A_477 = arith.constant 3 : i32
        %add3A_478 = arith.addi %mul3A_476, %add3A_477 : i32
        %dma_start3A_479 = arith.constant 0 : i32
        %dma_start3A_480 = arith.constant 3 : i32
        %dma_start3A_481 = arith.constant 0 : i32
        %dma_start3A_482 = arith.constant 0 : i32
        %dma_start3A_483 = tpu.memref_slice %arg8[%dma_start3A_479, %dma_start3A_480, %dma_start3A_481, %dma_start3A_482] : memref<2x4x128x16xf32, #tpu.memory_space<vmem>> -> memref<1x1x128x16xf32, #tpu.memory_space<vmem>>
        %dma_start3A_484 = tpu.memref_squeeze %dma_start3A_483 : memref<1x1x128x16xf32, #tpu.memory_space<vmem>> -> memref<128x16xf32, #tpu.memory_space<vmem>>
        %dma_start3A_485 = arith.constant 0 : i32
        %dma_start3A_486 = tpu.memref_slice %arg6[%add3A_478, %dma_start3A_485] : memref<80x128xi32, #tpu.memory_space<vmem>> -> memref<1x128xi32, #tpu.memory_space<vmem>>
        %dma_start3A_487 = tpu.memref_squeeze %dma_start3A_486 : memref<1x128xi32, #tpu.memory_space<vmem>> -> memref<128xi32, #tpu.memory_space<vmem>>
        %dma_start3A_488 = arith.constant 0 : i32
        %dma_start3A_489 = arith.constant 0 : i32
        %dma_start3A_490 = tpu.memref_slice %arg11[%dma_start3A_488, %dma_start3A_489] : memref<10000x16xf32, #tpu.memory_space<vmem_shared>> -> memref<10000x16xf32, #tpu.memory_space<vmem_shared>>
        tpu.enqueue_indirect_dma source(%dma_start3A_490 : memref<10000x16xf32, #tpu.memory_space<vmem_shared>>) target(%dma_start3A_484 : memref<128x16xf32, #tpu.memory_space<vmem>>) offsets(%dma_start3A_487 : memref<128xi32, #tpu.memory_space<vmem>>) semaphore(%arg12 : memref<!tpu.dma_semaphore, #tpu.memory_space<semaphore_mem>>)
      } else {
      }
      %while3A_418 = arith.constant 0 : i32
      scf.yield %while3A_418 : i32
    }
    %while3A_100 = arith.constant 1 : i32
    %while3A_101 = scf.for %while3A_158 = %while3A_97 to %while3A_93 step %while3A_100 iter_args(%while3A_159 = %while3A_99) -> (i32)  : i32 {
      %mul3A_160 = arith.constant 2 : i32
      %mul3A_161 = arith.muli %while3A_158, %mul3A_160 : i32
      %add3A_162 = arith.constant 0 : i32
      %add3A_163 = arith.addi %mul3A_161, %add3A_162 : i32
      %dma_wait3A_164 = arith.constant 0 : i32
      %dma_wait3A_165 = arith.constant 0 : i32
      %dma_wait3A_166 = arith.constant 0 : i32
      %dma_wait3A_167 = arith.constant 0 : i32
      %dma_wait3A_168 = arith.constant 0 : i32
      %dma_wait3A_169 = tpu.memref_slice %arg8[%dma_wait3A_165, %dma_wait3A_166, %dma_wait3A_167, %dma_wait3A_168] : memref<2x4x128x16xf32, #tpu.memory_space<vmem>> -> memref<1x1x128x16xf32, #tpu.memory_space<vmem>>
      %dma_wait3A_170 = tpu.memref_squeeze %dma_wait3A_169 : memref<1x1x128x16xf32, #tpu.memory_space<vmem>> -> memref<128x16xf32, #tpu.memory_space<vmem>>
      %dma_wait3A_171 = arith.constant 0 : i32
      %dma_wait3A_172 = tpu.memref_slice %arg6[%dma_wait3A_164, %dma_wait3A_171] : memref<80x128xi32, #tpu.memory_space<vmem>> -> memref<1x128xi32, #tpu.memory_space<vmem>>
      %dma_wait3A_173 = tpu.memref_squeeze %dma_wait3A_172 : memref<1x128xi32, #tpu.memory_space<vmem>> -> memref<128xi32, #tpu.memory_space<vmem>>
      %dma_wait3A_174 = arith.constant 0 : i32
      %dma_wait3A_175 = arith.constant 0 : i32
      %dma_wait3A_176 = tpu.memref_slice %arg2[%dma_wait3A_174, %dma_wait3A_175] : memref<10000x16xf32, #tpu.memory_space<hbm>> -> memref<10000x16xf32, #tpu.memory_space<hbm>>
      tpu.wait_indirect_dma semaphore(%arg12 : memref<!tpu.dma_semaphore, #tpu.memory_space<semaphore_mem>>) src(%dma_wait3A_176 : memref<10000x16xf32, #tpu.memory_space<hbm>>) dst(%dma_wait3A_170 : memref<128x16xf32, #tpu.memory_space<vmem>>)
      %dma_wait3A_177 = arith.constant 0 : i32
      %dma_wait3A_178 = arith.constant 0 : i32
      %dma_wait3A_179 = arith.constant 1 : i32
      %dma_wait3A_180 = arith.constant 0 : i32
      %dma_wait3A_181 = arith.constant 0 : i32
      %dma_wait3A_182 = tpu.memref_slice %arg8[%dma_wait3A_178, %dma_wait3A_179, %dma_wait3A_180, %dma_wait3A_181] : memref<2x4x128x16xf32, #tpu.memory_space<vmem>> -> memref<1x1x128x16xf32, #tpu.memory_space<vmem>>
      %dma_wait3A_183 = tpu.memref_squeeze %dma_wait3A_182 : memref<1x1x128x16xf32, #tpu.memory_space<vmem>> -> memref<128x16xf32, #tpu.memory_space<vmem>>
      %dma_wait3A_184 = arith.constant 0 : i32
      %dma_wait3A_185 = tpu.memref_slice %arg6[%dma_wait3A_177, %dma_wait3A_184] : memref<80x128xi32, #tpu.memory_space<vmem>> -> memref<1x128xi32, #tpu.memory_space<vmem>>
      %dma_wait3A_186 = tpu.memref_squeeze %dma_wait3A_185 : memref<1x128xi32, #tpu.memory_space<vmem>> -> memref<128xi32, #tpu.memory_space<vmem>>
      %dma_wait3A_187 = arith.constant 0 : i32
      %dma_wait3A_188 = arith.constant 0 : i32
      %dma_wait3A_189 = tpu.memref_slice %arg2[%dma_wait3A_187, %dma_wait3A_188] : memref<10000x16xf32, #tpu.memory_space<hbm>> -> memref<10000x16xf32, #tpu.memory_space<hbm>>
      tpu.wait_indirect_dma semaphore(%arg12 : memref<!tpu.dma_semaphore, #tpu.memory_space<semaphore_mem>>) src(%dma_wait3A_189 : memref<10000x16xf32, #tpu.memory_space<hbm>>) dst(%dma_wait3A_183 : memref<128x16xf32, #tpu.memory_space<vmem>>)
      %dma_wait3A_190 = arith.constant 0 : i32
      %dma_wait3A_191 = arith.constant 0 : i32
      %dma_wait3A_192 = arith.constant 2 : i32
      %dma_wait3A_193 = arith.constant 0 : i32
      %dma_wait3A_194 = arith.constant 0 : i32
      %dma_wait3A_195 = tpu.memref_slice %arg8[%dma_wait3A_191, %dma_wait3A_192, %dma_wait3A_193, %dma_wait3A_194] : memref<2x4x128x16xf32, #tpu.memory_space<vmem>> -> memref<1x1x128x16xf32, #tpu.memory_space<vmem>>
      %dma_wait3A_196 = tpu.memref_squeeze %dma_wait3A_195 : memref<1x1x128x16xf32, #tpu.memory_space<vmem>> -> memref<128x16xf32, #tpu.memory_space<vmem>>
      %dma_wait3A_197 = arith.constant 0 : i32
      %dma_wait3A_198 = tpu.memref_slice %arg6[%dma_wait3A_190, %dma_wait3A_197] : memref<80x128xi32, #tpu.memory_space<vmem>> -> memref<1x128xi32, #tpu.memory_space<vmem>>
      %dma_wait3A_199 = tpu.memref_squeeze %dma_wait3A_198 : memref<1x128xi32, #tpu.memory_space<vmem>> -> memref<128xi32, #tpu.memory_space<vmem>>
      %dma_wait3A_200 = arith.constant 0 : i32
      %dma_wait3A_201 = arith.constant 0 : i32
      %dma_wait3A_202 = tpu.memref_slice %arg2[%dma_wait3A_200, %dma_wait3A_201] : memref<10000x16xf32, #tpu.memory_space<hbm>> -> memref<10000x16xf32, #tpu.memory_space<hbm>>
      tpu.wait_indirect_dma semaphore(%arg12 : memref<!tpu.dma_semaphore, #tpu.memory_space<semaphore_mem>>) src(%dma_wait3A_202 : memref<10000x16xf32, #tpu.memory_space<hbm>>) dst(%dma_wait3A_196 : memref<128x16xf32, #tpu.memory_space<vmem>>)
      %dma_wait3A_203 = arith.constant 0 : i32
      %dma_wait3A_204 = arith.constant 0 : i32
      %dma_wait3A_205 = arith.constant 3 : i32
      %dma_wait3A_206 = arith.constant 0 : i32
      %dma_wait3A_207 = arith.constant 0 : i32
      %dma_wait3A_208 = tpu.memref_slice %arg8[%dma_wait3A_204, %dma_wait3A_205, %dma_wait3A_206, %dma_wait3A_207] : memref<2x4x128x16xf32, #tpu.memory_space<vmem>> -> memref<1x1x128x16xf32, #tpu.memory_space<vmem>>
      %dma_wait3A_209 = tpu.memref_squeeze %dma_wait3A_208 : memref<1x1x128x16xf32, #tpu.memory_space<vmem>> -> memref<128x16xf32, #tpu.memory_space<vmem>>
      %dma_wait3A_210 = arith.constant 0 : i32
      %dma_wait3A_211 = tpu.memref_slice %arg6[%dma_wait3A_203, %dma_wait3A_210] : memref<80x128xi32, #tpu.memory_space<vmem>> -> memref<1x128xi32, #tpu.memory_space<vmem>>
      %dma_wait3A_212 = tpu.memref_squeeze %dma_wait3A_211 : memref<1x128xi32, #tpu.memory_space<vmem>> -> memref<128xi32, #tpu.memory_space<vmem>>
      %dma_wait3A_213 = arith.constant 0 : i32
      %dma_wait3A_214 = arith.constant 0 : i32
      %dma_wait3A_215 = tpu.memref_slice %arg2[%dma_wait3A_213, %dma_wait3A_214] : memref<10000x16xf32, #tpu.memory_space<hbm>> -> memref<10000x16xf32, #tpu.memory_space<hbm>>
      tpu.wait_indirect_dma semaphore(%arg12 : memref<!tpu.dma_semaphore, #tpu.memory_space<semaphore_mem>>) src(%dma_wait3A_215 : memref<10000x16xf32, #tpu.memory_space<hbm>>) dst(%dma_wait3A_209 : memref<128x16xf32, #tpu.memory_space<vmem>>)
      %mul3A_216 = arith.constant 4 : i32
      %mul3A_217 = arith.muli %add3A_163, %mul3A_216 : i32
      %add3A_218 = arith.constant 0 : i32
      %add3A_219 = arith.addi %mul3A_217, %add3A_218 : i32
      %dma_start3A_220 = arith.constant 0 : i32
      %dma_start3A_221 = arith.constant 0 : i32
      %dma_start3A_222 = arith.constant 0 : i32
      %dma_start3A_223 = arith.constant 0 : i32
      %dma_start3A_224 = tpu.memref_slice %arg8[%dma_start3A_220, %dma_start3A_221, %dma_start3A_222, %dma_start3A_223] : memref<2x4x128x16xf32, #tpu.memory_space<vmem>> -> memref<1x1x128x16xf32, #tpu.memory_space<vmem>>
      %dma_start3A_225 = tpu.memref_squeeze %dma_start3A_224 : memref<1x1x128x16xf32, #tpu.memory_space<vmem>> -> memref<128x16xf32, #tpu.memory_space<vmem>>
      %dma_start3A_226 = arith.constant 0 : i32
      %dma_start3A_227 = tpu.memref_slice %arg7[%add3A_219, %dma_start3A_226] : memref<80x128xi32, #tpu.memory_space<vmem>> -> memref<1x128xi32, #tpu.memory_space<vmem>>
      %dma_start3A_228 = tpu.memref_squeeze %dma_start3A_227 : memref<1x128xi32, #tpu.memory_space<vmem>> -> memref<128xi32, #tpu.memory_space<vmem>>
      %dma_start3A_229 = arith.constant 0 : i32
      %dma_start3A_230 = arith.constant 0 : i32
      %dma_start3A_231 = tpu.memref_slice %arg10[%dma_start3A_229, %dma_start3A_230] : memref<10240x16xf32, #tpu.memory_space<vmem_shared>> -> memref<10240x16xf32, #tpu.memory_space<vmem_shared>>
      tpu.enqueue_indirect_dma source(%dma_start3A_225 : memref<128x16xf32, #tpu.memory_space<vmem>>) target(%dma_start3A_231 : memref<10240x16xf32, #tpu.memory_space<vmem_shared>>) offsets(%dma_start3A_228 : memref<128xi32, #tpu.memory_space<vmem>>) semaphore(%arg13 : memref<!tpu.dma_semaphore, #tpu.memory_space<semaphore_mem>>) {add = true}
      %mul3A_232 = arith.constant 4 : i32
      %mul3A_233 = arith.muli %add3A_163, %mul3A_232 : i32
      %add3A_234 = arith.constant 1 : i32
      %add3A_235 = arith.addi %mul3A_233, %add3A_234 : i32
      %dma_start3A_236 = arith.constant 0 : i32
      %dma_start3A_237 = arith.constant 1 : i32
      %dma_start3A_238 = arith.constant 0 : i32
      %dma_start3A_239 = arith.constant 0 : i32
      %dma_start3A_240 = tpu.memref_slice %arg8[%dma_start3A_236, %dma_start3A_237, %dma_start3A_238, %dma_start3A_239] : memref<2x4x128x16xf32, #tpu.memory_space<vmem>> -> memref<1x1x128x16xf32, #tpu.memory_space<vmem>>
      %dma_start3A_241 = tpu.memref_squeeze %dma_start3A_240 : memref<1x1x128x16xf32, #tpu.memory_space<vmem>> -> memref<128x16xf32, #tpu.memory_space<vmem>>
      %dma_start3A_242 = arith.constant 0 : i32
      %dma_start3A_243 = tpu.memref_slice %arg7[%add3A_235, %dma_start3A_242] : memref<80x128xi32, #tpu.memory_space<vmem>> -> memref<1x128xi32, #tpu.memory_space<vmem>>
      %dma_start3A_244 = tpu.memref_squeeze %dma_start3A_243 : memref<1x128xi32, #tpu.memory_space<vmem>> -> memref<128xi32, #tpu.memory_space<vmem>>
      %dma_start3A_245 = arith.constant 0 : i32
      %dma_start3A_246 = arith.constant 0 : i32
      %dma_start3A_247 = tpu.memref_slice %arg10[%dma_start3A_245, %dma_start3A_246] : memref<10240x16xf32, #tpu.memory_space<vmem_shared>> -> memref<10240x16xf32, #tpu.memory_space<vmem_shared>>
      tpu.enqueue_indirect_dma source(%dma_start3A_241 : memref<128x16xf32, #tpu.memory_space<vmem>>) target(%dma_start3A_247 : memref<10240x16xf32, #tpu.memory_space<vmem_shared>>) offsets(%dma_start3A_244 : memref<128xi32, #tpu.memory_space<vmem>>) semaphore(%arg13 : memref<!tpu.dma_semaphore, #tpu.memory_space<semaphore_mem>>) {add = true}
      %mul3A_248 = arith.constant 4 : i32
      %mul3A_249 = arith.muli %add3A_163, %mul3A_248 : i32
      %add3A_250 = arith.constant 2 : i32
      %add3A_251 = arith.addi %mul3A_249, %add3A_250 : i32
      %dma_start3A_252 = arith.constant 0 : i32
      %dma_start3A_253 = arith.constant 2 : i32
      %dma_start3A_254 = arith.constant 0 : i32
      %dma_start3A_255 = arith.constant 0 : i32
      %dma_start3A_256 = tpu.memref_slice %arg8[%dma_start3A_252, %dma_start3A_253, %dma_start3A_254, %dma_start3A_255] : memref<2x4x128x16xf32, #tpu.memory_space<vmem>> -> memref<1x1x128x16xf32, #tpu.memory_space<vmem>>
      %dma_start3A_257 = tpu.memref_squeeze %dma_start3A_256 : memref<1x1x128x16xf32, #tpu.memory_space<vmem>> -> memref<128x16xf32, #tpu.memory_space<vmem>>
      %dma_start3A_258 = arith.constant 0 : i32
      %dma_start3A_259 = tpu.memref_slice %arg7[%add3A_251, %dma_start3A_258] : memref<80x128xi32, #tpu.memory_space<vmem>> -> memref<1x128xi32, #tpu.memory_space<vmem>>
      %dma_start3A_260 = tpu.memref_squeeze %dma_start3A_259 : memref<1x128xi32, #tpu.memory_space<vmem>> -> memref<128xi32, #tpu.memory_space<vmem>>
      %dma_start3A_261 = arith.constant 0 : i32
      %dma_start3A_262 = arith.constant 0 : i32
      %dma_start3A_263 = tpu.memref_slice %arg10[%dma_start3A_261, %dma_start3A_262] : memref<10240x16xf32, #tpu.memory_space<vmem_shared>> -> memref<10240x16xf32, #tpu.memory_space<vmem_shared>>
      tpu.enqueue_indirect_dma source(%dma_start3A_257 : memref<128x16xf32, #tpu.memory_space<vmem>>) target(%dma_start3A_263 : memref<10240x16xf32, #tpu.memory_space<vmem_shared>>) offsets(%dma_start3A_260 : memref<128xi32, #tpu.memory_space<vmem>>) semaphore(%arg13 : memref<!tpu.dma_semaphore, #tpu.memory_space<semaphore_mem>>) {add = true}
      %mul3A_264 = arith.constant 4 : i32
      %mul3A_265 = arith.muli %add3A_163, %mul3A_264 : i32
      %add3A_266 = arith.constant 3 : i32
      %add3A_267 = arith.addi %mul3A_265, %add3A_266 : i32
      %dma_start3A_268 = arith.constant 0 : i32
      %dma_start3A_269 = arith.constant 3 : i32
      %dma_start3A_270 = arith.constant 0 : i32
      %dma_start3A_271 = arith.constant 0 : i32
      %dma_start3A_272 = tpu.memref_slice %arg8[%dma_start3A_268, %dma_start3A_269, %dma_start3A_270, %dma_start3A_271] : memref<2x4x128x16xf32, #tpu.memory_space<vmem>> -> memref<1x1x128x16xf32, #tpu.memory_space<vmem>>
      %dma_start3A_273 = tpu.memref_squeeze %dma_start3A_272 : memref<1x1x128x16xf32, #tpu.memory_space<vmem>> -> memref<128x16xf32, #tpu.memory_space<vmem>>
      %dma_start3A_274 = arith.constant 0 : i32
      %dma_start3A_275 = tpu.memref_slice %arg7[%add3A_267, %dma_start3A_274] : memref<80x128xi32, #tpu.memory_space<vmem>> -> memref<1x128xi32, #tpu.memory_space<vmem>>
      %dma_start3A_276 = tpu.memref_squeeze %dma_start3A_275 : memref<1x128xi32, #tpu.memory_space<vmem>> -> memref<128xi32, #tpu.memory_space<vmem>>
      %dma_start3A_277 = arith.constant 0 : i32
      %dma_start3A_278 = arith.constant 0 : i32
      %dma_start3A_279 = tpu.memref_slice %arg10[%dma_start3A_277, %dma_start3A_278] : memref<10240x16xf32, #tpu.memory_space<vmem_shared>> -> memref<10240x16xf32, #tpu.memory_space<vmem_shared>>
      tpu.enqueue_indirect_dma source(%dma_start3A_273 : memref<128x16xf32, #tpu.memory_space<vmem>>) target(%dma_start3A_279 : memref<10240x16xf32, #tpu.memory_space<vmem_shared>>) offsets(%dma_start3A_276 : memref<128xi32, #tpu.memory_space<vmem>>) semaphore(%arg13 : memref<!tpu.dma_semaphore, #tpu.memory_space<semaphore_mem>>) {add = true}
      %ge3A = arith.constant 1 : i32
      %ge3A_280 = arith.cmpi sge, %add3A_163, %ge3A : i32
      %convert_element_type3A = arith.extui %ge3A_280 : i1 to i32
      %cond3A = arith.constant 0 : i32
      %cond3A_281 = arith.cmpi ne, %convert_element_type3A, %cond3A : i32
      scf.if %cond3A_281 {
        %dma_wait3A_419 = arith.constant 0 : i32
        %dma_wait3A_420 = arith.constant 1 : i32
        %dma_wait3A_421 = arith.constant 0 : i32
        %dma_wait3A_422 = arith.constant 0 : i32
        %dma_wait3A_423 = arith.constant 0 : i32
        %dma_wait3A_424 = tpu.memref_slice %arg8[%dma_wait3A_420, %dma_wait3A_421, %dma_wait3A_422, %dma_wait3A_423] : memref<2x4x128x16xf32, #tpu.memory_space<vmem>> -> memref<1x1x128x16xf32, #tpu.memory_space<vmem>>
        %dma_wait3A_425 = tpu.memref_squeeze %dma_wait3A_424 : memref<1x1x128x16xf32, #tpu.memory_space<vmem>> -> memref<128x16xf32, #tpu.memory_space<vmem>>
        %dma_wait3A_426 = arith.constant 0 : i32
        %dma_wait3A_427 = tpu.memref_slice %arg6[%dma_wait3A_419, %dma_wait3A_426] : memref<80x128xi32, #tpu.memory_space<vmem>> -> memref<1x128xi32, #tpu.memory_space<vmem>>
        %dma_wait3A_428 = tpu.memref_squeeze %dma_wait3A_427 : memref<1x128xi32, #tpu.memory_space<vmem>> -> memref<128xi32, #tpu.memory_space<vmem>>
        %dma_wait3A_429 = arith.constant 0 : i32
        %dma_wait3A_430 = arith.constant 0 : i32
        %dma_wait3A_431 = tpu.memref_slice %arg2[%dma_wait3A_429, %dma_wait3A_430] : memref<10000x16xf32, #tpu.memory_space<hbm>> -> memref<10000x16xf32, #tpu.memory_space<hbm>>
        tpu.wait_indirect_dma semaphore(%arg13 : memref<!tpu.dma_semaphore, #tpu.memory_space<semaphore_mem>>) src(%dma_wait3A_431 : memref<10000x16xf32, #tpu.memory_space<hbm>>) dst(%dma_wait3A_425 : memref<128x16xf32, #tpu.memory_space<vmem>>)
        %dma_wait3A_432 = arith.constant 0 : i32
        %dma_wait3A_433 = arith.constant 1 : i32
        %dma_wait3A_434 = arith.constant 1 : i32
        %dma_wait3A_435 = arith.constant 0 : i32
        %dma_wait3A_436 = arith.constant 0 : i32
        %dma_wait3A_437 = tpu.memref_slice %arg8[%dma_wait3A_433, %dma_wait3A_434, %dma_wait3A_435, %dma_wait3A_436] : memref<2x4x128x16xf32, #tpu.memory_space<vmem>> -> memref<1x1x128x16xf32, #tpu.memory_space<vmem>>
        %dma_wait3A_438 = tpu.memref_squeeze %dma_wait3A_437 : memref<1x1x128x16xf32, #tpu.memory_space<vmem>> -> memref<128x16xf32, #tpu.memory_space<vmem>>
        %dma_wait3A_439 = arith.constant 0 : i32
        %dma_wait3A_440 = tpu.memref_slice %arg6[%dma_wait3A_432, %dma_wait3A_439] : memref<80x128xi32, #tpu.memory_space<vmem>> -> memref<1x128xi32, #tpu.memory_space<vmem>>
        %dma_wait3A_441 = tpu.memref_squeeze %dma_wait3A_440 : memref<1x128xi32, #tpu.memory_space<vmem>> -> memref<128xi32, #tpu.memory_space<vmem>>
        %dma_wait3A_442 = arith.constant 0 : i32
        %dma_wait3A_443 = arith.constant 0 : i32
        %dma_wait3A_444 = tpu.memref_slice %arg2[%dma_wait3A_442, %dma_wait3A_443] : memref<10000x16xf32, #tpu.memory_space<hbm>> -> memref<10000x16xf32, #tpu.memory_space<hbm>>
        tpu.wait_indirect_dma semaphore(%arg13 : memref<!tpu.dma_semaphore, #tpu.memory_space<semaphore_mem>>) src(%dma_wait3A_444 : memref<10000x16xf32, #tpu.memory_space<hbm>>) dst(%dma_wait3A_438 : memref<128x16xf32, #tpu.memory_space<vmem>>)
        %dma_wait3A_445 = arith.constant 0 : i32
        %dma_wait3A_446 = arith.constant 1 : i32
        %dma_wait3A_447 = arith.constant 2 : i32
        %dma_wait3A_448 = arith.constant 0 : i32
        %dma_wait3A_449 = arith.constant 0 : i32
        %dma_wait3A_450 = tpu.memref_slice %arg8[%dma_wait3A_446, %dma_wait3A_447, %dma_wait3A_448, %dma_wait3A_449] : memref<2x4x128x16xf32, #tpu.memory_space<vmem>> -> memref<1x1x128x16xf32, #tpu.memory_space<vmem>>
        %dma_wait3A_451 = tpu.memref_squeeze %dma_wait3A_450 : memref<1x1x128x16xf32, #tpu.memory_space<vmem>> -> memref<128x16xf32, #tpu.memory_space<vmem>>
        %dma_wait3A_452 = arith.constant 0 : i32
        %dma_wait3A_453 = tpu.memref_slice %arg6[%dma_wait3A_445, %dma_wait3A_452] : memref<80x128xi32, #tpu.memory_space<vmem>> -> memref<1x128xi32, #tpu.memory_space<vmem>>
        %dma_wait3A_454 = tpu.memref_squeeze %dma_wait3A_453 : memref<1x128xi32, #tpu.memory_space<vmem>> -> memref<128xi32, #tpu.memory_space<vmem>>
        %dma_wait3A_455 = arith.constant 0 : i32
        %dma_wait3A_456 = arith.constant 0 : i32
        %dma_wait3A_457 = tpu.memref_slice %arg2[%dma_wait3A_455, %dma_wait3A_456] : memref<10000x16xf32, #tpu.memory_space<hbm>> -> memref<10000x16xf32, #tpu.memory_space<hbm>>
        tpu.wait_indirect_dma semaphore(%arg13 : memref<!tpu.dma_semaphore, #tpu.memory_space<semaphore_mem>>) src(%dma_wait3A_457 : memref<10000x16xf32, #tpu.memory_space<hbm>>) dst(%dma_wait3A_451 : memref<128x16xf32, #tpu.memory_space<vmem>>)
        %dma_wait3A_458 = arith.constant 0 : i32
        %dma_wait3A_459 = arith.constant 1 : i32
        %dma_wait3A_460 = arith.constant 3 : i32
        %dma_wait3A_461 = arith.constant 0 : i32
        %dma_wait3A_462 = arith.constant 0 : i32
        %dma_wait3A_463 = tpu.memref_slice %arg8[%dma_wait3A_459, %dma_wait3A_460, %dma_wait3A_461, %dma_wait3A_462] : memref<2x4x128x16xf32, #tpu.memory_space<vmem>> -> memref<1x1x128x16xf32, #tpu.memory_space<vmem>>
        %dma_wait3A_464 = tpu.memref_squeeze %dma_wait3A_463 : memref<1x1x128x16xf32, #tpu.memory_space<vmem>> -> memref<128x16xf32, #tpu.memory_space<vmem>>
        %dma_wait3A_465 = arith.constant 0 : i32
        %dma_wait3A_466 = tpu.memref_slice %arg6[%dma_wait3A_458, %dma_wait3A_465] : memref<80x128xi32, #tpu.memory_space<vmem>> -> memref<1x128xi32, #tpu.memory_space<vmem>>
        %dma_wait3A_467 = tpu.memref_squeeze %dma_wait3A_466 : memref<1x128xi32, #tpu.memory_space<vmem>> -> memref<128xi32, #tpu.memory_space<vmem>>
        %dma_wait3A_468 = arith.constant 0 : i32
        %dma_wait3A_469 = arith.constant 0 : i32
        %dma_wait3A_470 = tpu.memref_slice %arg2[%dma_wait3A_468, %dma_wait3A_469] : memref<10000x16xf32, #tpu.memory_space<hbm>> -> memref<10000x16xf32, #tpu.memory_space<hbm>>
        tpu.wait_indirect_dma semaphore(%arg13 : memref<!tpu.dma_semaphore, #tpu.memory_space<semaphore_mem>>) src(%dma_wait3A_470 : memref<10000x16xf32, #tpu.memory_space<hbm>>) dst(%dma_wait3A_464 : memref<128x16xf32, #tpu.memory_space<vmem>>)
      } else {
      }
      %add3A_282 = arith.constant 1 : i32
      %add3A_283 = arith.addi %add3A_163, %add3A_282 : i32
      %lt3A = arith.cmpi slt, %add3A_283, %select_n3A : i32
      %convert_element_type3A_284 = arith.extui %lt3A : i1 to i32
      %cond3A_285 = arith.constant 0 : i32
      %cond3A_286 = arith.cmpi ne, %convert_element_type3A_284, %cond3A_285 : i32
      scf.if %cond3A_286 {
        %add3A_419 = arith.constant 1 : i32
        %add3A_420 = arith.addi %add3A_163, %add3A_419 : i32
        %mul3A_421 = arith.constant 4 : i32
        %mul3A_422 = arith.muli %add3A_420, %mul3A_421 : i32
        %add3A_423 = arith.constant 0 : i32
        %add3A_424 = arith.addi %mul3A_422, %add3A_423 : i32
        %dma_start3A_425 = arith.constant 1 : i32
        %dma_start3A_426 = arith.constant 0 : i32
        %dma_start3A_427 = arith.constant 0 : i32
        %dma_start3A_428 = arith.constant 0 : i32
        %dma_start3A_429 = tpu.memref_slice %arg8[%dma_start3A_425, %dma_start3A_426, %dma_start3A_427, %dma_start3A_428] : memref<2x4x128x16xf32, #tpu.memory_space<vmem>> -> memref<1x1x128x16xf32, #tpu.memory_space<vmem>>
        %dma_start3A_430 = tpu.memref_squeeze %dma_start3A_429 : memref<1x1x128x16xf32, #tpu.memory_space<vmem>> -> memref<128x16xf32, #tpu.memory_space<vmem>>
        %dma_start3A_431 = arith.constant 0 : i32
        %dma_start3A_432 = tpu.memref_slice %arg6[%add3A_424, %dma_start3A_431] : memref<80x128xi32, #tpu.memory_space<vmem>> -> memref<1x128xi32, #tpu.memory_space<vmem>>
        %dma_start3A_433 = tpu.memref_squeeze %dma_start3A_432 : memref<1x128xi32, #tpu.memory_space<vmem>> -> memref<128xi32, #tpu.memory_space<vmem>>
        %dma_start3A_434 = arith.constant 0 : i32
        %dma_start3A_435 = arith.constant 0 : i32
        %dma_start3A_436 = tpu.memref_slice %arg11[%dma_start3A_434, %dma_start3A_435] : memref<10000x16xf32, #tpu.memory_space<vmem_shared>> -> memref<10000x16xf32, #tpu.memory_space<vmem_shared>>
        tpu.enqueue_indirect_dma source(%dma_start3A_436 : memref<10000x16xf32, #tpu.memory_space<vmem_shared>>) target(%dma_start3A_430 : memref<128x16xf32, #tpu.memory_space<vmem>>) offsets(%dma_start3A_433 : memref<128xi32, #tpu.memory_space<vmem>>) semaphore(%arg12 : memref<!tpu.dma_semaphore, #tpu.memory_space<semaphore_mem>>)
        %add3A_437 = arith.constant 1 : i32
        %add3A_438 = arith.addi %add3A_163, %add3A_437 : i32
        %mul3A_439 = arith.constant 4 : i32
        %mul3A_440 = arith.muli %add3A_438, %mul3A_439 : i32
        %add3A_441 = arith.constant 1 : i32
        %add3A_442 = arith.addi %mul3A_440, %add3A_441 : i32
        %dma_start3A_443 = arith.constant 1 : i32
        %dma_start3A_444 = arith.constant 1 : i32
        %dma_start3A_445 = arith.constant 0 : i32
        %dma_start3A_446 = arith.constant 0 : i32
        %dma_start3A_447 = tpu.memref_slice %arg8[%dma_start3A_443, %dma_start3A_444, %dma_start3A_445, %dma_start3A_446] : memref<2x4x128x16xf32, #tpu.memory_space<vmem>> -> memref<1x1x128x16xf32, #tpu.memory_space<vmem>>
        %dma_start3A_448 = tpu.memref_squeeze %dma_start3A_447 : memref<1x1x128x16xf32, #tpu.memory_space<vmem>> -> memref<128x16xf32, #tpu.memory_space<vmem>>
        %dma_start3A_449 = arith.constant 0 : i32
        %dma_start3A_450 = tpu.memref_slice %arg6[%add3A_442, %dma_start3A_449] : memref<80x128xi32, #tpu.memory_space<vmem>> -> memref<1x128xi32, #tpu.memory_space<vmem>>
        %dma_start3A_451 = tpu.memref_squeeze %dma_start3A_450 : memref<1x128xi32, #tpu.memory_space<vmem>> -> memref<128xi32, #tpu.memory_space<vmem>>
        %dma_start3A_452 = arith.constant 0 : i32
        %dma_start3A_453 = arith.constant 0 : i32
        %dma_start3A_454 = tpu.memref_slice %arg11[%dma_start3A_452, %dma_start3A_453] : memref<10000x16xf32, #tpu.memory_space<vmem_shared>> -> memref<10000x16xf32, #tpu.memory_space<vmem_shared>>
        tpu.enqueue_indirect_dma source(%dma_start3A_454 : memref<10000x16xf32, #tpu.memory_space<vmem_shared>>) target(%dma_start3A_448 : memref<128x16xf32, #tpu.memory_space<vmem>>) offsets(%dma_start3A_451 : memref<128xi32, #tpu.memory_space<vmem>>) semaphore(%arg12 : memref<!tpu.dma_semaphore, #tpu.memory_space<semaphore_mem>>)
        %add3A_455 = arith.constant 1 : i32
        %add3A_456 = arith.addi %add3A_163, %add3A_455 : i32
        %mul3A_457 = arith.constant 4 : i32
        %mul3A_458 = arith.muli %add3A_456, %mul3A_457 : i32
        %add3A_459 = arith.constant 2 : i32
        %add3A_460 = arith.addi %mul3A_458, %add3A_459 : i32
        %dma_start3A_461 = arith.constant 1 : i32
        %dma_start3A_462 = arith.constant 2 : i32
        %dma_start3A_463 = arith.constant 0 : i32
        %dma_start3A_464 = arith.constant 0 : i32
        %dma_start3A_465 = tpu.memref_slice %arg8[%dma_start3A_461, %dma_start3A_462, %dma_start3A_463, %dma_start3A_464] : memref<2x4x128x16xf32, #tpu.memory_space<vmem>> -> memref<1x1x128x16xf32, #tpu.memory_space<vmem>>
        %dma_start3A_466 = tpu.memref_squeeze %dma_start3A_465 : memref<1x1x128x16xf32, #tpu.memory_space<vmem>> -> memref<128x16xf32, #tpu.memory_space<vmem>>
        %dma_start3A_467 = arith.constant 0 : i32
        %dma_start3A_468 = tpu.memref_slice %arg6[%add3A_460, %dma_start3A_467] : memref<80x128xi32, #tpu.memory_space<vmem>> -> memref<1x128xi32, #tpu.memory_space<vmem>>
        %dma_start3A_469 = tpu.memref_squeeze %dma_start3A_468 : memref<1x128xi32, #tpu.memory_space<vmem>> -> memref<128xi32, #tpu.memory_space<vmem>>
        %dma_start3A_470 = arith.constant 0 : i32
        %dma_start3A_471 = arith.constant 0 : i32
        %dma_start3A_472 = tpu.memref_slice %arg11[%dma_start3A_470, %dma_start3A_471] : memref<10000x16xf32, #tpu.memory_space<vmem_shared>> -> memref<10000x16xf32, #tpu.memory_space<vmem_shared>>
        tpu.enqueue_indirect_dma source(%dma_start3A_472 : memref<10000x16xf32, #tpu.memory_space<vmem_shared>>) target(%dma_start3A_466 : memref<128x16xf32, #tpu.memory_space<vmem>>) offsets(%dma_start3A_469 : memref<128xi32, #tpu.memory_space<vmem>>) semaphore(%arg12 : memref<!tpu.dma_semaphore, #tpu.memory_space<semaphore_mem>>)
        %add3A_473 = arith.constant 1 : i32
        %add3A_474 = arith.addi %add3A_163, %add3A_473 : i32
        %mul3A_475 = arith.constant 4 : i32
        %mul3A_476 = arith.muli %add3A_474, %mul3A_475 : i32
        %add3A_477 = arith.constant 3 : i32
        %add3A_478 = arith.addi %mul3A_476, %add3A_477 : i32
        %dma_start3A_479 = arith.constant 1 : i32
        %dma_start3A_480 = arith.constant 3 : i32
        %dma_start3A_481 = arith.constant 0 : i32
        %dma_start3A_482 = arith.constant 0 : i32
        %dma_start3A_483 = tpu.memref_slice %arg8[%dma_start3A_479, %dma_start3A_480, %dma_start3A_481, %dma_start3A_482] : memref<2x4x128x16xf32, #tpu.memory_space<vmem>> -> memref<1x1x128x16xf32, #tpu.memory_space<vmem>>
        %dma_start3A_484 = tpu.memref_squeeze %dma_start3A_483 : memref<1x1x128x16xf32, #tpu.memory_space<vmem>> -> memref<128x16xf32, #tpu.memory_space<vmem>>
        %dma_start3A_485 = arith.constant 0 : i32
        %dma_start3A_486 = tpu.memref_slice %arg6[%add3A_478, %dma_start3A_485] : memref<80x128xi32, #tpu.memory_space<vmem>> -> memref<1x128xi32, #tpu.memory_space<vmem>>
        %dma_start3A_487 = tpu.memref_squeeze %dma_start3A_486 : memref<1x128xi32, #tpu.memory_space<vmem>> -> memref<128xi32, #tpu.memory_space<vmem>>
        %dma_start3A_488 = arith.constant 0 : i32
        %dma_start3A_489 = arith.constant 0 : i32
        %dma_start3A_490 = tpu.memref_slice %arg11[%dma_start3A_488, %dma_start3A_489] : memref<10000x16xf32, #tpu.memory_space<vmem_shared>> -> memref<10000x16xf32, #tpu.memory_space<vmem_shared>>
        tpu.enqueue_indirect_dma source(%dma_start3A_490 : memref<10000x16xf32, #tpu.memory_space<vmem_shared>>) target(%dma_start3A_484 : memref<128x16xf32, #tpu.memory_space<vmem>>) offsets(%dma_start3A_487 : memref<128xi32, #tpu.memory_space<vmem>>) semaphore(%arg12 : memref<!tpu.dma_semaphore, #tpu.memory_space<semaphore_mem>>)
      } else {
      }
      %mul3A_287 = arith.constant 2 : i32
      %mul3A_288 = arith.muli %while3A_158, %mul3A_287 : i32
      %add3A_289 = arith.constant 1 : i32
      %add3A_290 = arith.addi %mul3A_288, %add3A_289 : i32
      %dma_wait3A_291 = arith.constant 0 : i32
      %dma_wait3A_292 = arith.constant 1 : i32
      %dma_wait3A_293 = arith.constant 0 : i32
      %dma_wait3A_294 = arith.constant 0 : i32
      %dma_wait3A_295 = arith.constant 0 : i32
      %dma_wait3A_296 = tpu.memref_slice %arg8[%dma_wait3A_292, %dma_wait3A_293, %dma_wait3A_294, %dma_wait3A_295] : memref<2x4x128x16xf32, #tpu.memory_space<vmem>> -> memref<1x1x128x16xf32, #tpu.memory_space<vmem>>
      %dma_wait3A_297 = tpu.memref_squeeze %dma_wait3A_296 : memref<1x1x128x16xf32, #tpu.memory_space<vmem>> -> memref<128x16xf32, #tpu.memory_space<vmem>>
      %dma_wait3A_298 = arith.constant 0 : i32
      %dma_wait3A_299 = tpu.memref_slice %arg6[%dma_wait3A_291, %dma_wait3A_298] : memref<80x128xi32, #tpu.memory_space<vmem>> -> memref<1x128xi32, #tpu.memory_space<vmem>>
      %dma_wait3A_300 = tpu.memref_squeeze %dma_wait3A_299 : memref<1x128xi32, #tpu.memory_space<vmem>> -> memref<128xi32, #tpu.memory_space<vmem>>
      %dma_wait3A_301 = arith.constant 0 : i32
      %dma_wait3A_302 = arith.constant 0 : i32
      %dma_wait3A_303 = tpu.memref_slice %arg2[%dma_wait3A_301, %dma_wait3A_302] : memref<10000x16xf32, #tpu.memory_space<hbm>> -> memref<10000x16xf32, #tpu.memory_space<hbm>>
      tpu.wait_indirect_dma semaphore(%arg12 : memref<!tpu.dma_semaphore, #tpu.memory_space<semaphore_mem>>) src(%dma_wait3A_303 : memref<10000x16xf32, #tpu.memory_space<hbm>>) dst(%dma_wait3A_297 : memref<128x16xf32, #tpu.memory_space<vmem>>)
      %dma_wait3A_304 = arith.constant 0 : i32
      %dma_wait3A_305 = arith.constant 1 : i32
      %dma_wait3A_306 = arith.constant 1 : i32
      %dma_wait3A_307 = arith.constant 0 : i32
      %dma_wait3A_308 = arith.constant 0 : i32
      %dma_wait3A_309 = tpu.memref_slice %arg8[%dma_wait3A_305, %dma_wait3A_306, %dma_wait3A_307, %dma_wait3A_308] : memref<2x4x128x16xf32, #tpu.memory_space<vmem>> -> memref<1x1x128x16xf32, #tpu.memory_space<vmem>>
      %dma_wait3A_310 = tpu.memref_squeeze %dma_wait3A_309 : memref<1x1x128x16xf32, #tpu.memory_space<vmem>> -> memref<128x16xf32, #tpu.memory_space<vmem>>
      %dma_wait3A_311 = arith.constant 0 : i32
      %dma_wait3A_312 = tpu.memref_slice %arg6[%dma_wait3A_304, %dma_wait3A_311] : memref<80x128xi32, #tpu.memory_space<vmem>> -> memref<1x128xi32, #tpu.memory_space<vmem>>
      %dma_wait3A_313 = tpu.memref_squeeze %dma_wait3A_312 : memref<1x128xi32, #tpu.memory_space<vmem>> -> memref<128xi32, #tpu.memory_space<vmem>>
      %dma_wait3A_314 = arith.constant 0 : i32
      %dma_wait3A_315 = arith.constant 0 : i32
      %dma_wait3A_316 = tpu.memref_slice %arg2[%dma_wait3A_314, %dma_wait3A_315] : memref<10000x16xf32, #tpu.memory_space<hbm>> -> memref<10000x16xf32, #tpu.memory_space<hbm>>
      tpu.wait_indirect_dma semaphore(%arg12 : memref<!tpu.dma_semaphore, #tpu.memory_space<semaphore_mem>>) src(%dma_wait3A_316 : memref<10000x16xf32, #tpu.memory_space<hbm>>) dst(%dma_wait3A_310 : memref<128x16xf32, #tpu.memory_space<vmem>>)
      %dma_wait3A_317 = arith.constant 0 : i32
      %dma_wait3A_318 = arith.constant 1 : i32
      %dma_wait3A_319 = arith.constant 2 : i32
      %dma_wait3A_320 = arith.constant 0 : i32
      %dma_wait3A_321 = arith.constant 0 : i32
      %dma_wait3A_322 = tpu.memref_slice %arg8[%dma_wait3A_318, %dma_wait3A_319, %dma_wait3A_320, %dma_wait3A_321] : memref<2x4x128x16xf32, #tpu.memory_space<vmem>> -> memref<1x1x128x16xf32, #tpu.memory_space<vmem>>
      %dma_wait3A_323 = tpu.memref_squeeze %dma_wait3A_322 : memref<1x1x128x16xf32, #tpu.memory_space<vmem>> -> memref<128x16xf32, #tpu.memory_space<vmem>>
      %dma_wait3A_324 = arith.constant 0 : i32
      %dma_wait3A_325 = tpu.memref_slice %arg6[%dma_wait3A_317, %dma_wait3A_324] : memref<80x128xi32, #tpu.memory_space<vmem>> -> memref<1x128xi32, #tpu.memory_space<vmem>>
      %dma_wait3A_326 = tpu.memref_squeeze %dma_wait3A_325 : memref<1x128xi32, #tpu.memory_space<vmem>> -> memref<128xi32, #tpu.memory_space<vmem>>
      %dma_wait3A_327 = arith.constant 0 : i32
      %dma_wait3A_328 = arith.constant 0 : i32
      %dma_wait3A_329 = tpu.memref_slice %arg2[%dma_wait3A_327, %dma_wait3A_328] : memref<10000x16xf32, #tpu.memory_space<hbm>> -> memref<10000x16xf32, #tpu.memory_space<hbm>>
      tpu.wait_indirect_dma semaphore(%arg12 : memref<!tpu.dma_semaphore, #tpu.memory_space<semaphore_mem>>) src(%dma_wait3A_329 : memref<10000x16xf32, #tpu.memory_space<hbm>>) dst(%dma_wait3A_323 : memref<128x16xf32, #tpu.memory_space<vmem>>)
      %dma_wait3A_330 = arith.constant 0 : i32
      %dma_wait3A_331 = arith.constant 1 : i32
      %dma_wait3A_332 = arith.constant 3 : i32
      %dma_wait3A_333 = arith.constant 0 : i32
      %dma_wait3A_334 = arith.constant 0 : i32
      %dma_wait3A_335 = tpu.memref_slice %arg8[%dma_wait3A_331, %dma_wait3A_332, %dma_wait3A_333, %dma_wait3A_334] : memref<2x4x128x16xf32, #tpu.memory_space<vmem>> -> memref<1x1x128x16xf32, #tpu.memory_space<vmem>>
      %dma_wait3A_336 = tpu.memref_squeeze %dma_wait3A_335 : memref<1x1x128x16xf32, #tpu.memory_space<vmem>> -> memref<128x16xf32, #tpu.memory_space<vmem>>
      %dma_wait3A_337 = arith.constant 0 : i32
      %dma_wait3A_338 = tpu.memref_slice %arg6[%dma_wait3A_330, %dma_wait3A_337] : memref<80x128xi32, #tpu.memory_space<vmem>> -> memref<1x128xi32, #tpu.memory_space<vmem>>
      %dma_wait3A_339 = tpu.memref_squeeze %dma_wait3A_338 : memref<1x128xi32, #tpu.memory_space<vmem>> -> memref<128xi32, #tpu.memory_space<vmem>>
      %dma_wait3A_340 = arith.constant 0 : i32
      %dma_wait3A_341 = arith.constant 0 : i32
      %dma_wait3A_342 = tpu.memref_slice %arg2[%dma_wait3A_340, %dma_wait3A_341] : memref<10000x16xf32, #tpu.memory_space<hbm>> -> memref<10000x16xf32, #tpu.memory_space<hbm>>
      tpu.wait_indirect_dma semaphore(%arg12 : memref<!tpu.dma_semaphore, #tpu.memory_space<semaphore_mem>>) src(%dma_wait3A_342 : memref<10000x16xf32, #tpu.memory_space<hbm>>) dst(%dma_wait3A_336 : memref<128x16xf32, #tpu.memory_space<vmem>>)
      %mul3A_343 = arith.constant 4 : i32
      %mul3A_344 = arith.muli %add3A_290, %mul3A_343 : i32
      %add3A_345 = arith.constant 0 : i32
      %add3A_346 = arith.addi %mul3A_344, %add3A_345 : i32
      %dma_start3A_347 = arith.constant 1 : i32
      %dma_start3A_348 = arith.constant 0 : i32
      %dma_start3A_349 = arith.constant 0 : i32
      %dma_start3A_350 = arith.constant 0 : i32
      %dma_start3A_351 = tpu.memref_slice %arg8[%dma_start3A_347, %dma_start3A_348, %dma_start3A_349, %dma_start3A_350] : memref<2x4x128x16xf32, #tpu.memory_space<vmem>> -> memref<1x1x128x16xf32, #tpu.memory_space<vmem>>
      %dma_start3A_352 = tpu.memref_squeeze %dma_start3A_351 : memref<1x1x128x16xf32, #tpu.memory_space<vmem>> -> memref<128x16xf32, #tpu.memory_space<vmem>>
      %dma_start3A_353 = arith.constant 0 : i32
      %dma_start3A_354 = tpu.memref_slice %arg7[%add3A_346, %dma_start3A_353] : memref<80x128xi32, #tpu.memory_space<vmem>> -> memref<1x128xi32, #tpu.memory_space<vmem>>
      %dma_start3A_355 = tpu.memref_squeeze %dma_start3A_354 : memref<1x128xi32, #tpu.memory_space<vmem>> -> memref<128xi32, #tpu.memory_space<vmem>>
      %dma_start3A_356 = arith.constant 0 : i32
      %dma_start3A_357 = arith.constant 0 : i32
      %dma_start3A_358 = tpu.memref_slice %arg10[%dma_start3A_356, %dma_start3A_357] : memref<10240x16xf32, #tpu.memory_space<vmem_shared>> -> memref<10240x16xf32, #tpu.memory_space<vmem_shared>>
      tpu.enqueue_indirect_dma source(%dma_start3A_352 : memref<128x16xf32, #tpu.memory_space<vmem>>) target(%dma_start3A_358 : memref<10240x16xf32, #tpu.memory_space<vmem_shared>>) offsets(%dma_start3A_355 : memref<128xi32, #tpu.memory_space<vmem>>) semaphore(%arg13 : memref<!tpu.dma_semaphore, #tpu.memory_space<semaphore_mem>>) {add = true}
      %mul3A_359 = arith.constant 4 : i32
      %mul3A_360 = arith.muli %add3A_290, %mul3A_359 : i32
      %add3A_361 = arith.constant 1 : i32
      %add3A_362 = arith.addi %mul3A_360, %add3A_361 : i32
      %dma_start3A_363 = arith.constant 1 : i32
      %dma_start3A_364 = arith.constant 1 : i32
      %dma_start3A_365 = arith.constant 0 : i32
      %dma_start3A_366 = arith.constant 0 : i32
      %dma_start3A_367 = tpu.memref_slice %arg8[%dma_start3A_363, %dma_start3A_364, %dma_start3A_365, %dma_start3A_366] : memref<2x4x128x16xf32, #tpu.memory_space<vmem>> -> memref<1x1x128x16xf32, #tpu.memory_space<vmem>>
      %dma_start3A_368 = tpu.memref_squeeze %dma_start3A_367 : memref<1x1x128x16xf32, #tpu.memory_space<vmem>> -> memref<128x16xf32, #tpu.memory_space<vmem>>
      %dma_start3A_369 = arith.constant 0 : i32
      %dma_start3A_370 = tpu.memref_slice %arg7[%add3A_362, %dma_start3A_369] : memref<80x128xi32, #tpu.memory_space<vmem>> -> memref<1x128xi32, #tpu.memory_space<vmem>>
      %dma_start3A_371 = tpu.memref_squeeze %dma_start3A_370 : memref<1x128xi32, #tpu.memory_space<vmem>> -> memref<128xi32, #tpu.memory_space<vmem>>
      %dma_start3A_372 = arith.constant 0 : i32
      %dma_start3A_373 = arith.constant 0 : i32
      %dma_start3A_374 = tpu.memref_slice %arg10[%dma_start3A_372, %dma_start3A_373] : memref<10240x16xf32, #tpu.memory_space<vmem_shared>> -> memref<10240x16xf32, #tpu.memory_space<vmem_shared>>
      tpu.enqueue_indirect_dma source(%dma_start3A_368 : memref<128x16xf32, #tpu.memory_space<vmem>>) target(%dma_start3A_374 : memref<10240x16xf32, #tpu.memory_space<vmem_shared>>) offsets(%dma_start3A_371 : memref<128xi32, #tpu.memory_space<vmem>>) semaphore(%arg13 : memref<!tpu.dma_semaphore, #tpu.memory_space<semaphore_mem>>) {add = true}
      %mul3A_375 = arith.constant 4 : i32
      %mul3A_376 = arith.muli %add3A_290, %mul3A_375 : i32
      %add3A_377 = arith.constant 2 : i32
      %add3A_378 = arith.addi %mul3A_376, %add3A_377 : i32
      %dma_start3A_379 = arith.constant 1 : i32
      %dma_start3A_380 = arith.constant 2 : i32
      %dma_start3A_381 = arith.constant 0 : i32
      %dma_start3A_382 = arith.constant 0 : i32
      %dma_start3A_383 = tpu.memref_slice %arg8[%dma_start3A_379, %dma_start3A_380, %dma_start3A_381, %dma_start3A_382] : memref<2x4x128x16xf32, #tpu.memory_space<vmem>> -> memref<1x1x128x16xf32, #tpu.memory_space<vmem>>
      %dma_start3A_384 = tpu.memref_squeeze %dma_start3A_383 : memref<1x1x128x16xf32, #tpu.memory_space<vmem>> -> memref<128x16xf32, #tpu.memory_space<vmem>>
      %dma_start3A_385 = arith.constant 0 : i32
      %dma_start3A_386 = tpu.memref_slice %arg7[%add3A_378, %dma_start3A_385] : memref<80x128xi32, #tpu.memory_space<vmem>> -> memref<1x128xi32, #tpu.memory_space<vmem>>
      %dma_start3A_387 = tpu.memref_squeeze %dma_start3A_386 : memref<1x128xi32, #tpu.memory_space<vmem>> -> memref<128xi32, #tpu.memory_space<vmem>>
      %dma_start3A_388 = arith.constant 0 : i32
      %dma_start3A_389 = arith.constant 0 : i32
      %dma_start3A_390 = tpu.memref_slice %arg10[%dma_start3A_388, %dma_start3A_389] : memref<10240x16xf32, #tpu.memory_space<vmem_shared>> -> memref<10240x16xf32, #tpu.memory_space<vmem_shared>>
      tpu.enqueue_indirect_dma source(%dma_start3A_384 : memref<128x16xf32, #tpu.memory_space<vmem>>) target(%dma_start3A_390 : memref<10240x16xf32, #tpu.memory_space<vmem_shared>>) offsets(%dma_start3A_387 : memref<128xi32, #tpu.memory_space<vmem>>) semaphore(%arg13 : memref<!tpu.dma_semaphore, #tpu.memory_space<semaphore_mem>>) {add = true}
      %mul3A_391 = arith.constant 4 : i32
      %mul3A_392 = arith.muli %add3A_290, %mul3A_391 : i32
      %add3A_393 = arith.constant 3 : i32
      %add3A_394 = arith.addi %mul3A_392, %add3A_393 : i32
      %dma_start3A_395 = arith.constant 1 : i32
      %dma_start3A_396 = arith.constant 3 : i32
      %dma_start3A_397 = arith.constant 0 : i32
      %dma_start3A_398 = arith.constant 0 : i32
      %dma_start3A_399 = tpu.memref_slice %arg8[%dma_start3A_395, %dma_start3A_396, %dma_start3A_397, %dma_start3A_398] : memref<2x4x128x16xf32, #tpu.memory_space<vmem>> -> memref<1x1x128x16xf32, #tpu.memory_space<vmem>>
      %dma_start3A_400 = tpu.memref_squeeze %dma_start3A_399 : memref<1x1x128x16xf32, #tpu.memory_space<vmem>> -> memref<128x16xf32, #tpu.memory_space<vmem>>
      %dma_start3A_401 = arith.constant 0 : i32
      %dma_start3A_402 = tpu.memref_slice %arg7[%add3A_394, %dma_start3A_401] : memref<80x128xi32, #tpu.memory_space<vmem>> -> memref<1x128xi32, #tpu.memory_space<vmem>>
      %dma_start3A_403 = tpu.memref_squeeze %dma_start3A_402 : memref<1x128xi32, #tpu.memory_space<vmem>> -> memref<128xi32, #tpu.memory_space<vmem>>
      %dma_start3A_404 = arith.constant 0 : i32
      %dma_start3A_405 = arith.constant 0 : i32
      %dma_start3A_406 = tpu.memref_slice %arg10[%dma_start3A_404, %dma_start3A_405] : memref<10240x16xf32, #tpu.memory_space<vmem_shared>> -> memref<10240x16xf32, #tpu.memory_space<vmem_shared>>
      tpu.enqueue_indirect_dma source(%dma_start3A_400 : memref<128x16xf32, #tpu.memory_space<vmem>>) target(%dma_start3A_406 : memref<10240x16xf32, #tpu.memory_space<vmem_shared>>) offsets(%dma_start3A_403 : memref<128xi32, #tpu.memory_space<vmem>>) semaphore(%arg13 : memref<!tpu.dma_semaphore, #tpu.memory_space<semaphore_mem>>) {add = true}
      %ge3A_407 = arith.constant 1 : i32
      %ge3A_408 = arith.cmpi sge, %add3A_290, %ge3A_407 : i32
      %convert_element_type3A_409 = arith.extui %ge3A_408 : i1 to i32
      %cond3A_410 = arith.constant 0 : i32
      %cond3A_411 = arith.cmpi ne, %convert_element_type3A_409, %cond3A_410 : i32
      scf.if %cond3A_411 {
        %dma_wait3A_419 = arith.constant 0 : i32
        %dma_wait3A_420 = arith.constant 0 : i32
        %dma_wait3A_421 = arith.constant 0 : i32
        %dma_wait3A_422 = arith.constant 0 : i32
        %dma_wait3A_423 = arith.constant 0 : i32
        %dma_wait3A_424 = tpu.memref_slice %arg8[%dma_wait3A_420, %dma_wait3A_421, %dma_wait3A_422, %dma_wait3A_423] : memref<2x4x128x16xf32, #tpu.memory_space<vmem>> -> memref<1x1x128x16xf32, #tpu.memory_space<vmem>>
        %dma_wait3A_425 = tpu.memref_squeeze %dma_wait3A_424 : memref<1x1x128x16xf32, #tpu.memory_space<vmem>> -> memref<128x16xf32, #tpu.memory_space<vmem>>
        %dma_wait3A_426 = arith.constant 0 : i32
        %dma_wait3A_427 = tpu.memref_slice %arg6[%dma_wait3A_419, %dma_wait3A_426] : memref<80x128xi32, #tpu.memory_space<vmem>> -> memref<1x128xi32, #tpu.memory_space<vmem>>
        %dma_wait3A_428 = tpu.memref_squeeze %dma_wait3A_427 : memref<1x128xi32, #tpu.memory_space<vmem>> -> memref<128xi32, #tpu.memory_space<vmem>>
        %dma_wait3A_429 = arith.constant 0 : i32
        %dma_wait3A_430 = arith.constant 0 : i32
        %dma_wait3A_431 = tpu.memref_slice %arg2[%dma_wait3A_429, %dma_wait3A_430] : memref<10000x16xf32, #tpu.memory_space<hbm>> -> memref<10000x16xf32, #tpu.memory_space<hbm>>
        tpu.wait_indirect_dma semaphore(%arg13 : memref<!tpu.dma_semaphore, #tpu.memory_space<semaphore_mem>>) src(%dma_wait3A_431 : memref<10000x16xf32, #tpu.memory_space<hbm>>) dst(%dma_wait3A_425 : memref<128x16xf32, #tpu.memory_space<vmem>>)
        %dma_wait3A_432 = arith.constant 0 : i32
        %dma_wait3A_433 = arith.constant 0 : i32
        %dma_wait3A_434 = arith.constant 1 : i32
        %dma_wait3A_435 = arith.constant 0 : i32
        %dma_wait3A_436 = arith.constant 0 : i32
        %dma_wait3A_437 = tpu.memref_slice %arg8[%dma_wait3A_433, %dma_wait3A_434, %dma_wait3A_435, %dma_wait3A_436] : memref<2x4x128x16xf32, #tpu.memory_space<vmem>> -> memref<1x1x128x16xf32, #tpu.memory_space<vmem>>
        %dma_wait3A_438 = tpu.memref_squeeze %dma_wait3A_437 : memref<1x1x128x16xf32, #tpu.memory_space<vmem>> -> memref<128x16xf32, #tpu.memory_space<vmem>>
        %dma_wait3A_439 = arith.constant 0 : i32
        %dma_wait3A_440 = tpu.memref_slice %arg6[%dma_wait3A_432, %dma_wait3A_439] : memref<80x128xi32, #tpu.memory_space<vmem>> -> memref<1x128xi32, #tpu.memory_space<vmem>>
        %dma_wait3A_441 = tpu.memref_squeeze %dma_wait3A_440 : memref<1x128xi32, #tpu.memory_space<vmem>> -> memref<128xi32, #tpu.memory_space<vmem>>
        %dma_wait3A_442 = arith.constant 0 : i32
        %dma_wait3A_443 = arith.constant 0 : i32
        %dma_wait3A_444 = tpu.memref_slice %arg2[%dma_wait3A_442, %dma_wait3A_443] : memref<10000x16xf32, #tpu.memory_space<hbm>> -> memref<10000x16xf32, #tpu.memory_space<hbm>>
        tpu.wait_indirect_dma semaphore(%arg13 : memref<!tpu.dma_semaphore, #tpu.memory_space<semaphore_mem>>) src(%dma_wait3A_444 : memref<10000x16xf32, #tpu.memory_space<hbm>>) dst(%dma_wait3A_438 : memref<128x16xf32, #tpu.memory_space<vmem>>)
        %dma_wait3A_445 = arith.constant 0 : i32
        %dma_wait3A_446 = arith.constant 0 : i32
        %dma_wait3A_447 = arith.constant 2 : i32
        %dma_wait3A_448 = arith.constant 0 : i32
        %dma_wait3A_449 = arith.constant 0 : i32
        %dma_wait3A_450 = tpu.memref_slice %arg8[%dma_wait3A_446, %dma_wait3A_447, %dma_wait3A_448, %dma_wait3A_449] : memref<2x4x128x16xf32, #tpu.memory_space<vmem>> -> memref<1x1x128x16xf32, #tpu.memory_space<vmem>>
        %dma_wait3A_451 = tpu.memref_squeeze %dma_wait3A_450 : memref<1x1x128x16xf32, #tpu.memory_space<vmem>> -> memref<128x16xf32, #tpu.memory_space<vmem>>
        %dma_wait3A_452 = arith.constant 0 : i32
        %dma_wait3A_453 = tpu.memref_slice %arg6[%dma_wait3A_445, %dma_wait3A_452] : memref<80x128xi32, #tpu.memory_space<vmem>> -> memref<1x128xi32, #tpu.memory_space<vmem>>
        %dma_wait3A_454 = tpu.memref_squeeze %dma_wait3A_453 : memref<1x128xi32, #tpu.memory_space<vmem>> -> memref<128xi32, #tpu.memory_space<vmem>>
        %dma_wait3A_455 = arith.constant 0 : i32
        %dma_wait3A_456 = arith.constant 0 : i32
        %dma_wait3A_457 = tpu.memref_slice %arg2[%dma_wait3A_455, %dma_wait3A_456] : memref<10000x16xf32, #tpu.memory_space<hbm>> -> memref<10000x16xf32, #tpu.memory_space<hbm>>
        tpu.wait_indirect_dma semaphore(%arg13 : memref<!tpu.dma_semaphore, #tpu.memory_space<semaphore_mem>>) src(%dma_wait3A_457 : memref<10000x16xf32, #tpu.memory_space<hbm>>) dst(%dma_wait3A_451 : memref<128x16xf32, #tpu.memory_space<vmem>>)
        %dma_wait3A_458 = arith.constant 0 : i32
        %dma_wait3A_459 = arith.constant 0 : i32
        %dma_wait3A_460 = arith.constant 3 : i32
        %dma_wait3A_461 = arith.constant 0 : i32
        %dma_wait3A_462 = arith.constant 0 : i32
        %dma_wait3A_463 = tpu.memref_slice %arg8[%dma_wait3A_459, %dma_wait3A_460, %dma_wait3A_461, %dma_wait3A_462] : memref<2x4x128x16xf32, #tpu.memory_space<vmem>> -> memref<1x1x128x16xf32, #tpu.memory_space<vmem>>
        %dma_wait3A_464 = tpu.memref_squeeze %dma_wait3A_463 : memref<1x1x128x16xf32, #tpu.memory_space<vmem>> -> memref<128x16xf32, #tpu.memory_space<vmem>>
        %dma_wait3A_465 = arith.constant 0 : i32
        %dma_wait3A_466 = tpu.memref_slice %arg6[%dma_wait3A_458, %dma_wait3A_465] : memref<80x128xi32, #tpu.memory_space<vmem>> -> memref<1x128xi32, #tpu.memory_space<vmem>>
        %dma_wait3A_467 = tpu.memref_squeeze %dma_wait3A_466 : memref<1x128xi32, #tpu.memory_space<vmem>> -> memref<128xi32, #tpu.memory_space<vmem>>
        %dma_wait3A_468 = arith.constant 0 : i32
        %dma_wait3A_469 = arith.constant 0 : i32
        %dma_wait3A_470 = tpu.memref_slice %arg2[%dma_wait3A_468, %dma_wait3A_469] : memref<10000x16xf32, #tpu.memory_space<hbm>> -> memref<10000x16xf32, #tpu.memory_space<hbm>>
        tpu.wait_indirect_dma semaphore(%arg13 : memref<!tpu.dma_semaphore, #tpu.memory_space<semaphore_mem>>) src(%dma_wait3A_470 : memref<10000x16xf32, #tpu.memory_space<hbm>>) dst(%dma_wait3A_464 : memref<128x16xf32, #tpu.memory_space<vmem>>)
      } else {
      }
      %add3A_412 = arith.constant 1 : i32
      %add3A_413 = arith.addi %add3A_290, %add3A_412 : i32
      %lt3A_414 = arith.cmpi slt, %add3A_413, %select_n3A : i32
      %convert_element_type3A_415 = arith.extui %lt3A_414 : i1 to i32
      %cond3A_416 = arith.constant 0 : i32
      %cond3A_417 = arith.cmpi ne, %convert_element_type3A_415, %cond3A_416 : i32
      scf.if %cond3A_417 {
        %add3A_419 = arith.constant 1 : i32
        %add3A_420 = arith.addi %add3A_290, %add3A_419 : i32
        %mul3A_421 = arith.constant 4 : i32
        %mul3A_422 = arith.muli %add3A_420, %mul3A_421 : i32
        %add3A_423 = arith.constant 0 : i32
        %add3A_424 = arith.addi %mul3A_422, %add3A_423 : i32
        %dma_start3A_425 = arith.constant 0 : i32
        %dma_start3A_426 = arith.constant 0 : i32
        %dma_start3A_427 = arith.constant 0 : i32
        %dma_start3A_428 = arith.constant 0 : i32
        %dma_start3A_429 = tpu.memref_slice %arg8[%dma_start3A_425, %dma_start3A_426, %dma_start3A_427, %dma_start3A_428] : memref<2x4x128x16xf32, #tpu.memory_space<vmem>> -> memref<1x1x128x16xf32, #tpu.memory_space<vmem>>
        %dma_start3A_430 = tpu.memref_squeeze %dma_start3A_429 : memref<1x1x128x16xf32, #tpu.memory_space<vmem>> -> memref<128x16xf32, #tpu.memory_space<vmem>>
        %dma_start3A_431 = arith.constant 0 : i32
        %dma_start3A_432 = tpu.memref_slice %arg6[%add3A_424, %dma_start3A_431] : memref<80x128xi32, #tpu.memory_space<vmem>> -> memref<1x128xi32, #tpu.memory_space<vmem>>
        %dma_start3A_433 = tpu.memref_squeeze %dma_start3A_432 : memref<1x128xi32, #tpu.memory_space<vmem>> -> memref<128xi32, #tpu.memory_space<vmem>>
        %dma_start3A_434 = arith.constant 0 : i32
        %dma_start3A_435 = arith.constant 0 : i32
        %dma_start3A_436 = tpu.memref_slice %arg11[%dma_start3A_434, %dma_start3A_435] : memref<10000x16xf32, #tpu.memory_space<vmem_shared>> -> memref<10000x16xf32, #tpu.memory_space<vmem_shared>>
        tpu.enqueue_indirect_dma source(%dma_start3A_436 : memref<10000x16xf32, #tpu.memory_space<vmem_shared>>) target(%dma_start3A_430 : memref<128x16xf32, #tpu.memory_space<vmem>>) offsets(%dma_start3A_433 : memref<128xi32, #tpu.memory_space<vmem>>) semaphore(%arg12 : memref<!tpu.dma_semaphore, #tpu.memory_space<semaphore_mem>>)
        %add3A_437 = arith.constant 1 : i32
        %add3A_438 = arith.addi %add3A_290, %add3A_437 : i32
        %mul3A_439 = arith.constant 4 : i32
        %mul3A_440 = arith.muli %add3A_438, %mul3A_439 : i32
        %add3A_441 = arith.constant 1 : i32
        %add3A_442 = arith.addi %mul3A_440, %add3A_441 : i32
        %dma_start3A_443 = arith.constant 0 : i32
        %dma_start3A_444 = arith.constant 1 : i32
        %dma_start3A_445 = arith.constant 0 : i32
        %dma_start3A_446 = arith.constant 0 : i32
        %dma_start3A_447 = tpu.memref_slice %arg8[%dma_start3A_443, %dma_start3A_444, %dma_start3A_445, %dma_start3A_446] : memref<2x4x128x16xf32, #tpu.memory_space<vmem>> -> memref<1x1x128x16xf32, #tpu.memory_space<vmem>>
        %dma_start3A_448 = tpu.memref_squeeze %dma_start3A_447 : memref<1x1x128x16xf32, #tpu.memory_space<vmem>> -> memref<128x16xf32, #tpu.memory_space<vmem>>
        %dma_start3A_449 = arith.constant 0 : i32
        %dma_start3A_450 = tpu.memref_slice %arg6[%add3A_442, %dma_start3A_449] : memref<80x128xi32, #tpu.memory_space<vmem>> -> memref<1x128xi32, #tpu.memory_space<vmem>>
        %dma_start3A_451 = tpu.memref_squeeze %dma_start3A_450 : memref<1x128xi32, #tpu.memory_space<vmem>> -> memref<128xi32, #tpu.memory_space<vmem>>
        %dma_start3A_452 = arith.constant 0 : i32
        %dma_start3A_453 = arith.constant 0 : i32
        %dma_start3A_454 = tpu.memref_slice %arg11[%dma_start3A_452, %dma_start3A_453] : memref<10000x16xf32, #tpu.memory_space<vmem_shared>> -> memref<10000x16xf32, #tpu.memory_space<vmem_shared>>
        tpu.enqueue_indirect_dma source(%dma_start3A_454 : memref<10000x16xf32, #tpu.memory_space<vmem_shared>>) target(%dma_start3A_448 : memref<128x16xf32, #tpu.memory_space<vmem>>) offsets(%dma_start3A_451 : memref<128xi32, #tpu.memory_space<vmem>>) semaphore(%arg12 : memref<!tpu.dma_semaphore, #tpu.memory_space<semaphore_mem>>)
        %add3A_455 = arith.constant 1 : i32
        %add3A_456 = arith.addi %add3A_290, %add3A_455 : i32
        %mul3A_457 = arith.constant 4 : i32
        %mul3A_458 = arith.muli %add3A_456, %mul3A_457 : i32
        %add3A_459 = arith.constant 2 : i32
        %add3A_460 = arith.addi %mul3A_458, %add3A_459 : i32
        %dma_start3A_461 = arith.constant 0 : i32
        %dma_start3A_462 = arith.constant 2 : i32
        %dma_start3A_463 = arith.constant 0 : i32
        %dma_start3A_464 = arith.constant 0 : i32
        %dma_start3A_465 = tpu.memref_slice %arg8[%dma_start3A_461, %dma_start3A_462, %dma_start3A_463, %dma_start3A_464] : memref<2x4x128x16xf32, #tpu.memory_space<vmem>> -> memref<1x1x128x16xf32, #tpu.memory_space<vmem>>
        %dma_start3A_466 = tpu.memref_squeeze %dma_start3A_465 : memref<1x1x128x16xf32, #tpu.memory_space<vmem>> -> memref<128x16xf32, #tpu.memory_space<vmem>>
        %dma_start3A_467 = arith.constant 0 : i32
        %dma_start3A_468 = tpu.memref_slice %arg6[%add3A_460, %dma_start3A_467] : memref<80x128xi32, #tpu.memory_space<vmem>> -> memref<1x128xi32, #tpu.memory_space<vmem>>
        %dma_start3A_469 = tpu.memref_squeeze %dma_start3A_468 : memref<1x128xi32, #tpu.memory_space<vmem>> -> memref<128xi32, #tpu.memory_space<vmem>>
        %dma_start3A_470 = arith.constant 0 : i32
        %dma_start3A_471 = arith.constant 0 : i32
        %dma_start3A_472 = tpu.memref_slice %arg11[%dma_start3A_470, %dma_start3A_471] : memref<10000x16xf32, #tpu.memory_space<vmem_shared>> -> memref<10000x16xf32, #tpu.memory_space<vmem_shared>>
        tpu.enqueue_indirect_dma source(%dma_start3A_472 : memref<10000x16xf32, #tpu.memory_space<vmem_shared>>) target(%dma_start3A_466 : memref<128x16xf32, #tpu.memory_space<vmem>>) offsets(%dma_start3A_469 : memref<128xi32, #tpu.memory_space<vmem>>) semaphore(%arg12 : memref<!tpu.dma_semaphore, #tpu.memory_space<semaphore_mem>>)
        %add3A_473 = arith.constant 1 : i32
        %add3A_474 = arith.addi %add3A_290, %add3A_473 : i32
        %mul3A_475 = arith.constant 4 : i32
        %mul3A_476 = arith.muli %add3A_474, %mul3A_475 : i32
        %add3A_477 = arith.constant 3 : i32
        %add3A_478 = arith.addi %mul3A_476, %add3A_477 : i32
        %dma_start3A_479 = arith.constant 0 : i32
        %dma_start3A_480 = arith.constant 3 : i32
        %dma_start3A_481 = arith.constant 0 : i32
        %dma_start3A_482 = arith.constant 0 : i32
        %dma_start3A_483 = tpu.memref_slice %arg8[%dma_start3A_479, %dma_start3A_480, %dma_start3A_481, %dma_start3A_482] : memref<2x4x128x16xf32, #tpu.memory_space<vmem>> -> memref<1x1x128x16xf32, #tpu.memory_space<vmem>>
        %dma_start3A_484 = tpu.memref_squeeze %dma_start3A_483 : memref<1x1x128x16xf32, #tpu.memory_space<vmem>> -> memref<128x16xf32, #tpu.memory_space<vmem>>
        %dma_start3A_485 = arith.constant 0 : i32
        %dma_start3A_486 = tpu.memref_slice %arg6[%add3A_478, %dma_start3A_485] : memref<80x128xi32, #tpu.memory_space<vmem>> -> memref<1x128xi32, #tpu.memory_space<vmem>>
        %dma_start3A_487 = tpu.memref_squeeze %dma_start3A_486 : memref<1x128xi32, #tpu.memory_space<vmem>> -> memref<128xi32, #tpu.memory_space<vmem>>
        %dma_start3A_488 = arith.constant 0 : i32
        %dma_start3A_489 = arith.constant 0 : i32
        %dma_start3A_490 = tpu.memref_slice %arg11[%dma_start3A_488, %dma_start3A_489] : memref<10000x16xf32, #tpu.memory_space<vmem_shared>> -> memref<10000x16xf32, #tpu.memory_space<vmem_shared>>
        tpu.enqueue_indirect_dma source(%dma_start3A_490 : memref<10000x16xf32, #tpu.memory_space<vmem_shared>>) target(%dma_start3A_484 : memref<128x16xf32, #tpu.memory_space<vmem>>) offsets(%dma_start3A_487 : memref<128xi32, #tpu.memory_space<vmem>>) semaphore(%arg12 : memref<!tpu.dma_semaphore, #tpu.memory_space<semaphore_mem>>)
      } else {
      }
      %while3A_418 = arith.constant 0 : i32
      scf.yield %while3A_418 : i32
    }
    %dma_wait3A = arith.constant 0 : i32
    %dma_wait3A_102 = arith.constant 0 : i32
    %dma_wait3A_103 = arith.constant 0 : i32
    %dma_wait3A_104 = arith.constant 0 : i32
    %dma_wait3A_105 = arith.constant 0 : i32
    %dma_wait3A_106 = tpu.memref_slice %arg8[%dma_wait3A_102, %dma_wait3A_103, %dma_wait3A_104, %dma_wait3A_105] : memref<2x4x128x16xf32, #tpu.memory_space<vmem>> -> memref<1x1x128x16xf32, #tpu.memory_space<vmem>>
    %dma_wait3A_107 = tpu.memref_squeeze %dma_wait3A_106 : memref<1x1x128x16xf32, #tpu.memory_space<vmem>> -> memref<128x16xf32, #tpu.memory_space<vmem>>
    %dma_wait3A_108 = arith.constant 0 : i32
    %dma_wait3A_109 = tpu.memref_slice %arg6[%dma_wait3A, %dma_wait3A_108] : memref<80x128xi32, #tpu.memory_space<vmem>> -> memref<1x128xi32, #tpu.memory_space<vmem>>
    %dma_wait3A_110 = tpu.memref_squeeze %dma_wait3A_109 : memref<1x128xi32, #tpu.memory_space<vmem>> -> memref<128xi32, #tpu.memory_space<vmem>>
    %dma_wait3A_111 = arith.constant 0 : i32
    %dma_wait3A_112 = arith.constant 0 : i32
    %dma_wait3A_113 = tpu.memref_slice %arg2[%dma_wait3A_111, %dma_wait3A_112] : memref<10000x16xf32, #tpu.memory_space<hbm>> -> memref<10000x16xf32, #tpu.memory_space<hbm>>
    tpu.wait_indirect_dma semaphore(%arg13 : memref<!tpu.dma_semaphore, #tpu.memory_space<semaphore_mem>>) src(%dma_wait3A_113 : memref<10000x16xf32, #tpu.memory_space<hbm>>) dst(%dma_wait3A_107 : memref<128x16xf32, #tpu.memory_space<vmem>>)
    %dma_wait3A_114 = arith.constant 0 : i32
    %dma_wait3A_115 = arith.constant 0 : i32
    %dma_wait3A_116 = arith.constant 1 : i32
    %dma_wait3A_117 = arith.constant 0 : i32
    %dma_wait3A_118 = arith.constant 0 : i32
    %dma_wait3A_119 = tpu.memref_slice %arg8[%dma_wait3A_115, %dma_wait3A_116, %dma_wait3A_117, %dma_wait3A_118] : memref<2x4x128x16xf32, #tpu.memory_space<vmem>> -> memref<1x1x128x16xf32, #tpu.memory_space<vmem>>
    %dma_wait3A_120 = tpu.memref_squeeze %dma_wait3A_119 : memref<1x1x128x16xf32, #tpu.memory_space<vmem>> -> memref<128x16xf32, #tpu.memory_space<vmem>>
    %dma_wait3A_121 = arith.constant 0 : i32
    %dma_wait3A_122 = tpu.memref_slice %arg6[%dma_wait3A_114, %dma_wait3A_121] : memref<80x128xi32, #tpu.memory_space<vmem>> -> memref<1x128xi32, #tpu.memory_space<vmem>>
    %dma_wait3A_123 = tpu.memref_squeeze %dma_wait3A_122 : memref<1x128xi32, #tpu.memory_space<vmem>> -> memref<128xi32, #tpu.memory_space<vmem>>
    %dma_wait3A_124 = arith.constant 0 : i32
    %dma_wait3A_125 = arith.constant 0 : i32
    %dma_wait3A_126 = tpu.memref_slice %arg2[%dma_wait3A_124, %dma_wait3A_125] : memref<10000x16xf32, #tpu.memory_space<hbm>> -> memref<10000x16xf32, #tpu.memory_space<hbm>>
    tpu.wait_indirect_dma semaphore(%arg13 : memref<!tpu.dma_semaphore, #tpu.memory_space<semaphore_mem>>) src(%dma_wait3A_126 : memref<10000x16xf32, #tpu.memory_space<hbm>>) dst(%dma_wait3A_120 : memref<128x16xf32, #tpu.memory_space<vmem>>)
    %dma_wait3A_127 = arith.constant 0 : i32
    %dma_wait3A_128 = arith.constant 0 : i32
    %dma_wait3A_129 = arith.constant 2 : i32
    %dma_wait3A_130 = arith.constant 0 : i32
    %dma_wait3A_131 = arith.constant 0 : i32
    %dma_wait3A_132 = tpu.memref_slice %arg8[%dma_wait3A_128, %dma_wait3A_129, %dma_wait3A_130, %dma_wait3A_131] : memref<2x4x128x16xf32, #tpu.memory_space<vmem>> -> memref<1x1x128x16xf32, #tpu.memory_space<vmem>>
    %dma_wait3A_133 = tpu.memref_squeeze %dma_wait3A_132 : memref<1x1x128x16xf32, #tpu.memory_space<vmem>> -> memref<128x16xf32, #tpu.memory_space<vmem>>
    %dma_wait3A_134 = arith.constant 0 : i32
    %dma_wait3A_135 = tpu.memref_slice %arg6[%dma_wait3A_127, %dma_wait3A_134] : memref<80x128xi32, #tpu.memory_space<vmem>> -> memref<1x128xi32, #tpu.memory_space<vmem>>
    %dma_wait3A_136 = tpu.memref_squeeze %dma_wait3A_135 : memref<1x128xi32, #tpu.memory_space<vmem>> -> memref<128xi32, #tpu.memory_space<vmem>>
    %dma_wait3A_137 = arith.constant 0 : i32
    %dma_wait3A_138 = arith.constant 0 : i32
    %dma_wait3A_139 = tpu.memref_slice %arg2[%dma_wait3A_137, %dma_wait3A_138] : memref<10000x16xf32, #tpu.memory_space<hbm>> -> memref<10000x16xf32, #tpu.memory_space<hbm>>
    tpu.wait_indirect_dma semaphore(%arg13 : memref<!tpu.dma_semaphore, #tpu.memory_space<semaphore_mem>>) src(%dma_wait3A_139 : memref<10000x16xf32, #tpu.memory_space<hbm>>) dst(%dma_wait3A_133 : memref<128x16xf32, #tpu.memory_space<vmem>>)
    %dma_wait3A_140 = arith.constant 0 : i32
    %dma_wait3A_141 = arith.constant 0 : i32
    %dma_wait3A_142 = arith.constant 3 : i32
    %dma_wait3A_143 = arith.constant 0 : i32
    %dma_wait3A_144 = arith.constant 0 : i32
    %dma_wait3A_145 = tpu.memref_slice %arg8[%dma_wait3A_141, %dma_wait3A_142, %dma_wait3A_143, %dma_wait3A_144] : memref<2x4x128x16xf32, #tpu.memory_space<vmem>> -> memref<1x1x128x16xf32, #tpu.memory_space<vmem>>
    %dma_wait3A_146 = tpu.memref_squeeze %dma_wait3A_145 : memref<1x1x128x16xf32, #tpu.memory_space<vmem>> -> memref<128x16xf32, #tpu.memory_space<vmem>>
    %dma_wait3A_147 = arith.constant 0 : i32
    %dma_wait3A_148 = tpu.memref_slice %arg6[%dma_wait3A_140, %dma_wait3A_147] : memref<80x128xi32, #tpu.memory_space<vmem>> -> memref<1x128xi32, #tpu.memory_space<vmem>>
    %dma_wait3A_149 = tpu.memref_squeeze %dma_wait3A_148 : memref<1x128xi32, #tpu.memory_space<vmem>> -> memref<128xi32, #tpu.memory_space<vmem>>
    %dma_wait3A_150 = arith.constant 0 : i32
    %dma_wait3A_151 = arith.constant 0 : i32
    %dma_wait3A_152 = tpu.memref_slice %arg2[%dma_wait3A_150, %dma_wait3A_151] : memref<10000x16xf32, #tpu.memory_space<hbm>> -> memref<10000x16xf32, #tpu.memory_space<hbm>>
    tpu.wait_indirect_dma semaphore(%arg13 : memref<!tpu.dma_semaphore, #tpu.memory_space<semaphore_mem>>) src(%dma_wait3A_152 : memref<10000x16xf32, #tpu.memory_space<hbm>>) dst(%dma_wait3A_146 : memref<128x16xf32, #tpu.memory_space<vmem>>)
    %barrier3A_153 = arith.constant 0 : index
    tpu.barrier barrier_id(%barrier3A_153)
    %mul3A_154 = arith.constant 640 : i32
    %mul3A_155 = arith.muli %arg1, %mul3A_154 : i32
    "tpu.region"() ({
      %run_scoped3A = tpu.sem_alloc : memref<!tpu.dma_semaphore, #tpu.memory_space<semaphore_mem>>
      %dma_start3A_158 = arith.constant 0 : i32
      %dma_start3A_159 = tpu.memref_slice %arg10[%mul3A_155, %dma_start3A_158] : memref<10240x16xf32, #tpu.memory_space<vmem_shared>> -> memref<640x16xf32, #tpu.memory_space<vmem_shared>>
      %dma_start3A_160 = arith.constant 0 : i32
      %dma_start3A_161 = tpu.memref_slice %arg10[%mul3A_155, %dma_start3A_160] : memref<10240x16xf32, #tpu.memory_space<vmem_shared>> -> memref<640x16xf32, #tpu.memory_space<vmem_shared>>
      tpu.enqueue_dma source(%dma_start3A_161 : memref<640x16xf32, #tpu.memory_space<vmem_shared>>) target(%arg9 : memref<640x16xf32, #tpu.memory_space<vmem>>) target_semaphore(%run_scoped3A : memref<!tpu.dma_semaphore, #tpu.memory_space<semaphore_mem>>)
      %dma_wait3A_162 = arith.constant 0 : i32
      %dma_wait3A_163 = tpu.memref_slice %arg10[%mul3A_155, %dma_wait3A_162] : memref<10240x16xf32, #tpu.memory_space<vmem_shared>> -> memref<640x16xf32, #tpu.memory_space<vmem_shared>>
      %dma_wait3A_164 = arith.constant 0 : i32
      %dma_wait3A_165 = tpu.memref_slice %arg10[%mul3A_155, %dma_wait3A_164] : memref<10240x16xf32, #tpu.memory_space<vmem_shared>> -> memref<640x16xf32, #tpu.memory_space<vmem_shared>>
      tpu.wait_dma2 semaphore(%run_scoped3A : memref<!tpu.dma_semaphore, #tpu.memory_space<semaphore_mem>>) src(%dma_wait3A_165 : memref<640x16xf32, #tpu.memory_space<vmem_shared>>) dst(%arg9 : memref<640x16xf32, #tpu.memory_space<vmem>>)
      tpu.yield
    }) : () -> ()
    %mul3A_156 = arith.constant 640 : i32
    %mul3A_157 = arith.muli %arg1, %mul3A_156 : i32
    "tpu.region"() ({
      %run_scoped3A = tpu.sem_alloc : memref<!tpu.dma_semaphore, #tpu.memory_space<semaphore_mem>>
      %dma_start3A_158 = arith.constant 0 : i32
      %dma_start3A_159 = tpu.memref_slice %arg5[%arg0, %mul3A_157, %dma_start3A_158] : memref<2x10240x16xf32, #tpu.memory_space<hbm>> -> memref<1x640x16xf32, #tpu.memory_space<hbm>>
      %dma_start3A_160 = tpu.memref_squeeze %dma_start3A_159 : memref<1x640x16xf32, #tpu.memory_space<hbm>> -> memref<640x16xf32, #tpu.memory_space<hbm>>
      %dma_start3A_161 = arith.constant 0 : i32
      %dma_start3A_162 = tpu.memref_slice %arg5[%arg0, %mul3A_157, %dma_start3A_161] : memref<2x10240x16xf32, #tpu.memory_space<hbm>> -> memref<1x640x16xf32, #tpu.memory_space<hbm>>
      %dma_start3A_163 = tpu.memref_squeeze %dma_start3A_162 : memref<1x640x16xf32, #tpu.memory_space<hbm>> -> memref<640x16xf32, #tpu.memory_space<hbm>>
      tpu.enqueue_dma source(%arg9 : memref<640x16xf32, #tpu.memory_space<vmem>>) target(%dma_start3A_163 : memref<640x16xf32, #tpu.memory_space<hbm>>) target_semaphore(%run_scoped3A : memref<!tpu.dma_semaphore, #tpu.memory_space<semaphore_mem>>)
      %dma_wait3A_164 = arith.constant 0 : i32
      %dma_wait3A_165 = tpu.memref_slice %arg5[%arg0, %mul3A_157, %dma_wait3A_164] : memref<2x10240x16xf32, #tpu.memory_space<hbm>> -> memref<1x640x16xf32, #tpu.memory_space<hbm>>
      %dma_wait3A_166 = tpu.memref_squeeze %dma_wait3A_165 : memref<1x640x16xf32, #tpu.memory_space<hbm>> -> memref<640x16xf32, #tpu.memory_space<hbm>>
      %dma_wait3A_167 = arith.constant 0 : i32
      %dma_wait3A_168 = tpu.memref_slice %arg5[%arg0, %mul3A_157, %dma_wait3A_167] : memref<2x10240x16xf32, #tpu.memory_space<hbm>> -> memref<1x640x16xf32, #tpu.memory_space<hbm>>
      %dma_wait3A_169 = tpu.memref_squeeze %dma_wait3A_168 : memref<1x640x16xf32, #tpu.memory_space<hbm>> -> memref<640x16xf32, #tpu.memory_space<hbm>>
      tpu.wait_dma2 semaphore(%run_scoped3A : memref<!tpu.dma_semaphore, #tpu.memory_space<semaphore_mem>>) src(%arg9 : memref<640x16xf32, #tpu.memory_space<vmem>>) dst(%dma_wait3A_169 : memref<640x16xf32, #tpu.memory_space<hbm>>)
      tpu.yield
    }) : () -> ()
    return
  }
}

#map = affine_map<(d0, d1) -> (0, 0)>
module attributes {stable_mosaic.version = 14 : i64} {
  func.func @deg_kernel(%arg0: i32, %arg1: i32, %arg2: memref<2616x128xi32, #tpu.memory_space<hbm>>, %arg3: memref<2x10240xf32, #tpu.memory_space<hbm>>, %arg4: memref<82x128xi32, #tpu.memory_space<vmem>>, %arg5: memref<128xf32, #tpu.memory_space<vmem>>, %arg6: memref<640xf32, #tpu.memory_space<vmem>>, %arg7: memref<10240xf32, #tpu.memory_space<vmem_shared>>, %arg8: memref<!tpu.dma_semaphore, #tpu.memory_space<semaphore_mem>>) attributes {dimension_semantics = [#tpu.dimension_semantics<core_parallel>, #tpu.dimension_semantics<subcore_parallel>], iteration_bounds = array<i64: 2, 16>, scalar_prefetch = 0 : i64, scratch_operands = 5 : i64, tpu.core_type = #tpu.core_type<sc_vector_subcore>, window_params = [{transform_indices = #map}, {transform_indices = #map}]} {
    %eq3A = arith.constant 0 : i32
    %eq3A_0 = arith.cmpi eq, %arg0, %eq3A : i32
    %jit3A = arith.constant 82 : i32
    %jit3A_1 = arith.constant 81 : i32
    %select_n3A = arith.select %eq3A_0, %jit3A, %jit3A_1 : i32
    %eq3A_2 = arith.constant 0 : i32
    %eq3A_3 = arith.cmpi eq, %arg0, %eq3A_2 : i32
    %mul3A = arith.constant 82 : i32
    %mul3A_4 = arith.muli %arg1, %mul3A : i32
    %mul3A_5 = arith.constant 81 : i32
    %mul3A_6 = arith.muli %arg1, %mul3A_5 : i32
    %add3A = arith.constant 1312 : i32
    %add3A_7 = arith.addi %add3A, %mul3A_6 : i32
    %select_n3A_8 = arith.select %eq3A_3, %mul3A_4, %add3A_7 : i32
    "tpu.region"() ({
      %run_scoped3A = tpu.sem_alloc : memref<!tpu.dma_semaphore, #tpu.memory_space<semaphore_mem>>
      %dma_start3A = arith.constant 0 : i32
      %dma_start3A_122 = tpu.memref_slice %arg2[%select_n3A_8, %dma_start3A] : memref<2616x128xi32, #tpu.memory_space<hbm>> -> memref<82x128xi32, #tpu.memory_space<hbm>>
      %dma_start3A_123 = arith.constant 0 : i32
      %dma_start3A_124 = tpu.memref_slice %arg2[%select_n3A_8, %dma_start3A_123] : memref<2616x128xi32, #tpu.memory_space<hbm>> -> memref<82x128xi32, #tpu.memory_space<hbm>>
      tpu.enqueue_dma source(%dma_start3A_124 : memref<82x128xi32, #tpu.memory_space<hbm>>) target(%arg4 : memref<82x128xi32, #tpu.memory_space<vmem>>) target_semaphore(%run_scoped3A : memref<!tpu.dma_semaphore, #tpu.memory_space<semaphore_mem>>)
      %dma_wait3A = arith.constant 0 : i32
      %dma_wait3A_125 = tpu.memref_slice %arg2[%select_n3A_8, %dma_wait3A] : memref<2616x128xi32, #tpu.memory_space<hbm>> -> memref<82x128xi32, #tpu.memory_space<hbm>>
      %dma_wait3A_126 = arith.constant 0 : i32
      %dma_wait3A_127 = tpu.memref_slice %arg2[%select_n3A_8, %dma_wait3A_126] : memref<2616x128xi32, #tpu.memory_space<hbm>> -> memref<82x128xi32, #tpu.memory_space<hbm>>
      tpu.wait_dma2 semaphore(%run_scoped3A : memref<!tpu.dma_semaphore, #tpu.memory_space<semaphore_mem>>) src(%dma_wait3A_127 : memref<82x128xi32, #tpu.memory_space<hbm>>) dst(%arg4 : memref<82x128xi32, #tpu.memory_space<vmem>>)
      tpu.yield
    }) : () -> ()
    %broadcast_in_dim3A = arith.constant 0.000000e+00 : f32
    %broadcast_in_dim3A_9 = vector.broadcast %broadcast_in_dim3A : f32 to vector<16xf32>
    %broadcast_in_dim3A_10 = arith.constant 1.000000e+00 : f32
    %broadcast_in_dim3A_11 = vector.broadcast %broadcast_in_dim3A_10 : f32 to vector<16xf32>
    %swap3A = arith.constant 0 : index
    %swap3A_12 = tpu.vector_load %arg5[%swap3A] {strides = array<i32>} : memref<128xf32, #tpu.memory_space<vmem>>, vector<16xf32>,
    %swap3A_13 = vector.shape_cast %swap3A_12 : vector<16xf32> to vector<16xf32>
    %swap3A_14 = vector.shape_cast %broadcast_in_dim3A_11 : vector<16xf32> to vector<16xf32>
    tpu.vector_store %arg5[%swap3A], %swap3A_14 {strides = array<i32>} : memref<128xf32, #tpu.memory_space<vmem>>, vector<16xf32>,
    %swap3A_15 = arith.constant 16 : index
    %swap3A_16 = tpu.vector_load %arg5[%swap3A_15] {strides = array<i32>} : memref<128xf32, #tpu.memory_space<vmem>>, vector<16xf32>,
    %swap3A_17 = vector.shape_cast %swap3A_16 : vector<16xf32> to vector<16xf32>
    %swap3A_18 = vector.shape_cast %broadcast_in_dim3A_11 : vector<16xf32> to vector<16xf32>
    tpu.vector_store %arg5[%swap3A_15], %swap3A_18 {strides = array<i32>} : memref<128xf32, #tpu.memory_space<vmem>>, vector<16xf32>,
    %swap3A_19 = arith.constant 32 : index
    %swap3A_20 = tpu.vector_load %arg5[%swap3A_19] {strides = array<i32>} : memref<128xf32, #tpu.memory_space<vmem>>, vector<16xf32>,
    %swap3A_21 = vector.shape_cast %swap3A_20 : vector<16xf32> to vector<16xf32>
    %swap3A_22 = vector.shape_cast %broadcast_in_dim3A_11 : vector<16xf32> to vector<16xf32>
    tpu.vector_store %arg5[%swap3A_19], %swap3A_22 {strides = array<i32>} : memref<128xf32, #tpu.memory_space<vmem>>, vector<16xf32>,
    %swap3A_23 = arith.constant 48 : index
    %swap3A_24 = tpu.vector_load %arg5[%swap3A_23] {strides = array<i32>} : memref<128xf32, #tpu.memory_space<vmem>>, vector<16xf32>,
    %swap3A_25 = vector.shape_cast %swap3A_24 : vector<16xf32> to vector<16xf32>
    %swap3A_26 = vector.shape_cast %broadcast_in_dim3A_11 : vector<16xf32> to vector<16xf32>
    tpu.vector_store %arg5[%swap3A_23], %swap3A_26 {strides = array<i32>} : memref<128xf32, #tpu.memory_space<vmem>>, vector<16xf32>,
    %swap3A_27 = arith.constant 64 : index
    %swap3A_28 = tpu.vector_load %arg5[%swap3A_27] {strides = array<i32>} : memref<128xf32, #tpu.memory_space<vmem>>, vector<16xf32>,
    %swap3A_29 = vector.shape_cast %swap3A_28 : vector<16xf32> to vector<16xf32>
    %swap3A_30 = vector.shape_cast %broadcast_in_dim3A_11 : vector<16xf32> to vector<16xf32>
    tpu.vector_store %arg5[%swap3A_27], %swap3A_30 {strides = array<i32>} : memref<128xf32, #tpu.memory_space<vmem>>, vector<16xf32>,
    %swap3A_31 = arith.constant 80 : index
    %swap3A_32 = tpu.vector_load %arg5[%swap3A_31] {strides = array<i32>} : memref<128xf32, #tpu.memory_space<vmem>>, vector<16xf32>,
    %swap3A_33 = vector.shape_cast %swap3A_32 : vector<16xf32> to vector<16xf32>
    %swap3A_34 = vector.shape_cast %broadcast_in_dim3A_11 : vector<16xf32> to vector<16xf32>
    tpu.vector_store %arg5[%swap3A_31], %swap3A_34 {strides = array<i32>} : memref<128xf32, #tpu.memory_space<vmem>>, vector<16xf32>,
    %swap3A_35 = arith.constant 96 : index
    %swap3A_36 = tpu.vector_load %arg5[%swap3A_35] {strides = array<i32>} : memref<128xf32, #tpu.memory_space<vmem>>, vector<16xf32>,
    %swap3A_37 = vector.shape_cast %swap3A_36 : vector<16xf32> to vector<16xf32>
    %swap3A_38 = vector.shape_cast %broadcast_in_dim3A_11 : vector<16xf32> to vector<16xf32>
    tpu.vector_store %arg5[%swap3A_35], %swap3A_38 {strides = array<i32>} : memref<128xf32, #tpu.memory_space<vmem>>, vector<16xf32>,
    %swap3A_39 = arith.constant 112 : index
    %swap3A_40 = tpu.vector_load %arg5[%swap3A_39] {strides = array<i32>} : memref<128xf32, #tpu.memory_space<vmem>>, vector<16xf32>,
    %swap3A_41 = vector.shape_cast %swap3A_40 : vector<16xf32> to vector<16xf32>
    %swap3A_42 = vector.shape_cast %broadcast_in_dim3A_11 : vector<16xf32> to vector<16xf32>
    tpu.vector_store %arg5[%swap3A_39], %swap3A_42 {strides = array<i32>} : memref<128xf32, #tpu.memory_space<vmem>>, vector<16xf32>,
    %scan3A = arith.constant 0 : i32
    %scan3A_43 = arith.constant 0 : i32
    %scan3A_44 = arith.constant 40 : i32
    %scan3A_45 = arith.addi %scan3A_43, %scan3A_44 : i32
    %scan3A_46 = arith.constant 1 : i32
    %scan3A_47 = scf.for %scan3A_122 = %scan3A_43 to %scan3A_45 step %scan3A_46 iter_args(%scan3A_123 = %scan3A) -> (i32)  : i32 {
      %mul3A_124 = arith.constant 16 : i32
      %mul3A_125 = arith.muli %scan3A_122, %mul3A_124 : i32
      %swap3A_126 = arith.index_cast %mul3A_125 : i32 to index
      %swap3A_127 = tpu.vector_load %arg6[%swap3A_126] {strides = array<i32>} : memref<640xf32, #tpu.memory_space<vmem>>, vector<16xf32>,
      %swap3A_128 = vector.shape_cast %swap3A_127 : vector<16xf32> to vector<16xf32>
      %swap3A_129 = vector.shape_cast %broadcast_in_dim3A_9 : vector<16xf32> to vector<16xf32>
      tpu.vector_store %arg6[%swap3A_126], %swap3A_129 {strides = array<i32>} : memref<640xf32, #tpu.memory_space<vmem>>, vector<16xf32>,
      %scan3A_130 = arith.constant 0 : i32
      scf.yield %scan3A_130 : i32
    }
    %scan3A_48 = arith.constant 40 : i32
    %mul3A_49 = arith.constant 640 : i32
    %mul3A_50 = arith.muli %arg1, %mul3A_49 : i32
    "tpu.region"() ({
      %run_scoped3A = tpu.sem_alloc : memref<!tpu.dma_semaphore, #tpu.memory_space<semaphore_mem>>
      %dma_start3A = tpu.memref_slice %arg7[%mul3A_50] : memref<10240xf32, #tpu.memory_space<vmem_shared>> -> memref<640xf32, #tpu.memory_space<vmem_shared>>
      %dma_start3A_122 = tpu.memref_slice %arg7[%mul3A_50] : memref<10240xf32, #tpu.memory_space<vmem_shared>> -> memref<640xf32, #tpu.memory_space<vmem_shared>>
      tpu.enqueue_dma source(%arg6 : memref<640xf32, #tpu.memory_space<vmem>>) target(%dma_start3A_122 : memref<640xf32, #tpu.memory_space<vmem_shared>>) target_semaphore(%run_scoped3A : memref<!tpu.dma_semaphore, #tpu.memory_space<semaphore_mem>>)
      %dma_wait3A = tpu.memref_slice %arg7[%mul3A_50] : memref<10240xf32, #tpu.memory_space<vmem_shared>> -> memref<640xf32, #tpu.memory_space<vmem_shared>>
      %dma_wait3A_123 = tpu.memref_slice %arg7[%mul3A_50] : memref<10240xf32, #tpu.memory_space<vmem_shared>> -> memref<640xf32, #tpu.memory_space<vmem_shared>>
      tpu.wait_dma2 semaphore(%run_scoped3A : memref<!tpu.dma_semaphore, #tpu.memory_space<semaphore_mem>>) src(%arg6 : memref<640xf32, #tpu.memory_space<vmem>>) dst(%dma_wait3A_123 : memref<640xf32, #tpu.memory_space<vmem_shared>>)
      tpu.yield
    }) : () -> ()
    %barrier3A = arith.constant 0 : index
    tpu.barrier barrier_id(%barrier3A)
    %jit3A_51 = arith.constant 8 : i32
    %div3A = arith.divsi %select_n3A, %jit3A_51 : i32
    %sign3A = arith.constant 0 : i32
    %sign3A_52 = arith.cmpi sgt, %select_n3A, %sign3A : i32
    %sign3A_53 = arith.extui %sign3A_52 : i1 to i32
    %sign3A_54 = arith.constant 0 : i32
    %sign3A_55 = arith.cmpi slt, %select_n3A, %sign3A_54 : i32
    %sign3A_56 = arith.extui %sign3A_55 : i1 to i32
    %sign3A_57 = arith.subi %sign3A_53, %sign3A_56 : i32
    %sign3A_58 = arith.constant 0 : i32
    %sign3A_59 = arith.cmpi sgt, %jit3A_51, %sign3A_58 : i32
    %sign3A_60 = arith.extui %sign3A_59 : i1 to i32
    %sign3A_61 = arith.constant 0 : i32
    %sign3A_62 = arith.cmpi slt, %jit3A_51, %sign3A_61 : i32
    %sign3A_63 = arith.extui %sign3A_62 : i1 to i32
    %sign3A_64 = arith.subi %sign3A_60, %sign3A_63 : i32
    %ne3A = arith.cmpi ne, %sign3A_57, %sign3A_64 : i32
    %rem3A = arith.remsi %select_n3A, %jit3A_51 : i32
    %ne3A_65 = arith.constant 0 : i32
    %ne3A_66 = arith.cmpi ne, %rem3A, %ne3A_65 : i32
    %and3A = arith.andi %ne3A, %ne3A_66 : i1
    %sub3A = arith.constant 1 : i32
    %sub3A_67 = arith.subi %div3A, %sub3A : i32
    %select_n3A_68 = arith.select %and3A, %sub3A_67, %div3A : i32
    %while3A = arith.constant 0 : i32
    %while3A_69 = arith.constant 0 : i32
    %while3A_70 = arith.subi %select_n3A_68, %while3A : i32
    %while3A_71 = arith.addi %while3A, %while3A_70 : i32
    %while3A_72 = arith.constant 1 : i32
    %while3A_73 = arith.divsi %while3A_70, %while3A_72 : i32
    %while3A_74 = arith.muli %while3A_73, %while3A_72 : i32
    %while3A_75 = arith.addi %while3A, %while3A_74 : i32
    %while3A_76 = arith.constant 1 : i32
    %while3A_77 = scf.for %while3A_122 = %while3A to %while3A_75 step %while3A_76 iter_args(%while3A_123 = %while3A_69) -> (i32)  : i32 {
      %mul3A_124 = arith.constant 8 : i32
      %mul3A_125 = arith.muli %while3A_122, %mul3A_124 : i32
      %add3A_126 = arith.constant 0 : i32
      %add3A_127 = arith.addi %mul3A_125, %add3A_126 : i32
      %dma_start3A = arith.constant 0 : i32
      %dma_start3A_128 = tpu.memref_slice %arg4[%add3A_127, %dma_start3A] : memref<82x128xi32, #tpu.memory_space<vmem>> -> memref<1x128xi32, #tpu.memory_space<vmem>>
      %dma_start3A_129 = tpu.memref_squeeze %dma_start3A_128 : memref<1x128xi32, #tpu.memory_space<vmem>> -> memref<128xi32, #tpu.memory_space<vmem>>
      %dma_start3A_130 = arith.constant 0 : i32
      %dma_start3A_131 = tpu.memref_slice %arg7[%dma_start3A_130] : memref<10240xf32, #tpu.memory_space<vmem_shared>> -> memref<10240xf32, #tpu.memory_space<vmem_shared>>
      tpu.enqueue_indirect_dma source(%arg5 : memref<128xf32, #tpu.memory_space<vmem>>) target(%dma_start3A_131 : memref<10240xf32, #tpu.memory_space<vmem_shared>>) offsets(%dma_start3A_129 : memref<128xi32, #tpu.memory_space<vmem>>) semaphore(%arg8 : memref<!tpu.dma_semaphore, #tpu.memory_space<semaphore_mem>>) {add = true}
      %mul3A_132 = arith.constant 8 : i32
      %mul3A_133 = arith.muli %while3A_122, %mul3A_132 : i32
      %add3A_134 = arith.constant 1 : i32
      %add3A_135 = arith.addi %mul3A_133, %add3A_134 : i32
      %dma_start3A_136 = arith.constant 0 : i32
      %dma_start3A_137 = tpu.memref_slice %arg4[%add3A_135, %dma_start3A_136] : memref<82x128xi32, #tpu.memory_space<vmem>> -> memref<1x128xi32, #tpu.memory_space<vmem>>
      %dma_start3A_138 = tpu.memref_squeeze %dma_start3A_137 : memref<1x128xi32, #tpu.memory_space<vmem>> -> memref<128xi32, #tpu.memory_space<vmem>>
      %dma_start3A_139 = arith.constant 0 : i32
      %dma_start3A_140 = tpu.memref_slice %arg7[%dma_start3A_139] : memref<10240xf32, #tpu.memory_space<vmem_shared>> -> memref<10240xf32, #tpu.memory_space<vmem_shared>>
      tpu.enqueue_indirect_dma source(%arg5 : memref<128xf32, #tpu.memory_space<vmem>>) target(%dma_start3A_140 : memref<10240xf32, #tpu.memory_space<vmem_shared>>) offsets(%dma_start3A_138 : memref<128xi32, #tpu.memory_space<vmem>>) semaphore(%arg8 : memref<!tpu.dma_semaphore, #tpu.memory_space<semaphore_mem>>) {add = true}
      %mul3A_141 = arith.constant 8 : i32
      %mul3A_142 = arith.muli %while3A_122, %mul3A_141 : i32
      %add3A_143 = arith.constant 2 : i32
      %add3A_144 = arith.addi %mul3A_142, %add3A_143 : i32
      %dma_start3A_145 = arith.constant 0 : i32
      %dma_start3A_146 = tpu.memref_slice %arg4[%add3A_144, %dma_start3A_145] : memref<82x128xi32, #tpu.memory_space<vmem>> -> memref<1x128xi32, #tpu.memory_space<vmem>>
      %dma_start3A_147 = tpu.memref_squeeze %dma_start3A_146 : memref<1x128xi32, #tpu.memory_space<vmem>> -> memref<128xi32, #tpu.memory_space<vmem>>
      %dma_start3A_148 = arith.constant 0 : i32
      %dma_start3A_149 = tpu.memref_slice %arg7[%dma_start3A_148] : memref<10240xf32, #tpu.memory_space<vmem_shared>> -> memref<10240xf32, #tpu.memory_space<vmem_shared>>
      tpu.enqueue_indirect_dma source(%arg5 : memref<128xf32, #tpu.memory_space<vmem>>) target(%dma_start3A_149 : memref<10240xf32, #tpu.memory_space<vmem_shared>>) offsets(%dma_start3A_147 : memref<128xi32, #tpu.memory_space<vmem>>) semaphore(%arg8 : memref<!tpu.dma_semaphore, #tpu.memory_space<semaphore_mem>>) {add = true}
      %mul3A_150 = arith.constant 8 : i32
      %mul3A_151 = arith.muli %while3A_122, %mul3A_150 : i32
      %add3A_152 = arith.constant 3 : i32
      %add3A_153 = arith.addi %mul3A_151, %add3A_152 : i32
      %dma_start3A_154 = arith.constant 0 : i32
      %dma_start3A_155 = tpu.memref_slice %arg4[%add3A_153, %dma_start3A_154] : memref<82x128xi32, #tpu.memory_space<vmem>> -> memref<1x128xi32, #tpu.memory_space<vmem>>
      %dma_start3A_156 = tpu.memref_squeeze %dma_start3A_155 : memref<1x128xi32, #tpu.memory_space<vmem>> -> memref<128xi32, #tpu.memory_space<vmem>>
      %dma_start3A_157 = arith.constant 0 : i32
      %dma_start3A_158 = tpu.memref_slice %arg7[%dma_start3A_157] : memref<10240xf32, #tpu.memory_space<vmem_shared>> -> memref<10240xf32, #tpu.memory_space<vmem_shared>>
      tpu.enqueue_indirect_dma source(%arg5 : memref<128xf32, #tpu.memory_space<vmem>>) target(%dma_start3A_158 : memref<10240xf32, #tpu.memory_space<vmem_shared>>) offsets(%dma_start3A_156 : memref<128xi32, #tpu.memory_space<vmem>>) semaphore(%arg8 : memref<!tpu.dma_semaphore, #tpu.memory_space<semaphore_mem>>) {add = true}
      %mul3A_159 = arith.constant 8 : i32
      %mul3A_160 = arith.muli %while3A_122, %mul3A_159 : i32
      %add3A_161 = arith.constant 4 : i32
      %add3A_162 = arith.addi %mul3A_160, %add3A_161 : i32
      %dma_start3A_163 = arith.constant 0 : i32
      %dma_start3A_164 = tpu.memref_slice %arg4[%add3A_162, %dma_start3A_163] : memref<82x128xi32, #tpu.memory_space<vmem>> -> memref<1x128xi32, #tpu.memory_space<vmem>>
      %dma_start3A_165 = tpu.memref_squeeze %dma_start3A_164 : memref<1x128xi32, #tpu.memory_space<vmem>> -> memref<128xi32, #tpu.memory_space<vmem>>
      %dma_start3A_166 = arith.constant 0 : i32
      %dma_start3A_167 = tpu.memref_slice %arg7[%dma_start3A_166] : memref<10240xf32, #tpu.memory_space<vmem_shared>> -> memref<10240xf32, #tpu.memory_space<vmem_shared>>
      tpu.enqueue_indirect_dma source(%arg5 : memref<128xf32, #tpu.memory_space<vmem>>) target(%dma_start3A_167 : memref<10240xf32, #tpu.memory_space<vmem_shared>>) offsets(%dma_start3A_165 : memref<128xi32, #tpu.memory_space<vmem>>) semaphore(%arg8 : memref<!tpu.dma_semaphore, #tpu.memory_space<semaphore_mem>>) {add = true}
      %mul3A_168 = arith.constant 8 : i32
      %mul3A_169 = arith.muli %while3A_122, %mul3A_168 : i32
      %add3A_170 = arith.constant 5 : i32
      %add3A_171 = arith.addi %mul3A_169, %add3A_170 : i32
      %dma_start3A_172 = arith.constant 0 : i32
      %dma_start3A_173 = tpu.memref_slice %arg4[%add3A_171, %dma_start3A_172] : memref<82x128xi32, #tpu.memory_space<vmem>> -> memref<1x128xi32, #tpu.memory_space<vmem>>
      %dma_start3A_174 = tpu.memref_squeeze %dma_start3A_173 : memref<1x128xi32, #tpu.memory_space<vmem>> -> memref<128xi32, #tpu.memory_space<vmem>>
      %dma_start3A_175 = arith.constant 0 : i32
      %dma_start3A_176 = tpu.memref_slice %arg7[%dma_start3A_175] : memref<10240xf32, #tpu.memory_space<vmem_shared>> -> memref<10240xf32, #tpu.memory_space<vmem_shared>>
      tpu.enqueue_indirect_dma source(%arg5 : memref<128xf32, #tpu.memory_space<vmem>>) target(%dma_start3A_176 : memref<10240xf32, #tpu.memory_space<vmem_shared>>) offsets(%dma_start3A_174 : memref<128xi32, #tpu.memory_space<vmem>>) semaphore(%arg8 : memref<!tpu.dma_semaphore, #tpu.memory_space<semaphore_mem>>) {add = true}
      %mul3A_177 = arith.constant 8 : i32
      %mul3A_178 = arith.muli %while3A_122, %mul3A_177 : i32
      %add3A_179 = arith.constant 6 : i32
      %add3A_180 = arith.addi %mul3A_178, %add3A_179 : i32
      %dma_start3A_181 = arith.constant 0 : i32
      %dma_start3A_182 = tpu.memref_slice %arg4[%add3A_180, %dma_start3A_181] : memref<82x128xi32, #tpu.memory_space<vmem>> -> memref<1x128xi32, #tpu.memory_space<vmem>>
      %dma_start3A_183 = tpu.memref_squeeze %dma_start3A_182 : memref<1x128xi32, #tpu.memory_space<vmem>> -> memref<128xi32, #tpu.memory_space<vmem>>
      %dma_start3A_184 = arith.constant 0 : i32
      %dma_start3A_185 = tpu.memref_slice %arg7[%dma_start3A_184] : memref<10240xf32, #tpu.memory_space<vmem_shared>> -> memref<10240xf32, #tpu.memory_space<vmem_shared>>
      tpu.enqueue_indirect_dma source(%arg5 : memref<128xf32, #tpu.memory_space<vmem>>) target(%dma_start3A_185 : memref<10240xf32, #tpu.memory_space<vmem_shared>>) offsets(%dma_start3A_183 : memref<128xi32, #tpu.memory_space<vmem>>) semaphore(%arg8 : memref<!tpu.dma_semaphore, #tpu.memory_space<semaphore_mem>>) {add = true}
      %mul3A_186 = arith.constant 8 : i32
      %mul3A_187 = arith.muli %while3A_122, %mul3A_186 : i32
      %add3A_188 = arith.constant 7 : i32
      %add3A_189 = arith.addi %mul3A_187, %add3A_188 : i32
      %dma_start3A_190 = arith.constant 0 : i32
      %dma_start3A_191 = tpu.memref_slice %arg4[%add3A_189, %dma_start3A_190] : memref<82x128xi32, #tpu.memory_space<vmem>> -> memref<1x128xi32, #tpu.memory_space<vmem>>
      %dma_start3A_192 = tpu.memref_squeeze %dma_start3A_191 : memref<1x128xi32, #tpu.memory_space<vmem>> -> memref<128xi32, #tpu.memory_space<vmem>>
      %dma_start3A_193 = arith.constant 0 : i32
      %dma_start3A_194 = tpu.memref_slice %arg7[%dma_start3A_193] : memref<10240xf32, #tpu.memory_space<vmem_shared>> -> memref<10240xf32, #tpu.memory_space<vmem_shared>>
      tpu.enqueue_indirect_dma source(%arg5 : memref<128xf32, #tpu.memory_space<vmem>>) target(%dma_start3A_194 : memref<10240xf32, #tpu.memory_space<vmem_shared>>) offsets(%dma_start3A_192 : memref<128xi32, #tpu.memory_space<vmem>>) semaphore(%arg8 : memref<!tpu.dma_semaphore, #tpu.memory_space<semaphore_mem>>) {add = true}
      %dma_wait3A = arith.constant 0 : i32
      %dma_wait3A_195 = arith.constant 0 : i32
      %dma_wait3A_196 = tpu.memref_slice %arg4[%dma_wait3A, %dma_wait3A_195] : memref<82x128xi32, #tpu.memory_space<vmem>> -> memref<1x128xi32, #tpu.memory_space<vmem>>
      %dma_wait3A_197 = tpu.memref_squeeze %dma_wait3A_196 : memref<1x128xi32, #tpu.memory_space<vmem>> -> memref<128xi32, #tpu.memory_space<vmem>>
      %dma_wait3A_198 = arith.constant 0 : i32
      %dma_wait3A_199 = tpu.memref_slice %arg7[%dma_wait3A_198] : memref<10240xf32, #tpu.memory_space<vmem_shared>> -> memref<10240xf32, #tpu.memory_space<vmem_shared>>
      tpu.wait_indirect_dma semaphore(%arg8 : memref<!tpu.dma_semaphore, #tpu.memory_space<semaphore_mem>>) src(%arg5 : memref<128xf32, #tpu.memory_space<vmem>>) dst(%dma_wait3A_199 : memref<10240xf32, #tpu.memory_space<vmem_shared>>)
      %dma_wait3A_200 = arith.constant 0 : i32
      %dma_wait3A_201 = arith.constant 0 : i32
      %dma_wait3A_202 = tpu.memref_slice %arg4[%dma_wait3A_200, %dma_wait3A_201] : memref<82x128xi32, #tpu.memory_space<vmem>> -> memref<1x128xi32, #tpu.memory_space<vmem>>
      %dma_wait3A_203 = tpu.memref_squeeze %dma_wait3A_202 : memref<1x128xi32, #tpu.memory_space<vmem>> -> memref<128xi32, #tpu.memory_space<vmem>>
      %dma_wait3A_204 = arith.constant 0 : i32
      %dma_wait3A_205 = tpu.memref_slice %arg7[%dma_wait3A_204] : memref<10240xf32, #tpu.memory_space<vmem_shared>> -> memref<10240xf32, #tpu.memory_space<vmem_shared>>
      tpu.wait_indirect_dma semaphore(%arg8 : memref<!tpu.dma_semaphore, #tpu.memory_space<semaphore_mem>>) src(%arg5 : memref<128xf32, #tpu.memory_space<vmem>>) dst(%dma_wait3A_205 : memref<10240xf32, #tpu.memory_space<vmem_shared>>)
      %dma_wait3A_206 = arith.constant 0 : i32
      %dma_wait3A_207 = arith.constant 0 : i32
      %dma_wait3A_208 = tpu.memref_slice %arg4[%dma_wait3A_206, %dma_wait3A_207] : memref<82x128xi32, #tpu.memory_space<vmem>> -> memref<1x128xi32, #tpu.memory_space<vmem>>
      %dma_wait3A_209 = tpu.memref_squeeze %dma_wait3A_208 : memref<1x128xi32, #tpu.memory_space<vmem>> -> memref<128xi32, #tpu.memory_space<vmem>>
      %dma_wait3A_210 = arith.constant 0 : i32
      %dma_wait3A_211 = tpu.memref_slice %arg7[%dma_wait3A_210] : memref<10240xf32, #tpu.memory_space<vmem_shared>> -> memref<10240xf32, #tpu.memory_space<vmem_shared>>
      tpu.wait_indirect_dma semaphore(%arg8 : memref<!tpu.dma_semaphore, #tpu.memory_space<semaphore_mem>>) src(%arg5 : memref<128xf32, #tpu.memory_space<vmem>>) dst(%dma_wait3A_211 : memref<10240xf32, #tpu.memory_space<vmem_shared>>)
      %dma_wait3A_212 = arith.constant 0 : i32
      %dma_wait3A_213 = arith.constant 0 : i32
      %dma_wait3A_214 = tpu.memref_slice %arg4[%dma_wait3A_212, %dma_wait3A_213] : memref<82x128xi32, #tpu.memory_space<vmem>> -> memref<1x128xi32, #tpu.memory_space<vmem>>
      %dma_wait3A_215 = tpu.memref_squeeze %dma_wait3A_214 : memref<1x128xi32, #tpu.memory_space<vmem>> -> memref<128xi32, #tpu.memory_space<vmem>>
      %dma_wait3A_216 = arith.constant 0 : i32
      %dma_wait3A_217 = tpu.memref_slice %arg7[%dma_wait3A_216] : memref<10240xf32, #tpu.memory_space<vmem_shared>> -> memref<10240xf32, #tpu.memory_space<vmem_shared>>
      tpu.wait_indirect_dma semaphore(%arg8 : memref<!tpu.dma_semaphore, #tpu.memory_space<semaphore_mem>>) src(%arg5 : memref<128xf32, #tpu.memory_space<vmem>>) dst(%dma_wait3A_217 : memref<10240xf32, #tpu.memory_space<vmem_shared>>)
      %dma_wait3A_218 = arith.constant 0 : i32
      %dma_wait3A_219 = arith.constant 0 : i32
      %dma_wait3A_220 = tpu.memref_slice %arg4[%dma_wait3A_218, %dma_wait3A_219] : memref<82x128xi32, #tpu.memory_space<vmem>> -> memref<1x128xi32, #tpu.memory_space<vmem>>
      %dma_wait3A_221 = tpu.memref_squeeze %dma_wait3A_220 : memref<1x128xi32, #tpu.memory_space<vmem>> -> memref<128xi32, #tpu.memory_space<vmem>>
      %dma_wait3A_222 = arith.constant 0 : i32
      %dma_wait3A_223 = tpu.memref_slice %arg7[%dma_wait3A_222] : memref<10240xf32, #tpu.memory_space<vmem_shared>> -> memref<10240xf32, #tpu.memory_space<vmem_shared>>
      tpu.wait_indirect_dma semaphore(%arg8 : memref<!tpu.dma_semaphore, #tpu.memory_space<semaphore_mem>>) src(%arg5 : memref<128xf32, #tpu.memory_space<vmem>>) dst(%dma_wait3A_223 : memref<10240xf32, #tpu.memory_space<vmem_shared>>)
      %dma_wait3A_224 = arith.constant 0 : i32
      %dma_wait3A_225 = arith.constant 0 : i32
      %dma_wait3A_226 = tpu.memref_slice %arg4[%dma_wait3A_224, %dma_wait3A_225] : memref<82x128xi32, #tpu.memory_space<vmem>> -> memref<1x128xi32, #tpu.memory_space<vmem>>
      %dma_wait3A_227 = tpu.memref_squeeze %dma_wait3A_226 : memref<1x128xi32, #tpu.memory_space<vmem>> -> memref<128xi32, #tpu.memory_space<vmem>>
      %dma_wait3A_228 = arith.constant 0 : i32
      %dma_wait3A_229 = tpu.memref_slice %arg7[%dma_wait3A_228] : memref<10240xf32, #tpu.memory_space<vmem_shared>> -> memref<10240xf32, #tpu.memory_space<vmem_shared>>
      tpu.wait_indirect_dma semaphore(%arg8 : memref<!tpu.dma_semaphore, #tpu.memory_space<semaphore_mem>>) src(%arg5 : memref<128xf32, #tpu.memory_space<vmem>>) dst(%dma_wait3A_229 : memref<10240xf32, #tpu.memory_space<vmem_shared>>)
      %dma_wait3A_230 = arith.constant 0 : i32
      %dma_wait3A_231 = arith.constant 0 : i32
      %dma_wait3A_232 = tpu.memref_slice %arg4[%dma_wait3A_230, %dma_wait3A_231] : memref<82x128xi32, #tpu.memory_space<vmem>> -> memref<1x128xi32, #tpu.memory_space<vmem>>
      %dma_wait3A_233 = tpu.memref_squeeze %dma_wait3A_232 : memref<1x128xi32, #tpu.memory_space<vmem>> -> memref<128xi32, #tpu.memory_space<vmem>>
      %dma_wait3A_234 = arith.constant 0 : i32
      %dma_wait3A_235 = tpu.memref_slice %arg7[%dma_wait3A_234] : memref<10240xf32, #tpu.memory_space<vmem_shared>> -> memref<10240xf32, #tpu.memory_space<vmem_shared>>
      tpu.wait_indirect_dma semaphore(%arg8 : memref<!tpu.dma_semaphore, #tpu.memory_space<semaphore_mem>>) src(%arg5 : memref<128xf32, #tpu.memory_space<vmem>>) dst(%dma_wait3A_235 : memref<10240xf32, #tpu.memory_space<vmem_shared>>)
      %dma_wait3A_236 = arith.constant 0 : i32
      %dma_wait3A_237 = arith.constant 0 : i32
      %dma_wait3A_238 = tpu.memref_slice %arg4[%dma_wait3A_236, %dma_wait3A_237] : memref<82x128xi32, #tpu.memory_space<vmem>> -> memref<1x128xi32, #tpu.memory_space<vmem>>
      %dma_wait3A_239 = tpu.memref_squeeze %dma_wait3A_238 : memref<1x128xi32, #tpu.memory_space<vmem>> -> memref<128xi32, #tpu.memory_space<vmem>>
      %dma_wait3A_240 = arith.constant 0 : i32
      %dma_wait3A_241 = tpu.memref_slice %arg7[%dma_wait3A_240] : memref<10240xf32, #tpu.memory_space<vmem_shared>> -> memref<10240xf32, #tpu.memory_space<vmem_shared>>
      tpu.wait_indirect_dma semaphore(%arg8 : memref<!tpu.dma_semaphore, #tpu.memory_space<semaphore_mem>>) src(%arg5 : memref<128xf32, #tpu.memory_space<vmem>>) dst(%dma_wait3A_241 : memref<10240xf32, #tpu.memory_space<vmem_shared>>)
      %while3A_242 = arith.constant 0 : i32
      scf.yield %while3A_242 : i32
    }
    %while3A_78 = arith.constant 1 : i32
    %while3A_79 = scf.for %while3A_122 = %while3A_75 to %while3A_71 step %while3A_78 iter_args(%while3A_123 = %while3A_77) -> (i32)  : i32 {
      %mul3A_124 = arith.constant 8 : i32
      %mul3A_125 = arith.muli %while3A_122, %mul3A_124 : i32
      %add3A_126 = arith.constant 0 : i32
      %add3A_127 = arith.addi %mul3A_125, %add3A_126 : i32
      %dma_start3A = arith.constant 0 : i32
      %dma_start3A_128 = tpu.memref_slice %arg4[%add3A_127, %dma_start3A] : memref<82x128xi32, #tpu.memory_space<vmem>> -> memref<1x128xi32, #tpu.memory_space<vmem>>
      %dma_start3A_129 = tpu.memref_squeeze %dma_start3A_128 : memref<1x128xi32, #tpu.memory_space<vmem>> -> memref<128xi32, #tpu.memory_space<vmem>>
      %dma_start3A_130 = arith.constant 0 : i32
      %dma_start3A_131 = tpu.memref_slice %arg7[%dma_start3A_130] : memref<10240xf32, #tpu.memory_space<vmem_shared>> -> memref<10240xf32, #tpu.memory_space<vmem_shared>>
      tpu.enqueue_indirect_dma source(%arg5 : memref<128xf32, #tpu.memory_space<vmem>>) target(%dma_start3A_131 : memref<10240xf32, #tpu.memory_space<vmem_shared>>) offsets(%dma_start3A_129 : memref<128xi32, #tpu.memory_space<vmem>>) semaphore(%arg8 : memref<!tpu.dma_semaphore, #tpu.memory_space<semaphore_mem>>) {add = true}
      %mul3A_132 = arith.constant 8 : i32
      %mul3A_133 = arith.muli %while3A_122, %mul3A_132 : i32
      %add3A_134 = arith.constant 1 : i32
      %add3A_135 = arith.addi %mul3A_133, %add3A_134 : i32
      %dma_start3A_136 = arith.constant 0 : i32
      %dma_start3A_137 = tpu.memref_slice %arg4[%add3A_135, %dma_start3A_136] : memref<82x128xi32, #tpu.memory_space<vmem>> -> memref<1x128xi32, #tpu.memory_space<vmem>>
      %dma_start3A_138 = tpu.memref_squeeze %dma_start3A_137 : memref<1x128xi32, #tpu.memory_space<vmem>> -> memref<128xi32, #tpu.memory_space<vmem>>
      %dma_start3A_139 = arith.constant 0 : i32
      %dma_start3A_140 = tpu.memref_slice %arg7[%dma_start3A_139] : memref<10240xf32, #tpu.memory_space<vmem_shared>> -> memref<10240xf32, #tpu.memory_space<vmem_shared>>
      tpu.enqueue_indirect_dma source(%arg5 : memref<128xf32, #tpu.memory_space<vmem>>) target(%dma_start3A_140 : memref<10240xf32, #tpu.memory_space<vmem_shared>>) offsets(%dma_start3A_138 : memref<128xi32, #tpu.memory_space<vmem>>) semaphore(%arg8 : memref<!tpu.dma_semaphore, #tpu.memory_space<semaphore_mem>>) {add = true}
      %mul3A_141 = arith.constant 8 : i32
      %mul3A_142 = arith.muli %while3A_122, %mul3A_141 : i32
      %add3A_143 = arith.constant 2 : i32
      %add3A_144 = arith.addi %mul3A_142, %add3A_143 : i32
      %dma_start3A_145 = arith.constant 0 : i32
      %dma_start3A_146 = tpu.memref_slice %arg4[%add3A_144, %dma_start3A_145] : memref<82x128xi32, #tpu.memory_space<vmem>> -> memref<1x128xi32, #tpu.memory_space<vmem>>
      %dma_start3A_147 = tpu.memref_squeeze %dma_start3A_146 : memref<1x128xi32, #tpu.memory_space<vmem>> -> memref<128xi32, #tpu.memory_space<vmem>>
      %dma_start3A_148 = arith.constant 0 : i32
      %dma_start3A_149 = tpu.memref_slice %arg7[%dma_start3A_148] : memref<10240xf32, #tpu.memory_space<vmem_shared>> -> memref<10240xf32, #tpu.memory_space<vmem_shared>>
      tpu.enqueue_indirect_dma source(%arg5 : memref<128xf32, #tpu.memory_space<vmem>>) target(%dma_start3A_149 : memref<10240xf32, #tpu.memory_space<vmem_shared>>) offsets(%dma_start3A_147 : memref<128xi32, #tpu.memory_space<vmem>>) semaphore(%arg8 : memref<!tpu.dma_semaphore, #tpu.memory_space<semaphore_mem>>) {add = true}
      %mul3A_150 = arith.constant 8 : i32
      %mul3A_151 = arith.muli %while3A_122, %mul3A_150 : i32
      %add3A_152 = arith.constant 3 : i32
      %add3A_153 = arith.addi %mul3A_151, %add3A_152 : i32
      %dma_start3A_154 = arith.constant 0 : i32
      %dma_start3A_155 = tpu.memref_slice %arg4[%add3A_153, %dma_start3A_154] : memref<82x128xi32, #tpu.memory_space<vmem>> -> memref<1x128xi32, #tpu.memory_space<vmem>>
      %dma_start3A_156 = tpu.memref_squeeze %dma_start3A_155 : memref<1x128xi32, #tpu.memory_space<vmem>> -> memref<128xi32, #tpu.memory_space<vmem>>
      %dma_start3A_157 = arith.constant 0 : i32
      %dma_start3A_158 = tpu.memref_slice %arg7[%dma_start3A_157] : memref<10240xf32, #tpu.memory_space<vmem_shared>> -> memref<10240xf32, #tpu.memory_space<vmem_shared>>
      tpu.enqueue_indirect_dma source(%arg5 : memref<128xf32, #tpu.memory_space<vmem>>) target(%dma_start3A_158 : memref<10240xf32, #tpu.memory_space<vmem_shared>>) offsets(%dma_start3A_156 : memref<128xi32, #tpu.memory_space<vmem>>) semaphore(%arg8 : memref<!tpu.dma_semaphore, #tpu.memory_space<semaphore_mem>>) {add = true}
      %mul3A_159 = arith.constant 8 : i32
      %mul3A_160 = arith.muli %while3A_122, %mul3A_159 : i32
      %add3A_161 = arith.constant 4 : i32
      %add3A_162 = arith.addi %mul3A_160, %add3A_161 : i32
      %dma_start3A_163 = arith.constant 0 : i32
      %dma_start3A_164 = tpu.memref_slice %arg4[%add3A_162, %dma_start3A_163] : memref<82x128xi32, #tpu.memory_space<vmem>> -> memref<1x128xi32, #tpu.memory_space<vmem>>
      %dma_start3A_165 = tpu.memref_squeeze %dma_start3A_164 : memref<1x128xi32, #tpu.memory_space<vmem>> -> memref<128xi32, #tpu.memory_space<vmem>>
      %dma_start3A_166 = arith.constant 0 : i32
      %dma_start3A_167 = tpu.memref_slice %arg7[%dma_start3A_166] : memref<10240xf32, #tpu.memory_space<vmem_shared>> -> memref<10240xf32, #tpu.memory_space<vmem_shared>>
      tpu.enqueue_indirect_dma source(%arg5 : memref<128xf32, #tpu.memory_space<vmem>>) target(%dma_start3A_167 : memref<10240xf32, #tpu.memory_space<vmem_shared>>) offsets(%dma_start3A_165 : memref<128xi32, #tpu.memory_space<vmem>>) semaphore(%arg8 : memref<!tpu.dma_semaphore, #tpu.memory_space<semaphore_mem>>) {add = true}
      %mul3A_168 = arith.constant 8 : i32
      %mul3A_169 = arith.muli %while3A_122, %mul3A_168 : i32
      %add3A_170 = arith.constant 5 : i32
      %add3A_171 = arith.addi %mul3A_169, %add3A_170 : i32
      %dma_start3A_172 = arith.constant 0 : i32
      %dma_start3A_173 = tpu.memref_slice %arg4[%add3A_171, %dma_start3A_172] : memref<82x128xi32, #tpu.memory_space<vmem>> -> memref<1x128xi32, #tpu.memory_space<vmem>>
      %dma_start3A_174 = tpu.memref_squeeze %dma_start3A_173 : memref<1x128xi32, #tpu.memory_space<vmem>> -> memref<128xi32, #tpu.memory_space<vmem>>
      %dma_start3A_175 = arith.constant 0 : i32
      %dma_start3A_176 = tpu.memref_slice %arg7[%dma_start3A_175] : memref<10240xf32, #tpu.memory_space<vmem_shared>> -> memref<10240xf32, #tpu.memory_space<vmem_shared>>
      tpu.enqueue_indirect_dma source(%arg5 : memref<128xf32, #tpu.memory_space<vmem>>) target(%dma_start3A_176 : memref<10240xf32, #tpu.memory_space<vmem_shared>>) offsets(%dma_start3A_174 : memref<128xi32, #tpu.memory_space<vmem>>) semaphore(%arg8 : memref<!tpu.dma_semaphore, #tpu.memory_space<semaphore_mem>>) {add = true}
      %mul3A_177 = arith.constant 8 : i32
      %mul3A_178 = arith.muli %while3A_122, %mul3A_177 : i32
      %add3A_179 = arith.constant 6 : i32
      %add3A_180 = arith.addi %mul3A_178, %add3A_179 : i32
      %dma_start3A_181 = arith.constant 0 : i32
      %dma_start3A_182 = tpu.memref_slice %arg4[%add3A_180, %dma_start3A_181] : memref<82x128xi32, #tpu.memory_space<vmem>> -> memref<1x128xi32, #tpu.memory_space<vmem>>
      %dma_start3A_183 = tpu.memref_squeeze %dma_start3A_182 : memref<1x128xi32, #tpu.memory_space<vmem>> -> memref<128xi32, #tpu.memory_space<vmem>>
      %dma_start3A_184 = arith.constant 0 : i32
      %dma_start3A_185 = tpu.memref_slice %arg7[%dma_start3A_184] : memref<10240xf32, #tpu.memory_space<vmem_shared>> -> memref<10240xf32, #tpu.memory_space<vmem_shared>>
      tpu.enqueue_indirect_dma source(%arg5 : memref<128xf32, #tpu.memory_space<vmem>>) target(%dma_start3A_185 : memref<10240xf32, #tpu.memory_space<vmem_shared>>) offsets(%dma_start3A_183 : memref<128xi32, #tpu.memory_space<vmem>>) semaphore(%arg8 : memref<!tpu.dma_semaphore, #tpu.memory_space<semaphore_mem>>) {add = true}
      %mul3A_186 = arith.constant 8 : i32
      %mul3A_187 = arith.muli %while3A_122, %mul3A_186 : i32
      %add3A_188 = arith.constant 7 : i32
      %add3A_189 = arith.addi %mul3A_187, %add3A_188 : i32
      %dma_start3A_190 = arith.constant 0 : i32
      %dma_start3A_191 = tpu.memref_slice %arg4[%add3A_189, %dma_start3A_190] : memref<82x128xi32, #tpu.memory_space<vmem>> -> memref<1x128xi32, #tpu.memory_space<vmem>>
      %dma_start3A_192 = tpu.memref_squeeze %dma_start3A_191 : memref<1x128xi32, #tpu.memory_space<vmem>> -> memref<128xi32, #tpu.memory_space<vmem>>
      %dma_start3A_193 = arith.constant 0 : i32
      %dma_start3A_194 = tpu.memref_slice %arg7[%dma_start3A_193] : memref<10240xf32, #tpu.memory_space<vmem_shared>> -> memref<10240xf32, #tpu.memory_space<vmem_shared>>
      tpu.enqueue_indirect_dma source(%arg5 : memref<128xf32, #tpu.memory_space<vmem>>) target(%dma_start3A_194 : memref<10240xf32, #tpu.memory_space<vmem_shared>>) offsets(%dma_start3A_192 : memref<128xi32, #tpu.memory_space<vmem>>) semaphore(%arg8 : memref<!tpu.dma_semaphore, #tpu.memory_space<semaphore_mem>>) {add = true}
      %dma_wait3A = arith.constant 0 : i32
      %dma_wait3A_195 = arith.constant 0 : i32
      %dma_wait3A_196 = tpu.memref_slice %arg4[%dma_wait3A, %dma_wait3A_195] : memref<82x128xi32, #tpu.memory_space<vmem>> -> memref<1x128xi32, #tpu.memory_space<vmem>>
      %dma_wait3A_197 = tpu.memref_squeeze %dma_wait3A_196 : memref<1x128xi32, #tpu.memory_space<vmem>> -> memref<128xi32, #tpu.memory_space<vmem>>
      %dma_wait3A_198 = arith.constant 0 : i32
      %dma_wait3A_199 = tpu.memref_slice %arg7[%dma_wait3A_198] : memref<10240xf32, #tpu.memory_space<vmem_shared>> -> memref<10240xf32, #tpu.memory_space<vmem_shared>>
      tpu.wait_indirect_dma semaphore(%arg8 : memref<!tpu.dma_semaphore, #tpu.memory_space<semaphore_mem>>) src(%arg5 : memref<128xf32, #tpu.memory_space<vmem>>) dst(%dma_wait3A_199 : memref<10240xf32, #tpu.memory_space<vmem_shared>>)
      %dma_wait3A_200 = arith.constant 0 : i32
      %dma_wait3A_201 = arith.constant 0 : i32
      %dma_wait3A_202 = tpu.memref_slice %arg4[%dma_wait3A_200, %dma_wait3A_201] : memref<82x128xi32, #tpu.memory_space<vmem>> -> memref<1x128xi32, #tpu.memory_space<vmem>>
      %dma_wait3A_203 = tpu.memref_squeeze %dma_wait3A_202 : memref<1x128xi32, #tpu.memory_space<vmem>> -> memref<128xi32, #tpu.memory_space<vmem>>
      %dma_wait3A_204 = arith.constant 0 : i32
      %dma_wait3A_205 = tpu.memref_slice %arg7[%dma_wait3A_204] : memref<10240xf32, #tpu.memory_space<vmem_shared>> -> memref<10240xf32, #tpu.memory_space<vmem_shared>>
      tpu.wait_indirect_dma semaphore(%arg8 : memref<!tpu.dma_semaphore, #tpu.memory_space<semaphore_mem>>) src(%arg5 : memref<128xf32, #tpu.memory_space<vmem>>) dst(%dma_wait3A_205 : memref<10240xf32, #tpu.memory_space<vmem_shared>>)
      %dma_wait3A_206 = arith.constant 0 : i32
      %dma_wait3A_207 = arith.constant 0 : i32
      %dma_wait3A_208 = tpu.memref_slice %arg4[%dma_wait3A_206, %dma_wait3A_207] : memref<82x128xi32, #tpu.memory_space<vmem>> -> memref<1x128xi32, #tpu.memory_space<vmem>>
      %dma_wait3A_209 = tpu.memref_squeeze %dma_wait3A_208 : memref<1x128xi32, #tpu.memory_space<vmem>> -> memref<128xi32, #tpu.memory_space<vmem>>
      %dma_wait3A_210 = arith.constant 0 : i32
      %dma_wait3A_211 = tpu.memref_slice %arg7[%dma_wait3A_210] : memref<10240xf32, #tpu.memory_space<vmem_shared>> -> memref<10240xf32, #tpu.memory_space<vmem_shared>>
      tpu.wait_indirect_dma semaphore(%arg8 : memref<!tpu.dma_semaphore, #tpu.memory_space<semaphore_mem>>) src(%arg5 : memref<128xf32, #tpu.memory_space<vmem>>) dst(%dma_wait3A_211 : memref<10240xf32, #tpu.memory_space<vmem_shared>>)
      %dma_wait3A_212 = arith.constant 0 : i32
      %dma_wait3A_213 = arith.constant 0 : i32
      %dma_wait3A_214 = tpu.memref_slice %arg4[%dma_wait3A_212, %dma_wait3A_213] : memref<82x128xi32, #tpu.memory_space<vmem>> -> memref<1x128xi32, #tpu.memory_space<vmem>>
      %dma_wait3A_215 = tpu.memref_squeeze %dma_wait3A_214 : memref<1x128xi32, #tpu.memory_space<vmem>> -> memref<128xi32, #tpu.memory_space<vmem>>
      %dma_wait3A_216 = arith.constant 0 : i32
      %dma_wait3A_217 = tpu.memref_slice %arg7[%dma_wait3A_216] : memref<10240xf32, #tpu.memory_space<vmem_shared>> -> memref<10240xf32, #tpu.memory_space<vmem_shared>>
      tpu.wait_indirect_dma semaphore(%arg8 : memref<!tpu.dma_semaphore, #tpu.memory_space<semaphore_mem>>) src(%arg5 : memref<128xf32, #tpu.memory_space<vmem>>) dst(%dma_wait3A_217 : memref<10240xf32, #tpu.memory_space<vmem_shared>>)
      %dma_wait3A_218 = arith.constant 0 : i32
      %dma_wait3A_219 = arith.constant 0 : i32
      %dma_wait3A_220 = tpu.memref_slice %arg4[%dma_wait3A_218, %dma_wait3A_219] : memref<82x128xi32, #tpu.memory_space<vmem>> -> memref<1x128xi32, #tpu.memory_space<vmem>>
      %dma_wait3A_221 = tpu.memref_squeeze %dma_wait3A_220 : memref<1x128xi32, #tpu.memory_space<vmem>> -> memref<128xi32, #tpu.memory_space<vmem>>
      %dma_wait3A_222 = arith.constant 0 : i32
      %dma_wait3A_223 = tpu.memref_slice %arg7[%dma_wait3A_222] : memref<10240xf32, #tpu.memory_space<vmem_shared>> -> memref<10240xf32, #tpu.memory_space<vmem_shared>>
      tpu.wait_indirect_dma semaphore(%arg8 : memref<!tpu.dma_semaphore, #tpu.memory_space<semaphore_mem>>) src(%arg5 : memref<128xf32, #tpu.memory_space<vmem>>) dst(%dma_wait3A_223 : memref<10240xf32, #tpu.memory_space<vmem_shared>>)
      %dma_wait3A_224 = arith.constant 0 : i32
      %dma_wait3A_225 = arith.constant 0 : i32
      %dma_wait3A_226 = tpu.memref_slice %arg4[%dma_wait3A_224, %dma_wait3A_225] : memref<82x128xi32, #tpu.memory_space<vmem>> -> memref<1x128xi32, #tpu.memory_space<vmem>>
      %dma_wait3A_227 = tpu.memref_squeeze %dma_wait3A_226 : memref<1x128xi32, #tpu.memory_space<vmem>> -> memref<128xi32, #tpu.memory_space<vmem>>
      %dma_wait3A_228 = arith.constant 0 : i32
      %dma_wait3A_229 = tpu.memref_slice %arg7[%dma_wait3A_228] : memref<10240xf32, #tpu.memory_space<vmem_shared>> -> memref<10240xf32, #tpu.memory_space<vmem_shared>>
      tpu.wait_indirect_dma semaphore(%arg8 : memref<!tpu.dma_semaphore, #tpu.memory_space<semaphore_mem>>) src(%arg5 : memref<128xf32, #tpu.memory_space<vmem>>) dst(%dma_wait3A_229 : memref<10240xf32, #tpu.memory_space<vmem_shared>>)
      %dma_wait3A_230 = arith.constant 0 : i32
      %dma_wait3A_231 = arith.constant 0 : i32
      %dma_wait3A_232 = tpu.memref_slice %arg4[%dma_wait3A_230, %dma_wait3A_231] : memref<82x128xi32, #tpu.memory_space<vmem>> -> memref<1x128xi32, #tpu.memory_space<vmem>>
      %dma_wait3A_233 = tpu.memref_squeeze %dma_wait3A_232 : memref<1x128xi32, #tpu.memory_space<vmem>> -> memref<128xi32, #tpu.memory_space<vmem>>
      %dma_wait3A_234 = arith.constant 0 : i32
      %dma_wait3A_235 = tpu.memref_slice %arg7[%dma_wait3A_234] : memref<10240xf32, #tpu.memory_space<vmem_shared>> -> memref<10240xf32, #tpu.memory_space<vmem_shared>>
      tpu.wait_indirect_dma semaphore(%arg8 : memref<!tpu.dma_semaphore, #tpu.memory_space<semaphore_mem>>) src(%arg5 : memref<128xf32, #tpu.memory_space<vmem>>) dst(%dma_wait3A_235 : memref<10240xf32, #tpu.memory_space<vmem_shared>>)
      %dma_wait3A_236 = arith.constant 0 : i32
      %dma_wait3A_237 = arith.constant 0 : i32
      %dma_wait3A_238 = tpu.memref_slice %arg4[%dma_wait3A_236, %dma_wait3A_237] : memref<82x128xi32, #tpu.memory_space<vmem>> -> memref<1x128xi32, #tpu.memory_space<vmem>>
      %dma_wait3A_239 = tpu.memref_squeeze %dma_wait3A_238 : memref<1x128xi32, #tpu.memory_space<vmem>> -> memref<128xi32, #tpu.memory_space<vmem>>
      %dma_wait3A_240 = arith.constant 0 : i32
      %dma_wait3A_241 = tpu.memref_slice %arg7[%dma_wait3A_240] : memref<10240xf32, #tpu.memory_space<vmem_shared>> -> memref<10240xf32, #tpu.memory_space<vmem_shared>>
      tpu.wait_indirect_dma semaphore(%arg8 : memref<!tpu.dma_semaphore, #tpu.memory_space<semaphore_mem>>) src(%arg5 : memref<128xf32, #tpu.memory_space<vmem>>) dst(%dma_wait3A_241 : memref<10240xf32, #tpu.memory_space<vmem_shared>>)
      %while3A_242 = arith.constant 0 : i32
      scf.yield %while3A_242 : i32
    }
    %jit3A_80 = arith.constant 8 : i32
    %div3A_81 = arith.divsi %select_n3A, %jit3A_80 : i32
    %sign3A_82 = arith.constant 0 : i32
    %sign3A_83 = arith.cmpi sgt, %select_n3A, %sign3A_82 : i32
    %sign3A_84 = arith.extui %sign3A_83 : i1 to i32
    %sign3A_85 = arith.constant 0 : i32
    %sign3A_86 = arith.cmpi slt, %select_n3A, %sign3A_85 : i32
    %sign3A_87 = arith.extui %sign3A_86 : i1 to i32
    %sign3A_88 = arith.subi %sign3A_84, %sign3A_87 : i32
    %sign3A_89 = arith.constant 0 : i32
    %sign3A_90 = arith.cmpi sgt, %jit3A_80, %sign3A_89 : i32
    %sign3A_91 = arith.extui %sign3A_90 : i1 to i32
    %sign3A_92 = arith.constant 0 : i32
    %sign3A_93 = arith.cmpi slt, %jit3A_80, %sign3A_92 : i32
    %sign3A_94 = arith.extui %sign3A_93 : i1 to i32
    %sign3A_95 = arith.subi %sign3A_91, %sign3A_94 : i32
    %ne3A_96 = arith.cmpi ne, %sign3A_88, %sign3A_95 : i32
    %rem3A_97 = arith.remsi %select_n3A, %jit3A_80 : i32
    %ne3A_98 = arith.constant 0 : i32
    %ne3A_99 = arith.cmpi ne, %rem3A_97, %ne3A_98 : i32
    %and3A_100 = arith.andi %ne3A_96, %ne3A_99 : i1
    %sub3A_101 = arith.constant 1 : i32
    %sub3A_102 = arith.subi %div3A_81, %sub3A_101 : i32
    %select_n3A_103 = arith.select %and3A_100, %sub3A_102, %div3A_81 : i32
    %mul3A_104 = arith.constant 8 : i32
    %mul3A_105 = arith.muli %select_n3A_103, %mul3A_104 : i32
    %while3A_106 = arith.constant 0 : i32
    %while3A_107 = arith.subi %select_n3A, %mul3A_105 : i32
    %while3A_108 = arith.addi %mul3A_105, %while3A_107 : i32
    %while3A_109 = arith.constant 1 : i32
    %while3A_110 = arith.divsi %while3A_107, %while3A_109 : i32
    %while3A_111 = arith.muli %while3A_110, %while3A_109 : i32
    %while3A_112 = arith.addi %mul3A_105, %while3A_111 : i32
    %while3A_113 = arith.constant 1 : i32
    %while3A_114 = scf.for %while3A_122 = %mul3A_105 to %while3A_112 step %while3A_113 iter_args(%while3A_123 = %while3A_106) -> (i32)  : i32 {
      "tpu.region"() ({
        %run_scoped3A = tpu.sem_alloc : memref<!tpu.dma_semaphore, #tpu.memory_space<semaphore_mem>>
        %dma_start3A = arith.constant 0 : i32
        %dma_start3A_125 = tpu.memref_slice %arg4[%while3A_122, %dma_start3A] : memref<82x128xi32, #tpu.memory_space<vmem>> -> memref<1x128xi32, #tpu.memory_space<vmem>>
        %dma_start3A_126 = tpu.memref_squeeze %dma_start3A_125 : memref<1x128xi32, #tpu.memory_space<vmem>> -> memref<128xi32, #tpu.memory_space<vmem>>
        %dma_start3A_127 = arith.constant 0 : i32
        %dma_start3A_128 = tpu.memref_slice %arg7[%dma_start3A_127] : memref<10240xf32, #tpu.memory_space<vmem_shared>> -> memref<10240xf32, #tpu.memory_space<vmem_shared>>
        tpu.enqueue_indirect_dma source(%arg5 : memref<128xf32, #tpu.memory_space<vmem>>) target(%dma_start3A_128 : memref<10240xf32, #tpu.memory_space<vmem_shared>>) offsets(%dma_start3A_126 : memref<128xi32, #tpu.memory_space<vmem>>) semaphore(%run_scoped3A : memref<!tpu.dma_semaphore, #tpu.memory_space<semaphore_mem>>) {add = true}
        %dma_wait3A = arith.constant 0 : i32
        %dma_wait3A_129 = tpu.memref_slice %arg4[%while3A_122, %dma_wait3A] : memref<82x128xi32, #tpu.memory_space<vmem>> -> memref<1x128xi32, #tpu.memory_space<vmem>>
        %dma_wait3A_130 = tpu.memref_squeeze %dma_wait3A_129 : memref<1x128xi32, #tpu.memory_space<vmem>> -> memref<128xi32, #tpu.memory_space<vmem>>
        %dma_wait3A_131 = arith.constant 0 : i32
        %dma_wait3A_132 = tpu.memref_slice %arg7[%dma_wait3A_131] : memref<10240xf32, #tpu.memory_space<vmem_shared>> -> memref<10240xf32, #tpu.memory_space<vmem_shared>>
        tpu.wait_indirect_dma semaphore(%run_scoped3A : memref<!tpu.dma_semaphore, #tpu.memory_space<semaphore_mem>>) src(%arg5 : memref<128xf32, #tpu.memory_space<vmem>>) dst(%dma_wait3A_132 : memref<10240xf32, #tpu.memory_space<vmem_shared>>)
        tpu.yield
      }) : () -> ()
      %while3A_124 = arith.constant 0 : i32
      scf.yield %while3A_124 : i32
    }
    %while3A_115 = arith.constant 1 : i32
    %while3A_116 = scf.for %while3A_122 = %while3A_112 to %while3A_108 step %while3A_115 iter_args(%while3A_123 = %while3A_114) -> (i32)  : i32 {
      "tpu.region"() ({
        %run_scoped3A = tpu.sem_alloc : memref<!tpu.dma_semaphore, #tpu.memory_space<semaphore_mem>>
        %dma_start3A = arith.constant 0 : i32
        %dma_start3A_125 = tpu.memref_slice %arg4[%while3A_122, %dma_start3A] : memref<82x128xi32, #tpu.memory_space<vmem>> -> memref<1x128xi32, #tpu.memory_space<vmem>>
        %dma_start3A_126 = tpu.memref_squeeze %dma_start3A_125 : memref<1x128xi32, #tpu.memory_space<vmem>> -> memref<128xi32, #tpu.memory_space<vmem>>
        %dma_start3A_127 = arith.constant 0 : i32
        %dma_start3A_128 = tpu.memref_slice %arg7[%dma_start3A_127] : memref<10240xf32, #tpu.memory_space<vmem_shared>> -> memref<10240xf32, #tpu.memory_space<vmem_shared>>
        tpu.enqueue_indirect_dma source(%arg5 : memref<128xf32, #tpu.memory_space<vmem>>) target(%dma_start3A_128 : memref<10240xf32, #tpu.memory_space<vmem_shared>>) offsets(%dma_start3A_126 : memref<128xi32, #tpu.memory_space<vmem>>) semaphore(%run_scoped3A : memref<!tpu.dma_semaphore, #tpu.memory_space<semaphore_mem>>) {add = true}
        %dma_wait3A = arith.constant 0 : i32
        %dma_wait3A_129 = tpu.memref_slice %arg4[%while3A_122, %dma_wait3A] : memref<82x128xi32, #tpu.memory_space<vmem>> -> memref<1x128xi32, #tpu.memory_space<vmem>>
        %dma_wait3A_130 = tpu.memref_squeeze %dma_wait3A_129 : memref<1x128xi32, #tpu.memory_space<vmem>> -> memref<128xi32, #tpu.memory_space<vmem>>
        %dma_wait3A_131 = arith.constant 0 : i32
        %dma_wait3A_132 = tpu.memref_slice %arg7[%dma_wait3A_131] : memref<10240xf32, #tpu.memory_space<vmem_shared>> -> memref<10240xf32, #tpu.memory_space<vmem_shared>>
        tpu.wait_indirect_dma semaphore(%run_scoped3A : memref<!tpu.dma_semaphore, #tpu.memory_space<semaphore_mem>>) src(%arg5 : memref<128xf32, #tpu.memory_space<vmem>>) dst(%dma_wait3A_132 : memref<10240xf32, #tpu.memory_space<vmem_shared>>)
        tpu.yield
      }) : () -> ()
      %while3A_124 = arith.constant 0 : i32
      scf.yield %while3A_124 : i32
    }
    %barrier3A_117 = arith.constant 0 : index
    tpu.barrier barrier_id(%barrier3A_117)
    %mul3A_118 = arith.constant 640 : i32
    %mul3A_119 = arith.muli %arg1, %mul3A_118 : i32
    "tpu.region"() ({
      %run_scoped3A = tpu.sem_alloc : memref<!tpu.dma_semaphore, #tpu.memory_space<semaphore_mem>>
      %dma_start3A = tpu.memref_slice %arg7[%mul3A_119] : memref<10240xf32, #tpu.memory_space<vmem_shared>> -> memref<640xf32, #tpu.memory_space<vmem_shared>>
      %dma_start3A_122 = tpu.memref_slice %arg7[%mul3A_119] : memref<10240xf32, #tpu.memory_space<vmem_shared>> -> memref<640xf32, #tpu.memory_space<vmem_shared>>
      tpu.enqueue_dma source(%dma_start3A_122 : memref<640xf32, #tpu.memory_space<vmem_shared>>) target(%arg6 : memref<640xf32, #tpu.memory_space<vmem>>) target_semaphore(%run_scoped3A : memref<!tpu.dma_semaphore, #tpu.memory_space<semaphore_mem>>)
      %dma_wait3A = tpu.memref_slice %arg7[%mul3A_119] : memref<10240xf32, #tpu.memory_space<vmem_shared>> -> memref<640xf32, #tpu.memory_space<vmem_shared>>
      %dma_wait3A_123 = tpu.memref_slice %arg7[%mul3A_119] : memref<10240xf32, #tpu.memory_space<vmem_shared>> -> memref<640xf32, #tpu.memory_space<vmem_shared>>
      tpu.wait_dma2 semaphore(%run_scoped3A : memref<!tpu.dma_semaphore, #tpu.memory_space<semaphore_mem>>) src(%dma_wait3A_123 : memref<640xf32, #tpu.memory_space<vmem_shared>>) dst(%arg6 : memref<640xf32, #tpu.memory_space<vmem>>)
      tpu.yield
    }) : () -> ()
    %mul3A_120 = arith.constant 640 : i32
    %mul3A_121 = arith.muli %arg1, %mul3A_120 : i32
    "tpu.region"() ({
      %run_scoped3A = tpu.sem_alloc : memref<!tpu.dma_semaphore, #tpu.memory_space<semaphore_mem>>
      %dma_start3A = tpu.memref_slice %arg3[%arg0, %mul3A_121] : memref<2x10240xf32, #tpu.memory_space<hbm>> -> memref<1x640xf32, #tpu.memory_space<hbm>>
      %dma_start3A_122 = tpu.memref_squeeze %dma_start3A : memref<1x640xf32, #tpu.memory_space<hbm>> -> memref<640xf32, #tpu.memory_space<hbm>>
      %dma_start3A_123 = tpu.memref_slice %arg3[%arg0, %mul3A_121] : memref<2x10240xf32, #tpu.memory_space<hbm>> -> memref<1x640xf32, #tpu.memory_space<hbm>>
      %dma_start3A_124 = tpu.memref_squeeze %dma_start3A_123 : memref<1x640xf32, #tpu.memory_space<hbm>> -> memref<640xf32, #tpu.memory_space<hbm>>
      tpu.enqueue_dma source(%arg6 : memref<640xf32, #tpu.memory_space<vmem>>) target(%dma_start3A_124 : memref<640xf32, #tpu.memory_space<hbm>>) target_semaphore(%run_scoped3A : memref<!tpu.dma_semaphore, #tpu.memory_space<semaphore_mem>>)
      %dma_wait3A = tpu.memref_slice %arg3[%arg0, %mul3A_121] : memref<2x10240xf32, #tpu.memory_space<hbm>> -> memref<1x640xf32, #tpu.memory_space<hbm>>
      %dma_wait3A_125 = tpu.memref_squeeze %dma_wait3A : memref<1x640xf32, #tpu.memory_space<hbm>> -> memref<640xf32, #tpu.memory_space<hbm>>
      %dma_wait3A_126 = tpu.memref_slice %arg3[%arg0, %mul3A_121] : memref<2x10240xf32, #tpu.memory_space<hbm>> -> memref<1x640xf32, #tpu.memory_space<hbm>>
      %dma_wait3A_127 = tpu.memref_squeeze %dma_wait3A_126 : memref<1x640xf32, #tpu.memory_space<hbm>> -> memref<640xf32, #tpu.memory_space<hbm>>
      tpu.wait_dma2 semaphore(%run_scoped3A : memref<!tpu.dma_semaphore, #tpu.memory_space<semaphore_mem>>) src(%arg6 : memref<640xf32, #tpu.memory_space<vmem>>) dst(%dma_wait3A_127 : memref<640xf32, #tpu.memory_space<hbm>>)
      tpu.yield
    }) : () -> ()
    return
  }
}

#map = affine_map<(d0, d1) -> (0, 0)>
#map1 = affine_map<(d0, d1) -> (0, 0, 0)>
module attributes {stable_mosaic.version = 14 : i64} {
  func.func @scat_kernel(%arg0: i32, %arg1: i32, %arg2: memref<10000x16xf32, #tpu.memory_space<hbm>>, %arg3: memref<2616x128xi32, #tpu.memory_space<hbm>>, %arg4: memref<2616x128xi32, #tpu.memory_space<hbm>>, %arg5: memref<2x10240x16xf32, #tpu.memory_space<hbm>>, %arg6: memref<80x128xi32, #tpu.memory_space<vmem>>, %arg7: memref<80x128xi32, #tpu.memory_space<vmem>>, %arg8: memref<2x4x128x16xf32, #tpu.memory_space<vmem>>, %arg9: memref<640x16xf32, #tpu.memory_space<vmem>>, %arg10: memref<10240x16xf32, #tpu.memory_space<vmem_shared>>, %arg11: memref<10000x16xf32, #tpu.memory_space<vmem_shared>>, %arg12: memref<!tpu.dma_semaphore, #tpu.memory_space<semaphore_mem>>, %arg13: memref<!tpu.dma_semaphore, #tpu.memory_space<semaphore_mem>>) attributes {dimension_semantics = [#tpu.dimension_semantics<core_parallel>, #tpu.dimension_semantics<subcore_parallel>], iteration_bounds = array<i64: 2, 16>, scalar_prefetch = 0 : i64, scratch_operands = 8 : i64, tpu.core_type = #tpu.core_type<sc_vector_subcore>, window_params = [{transform_indices = #map}, {transform_indices = #map}, {transform_indices = #map}, {transform_indices = #map1}]} {
    %eq3A = arith.constant 0 : i32
    %eq3A_0 = arith.cmpi eq, %arg0, %eq3A : i32
    %jit3A = arith.constant 20 : i32
    %jit3A_1 = arith.constant 20 : i32
    %select_n3A = arith.select %eq3A_0, %jit3A, %jit3A_1 : i32
    %eq3A_2 = arith.constant 0 : i32
    %eq3A_3 = arith.cmpi eq, %arg0, %eq3A_2 : i32
    %mul3A = arith.constant 80 : i32
    %mul3A_4 = arith.muli %arg1, %mul3A : i32
    %mul3A_5 = arith.constant 80 : i32
    %mul3A_6 = arith.muli %arg1, %mul3A_5 : i32
    %add3A = arith.constant 1280 : i32
    %add3A_7 = arith.addi %add3A, %mul3A_6 : i32
    %select_n3A_8 = arith.select %eq3A_3, %mul3A_4, %add3A_7 : i32
    "tpu.region"() ({
      %run_scoped3A = tpu.sem_alloc : memref<!tpu.dma_semaphore, #tpu.memory_space<semaphore_mem>>
      %dma_start3A_158 = arith.constant 0 : i32
      %dma_start3A_159 = tpu.memref_slice %arg3[%select_n3A_8, %dma_start3A_158] : memref<2616x128xi32, #tpu.memory_space<hbm>> -> memref<80x128xi32, #tpu.memory_space<hbm>>
      %dma_start3A_160 = arith.constant 0 : i32
      %dma_start3A_161 = tpu.memref_slice %arg3[%select_n3A_8, %dma_start3A_160] : memref<2616x128xi32, #tpu.memory_space<hbm>> -> memref<80x128xi32, #tpu.memory_space<hbm>>
      tpu.enqueue_dma source(%dma_start3A_161 : memref<80x128xi32, #tpu.memory_space<hbm>>) target(%arg6 : memref<80x128xi32, #tpu.memory_space<vmem>>) target_semaphore(%run_scoped3A : memref<!tpu.dma_semaphore, #tpu.memory_space<semaphore_mem>>)
      %dma_wait3A_162 = arith.constant 0 : i32
      %dma_wait3A_163 = tpu.memref_slice %arg3[%select_n3A_8, %dma_wait3A_162] : memref<2616x128xi32, #tpu.memory_space<hbm>> -> memref<80x128xi32, #tpu.memory_space<hbm>>
      %dma_wait3A_164 = arith.constant 0 : i32
      %dma_wait3A_165 = tpu.memref_slice %arg3[%select_n3A_8, %dma_wait3A_164] : memref<2616x128xi32, #tpu.memory_space<hbm>> -> memref<80x128xi32, #tpu.memory_space<hbm>>
      tpu.wait_dma2 semaphore(%run_scoped3A : memref<!tpu.dma_semaphore, #tpu.memory_space<semaphore_mem>>) src(%dma_wait3A_165 : memref<80x128xi32, #tpu.memory_space<hbm>>) dst(%arg6 : memref<80x128xi32, #tpu.memory_space<vmem>>)
      tpu.yield
    }) : () -> ()
    "tpu.region"() ({
      %run_scoped3A = tpu.sem_alloc : memref<!tpu.dma_semaphore, #tpu.memory_space<semaphore_mem>>
      %dma_start3A_158 = arith.constant 0 : i32
      %dma_start3A_159 = tpu.memref_slice %arg4[%select_n3A_8, %dma_start3A_158] : memref<2616x128xi32, #tpu.memory_space<hbm>> -> memref<80x128xi32, #tpu.memory_space<hbm>>
      %dma_start3A_160 = arith.constant 0 : i32
      %dma_start3A_161 = tpu.memref_slice %arg4[%select_n3A_8, %dma_start3A_160] : memref<2616x128xi32, #tpu.memory_space<hbm>> -> memref<80x128xi32, #tpu.memory_space<hbm>>
      tpu.enqueue_dma source(%dma_start3A_161 : memref<80x128xi32, #tpu.memory_space<hbm>>) target(%arg7 : memref<80x128xi32, #tpu.memory_space<vmem>>) target_semaphore(%run_scoped3A : memref<!tpu.dma_semaphore, #tpu.memory_space<semaphore_mem>>)
      %dma_wait3A_162 = arith.constant 0 : i32
      %dma_wait3A_163 = tpu.memref_slice %arg4[%select_n3A_8, %dma_wait3A_162] : memref<2616x128xi32, #tpu.memory_space<hbm>> -> memref<80x128xi32, #tpu.memory_space<hbm>>
      %dma_wait3A_164 = arith.constant 0 : i32
      %dma_wait3A_165 = tpu.memref_slice %arg4[%select_n3A_8, %dma_wait3A_164] : memref<2616x128xi32, #tpu.memory_space<hbm>> -> memref<80x128xi32, #tpu.memory_space<hbm>>
      tpu.wait_dma2 semaphore(%run_scoped3A : memref<!tpu.dma_semaphore, #tpu.memory_space<semaphore_mem>>) src(%dma_wait3A_165 : memref<80x128xi32, #tpu.memory_space<hbm>>) dst(%arg7 : memref<80x128xi32, #tpu.memory_space<vmem>>)
      tpu.yield
    }) : () -> ()
    %mul3A_9 = arith.constant 625 : i32
    %mul3A_10 = arith.muli %arg1, %mul3A_9 : i32
    %mul3A_11 = arith.constant 625 : i32
    %mul3A_12 = arith.muli %arg1, %mul3A_11 : i32
    "tpu.region"() ({
      %run_scoped3A = tpu.sem_alloc : memref<!tpu.dma_semaphore, #tpu.memory_space<semaphore_mem>>
      %dma_start3A_158 = arith.constant 0 : i32
      %dma_start3A_159 = tpu.memref_slice %arg11[%mul3A_12, %dma_start3A_158] : memref<10000x16xf32, #tpu.memory_space<vmem_shared>> -> memref<625x16xf32, #tpu.memory_space<vmem_shared>>
      %dma_start3A_160 = arith.constant 0 : i32
      %dma_start3A_161 = tpu.memref_slice %arg2[%mul3A_10, %dma_start3A_160] : memref<10000x16xf32, #tpu.memory_space<hbm>> -> memref<625x16xf32, #tpu.memory_space<hbm>>
      tpu.enqueue_dma source(%dma_start3A_161 : memref<625x16xf32, #tpu.memory_space<hbm>>) target(%dma_start3A_159 : memref<625x16xf32, #tpu.memory_space<vmem_shared>>) target_semaphore(%run_scoped3A : memref<!tpu.dma_semaphore, #tpu.memory_space<semaphore_mem>>)
      %dma_wait3A_162 = arith.constant 0 : i32
      %dma_wait3A_163 = tpu.memref_slice %arg11[%mul3A_12, %dma_wait3A_162] : memref<10000x16xf32, #tpu.memory_space<vmem_shared>> -> memref<625x16xf32, #tpu.memory_space<vmem_shared>>
      %dma_wait3A_164 = arith.constant 0 : i32
      %dma_wait3A_165 = tpu.memref_slice %arg2[%mul3A_10, %dma_wait3A_164] : memref<10000x16xf32, #tpu.memory_space<hbm>> -> memref<625x16xf32, #tpu.memory_space<hbm>>
      tpu.wait_dma2 semaphore(%run_scoped3A : memref<!tpu.dma_semaphore, #tpu.memory_space<semaphore_mem>>) src(%dma_wait3A_165 : memref<625x16xf32, #tpu.memory_space<hbm>>) dst(%dma_wait3A_163 : memref<625x16xf32, #tpu.memory_space<vmem_shared>>)
      tpu.yield
    }) : () -> ()
    %broadcast_in_dim3A = arith.constant 0.000000e+00 : f32
    %broadcast_in_dim3A_13 = vector.broadcast %broadcast_in_dim3A : f32 to vector<16xf32>
    %scan3A = arith.constant 0 : i32
    %scan3A_14 = arith.constant 0 : i32
    %scan3A_15 = arith.constant 640 : i32
    %scan3A_16 = arith.addi %scan3A_14, %scan3A_15 : i32
    %scan3A_17 = arith.constant 1 : i32
    %scan3A_18 = scf.for %scan3A_158 = %scan3A_14 to %scan3A_16 step %scan3A_17 iter_args(%scan3A_159 = %scan3A) -> (i32)  : i32 {
      %swap3A = arith.index_cast %scan3A_158 : i32 to index
      %swap3A_160 = arith.constant 0 : index
      %swap3A_161 = tpu.vector_load %arg9[%swap3A, %swap3A_160] {strides = array<i32>} : memref<640x16xf32, #tpu.memory_space<vmem>>, vector<1x16xf32>,
      %swap3A_162 = vector.shape_cast %swap3A_161 : vector<1x16xf32> to vector<16xf32>
      %swap3A_163 = vector.shape_cast %broadcast_in_dim3A_13 : vector<16xf32> to vector<1x16xf32>
      tpu.vector_store %arg9[%swap3A, %swap3A_160], %swap3A_163 {strides = array<i32>} : memref<640x16xf32, #tpu.memory_space<vmem>>, vector<1x16xf32>,
      %scan3A_164 = arith.constant 0 : i32
      scf.yield %scan3A_164 : i32
    }
    %scan3A_19 = arith.constant 640 : i32
    %mul3A_20 = arith.constant 640 : i32
    %mul3A_21 = arith.muli %arg1, %mul3A_20 : i32
    "tpu.region"() ({
      %run_scoped3A = tpu.sem_alloc : memref<!tpu.dma_semaphore, #tpu.memory_space<semaphore_mem>>
      %dma_start3A_158 = arith.constant 0 : i32
      %dma_start3A_159 = tpu.memref_slice %arg10[%mul3A_21, %dma_start3A_158] : memref<10240x16xf32, #tpu.memory_space<vmem_shared>> -> memref<640x16xf32, #tpu.memory_space<vmem_shared>>
      %dma_start3A_160 = arith.constant 0 : i32
      %dma_start3A_161 = tpu.memref_slice %arg10[%mul3A_21, %dma_start3A_160] : memref<10240x16xf32, #tpu.memory_space<vmem_shared>> -> memref<640x16xf32, #tpu.memory_space<vmem_shared>>
      tpu.enqueue_dma source(%arg9 : memref<640x16xf32, #tpu.memory_space<vmem>>) target(%dma_start3A_161 : memref<640x16xf32, #tpu.memory_space<vmem_shared>>) target_semaphore(%run_scoped3A : memref<!tpu.dma_semaphore, #tpu.memory_space<semaphore_mem>>)
      %dma_wait3A_162 = arith.constant 0 : i32
      %dma_wait3A_163 = tpu.memref_slice %arg10[%mul3A_21, %dma_wait3A_162] : memref<10240x16xf32, #tpu.memory_space<vmem_shared>> -> memref<640x16xf32, #tpu.memory_space<vmem_shared>>
      %dma_wait3A_164 = arith.constant 0 : i32
      %dma_wait3A_165 = tpu.memref_slice %arg10[%mul3A_21, %dma_wait3A_164] : memref<10240x16xf32, #tpu.memory_space<vmem_shared>> -> memref<640x16xf32, #tpu.memory_space<vmem_shared>>
      tpu.wait_dma2 semaphore(%run_scoped3A : memref<!tpu.dma_semaphore, #tpu.memory_space<semaphore_mem>>) src(%arg9 : memref<640x16xf32, #tpu.memory_space<vmem>>) dst(%dma_wait3A_165 : memref<640x16xf32, #tpu.memory_space<vmem_shared>>)
      tpu.yield
    }) : () -> ()
    %barrier3A = arith.constant 0 : index
    tpu.barrier barrier_id(%barrier3A)
    %dma_start3A = arith.constant 0 : i32
    %dma_start3A_22 = arith.constant 0 : i32
    %dma_start3A_23 = arith.constant 0 : i32
    %dma_start3A_24 = arith.constant 0 : i32
    %dma_start3A_25 = arith.constant 0 : i32
    %dma_start3A_26 = tpu.memref_slice %arg8[%dma_start3A_22, %dma_start3A_23, %dma_start3A_24, %dma_start3A_25] : memref<2x4x128x16xf32, #tpu.memory_space<vmem>> -> memref<1x1x128x16xf32, #tpu.memory_space<vmem>>
    %dma_start3A_27 = tpu.memref_squeeze %dma_start3A_26 : memref<1x1x128x16xf32, #tpu.memory_space<vmem>> -> memref<128x16xf32, #tpu.memory_space<vmem>>
    %dma_start3A_28 = arith.constant 0 : i32
    %dma_start3A_29 = tpu.memref_slice %arg6[%dma_start3A, %dma_start3A_28] : memref<80x128xi32, #tpu.memory_space<vmem>> -> memref<1x128xi32, #tpu.memory_space<vmem>>
    %dma_start3A_30 = tpu.memref_squeeze %dma_start3A_29 : memref<1x128xi32, #tpu.memory_space<vmem>> -> memref<128xi32, #tpu.memory_space<vmem>>
    %dma_start3A_31 = arith.constant 0 : i32
    %dma_start3A_32 = arith.constant 0 : i32
    %dma_start3A_33 = tpu.memref_slice %arg11[%dma_start3A_31, %dma_start3A_32] : memref<10000x16xf32, #tpu.memory_space<vmem_shared>> -> memref<10000x16xf32, #tpu.memory_space<vmem_shared>>
    tpu.enqueue_indirect_dma source(%dma_start3A_33 : memref<10000x16xf32, #tpu.memory_space<vmem_shared>>) target(%dma_start3A_27 : memref<128x16xf32, #tpu.memory_space<vmem>>) offsets(%dma_start3A_30 : memref<128xi32, #tpu.memory_space<vmem>>) semaphore(%arg12 : memref<!tpu.dma_semaphore, #tpu.memory_space<semaphore_mem>>)
    %dma_start3A_34 = arith.constant 1 : i32
    %dma_start3A_35 = arith.constant 0 : i32
    %dma_start3A_36 = arith.constant 1 : i32
    %dma_start3A_37 = arith.constant 0 : i32
    %dma_start3A_38 = arith.constant 0 : i32
    %dma_start3A_39 = tpu.memref_slice %arg8[%dma_start3A_35, %dma_start3A_36, %dma_start3A_37, %dma_start3A_38] : memref<2x4x128x16xf32, #tpu.memory_space<vmem>> -> memref<1x1x128x16xf32, #tpu.memory_space<vmem>>
    %dma_start3A_40 = tpu.memref_squeeze %dma_start3A_39 : memref<1x1x128x16xf32, #tpu.memory_space<vmem>> -> memref<128x16xf32, #tpu.memory_space<vmem>>
    %dma_start3A_41 = arith.constant 0 : i32
    %dma_start3A_42 = tpu.memref_slice %arg6[%dma_start3A_34, %dma_start3A_41] : memref<80x128xi32, #tpu.memory_space<vmem>> -> memref<1x128xi32, #tpu.memory_space<vmem>>
    %dma_start3A_43 = tpu.memref_squeeze %dma_start3A_42 : memref<1x128xi32, #tpu.memory_space<vmem>> -> memref<128xi32, #tpu.memory_space<vmem>>
    %dma_start3A_44 = arith.constant 0 : i32
    %dma_start3A_45 = arith.constant 0 : i32
    %dma_start3A_46 = tpu.memref_slice %arg11[%dma_start3A_44, %dma_start3A_45] : memref<10000x16xf32, #tpu.memory_space<vmem_shared>> -> memref<10000x16xf32, #tpu.memory_space<vmem_shared>>
    tpu.enqueue_indirect_dma source(%dma_start3A_46 : memref<10000x16xf32, #tpu.memory_space<vmem_shared>>) target(%dma_start3A_40 : memref<128x16xf32, #tpu.memory_space<vmem>>) offsets(%dma_start3A_43 : memref<128xi32, #tpu.memory_space<vmem>>) semaphore(%arg12 : memref<!tpu.dma_semaphore, #tpu.memory_space<semaphore_mem>>)
    %dma_start3A_47 = arith.constant 2 : i32
    %dma_start3A_48 = arith.constant 0 : i32
    %dma_start3A_49 = arith.constant 2 : i32
    %dma_start3A_50 = arith.constant 0 : i32
    %dma_start3A_51 = arith.constant 0 : i32
    %dma_start3A_52 = tpu.memref_slice %arg8[%dma_start3A_48, %dma_start3A_49, %dma_start3A_50, %dma_start3A_51] : memref<2x4x128x16xf32, #tpu.memory_space<vmem>> -> memref<1x1x128x16xf32, #tpu.memory_space<vmem>>
    %dma_start3A_53 = tpu.memref_squeeze %dma_start3A_52 : memref<1x1x128x16xf32, #tpu.memory_space<vmem>> -> memref<128x16xf32, #tpu.memory_space<vmem>>
    %dma_start3A_54 = arith.constant 0 : i32
    %dma_start3A_55 = tpu.memref_slice %arg6[%dma_start3A_47, %dma_start3A_54] : memref<80x128xi32, #tpu.memory_space<vmem>> -> memref<1x128xi32, #tpu.memory_space<vmem>>
    %dma_start3A_56 = tpu.memref_squeeze %dma_start3A_55 : memref<1x128xi32, #tpu.memory_space<vmem>> -> memref<128xi32, #tpu.memory_space<vmem>>
    %dma_start3A_57 = arith.constant 0 : i32
    %dma_start3A_58 = arith.constant 0 : i32
    %dma_start3A_59 = tpu.memref_slice %arg11[%dma_start3A_57, %dma_start3A_58] : memref<10000x16xf32, #tpu.memory_space<vmem_shared>> -> memref<10000x16xf32, #tpu.memory_space<vmem_shared>>
    tpu.enqueue_indirect_dma source(%dma_start3A_59 : memref<10000x16xf32, #tpu.memory_space<vmem_shared>>) target(%dma_start3A_53 : memref<128x16xf32, #tpu.memory_space<vmem>>) offsets(%dma_start3A_56 : memref<128xi32, #tpu.memory_space<vmem>>) semaphore(%arg12 : memref<!tpu.dma_semaphore, #tpu.memory_space<semaphore_mem>>)
    %dma_start3A_60 = arith.constant 3 : i32
    %dma_start3A_61 = arith.constant 0 : i32
    %dma_start3A_62 = arith.constant 3 : i32
    %dma_start3A_63 = arith.constant 0 : i32
    %dma_start3A_64 = arith.constant 0 : i32
    %dma_start3A_65 = tpu.memref_slice %arg8[%dma_start3A_61, %dma_start3A_62, %dma_start3A_63, %dma_start3A_64] : memref<2x4x128x16xf32, #tpu.memory_space<vmem>> -> memref<1x1x128x16xf32, #tpu.memory_space<vmem>>
    %dma_start3A_66 = tpu.memref_squeeze %dma_start3A_65 : memref<1x1x128x16xf32, #tpu.memory_space<vmem>> -> memref<128x16xf32, #tpu.memory_space<vmem>>
    %dma_start3A_67 = arith.constant 0 : i32
    %dma_start3A_68 = tpu.memref_slice %arg6[%dma_start3A_60, %dma_start3A_67] : memref<80x128xi32, #tpu.memory_space<vmem>> -> memref<1x128xi32, #tpu.memory_space<vmem>>
    %dma_start3A_69 = tpu.memref_squeeze %dma_start3A_68 : memref<1x128xi32, #tpu.memory_space<vmem>> -> memref<128xi32, #tpu.memory_space<vmem>>
    %dma_start3A_70 = arith.constant 0 : i32
    %dma_start3A_71 = arith.constant 0 : i32
    %dma_start3A_72 = tpu.memref_slice %arg11[%dma_start3A_70, %dma_start3A_71] : memref<10000x16xf32, #tpu.memory_space<vmem_shared>> -> memref<10000x16xf32, #tpu.memory_space<vmem_shared>>
    tpu.enqueue_indirect_dma source(%dma_start3A_72 : memref<10000x16xf32, #tpu.memory_space<vmem_shared>>) target(%dma_start3A_66 : memref<128x16xf32, #tpu.memory_space<vmem>>) offsets(%dma_start3A_69 : memref<128xi32, #tpu.memory_space<vmem>>) semaphore(%arg12 : memref<!tpu.dma_semaphore, #tpu.memory_space<semaphore_mem>>)
    %jit3A_73 = arith.constant 2 : i32
    %div3A = arith.divsi %select_n3A, %jit3A_73 : i32
    %sign3A = arith.constant 0 : i32
    %sign3A_74 = arith.cmpi sgt, %select_n3A, %sign3A : i32
    %sign3A_75 = arith.extui %sign3A_74 : i1 to i32
    %sign3A_76 = arith.constant 0 : i32
    %sign3A_77 = arith.cmpi slt, %select_n3A, %sign3A_76 : i32
    %sign3A_78 = arith.extui %sign3A_77 : i1 to i32
    %sign3A_79 = arith.subi %sign3A_75, %sign3A_78 : i32
    %sign3A_80 = arith.constant 0 : i32
    %sign3A_81 = arith.cmpi sgt, %jit3A_73, %sign3A_80 : i32
    %sign3A_82 = arith.extui %sign3A_81 : i1 to i32
    %sign3A_83 = arith.constant 0 : i32
    %sign3A_84 = arith.cmpi slt, %jit3A_73, %sign3A_83 : i32
    %sign3A_85 = arith.extui %sign3A_84 : i1 to i32
    %sign3A_86 = arith.subi %sign3A_82, %sign3A_85 : i32
    %ne3A = arith.cmpi ne, %sign3A_79, %sign3A_86 : i32
    %rem3A = arith.remsi %select_n3A, %jit3A_73 : i32
    %ne3A_87 = arith.constant 0 : i32
    %ne3A_88 = arith.cmpi ne, %rem3A, %ne3A_87 : i32
    %and3A = arith.andi %ne3A, %ne3A_88 : i1
    %sub3A = arith.constant 1 : i32
    %sub3A_89 = arith.subi %div3A, %sub3A : i32
    %select_n3A_90 = arith.select %and3A, %sub3A_89, %div3A : i32
    %while3A = arith.constant 0 : i32
    %while3A_91 = arith.constant 0 : i32
    %while3A_92 = arith.subi %select_n3A_90, %while3A : i32
    %while3A_93 = arith.addi %while3A, %while3A_92 : i32
    %while3A_94 = arith.constant 1 : i32
    %while3A_95 = arith.divsi %while3A_92, %while3A_94 : i32
    %while3A_96 = arith.muli %while3A_95, %while3A_94 : i32
    %while3A_97 = arith.addi %while3A, %while3A_96 : i32
    %while3A_98 = arith.constant 1 : i32
    %while3A_99 = scf.for %while3A_158 = %while3A to %while3A_97 step %while3A_98 iter_args(%while3A_159 = %while3A_91) -> (i32)  : i32 {
      %mul3A_160 = arith.constant 2 : i32
      %mul3A_161 = arith.muli %while3A_158, %mul3A_160 : i32
      %add3A_162 = arith.constant 0 : i32
      %add3A_163 = arith.addi %mul3A_161, %add3A_162 : i32
      %dma_wait3A_164 = arith.constant 0 : i32
      %dma_wait3A_165 = arith.constant 0 : i32
      %dma_wait3A_166 = arith.constant 0 : i32
      %dma_wait3A_167 = arith.constant 0 : i32
      %dma_wait3A_168 = arith.constant 0 : i32
      %dma_wait3A_169 = tpu.memref_slice %arg8[%dma_wait3A_165, %dma_wait3A_166, %dma_wait3A_167, %dma_wait3A_168] : memref<2x4x128x16xf32, #tpu.memory_space<vmem>> -> memref<1x1x128x16xf32, #tpu.memory_space<vmem>>
      %dma_wait3A_170 = tpu.memref_squeeze %dma_wait3A_169 : memref<1x1x128x16xf32, #tpu.memory_space<vmem>> -> memref<128x16xf32, #tpu.memory_space<vmem>>
      %dma_wait3A_171 = arith.constant 0 : i32
      %dma_wait3A_172 = tpu.memref_slice %arg6[%dma_wait3A_164, %dma_wait3A_171] : memref<80x128xi32, #tpu.memory_space<vmem>> -> memref<1x128xi32, #tpu.memory_space<vmem>>
      %dma_wait3A_173 = tpu.memref_squeeze %dma_wait3A_172 : memref<1x128xi32, #tpu.memory_space<vmem>> -> memref<128xi32, #tpu.memory_space<vmem>>
      %dma_wait3A_174 = arith.constant 0 : i32
      %dma_wait3A_175 = arith.constant 0 : i32
      %dma_wait3A_176 = tpu.memref_slice %arg2[%dma_wait3A_174, %dma_wait3A_175] : memref<10000x16xf32, #tpu.memory_space<hbm>> -> memref<10000x16xf32, #tpu.memory_space<hbm>>
      tpu.wait_indirect_dma semaphore(%arg12 : memref<!tpu.dma_semaphore, #tpu.memory_space<semaphore_mem>>) src(%dma_wait3A_176 : memref<10000x16xf32, #tpu.memory_space<hbm>>) dst(%dma_wait3A_170 : memref<128x16xf32, #tpu.memory_space<vmem>>)
      %dma_wait3A_177 = arith.constant 0 : i32
      %dma_wait3A_178 = arith.constant 0 : i32
      %dma_wait3A_179 = arith.constant 1 : i32
      %dma_wait3A_180 = arith.constant 0 : i32
      %dma_wait3A_181 = arith.constant 0 : i32
      %dma_wait3A_182 = tpu.memref_slice %arg8[%dma_wait3A_178, %dma_wait3A_179, %dma_wait3A_180, %dma_wait3A_181] : memref<2x4x128x16xf32, #tpu.memory_space<vmem>> -> memref<1x1x128x16xf32, #tpu.memory_space<vmem>>
      %dma_wait3A_183 = tpu.memref_squeeze %dma_wait3A_182 : memref<1x1x128x16xf32, #tpu.memory_space<vmem>> -> memref<128x16xf32, #tpu.memory_space<vmem>>
      %dma_wait3A_184 = arith.constant 0 : i32
      %dma_wait3A_185 = tpu.memref_slice %arg6[%dma_wait3A_177, %dma_wait3A_184] : memref<80x128xi32, #tpu.memory_space<vmem>> -> memref<1x128xi32, #tpu.memory_space<vmem>>
      %dma_wait3A_186 = tpu.memref_squeeze %dma_wait3A_185 : memref<1x128xi32, #tpu.memory_space<vmem>> -> memref<128xi32, #tpu.memory_space<vmem>>
      %dma_wait3A_187 = arith.constant 0 : i32
      %dma_wait3A_188 = arith.constant 0 : i32
      %dma_wait3A_189 = tpu.memref_slice %arg2[%dma_wait3A_187, %dma_wait3A_188] : memref<10000x16xf32, #tpu.memory_space<hbm>> -> memref<10000x16xf32, #tpu.memory_space<hbm>>
      tpu.wait_indirect_dma semaphore(%arg12 : memref<!tpu.dma_semaphore, #tpu.memory_space<semaphore_mem>>) src(%dma_wait3A_189 : memref<10000x16xf32, #tpu.memory_space<hbm>>) dst(%dma_wait3A_183 : memref<128x16xf32, #tpu.memory_space<vmem>>)
      %dma_wait3A_190 = arith.constant 0 : i32
      %dma_wait3A_191 = arith.constant 0 : i32
      %dma_wait3A_192 = arith.constant 2 : i32
      %dma_wait3A_193 = arith.constant 0 : i32
      %dma_wait3A_194 = arith.constant 0 : i32
      %dma_wait3A_195 = tpu.memref_slice %arg8[%dma_wait3A_191, %dma_wait3A_192, %dma_wait3A_193, %dma_wait3A_194] : memref<2x4x128x16xf32, #tpu.memory_space<vmem>> -> memref<1x1x128x16xf32, #tpu.memory_space<vmem>>
      %dma_wait3A_196 = tpu.memref_squeeze %dma_wait3A_195 : memref<1x1x128x16xf32, #tpu.memory_space<vmem>> -> memref<128x16xf32, #tpu.memory_space<vmem>>
      %dma_wait3A_197 = arith.constant 0 : i32
      %dma_wait3A_198 = tpu.memref_slice %arg6[%dma_wait3A_190, %dma_wait3A_197] : memref<80x128xi32, #tpu.memory_space<vmem>> -> memref<1x128xi32, #tpu.memory_space<vmem>>
      %dma_wait3A_199 = tpu.memref_squeeze %dma_wait3A_198 : memref<1x128xi32, #tpu.memory_space<vmem>> -> memref<128xi32, #tpu.memory_space<vmem>>
      %dma_wait3A_200 = arith.constant 0 : i32
      %dma_wait3A_201 = arith.constant 0 : i32
      %dma_wait3A_202 = tpu.memref_slice %arg2[%dma_wait3A_200, %dma_wait3A_201] : memref<10000x16xf32, #tpu.memory_space<hbm>> -> memref<10000x16xf32, #tpu.memory_space<hbm>>
      tpu.wait_indirect_dma semaphore(%arg12 : memref<!tpu.dma_semaphore, #tpu.memory_space<semaphore_mem>>) src(%dma_wait3A_202 : memref<10000x16xf32, #tpu.memory_space<hbm>>) dst(%dma_wait3A_196 : memref<128x16xf32, #tpu.memory_space<vmem>>)
      %dma_wait3A_203 = arith.constant 0 : i32
      %dma_wait3A_204 = arith.constant 0 : i32
      %dma_wait3A_205 = arith.constant 3 : i32
      %dma_wait3A_206 = arith.constant 0 : i32
      %dma_wait3A_207 = arith.constant 0 : i32
      %dma_wait3A_208 = tpu.memref_slice %arg8[%dma_wait3A_204, %dma_wait3A_205, %dma_wait3A_206, %dma_wait3A_207] : memref<2x4x128x16xf32, #tpu.memory_space<vmem>> -> memref<1x1x128x16xf32, #tpu.memory_space<vmem>>
      %dma_wait3A_209 = tpu.memref_squeeze %dma_wait3A_208 : memref<1x1x128x16xf32, #tpu.memory_space<vmem>> -> memref<128x16xf32, #tpu.memory_space<vmem>>
      %dma_wait3A_210 = arith.constant 0 : i32
      %dma_wait3A_211 = tpu.memref_slice %arg6[%dma_wait3A_203, %dma_wait3A_210] : memref<80x128xi32, #tpu.memory_space<vmem>> -> memref<1x128xi32, #tpu.memory_space<vmem>>
      %dma_wait3A_212 = tpu.memref_squeeze %dma_wait3A_211 : memref<1x128xi32, #tpu.memory_space<vmem>> -> memref<128xi32, #tpu.memory_space<vmem>>
      %dma_wait3A_213 = arith.constant 0 : i32
      %dma_wait3A_214 = arith.constant 0 : i32
      %dma_wait3A_215 = tpu.memref_slice %arg2[%dma_wait3A_213, %dma_wait3A_214] : memref<10000x16xf32, #tpu.memory_space<hbm>> -> memref<10000x16xf32, #tpu.memory_space<hbm>>
      tpu.wait_indirect_dma semaphore(%arg12 : memref<!tpu.dma_semaphore, #tpu.memory_space<semaphore_mem>>) src(%dma_wait3A_215 : memref<10000x16xf32, #tpu.memory_space<hbm>>) dst(%dma_wait3A_209 : memref<128x16xf32, #tpu.memory_space<vmem>>)
      %mul3A_216 = arith.constant 4 : i32
      %mul3A_217 = arith.muli %add3A_163, %mul3A_216 : i32
      %add3A_218 = arith.constant 0 : i32
      %add3A_219 = arith.addi %mul3A_217, %add3A_218 : i32
      %dma_start3A_220 = arith.constant 0 : i32
      %dma_start3A_221 = arith.constant 0 : i32
      %dma_start3A_222 = arith.constant 0 : i32
      %dma_start3A_223 = arith.constant 0 : i32
      %dma_start3A_224 = tpu.memref_slice %arg8[%dma_start3A_220, %dma_start3A_221, %dma_start3A_222, %dma_start3A_223] : memref<2x4x128x16xf32, #tpu.memory_space<vmem>> -> memref<1x1x128x16xf32, #tpu.memory_space<vmem>>
      %dma_start3A_225 = tpu.memref_squeeze %dma_start3A_224 : memref<1x1x128x16xf32, #tpu.memory_space<vmem>> -> memref<128x16xf32, #tpu.memory_space<vmem>>
      %dma_start3A_226 = arith.constant 0 : i32
      %dma_start3A_227 = tpu.memref_slice %arg7[%add3A_219, %dma_start3A_226] : memref<80x128xi32, #tpu.memory_space<vmem>> -> memref<1x128xi32, #tpu.memory_space<vmem>>
      %dma_start3A_228 = tpu.memref_squeeze %dma_start3A_227 : memref<1x128xi32, #tpu.memory_space<vmem>> -> memref<128xi32, #tpu.memory_space<vmem>>
      %dma_start3A_229 = arith.constant 0 : i32
      %dma_start3A_230 = arith.constant 0 : i32
      %dma_start3A_231 = tpu.memref_slice %arg10[%dma_start3A_229, %dma_start3A_230] : memref<10240x16xf32, #tpu.memory_space<vmem_shared>> -> memref<10240x16xf32, #tpu.memory_space<vmem_shared>>
      tpu.enqueue_indirect_dma source(%dma_start3A_225 : memref<128x16xf32, #tpu.memory_space<vmem>>) target(%dma_start3A_231 : memref<10240x16xf32, #tpu.memory_space<vmem_shared>>) offsets(%dma_start3A_228 : memref<128xi32, #tpu.memory_space<vmem>>) semaphore(%arg13 : memref<!tpu.dma_semaphore, #tpu.memory_space<semaphore_mem>>) {add = true}
      %mul3A_232 = arith.constant 4 : i32
      %mul3A_233 = arith.muli %add3A_163, %mul3A_232 : i32
      %add3A_234 = arith.constant 1 : i32
      %add3A_235 = arith.addi %mul3A_233, %add3A_234 : i32
      %dma_start3A_236 = arith.constant 0 : i32
      %dma_start3A_237 = arith.constant 1 : i32
      %dma_start3A_238 = arith.constant 0 : i32
      %dma_start3A_239 = arith.constant 0 : i32
      %dma_start3A_240 = tpu.memref_slice %arg8[%dma_start3A_236, %dma_start3A_237, %dma_start3A_238, %dma_start3A_239] : memref<2x4x128x16xf32, #tpu.memory_space<vmem>> -> memref<1x1x128x16xf32, #tpu.memory_space<vmem>>
      %dma_start3A_241 = tpu.memref_squeeze %dma_start3A_240 : memref<1x1x128x16xf32, #tpu.memory_space<vmem>> -> memref<128x16xf32, #tpu.memory_space<vmem>>
      %dma_start3A_242 = arith.constant 0 : i32
      %dma_start3A_243 = tpu.memref_slice %arg7[%add3A_235, %dma_start3A_242] : memref<80x128xi32, #tpu.memory_space<vmem>> -> memref<1x128xi32, #tpu.memory_space<vmem>>
      %dma_start3A_244 = tpu.memref_squeeze %dma_start3A_243 : memref<1x128xi32, #tpu.memory_space<vmem>> -> memref<128xi32, #tpu.memory_space<vmem>>
      %dma_start3A_245 = arith.constant 0 : i32
      %dma_start3A_246 = arith.constant 0 : i32
      %dma_start3A_247 = tpu.memref_slice %arg10[%dma_start3A_245, %dma_start3A_246] : memref<10240x16xf32, #tpu.memory_space<vmem_shared>> -> memref<10240x16xf32, #tpu.memory_space<vmem_shared>>
      tpu.enqueue_indirect_dma source(%dma_start3A_241 : memref<128x16xf32, #tpu.memory_space<vmem>>) target(%dma_start3A_247 : memref<10240x16xf32, #tpu.memory_space<vmem_shared>>) offsets(%dma_start3A_244 : memref<128xi32, #tpu.memory_space<vmem>>) semaphore(%arg13 : memref<!tpu.dma_semaphore, #tpu.memory_space<semaphore_mem>>) {add = true}
      %mul3A_248 = arith.constant 4 : i32
      %mul3A_249 = arith.muli %add3A_163, %mul3A_248 : i32
      %add3A_250 = arith.constant 2 : i32
      %add3A_251 = arith.addi %mul3A_249, %add3A_250 : i32
      %dma_start3A_252 = arith.constant 0 : i32
      %dma_start3A_253 = arith.constant 2 : i32
      %dma_start3A_254 = arith.constant 0 : i32
      %dma_start3A_255 = arith.constant 0 : i32
      %dma_start3A_256 = tpu.memref_slice %arg8[%dma_start3A_252, %dma_start3A_253, %dma_start3A_254, %dma_start3A_255] : memref<2x4x128x16xf32, #tpu.memory_space<vmem>> -> memref<1x1x128x16xf32, #tpu.memory_space<vmem>>
      %dma_start3A_257 = tpu.memref_squeeze %dma_start3A_256 : memref<1x1x128x16xf32, #tpu.memory_space<vmem>> -> memref<128x16xf32, #tpu.memory_space<vmem>>
      %dma_start3A_258 = arith.constant 0 : i32
      %dma_start3A_259 = tpu.memref_slice %arg7[%add3A_251, %dma_start3A_258] : memref<80x128xi32, #tpu.memory_space<vmem>> -> memref<1x128xi32, #tpu.memory_space<vmem>>
      %dma_start3A_260 = tpu.memref_squeeze %dma_start3A_259 : memref<1x128xi32, #tpu.memory_space<vmem>> -> memref<128xi32, #tpu.memory_space<vmem>>
      %dma_start3A_261 = arith.constant 0 : i32
      %dma_start3A_262 = arith.constant 0 : i32
      %dma_start3A_263 = tpu.memref_slice %arg10[%dma_start3A_261, %dma_start3A_262] : memref<10240x16xf32, #tpu.memory_space<vmem_shared>> -> memref<10240x16xf32, #tpu.memory_space<vmem_shared>>
      tpu.enqueue_indirect_dma source(%dma_start3A_257 : memref<128x16xf32, #tpu.memory_space<vmem>>) target(%dma_start3A_263 : memref<10240x16xf32, #tpu.memory_space<vmem_shared>>) offsets(%dma_start3A_260 : memref<128xi32, #tpu.memory_space<vmem>>) semaphore(%arg13 : memref<!tpu.dma_semaphore, #tpu.memory_space<semaphore_mem>>) {add = true}
      %mul3A_264 = arith.constant 4 : i32
      %mul3A_265 = arith.muli %add3A_163, %mul3A_264 : i32
      %add3A_266 = arith.constant 3 : i32
      %add3A_267 = arith.addi %mul3A_265, %add3A_266 : i32
      %dma_start3A_268 = arith.constant 0 : i32
      %dma_start3A_269 = arith.constant 3 : i32
      %dma_start3A_270 = arith.constant 0 : i32
      %dma_start3A_271 = arith.constant 0 : i32
      %dma_start3A_272 = tpu.memref_slice %arg8[%dma_start3A_268, %dma_start3A_269, %dma_start3A_270, %dma_start3A_271] : memref<2x4x128x16xf32, #tpu.memory_space<vmem>> -> memref<1x1x128x16xf32, #tpu.memory_space<vmem>>
      %dma_start3A_273 = tpu.memref_squeeze %dma_start3A_272 : memref<1x1x128x16xf32, #tpu.memory_space<vmem>> -> memref<128x16xf32, #tpu.memory_space<vmem>>
      %dma_start3A_274 = arith.constant 0 : i32
      %dma_start3A_275 = tpu.memref_slice %arg7[%add3A_267, %dma_start3A_274] : memref<80x128xi32, #tpu.memory_space<vmem>> -> memref<1x128xi32, #tpu.memory_space<vmem>>
      %dma_start3A_276 = tpu.memref_squeeze %dma_start3A_275 : memref<1x128xi32, #tpu.memory_space<vmem>> -> memref<128xi32, #tpu.memory_space<vmem>>
      %dma_start3A_277 = arith.constant 0 : i32
      %dma_start3A_278 = arith.constant 0 : i32
      %dma_start3A_279 = tpu.memref_slice %arg10[%dma_start3A_277, %dma_start3A_278] : memref<10240x16xf32, #tpu.memory_space<vmem_shared>> -> memref<10240x16xf32, #tpu.memory_space<vmem_shared>>
      tpu.enqueue_indirect_dma source(%dma_start3A_273 : memref<128x16xf32, #tpu.memory_space<vmem>>) target(%dma_start3A_279 : memref<10240x16xf32, #tpu.memory_space<vmem_shared>>) offsets(%dma_start3A_276 : memref<128xi32, #tpu.memory_space<vmem>>) semaphore(%arg13 : memref<!tpu.dma_semaphore, #tpu.memory_space<semaphore_mem>>) {add = true}
      %ge3A = arith.constant 1 : i32
      %ge3A_280 = arith.cmpi sge, %add3A_163, %ge3A : i32
      %convert_element_type3A = arith.extui %ge3A_280 : i1 to i32
      %cond3A = arith.constant 0 : i32
      %cond3A_281 = arith.cmpi ne, %convert_element_type3A, %cond3A : i32
      scf.if %cond3A_281 {
        %dma_wait3A_419 = arith.constant 0 : i32
        %dma_wait3A_420 = arith.constant 1 : i32
        %dma_wait3A_421 = arith.constant 0 : i32
        %dma_wait3A_422 = arith.constant 0 : i32
        %dma_wait3A_423 = arith.constant 0 : i32
        %dma_wait3A_424 = tpu.memref_slice %arg8[%dma_wait3A_420, %dma_wait3A_421, %dma_wait3A_422, %dma_wait3A_423] : memref<2x4x128x16xf32, #tpu.memory_space<vmem>> -> memref<1x1x128x16xf32, #tpu.memory_space<vmem>>
        %dma_wait3A_425 = tpu.memref_squeeze %dma_wait3A_424 : memref<1x1x128x16xf32, #tpu.memory_space<vmem>> -> memref<128x16xf32, #tpu.memory_space<vmem>>
        %dma_wait3A_426 = arith.constant 0 : i32
        %dma_wait3A_427 = tpu.memref_slice %arg6[%dma_wait3A_419, %dma_wait3A_426] : memref<80x128xi32, #tpu.memory_space<vmem>> -> memref<1x128xi32, #tpu.memory_space<vmem>>
        %dma_wait3A_428 = tpu.memref_squeeze %dma_wait3A_427 : memref<1x128xi32, #tpu.memory_space<vmem>> -> memref<128xi32, #tpu.memory_space<vmem>>
        %dma_wait3A_429 = arith.constant 0 : i32
        %dma_wait3A_430 = arith.constant 0 : i32
        %dma_wait3A_431 = tpu.memref_slice %arg2[%dma_wait3A_429, %dma_wait3A_430] : memref<10000x16xf32, #tpu.memory_space<hbm>> -> memref<10000x16xf32, #tpu.memory_space<hbm>>
        tpu.wait_indirect_dma semaphore(%arg13 : memref<!tpu.dma_semaphore, #tpu.memory_space<semaphore_mem>>) src(%dma_wait3A_431 : memref<10000x16xf32, #tpu.memory_space<hbm>>) dst(%dma_wait3A_425 : memref<128x16xf32, #tpu.memory_space<vmem>>)
        %dma_wait3A_432 = arith.constant 0 : i32
        %dma_wait3A_433 = arith.constant 1 : i32
        %dma_wait3A_434 = arith.constant 1 : i32
        %dma_wait3A_435 = arith.constant 0 : i32
        %dma_wait3A_436 = arith.constant 0 : i32
        %dma_wait3A_437 = tpu.memref_slice %arg8[%dma_wait3A_433, %dma_wait3A_434, %dma_wait3A_435, %dma_wait3A_436] : memref<2x4x128x16xf32, #tpu.memory_space<vmem>> -> memref<1x1x128x16xf32, #tpu.memory_space<vmem>>
        %dma_wait3A_438 = tpu.memref_squeeze %dma_wait3A_437 : memref<1x1x128x16xf32, #tpu.memory_space<vmem>> -> memref<128x16xf32, #tpu.memory_space<vmem>>
        %dma_wait3A_439 = arith.constant 0 : i32
        %dma_wait3A_440 = tpu.memref_slice %arg6[%dma_wait3A_432, %dma_wait3A_439] : memref<80x128xi32, #tpu.memory_space<vmem>> -> memref<1x128xi32, #tpu.memory_space<vmem>>
        %dma_wait3A_441 = tpu.memref_squeeze %dma_wait3A_440 : memref<1x128xi32, #tpu.memory_space<vmem>> -> memref<128xi32, #tpu.memory_space<vmem>>
        %dma_wait3A_442 = arith.constant 0 : i32
        %dma_wait3A_443 = arith.constant 0 : i32
        %dma_wait3A_444 = tpu.memref_slice %arg2[%dma_wait3A_442, %dma_wait3A_443] : memref<10000x16xf32, #tpu.memory_space<hbm>> -> memref<10000x16xf32, #tpu.memory_space<hbm>>
        tpu.wait_indirect_dma semaphore(%arg13 : memref<!tpu.dma_semaphore, #tpu.memory_space<semaphore_mem>>) src(%dma_wait3A_444 : memref<10000x16xf32, #tpu.memory_space<hbm>>) dst(%dma_wait3A_438 : memref<128x16xf32, #tpu.memory_space<vmem>>)
        %dma_wait3A_445 = arith.constant 0 : i32
        %dma_wait3A_446 = arith.constant 1 : i32
        %dma_wait3A_447 = arith.constant 2 : i32
        %dma_wait3A_448 = arith.constant 0 : i32
        %dma_wait3A_449 = arith.constant 0 : i32
        %dma_wait3A_450 = tpu.memref_slice %arg8[%dma_wait3A_446, %dma_wait3A_447, %dma_wait3A_448, %dma_wait3A_449] : memref<2x4x128x16xf32, #tpu.memory_space<vmem>> -> memref<1x1x128x16xf32, #tpu.memory_space<vmem>>
        %dma_wait3A_451 = tpu.memref_squeeze %dma_wait3A_450 : memref<1x1x128x16xf32, #tpu.memory_space<vmem>> -> memref<128x16xf32, #tpu.memory_space<vmem>>
        %dma_wait3A_452 = arith.constant 0 : i32
        %dma_wait3A_453 = tpu.memref_slice %arg6[%dma_wait3A_445, %dma_wait3A_452] : memref<80x128xi32, #tpu.memory_space<vmem>> -> memref<1x128xi32, #tpu.memory_space<vmem>>
        %dma_wait3A_454 = tpu.memref_squeeze %dma_wait3A_453 : memref<1x128xi32, #tpu.memory_space<vmem>> -> memref<128xi32, #tpu.memory_space<vmem>>
        %dma_wait3A_455 = arith.constant 0 : i32
        %dma_wait3A_456 = arith.constant 0 : i32
        %dma_wait3A_457 = tpu.memref_slice %arg2[%dma_wait3A_455, %dma_wait3A_456] : memref<10000x16xf32, #tpu.memory_space<hbm>> -> memref<10000x16xf32, #tpu.memory_space<hbm>>
        tpu.wait_indirect_dma semaphore(%arg13 : memref<!tpu.dma_semaphore, #tpu.memory_space<semaphore_mem>>) src(%dma_wait3A_457 : memref<10000x16xf32, #tpu.memory_space<hbm>>) dst(%dma_wait3A_451 : memref<128x16xf32, #tpu.memory_space<vmem>>)
        %dma_wait3A_458 = arith.constant 0 : i32
        %dma_wait3A_459 = arith.constant 1 : i32
        %dma_wait3A_460 = arith.constant 3 : i32
        %dma_wait3A_461 = arith.constant 0 : i32
        %dma_wait3A_462 = arith.constant 0 : i32
        %dma_wait3A_463 = tpu.memref_slice %arg8[%dma_wait3A_459, %dma_wait3A_460, %dma_wait3A_461, %dma_wait3A_462] : memref<2x4x128x16xf32, #tpu.memory_space<vmem>> -> memref<1x1x128x16xf32, #tpu.memory_space<vmem>>
        %dma_wait3A_464 = tpu.memref_squeeze %dma_wait3A_463 : memref<1x1x128x16xf32, #tpu.memory_space<vmem>> -> memref<128x16xf32, #tpu.memory_space<vmem>>
        %dma_wait3A_465 = arith.constant 0 : i32
        %dma_wait3A_466 = tpu.memref_slice %arg6[%dma_wait3A_458, %dma_wait3A_465] : memref<80x128xi32, #tpu.memory_space<vmem>> -> memref<1x128xi32, #tpu.memory_space<vmem>>
        %dma_wait3A_467 = tpu.memref_squeeze %dma_wait3A_466 : memref<1x128xi32, #tpu.memory_space<vmem>> -> memref<128xi32, #tpu.memory_space<vmem>>
        %dma_wait3A_468 = arith.constant 0 : i32
        %dma_wait3A_469 = arith.constant 0 : i32
        %dma_wait3A_470 = tpu.memref_slice %arg2[%dma_wait3A_468, %dma_wait3A_469] : memref<10000x16xf32, #tpu.memory_space<hbm>> -> memref<10000x16xf32, #tpu.memory_space<hbm>>
        tpu.wait_indirect_dma semaphore(%arg13 : memref<!tpu.dma_semaphore, #tpu.memory_space<semaphore_mem>>) src(%dma_wait3A_470 : memref<10000x16xf32, #tpu.memory_space<hbm>>) dst(%dma_wait3A_464 : memref<128x16xf32, #tpu.memory_space<vmem>>)
      } else {
      }
      %add3A_282 = arith.constant 1 : i32
      %add3A_283 = arith.addi %add3A_163, %add3A_282 : i32
      %lt3A = arith.cmpi slt, %add3A_283, %select_n3A : i32
      %convert_element_type3A_284 = arith.extui %lt3A : i1 to i32
      %cond3A_285 = arith.constant 0 : i32
      %cond3A_286 = arith.cmpi ne, %convert_element_type3A_284, %cond3A_285 : i32
      scf.if %cond3A_286 {
        %add3A_419 = arith.constant 1 : i32
        %add3A_420 = arith.addi %add3A_163, %add3A_419 : i32
        %mul3A_421 = arith.constant 4 : i32
        %mul3A_422 = arith.muli %add3A_420, %mul3A_421 : i32
        %add3A_423 = arith.constant 0 : i32
        %add3A_424 = arith.addi %mul3A_422, %add3A_423 : i32
        %dma_start3A_425 = arith.constant 1 : i32
        %dma_start3A_426 = arith.constant 0 : i32
        %dma_start3A_427 = arith.constant 0 : i32
        %dma_start3A_428 = arith.constant 0 : i32
        %dma_start3A_429 = tpu.memref_slice %arg8[%dma_start3A_425, %dma_start3A_426, %dma_start3A_427, %dma_start3A_428] : memref<2x4x128x16xf32, #tpu.memory_space<vmem>> -> memref<1x1x128x16xf32, #tpu.memory_space<vmem>>
        %dma_start3A_430 = tpu.memref_squeeze %dma_start3A_429 : memref<1x1x128x16xf32, #tpu.memory_space<vmem>> -> memref<128x16xf32, #tpu.memory_space<vmem>>
        %dma_start3A_431 = arith.constant 0 : i32
        %dma_start3A_432 = tpu.memref_slice %arg6[%add3A_424, %dma_start3A_431] : memref<80x128xi32, #tpu.memory_space<vmem>> -> memref<1x128xi32, #tpu.memory_space<vmem>>
        %dma_start3A_433 = tpu.memref_squeeze %dma_start3A_432 : memref<1x128xi32, #tpu.memory_space<vmem>> -> memref<128xi32, #tpu.memory_space<vmem>>
        %dma_start3A_434 = arith.constant 0 : i32
        %dma_start3A_435 = arith.constant 0 : i32
        %dma_start3A_436 = tpu.memref_slice %arg11[%dma_start3A_434, %dma_start3A_435] : memref<10000x16xf32, #tpu.memory_space<vmem_shared>> -> memref<10000x16xf32, #tpu.memory_space<vmem_shared>>
        tpu.enqueue_indirect_dma source(%dma_start3A_436 : memref<10000x16xf32, #tpu.memory_space<vmem_shared>>) target(%dma_start3A_430 : memref<128x16xf32, #tpu.memory_space<vmem>>) offsets(%dma_start3A_433 : memref<128xi32, #tpu.memory_space<vmem>>) semaphore(%arg12 : memref<!tpu.dma_semaphore, #tpu.memory_space<semaphore_mem>>)
        %add3A_437 = arith.constant 1 : i32
        %add3A_438 = arith.addi %add3A_163, %add3A_437 : i32
        %mul3A_439 = arith.constant 4 : i32
        %mul3A_440 = arith.muli %add3A_438, %mul3A_439 : i32
        %add3A_441 = arith.constant 1 : i32
        %add3A_442 = arith.addi %mul3A_440, %add3A_441 : i32
        %dma_start3A_443 = arith.constant 1 : i32
        %dma_start3A_444 = arith.constant 1 : i32
        %dma_start3A_445 = arith.constant 0 : i32
        %dma_start3A_446 = arith.constant 0 : i32
        %dma_start3A_447 = tpu.memref_slice %arg8[%dma_start3A_443, %dma_start3A_444, %dma_start3A_445, %dma_start3A_446] : memref<2x4x128x16xf32, #tpu.memory_space<vmem>> -> memref<1x1x128x16xf32, #tpu.memory_space<vmem>>
        %dma_start3A_448 = tpu.memref_squeeze %dma_start3A_447 : memref<1x1x128x16xf32, #tpu.memory_space<vmem>> -> memref<128x16xf32, #tpu.memory_space<vmem>>
        %dma_start3A_449 = arith.constant 0 : i32
        %dma_start3A_450 = tpu.memref_slice %arg6[%add3A_442, %dma_start3A_449] : memref<80x128xi32, #tpu.memory_space<vmem>> -> memref<1x128xi32, #tpu.memory_space<vmem>>
        %dma_start3A_451 = tpu.memref_squeeze %dma_start3A_450 : memref<1x128xi32, #tpu.memory_space<vmem>> -> memref<128xi32, #tpu.memory_space<vmem>>
        %dma_start3A_452 = arith.constant 0 : i32
        %dma_start3A_453 = arith.constant 0 : i32
        %dma_start3A_454 = tpu.memref_slice %arg11[%dma_start3A_452, %dma_start3A_453] : memref<10000x16xf32, #tpu.memory_space<vmem_shared>> -> memref<10000x16xf32, #tpu.memory_space<vmem_shared>>
        tpu.enqueue_indirect_dma source(%dma_start3A_454 : memref<10000x16xf32, #tpu.memory_space<vmem_shared>>) target(%dma_start3A_448 : memref<128x16xf32, #tpu.memory_space<vmem>>) offsets(%dma_start3A_451 : memref<128xi32, #tpu.memory_space<vmem>>) semaphore(%arg12 : memref<!tpu.dma_semaphore, #tpu.memory_space<semaphore_mem>>)
        %add3A_455 = arith.constant 1 : i32
        %add3A_456 = arith.addi %add3A_163, %add3A_455 : i32
        %mul3A_457 = arith.constant 4 : i32
        %mul3A_458 = arith.muli %add3A_456, %mul3A_457 : i32
        %add3A_459 = arith.constant 2 : i32
        %add3A_460 = arith.addi %mul3A_458, %add3A_459 : i32
        %dma_start3A_461 = arith.constant 1 : i32
        %dma_start3A_462 = arith.constant 2 : i32
        %dma_start3A_463 = arith.constant 0 : i32
        %dma_start3A_464 = arith.constant 0 : i32
        %dma_start3A_465 = tpu.memref_slice %arg8[%dma_start3A_461, %dma_start3A_462, %dma_start3A_463, %dma_start3A_464] : memref<2x4x128x16xf32, #tpu.memory_space<vmem>> -> memref<1x1x128x16xf32, #tpu.memory_space<vmem>>
        %dma_start3A_466 = tpu.memref_squeeze %dma_start3A_465 : memref<1x1x128x16xf32, #tpu.memory_space<vmem>> -> memref<128x16xf32, #tpu.memory_space<vmem>>
        %dma_start3A_467 = arith.constant 0 : i32
        %dma_start3A_468 = tpu.memref_slice %arg6[%add3A_460, %dma_start3A_467] : memref<80x128xi32, #tpu.memory_space<vmem>> -> memref<1x128xi32, #tpu.memory_space<vmem>>
        %dma_start3A_469 = tpu.memref_squeeze %dma_start3A_468 : memref<1x128xi32, #tpu.memory_space<vmem>> -> memref<128xi32, #tpu.memory_space<vmem>>
        %dma_start3A_470 = arith.constant 0 : i32
        %dma_start3A_471 = arith.constant 0 : i32
        %dma_start3A_472 = tpu.memref_slice %arg11[%dma_start3A_470, %dma_start3A_471] : memref<10000x16xf32, #tpu.memory_space<vmem_shared>> -> memref<10000x16xf32, #tpu.memory_space<vmem_shared>>
        tpu.enqueue_indirect_dma source(%dma_start3A_472 : memref<10000x16xf32, #tpu.memory_space<vmem_shared>>) target(%dma_start3A_466 : memref<128x16xf32, #tpu.memory_space<vmem>>) offsets(%dma_start3A_469 : memref<128xi32, #tpu.memory_space<vmem>>) semaphore(%arg12 : memref<!tpu.dma_semaphore, #tpu.memory_space<semaphore_mem>>)
        %add3A_473 = arith.constant 1 : i32
        %add3A_474 = arith.addi %add3A_163, %add3A_473 : i32
        %mul3A_475 = arith.constant 4 : i32
        %mul3A_476 = arith.muli %add3A_474, %mul3A_475 : i32
        %add3A_477 = arith.constant 3 : i32
        %add3A_478 = arith.addi %mul3A_476, %add3A_477 : i32
        %dma_start3A_479 = arith.constant 1 : i32
        %dma_start3A_480 = arith.constant 3 : i32
        %dma_start3A_481 = arith.constant 0 : i32
        %dma_start3A_482 = arith.constant 0 : i32
        %dma_start3A_483 = tpu.memref_slice %arg8[%dma_start3A_479, %dma_start3A_480, %dma_start3A_481, %dma_start3A_482] : memref<2x4x128x16xf32, #tpu.memory_space<vmem>> -> memref<1x1x128x16xf32, #tpu.memory_space<vmem>>
        %dma_start3A_484 = tpu.memref_squeeze %dma_start3A_483 : memref<1x1x128x16xf32, #tpu.memory_space<vmem>> -> memref<128x16xf32, #tpu.memory_space<vmem>>
        %dma_start3A_485 = arith.constant 0 : i32
        %dma_start3A_486 = tpu.memref_slice %arg6[%add3A_478, %dma_start3A_485] : memref<80x128xi32, #tpu.memory_space<vmem>> -> memref<1x128xi32, #tpu.memory_space<vmem>>
        %dma_start3A_487 = tpu.memref_squeeze %dma_start3A_486 : memref<1x128xi32, #tpu.memory_space<vmem>> -> memref<128xi32, #tpu.memory_space<vmem>>
        %dma_start3A_488 = arith.constant 0 : i32
        %dma_start3A_489 = arith.constant 0 : i32
        %dma_start3A_490 = tpu.memref_slice %arg11[%dma_start3A_488, %dma_start3A_489] : memref<10000x16xf32, #tpu.memory_space<vmem_shared>> -> memref<10000x16xf32, #tpu.memory_space<vmem_shared>>
        tpu.enqueue_indirect_dma source(%dma_start3A_490 : memref<10000x16xf32, #tpu.memory_space<vmem_shared>>) target(%dma_start3A_484 : memref<128x16xf32, #tpu.memory_space<vmem>>) offsets(%dma_start3A_487 : memref<128xi32, #tpu.memory_space<vmem>>) semaphore(%arg12 : memref<!tpu.dma_semaphore, #tpu.memory_space<semaphore_mem>>)
      } else {
      }
      %mul3A_287 = arith.constant 2 : i32
      %mul3A_288 = arith.muli %while3A_158, %mul3A_287 : i32
      %add3A_289 = arith.constant 1 : i32
      %add3A_290 = arith.addi %mul3A_288, %add3A_289 : i32
      %dma_wait3A_291 = arith.constant 0 : i32
      %dma_wait3A_292 = arith.constant 1 : i32
      %dma_wait3A_293 = arith.constant 0 : i32
      %dma_wait3A_294 = arith.constant 0 : i32
      %dma_wait3A_295 = arith.constant 0 : i32
      %dma_wait3A_296 = tpu.memref_slice %arg8[%dma_wait3A_292, %dma_wait3A_293, %dma_wait3A_294, %dma_wait3A_295] : memref<2x4x128x16xf32, #tpu.memory_space<vmem>> -> memref<1x1x128x16xf32, #tpu.memory_space<vmem>>
      %dma_wait3A_297 = tpu.memref_squeeze %dma_wait3A_296 : memref<1x1x128x16xf32, #tpu.memory_space<vmem>> -> memref<128x16xf32, #tpu.memory_space<vmem>>
      %dma_wait3A_298 = arith.constant 0 : i32
      %dma_wait3A_299 = tpu.memref_slice %arg6[%dma_wait3A_291, %dma_wait3A_298] : memref<80x128xi32, #tpu.memory_space<vmem>> -> memref<1x128xi32, #tpu.memory_space<vmem>>
      %dma_wait3A_300 = tpu.memref_squeeze %dma_wait3A_299 : memref<1x128xi32, #tpu.memory_space<vmem>> -> memref<128xi32, #tpu.memory_space<vmem>>
      %dma_wait3A_301 = arith.constant 0 : i32
      %dma_wait3A_302 = arith.constant 0 : i32
      %dma_wait3A_303 = tpu.memref_slice %arg2[%dma_wait3A_301, %dma_wait3A_302] : memref<10000x16xf32, #tpu.memory_space<hbm>> -> memref<10000x16xf32, #tpu.memory_space<hbm>>
      tpu.wait_indirect_dma semaphore(%arg12 : memref<!tpu.dma_semaphore, #tpu.memory_space<semaphore_mem>>) src(%dma_wait3A_303 : memref<10000x16xf32, #tpu.memory_space<hbm>>) dst(%dma_wait3A_297 : memref<128x16xf32, #tpu.memory_space<vmem>>)
      %dma_wait3A_304 = arith.constant 0 : i32
      %dma_wait3A_305 = arith.constant 1 : i32
      %dma_wait3A_306 = arith.constant 1 : i32
      %dma_wait3A_307 = arith.constant 0 : i32
      %dma_wait3A_308 = arith.constant 0 : i32
      %dma_wait3A_309 = tpu.memref_slice %arg8[%dma_wait3A_305, %dma_wait3A_306, %dma_wait3A_307, %dma_wait3A_308] : memref<2x4x128x16xf32, #tpu.memory_space<vmem>> -> memref<1x1x128x16xf32, #tpu.memory_space<vmem>>
      %dma_wait3A_310 = tpu.memref_squeeze %dma_wait3A_309 : memref<1x1x128x16xf32, #tpu.memory_space<vmem>> -> memref<128x16xf32, #tpu.memory_space<vmem>>
      %dma_wait3A_311 = arith.constant 0 : i32
      %dma_wait3A_312 = tpu.memref_slice %arg6[%dma_wait3A_304, %dma_wait3A_311] : memref<80x128xi32, #tpu.memory_space<vmem>> -> memref<1x128xi32, #tpu.memory_space<vmem>>
      %dma_wait3A_313 = tpu.memref_squeeze %dma_wait3A_312 : memref<1x128xi32, #tpu.memory_space<vmem>> -> memref<128xi32, #tpu.memory_space<vmem>>
      %dma_wait3A_314 = arith.constant 0 : i32
      %dma_wait3A_315 = arith.constant 0 : i32
      %dma_wait3A_316 = tpu.memref_slice %arg2[%dma_wait3A_314, %dma_wait3A_315] : memref<10000x16xf32, #tpu.memory_space<hbm>> -> memref<10000x16xf32, #tpu.memory_space<hbm>>
      tpu.wait_indirect_dma semaphore(%arg12 : memref<!tpu.dma_semaphore, #tpu.memory_space<semaphore_mem>>) src(%dma_wait3A_316 : memref<10000x16xf32, #tpu.memory_space<hbm>>) dst(%dma_wait3A_310 : memref<128x16xf32, #tpu.memory_space<vmem>>)
      %dma_wait3A_317 = arith.constant 0 : i32
      %dma_wait3A_318 = arith.constant 1 : i32
      %dma_wait3A_319 = arith.constant 2 : i32
      %dma_wait3A_320 = arith.constant 0 : i32
      %dma_wait3A_321 = arith.constant 0 : i32
      %dma_wait3A_322 = tpu.memref_slice %arg8[%dma_wait3A_318, %dma_wait3A_319, %dma_wait3A_320, %dma_wait3A_321] : memref<2x4x128x16xf32, #tpu.memory_space<vmem>> -> memref<1x1x128x16xf32, #tpu.memory_space<vmem>>
      %dma_wait3A_323 = tpu.memref_squeeze %dma_wait3A_322 : memref<1x1x128x16xf32, #tpu.memory_space<vmem>> -> memref<128x16xf32, #tpu.memory_space<vmem>>
      %dma_wait3A_324 = arith.constant 0 : i32
      %dma_wait3A_325 = tpu.memref_slice %arg6[%dma_wait3A_317, %dma_wait3A_324] : memref<80x128xi32, #tpu.memory_space<vmem>> -> memref<1x128xi32, #tpu.memory_space<vmem>>
      %dma_wait3A_326 = tpu.memref_squeeze %dma_wait3A_325 : memref<1x128xi32, #tpu.memory_space<vmem>> -> memref<128xi32, #tpu.memory_space<vmem>>
      %dma_wait3A_327 = arith.constant 0 : i32
      %dma_wait3A_328 = arith.constant 0 : i32
      %dma_wait3A_329 = tpu.memref_slice %arg2[%dma_wait3A_327, %dma_wait3A_328] : memref<10000x16xf32, #tpu.memory_space<hbm>> -> memref<10000x16xf32, #tpu.memory_space<hbm>>
      tpu.wait_indirect_dma semaphore(%arg12 : memref<!tpu.dma_semaphore, #tpu.memory_space<semaphore_mem>>) src(%dma_wait3A_329 : memref<10000x16xf32, #tpu.memory_space<hbm>>) dst(%dma_wait3A_323 : memref<128x16xf32, #tpu.memory_space<vmem>>)
      %dma_wait3A_330 = arith.constant 0 : i32
      %dma_wait3A_331 = arith.constant 1 : i32
      %dma_wait3A_332 = arith.constant 3 : i32
      %dma_wait3A_333 = arith.constant 0 : i32
      %dma_wait3A_334 = arith.constant 0 : i32
      %dma_wait3A_335 = tpu.memref_slice %arg8[%dma_wait3A_331, %dma_wait3A_332, %dma_wait3A_333, %dma_wait3A_334] : memref<2x4x128x16xf32, #tpu.memory_space<vmem>> -> memref<1x1x128x16xf32, #tpu.memory_space<vmem>>
      %dma_wait3A_336 = tpu.memref_squeeze %dma_wait3A_335 : memref<1x1x128x16xf32, #tpu.memory_space<vmem>> -> memref<128x16xf32, #tpu.memory_space<vmem>>
      %dma_wait3A_337 = arith.constant 0 : i32
      %dma_wait3A_338 = tpu.memref_slice %arg6[%dma_wait3A_330, %dma_wait3A_337] : memref<80x128xi32, #tpu.memory_space<vmem>> -> memref<1x128xi32, #tpu.memory_space<vmem>>
      %dma_wait3A_339 = tpu.memref_squeeze %dma_wait3A_338 : memref<1x128xi32, #tpu.memory_space<vmem>> -> memref<128xi32, #tpu.memory_space<vmem>>
      %dma_wait3A_340 = arith.constant 0 : i32
      %dma_wait3A_341 = arith.constant 0 : i32
      %dma_wait3A_342 = tpu.memref_slice %arg2[%dma_wait3A_340, %dma_wait3A_341] : memref<10000x16xf32, #tpu.memory_space<hbm>> -> memref<10000x16xf32, #tpu.memory_space<hbm>>
      tpu.wait_indirect_dma semaphore(%arg12 : memref<!tpu.dma_semaphore, #tpu.memory_space<semaphore_mem>>) src(%dma_wait3A_342 : memref<10000x16xf32, #tpu.memory_space<hbm>>) dst(%dma_wait3A_336 : memref<128x16xf32, #tpu.memory_space<vmem>>)
      %mul3A_343 = arith.constant 4 : i32
      %mul3A_344 = arith.muli %add3A_290, %mul3A_343 : i32
      %add3A_345 = arith.constant 0 : i32
      %add3A_346 = arith.addi %mul3A_344, %add3A_345 : i32
      %dma_start3A_347 = arith.constant 1 : i32
      %dma_start3A_348 = arith.constant 0 : i32
      %dma_start3A_349 = arith.constant 0 : i32
      %dma_start3A_350 = arith.constant 0 : i32
      %dma_start3A_351 = tpu.memref_slice %arg8[%dma_start3A_347, %dma_start3A_348, %dma_start3A_349, %dma_start3A_350] : memref<2x4x128x16xf32, #tpu.memory_space<vmem>> -> memref<1x1x128x16xf32, #tpu.memory_space<vmem>>
      %dma_start3A_352 = tpu.memref_squeeze %dma_start3A_351 : memref<1x1x128x16xf32, #tpu.memory_space<vmem>> -> memref<128x16xf32, #tpu.memory_space<vmem>>
      %dma_start3A_353 = arith.constant 0 : i32
      %dma_start3A_354 = tpu.memref_slice %arg7[%add3A_346, %dma_start3A_353] : memref<80x128xi32, #tpu.memory_space<vmem>> -> memref<1x128xi32, #tpu.memory_space<vmem>>
      %dma_start3A_355 = tpu.memref_squeeze %dma_start3A_354 : memref<1x128xi32, #tpu.memory_space<vmem>> -> memref<128xi32, #tpu.memory_space<vmem>>
      %dma_start3A_356 = arith.constant 0 : i32
      %dma_start3A_357 = arith.constant 0 : i32
      %dma_start3A_358 = tpu.memref_slice %arg10[%dma_start3A_356, %dma_start3A_357] : memref<10240x16xf32, #tpu.memory_space<vmem_shared>> -> memref<10240x16xf32, #tpu.memory_space<vmem_shared>>
      tpu.enqueue_indirect_dma source(%dma_start3A_352 : memref<128x16xf32, #tpu.memory_space<vmem>>) target(%dma_start3A_358 : memref<10240x16xf32, #tpu.memory_space<vmem_shared>>) offsets(%dma_start3A_355 : memref<128xi32, #tpu.memory_space<vmem>>) semaphore(%arg13 : memref<!tpu.dma_semaphore, #tpu.memory_space<semaphore_mem>>) {add = true}
      %mul3A_359 = arith.constant 4 : i32
      %mul3A_360 = arith.muli %add3A_290, %mul3A_359 : i32
      %add3A_361 = arith.constant 1 : i32
      %add3A_362 = arith.addi %mul3A_360, %add3A_361 : i32
      %dma_start3A_363 = arith.constant 1 : i32
      %dma_start3A_364 = arith.constant 1 : i32
      %dma_start3A_365 = arith.constant 0 : i32
      %dma_start3A_366 = arith.constant 0 : i32
      %dma_start3A_367 = tpu.memref_slice %arg8[%dma_start3A_363, %dma_start3A_364, %dma_start3A_365, %dma_start3A_366] : memref<2x4x128x16xf32, #tpu.memory_space<vmem>> -> memref<1x1x128x16xf32, #tpu.memory_space<vmem>>
      %dma_start3A_368 = tpu.memref_squeeze %dma_start3A_367 : memref<1x1x128x16xf32, #tpu.memory_space<vmem>> -> memref<128x16xf32, #tpu.memory_space<vmem>>
      %dma_start3A_369 = arith.constant 0 : i32
      %dma_start3A_370 = tpu.memref_slice %arg7[%add3A_362, %dma_start3A_369] : memref<80x128xi32, #tpu.memory_space<vmem>> -> memref<1x128xi32, #tpu.memory_space<vmem>>
      %dma_start3A_371 = tpu.memref_squeeze %dma_start3A_370 : memref<1x128xi32, #tpu.memory_space<vmem>> -> memref<128xi32, #tpu.memory_space<vmem>>
      %dma_start3A_372 = arith.constant 0 : i32
      %dma_start3A_373 = arith.constant 0 : i32
      %dma_start3A_374 = tpu.memref_slice %arg10[%dma_start3A_372, %dma_start3A_373] : memref<10240x16xf32, #tpu.memory_space<vmem_shared>> -> memref<10240x16xf32, #tpu.memory_space<vmem_shared>>
      tpu.enqueue_indirect_dma source(%dma_start3A_368 : memref<128x16xf32, #tpu.memory_space<vmem>>) target(%dma_start3A_374 : memref<10240x16xf32, #tpu.memory_space<vmem_shared>>) offsets(%dma_start3A_371 : memref<128xi32, #tpu.memory_space<vmem>>) semaphore(%arg13 : memref<!tpu.dma_semaphore, #tpu.memory_space<semaphore_mem>>) {add = true}
      %mul3A_375 = arith.constant 4 : i32
      %mul3A_376 = arith.muli %add3A_290, %mul3A_375 : i32
      %add3A_377 = arith.constant 2 : i32
      %add3A_378 = arith.addi %mul3A_376, %add3A_377 : i32
      %dma_start3A_379 = arith.constant 1 : i32
      %dma_start3A_380 = arith.constant 2 : i32
      %dma_start3A_381 = arith.constant 0 : i32
      %dma_start3A_382 = arith.constant 0 : i32
      %dma_start3A_383 = tpu.memref_slice %arg8[%dma_start3A_379, %dma_start3A_380, %dma_start3A_381, %dma_start3A_382] : memref<2x4x128x16xf32, #tpu.memory_space<vmem>> -> memref<1x1x128x16xf32, #tpu.memory_space<vmem>>
      %dma_start3A_384 = tpu.memref_squeeze %dma_start3A_383 : memref<1x1x128x16xf32, #tpu.memory_space<vmem>> -> memref<128x16xf32, #tpu.memory_space<vmem>>
      %dma_start3A_385 = arith.constant 0 : i32
      %dma_start3A_386 = tpu.memref_slice %arg7[%add3A_378, %dma_start3A_385] : memref<80x128xi32, #tpu.memory_space<vmem>> -> memref<1x128xi32, #tpu.memory_space<vmem>>
      %dma_start3A_387 = tpu.memref_squeeze %dma_start3A_386 : memref<1x128xi32, #tpu.memory_space<vmem>> -> memref<128xi32, #tpu.memory_space<vmem>>
      %dma_start3A_388 = arith.constant 0 : i32
      %dma_start3A_389 = arith.constant 0 : i32
      %dma_start3A_390 = tpu.memref_slice %arg10[%dma_start3A_388, %dma_start3A_389] : memref<10240x16xf32, #tpu.memory_space<vmem_shared>> -> memref<10240x16xf32, #tpu.memory_space<vmem_shared>>
      tpu.enqueue_indirect_dma source(%dma_start3A_384 : memref<128x16xf32, #tpu.memory_space<vmem>>) target(%dma_start3A_390 : memref<10240x16xf32, #tpu.memory_space<vmem_shared>>) offsets(%dma_start3A_387 : memref<128xi32, #tpu.memory_space<vmem>>) semaphore(%arg13 : memref<!tpu.dma_semaphore, #tpu.memory_space<semaphore_mem>>) {add = true}
      %mul3A_391 = arith.constant 4 : i32
      %mul3A_392 = arith.muli %add3A_290, %mul3A_391 : i32
      %add3A_393 = arith.constant 3 : i32
      %add3A_394 = arith.addi %mul3A_392, %add3A_393 : i32
      %dma_start3A_395 = arith.constant 1 : i32
      %dma_start3A_396 = arith.constant 3 : i32
      %dma_start3A_397 = arith.constant 0 : i32
      %dma_start3A_398 = arith.constant 0 : i32
      %dma_start3A_399 = tpu.memref_slice %arg8[%dma_start3A_395, %dma_start3A_396, %dma_start3A_397, %dma_start3A_398] : memref<2x4x128x16xf32, #tpu.memory_space<vmem>> -> memref<1x1x128x16xf32, #tpu.memory_space<vmem>>
      %dma_start3A_400 = tpu.memref_squeeze %dma_start3A_399 : memref<1x1x128x16xf32, #tpu.memory_space<vmem>> -> memref<128x16xf32, #tpu.memory_space<vmem>>
      %dma_start3A_401 = arith.constant 0 : i32
      %dma_start3A_402 = tpu.memref_slice %arg7[%add3A_394, %dma_start3A_401] : memref<80x128xi32, #tpu.memory_space<vmem>> -> memref<1x128xi32, #tpu.memory_space<vmem>>
      %dma_start3A_403 = tpu.memref_squeeze %dma_start3A_402 : memref<1x128xi32, #tpu.memory_space<vmem>> -> memref<128xi32, #tpu.memory_space<vmem>>
      %dma_start3A_404 = arith.constant 0 : i32
      %dma_start3A_405 = arith.constant 0 : i32
      %dma_start3A_406 = tpu.memref_slice %arg10[%dma_start3A_404, %dma_start3A_405] : memref<10240x16xf32, #tpu.memory_space<vmem_shared>> -> memref<10240x16xf32, #tpu.memory_space<vmem_shared>>
      tpu.enqueue_indirect_dma source(%dma_start3A_400 : memref<128x16xf32, #tpu.memory_space<vmem>>) target(%dma_start3A_406 : memref<10240x16xf32, #tpu.memory_space<vmem_shared>>) offsets(%dma_start3A_403 : memref<128xi32, #tpu.memory_space<vmem>>) semaphore(%arg13 : memref<!tpu.dma_semaphore, #tpu.memory_space<semaphore_mem>>) {add = true}
      %ge3A_407 = arith.constant 1 : i32
      %ge3A_408 = arith.cmpi sge, %add3A_290, %ge3A_407 : i32
      %convert_element_type3A_409 = arith.extui %ge3A_408 : i1 to i32
      %cond3A_410 = arith.constant 0 : i32
      %cond3A_411 = arith.cmpi ne, %convert_element_type3A_409, %cond3A_410 : i32
      scf.if %cond3A_411 {
        %dma_wait3A_419 = arith.constant 0 : i32
        %dma_wait3A_420 = arith.constant 0 : i32
        %dma_wait3A_421 = arith.constant 0 : i32
        %dma_wait3A_422 = arith.constant 0 : i32
        %dma_wait3A_423 = arith.constant 0 : i32
        %dma_wait3A_424 = tpu.memref_slice %arg8[%dma_wait3A_420, %dma_wait3A_421, %dma_wait3A_422, %dma_wait3A_423] : memref<2x4x128x16xf32, #tpu.memory_space<vmem>> -> memref<1x1x128x16xf32, #tpu.memory_space<vmem>>
        %dma_wait3A_425 = tpu.memref_squeeze %dma_wait3A_424 : memref<1x1x128x16xf32, #tpu.memory_space<vmem>> -> memref<128x16xf32, #tpu.memory_space<vmem>>
        %dma_wait3A_426 = arith.constant 0 : i32
        %dma_wait3A_427 = tpu.memref_slice %arg6[%dma_wait3A_419, %dma_wait3A_426] : memref<80x128xi32, #tpu.memory_space<vmem>> -> memref<1x128xi32, #tpu.memory_space<vmem>>
        %dma_wait3A_428 = tpu.memref_squeeze %dma_wait3A_427 : memref<1x128xi32, #tpu.memory_space<vmem>> -> memref<128xi32, #tpu.memory_space<vmem>>
        %dma_wait3A_429 = arith.constant 0 : i32
        %dma_wait3A_430 = arith.constant 0 : i32
        %dma_wait3A_431 = tpu.memref_slice %arg2[%dma_wait3A_429, %dma_wait3A_430] : memref<10000x16xf32, #tpu.memory_space<hbm>> -> memref<10000x16xf32, #tpu.memory_space<hbm>>
        tpu.wait_indirect_dma semaphore(%arg13 : memref<!tpu.dma_semaphore, #tpu.memory_space<semaphore_mem>>) src(%dma_wait3A_431 : memref<10000x16xf32, #tpu.memory_space<hbm>>) dst(%dma_wait3A_425 : memref<128x16xf32, #tpu.memory_space<vmem>>)
        %dma_wait3A_432 = arith.constant 0 : i32
        %dma_wait3A_433 = arith.constant 0 : i32
        %dma_wait3A_434 = arith.constant 1 : i32
        %dma_wait3A_435 = arith.constant 0 : i32
        %dma_wait3A_436 = arith.constant 0 : i32
        %dma_wait3A_437 = tpu.memref_slice %arg8[%dma_wait3A_433, %dma_wait3A_434, %dma_wait3A_435, %dma_wait3A_436] : memref<2x4x128x16xf32, #tpu.memory_space<vmem>> -> memref<1x1x128x16xf32, #tpu.memory_space<vmem>>
        %dma_wait3A_438 = tpu.memref_squeeze %dma_wait3A_437 : memref<1x1x128x16xf32, #tpu.memory_space<vmem>> -> memref<128x16xf32, #tpu.memory_space<vmem>>
        %dma_wait3A_439 = arith.constant 0 : i32
        %dma_wait3A_440 = tpu.memref_slice %arg6[%dma_wait3A_432, %dma_wait3A_439] : memref<80x128xi32, #tpu.memory_space<vmem>> -> memref<1x128xi32, #tpu.memory_space<vmem>>
        %dma_wait3A_441 = tpu.memref_squeeze %dma_wait3A_440 : memref<1x128xi32, #tpu.memory_space<vmem>> -> memref<128xi32, #tpu.memory_space<vmem>>
        %dma_wait3A_442 = arith.constant 0 : i32
        %dma_wait3A_443 = arith.constant 0 : i32
        %dma_wait3A_444 = tpu.memref_slice %arg2[%dma_wait3A_442, %dma_wait3A_443] : memref<10000x16xf32, #tpu.memory_space<hbm>> -> memref<10000x16xf32, #tpu.memory_space<hbm>>
        tpu.wait_indirect_dma semaphore(%arg13 : memref<!tpu.dma_semaphore, #tpu.memory_space<semaphore_mem>>) src(%dma_wait3A_444 : memref<10000x16xf32, #tpu.memory_space<hbm>>) dst(%dma_wait3A_438 : memref<128x16xf32, #tpu.memory_space<vmem>>)
        %dma_wait3A_445 = arith.constant 0 : i32
        %dma_wait3A_446 = arith.constant 0 : i32
        %dma_wait3A_447 = arith.constant 2 : i32
        %dma_wait3A_448 = arith.constant 0 : i32
        %dma_wait3A_449 = arith.constant 0 : i32
        %dma_wait3A_450 = tpu.memref_slice %arg8[%dma_wait3A_446, %dma_wait3A_447, %dma_wait3A_448, %dma_wait3A_449] : memref<2x4x128x16xf32, #tpu.memory_space<vmem>> -> memref<1x1x128x16xf32, #tpu.memory_space<vmem>>
        %dma_wait3A_451 = tpu.memref_squeeze %dma_wait3A_450 : memref<1x1x128x16xf32, #tpu.memory_space<vmem>> -> memref<128x16xf32, #tpu.memory_space<vmem>>
        %dma_wait3A_452 = arith.constant 0 : i32
        %dma_wait3A_453 = tpu.memref_slice %arg6[%dma_wait3A_445, %dma_wait3A_452] : memref<80x128xi32, #tpu.memory_space<vmem>> -> memref<1x128xi32, #tpu.memory_space<vmem>>
        %dma_wait3A_454 = tpu.memref_squeeze %dma_wait3A_453 : memref<1x128xi32, #tpu.memory_space<vmem>> -> memref<128xi32, #tpu.memory_space<vmem>>
        %dma_wait3A_455 = arith.constant 0 : i32
        %dma_wait3A_456 = arith.constant 0 : i32
        %dma_wait3A_457 = tpu.memref_slice %arg2[%dma_wait3A_455, %dma_wait3A_456] : memref<10000x16xf32, #tpu.memory_space<hbm>> -> memref<10000x16xf32, #tpu.memory_space<hbm>>
        tpu.wait_indirect_dma semaphore(%arg13 : memref<!tpu.dma_semaphore, #tpu.memory_space<semaphore_mem>>) src(%dma_wait3A_457 : memref<10000x16xf32, #tpu.memory_space<hbm>>) dst(%dma_wait3A_451 : memref<128x16xf32, #tpu.memory_space<vmem>>)
        %dma_wait3A_458 = arith.constant 0 : i32
        %dma_wait3A_459 = arith.constant 0 : i32
        %dma_wait3A_460 = arith.constant 3 : i32
        %dma_wait3A_461 = arith.constant 0 : i32
        %dma_wait3A_462 = arith.constant 0 : i32
        %dma_wait3A_463 = tpu.memref_slice %arg8[%dma_wait3A_459, %dma_wait3A_460, %dma_wait3A_461, %dma_wait3A_462] : memref<2x4x128x16xf32, #tpu.memory_space<vmem>> -> memref<1x1x128x16xf32, #tpu.memory_space<vmem>>
        %dma_wait3A_464 = tpu.memref_squeeze %dma_wait3A_463 : memref<1x1x128x16xf32, #tpu.memory_space<vmem>> -> memref<128x16xf32, #tpu.memory_space<vmem>>
        %dma_wait3A_465 = arith.constant 0 : i32
        %dma_wait3A_466 = tpu.memref_slice %arg6[%dma_wait3A_458, %dma_wait3A_465] : memref<80x128xi32, #tpu.memory_space<vmem>> -> memref<1x128xi32, #tpu.memory_space<vmem>>
        %dma_wait3A_467 = tpu.memref_squeeze %dma_wait3A_466 : memref<1x128xi32, #tpu.memory_space<vmem>> -> memref<128xi32, #tpu.memory_space<vmem>>
        %dma_wait3A_468 = arith.constant 0 : i32
        %dma_wait3A_469 = arith.constant 0 : i32
        %dma_wait3A_470 = tpu.memref_slice %arg2[%dma_wait3A_468, %dma_wait3A_469] : memref<10000x16xf32, #tpu.memory_space<hbm>> -> memref<10000x16xf32, #tpu.memory_space<hbm>>
        tpu.wait_indirect_dma semaphore(%arg13 : memref<!tpu.dma_semaphore, #tpu.memory_space<semaphore_mem>>) src(%dma_wait3A_470 : memref<10000x16xf32, #tpu.memory_space<hbm>>) dst(%dma_wait3A_464 : memref<128x16xf32, #tpu.memory_space<vmem>>)
      } else {
      }
      %add3A_412 = arith.constant 1 : i32
      %add3A_413 = arith.addi %add3A_290, %add3A_412 : i32
      %lt3A_414 = arith.cmpi slt, %add3A_413, %select_n3A : i32
      %convert_element_type3A_415 = arith.extui %lt3A_414 : i1 to i32
      %cond3A_416 = arith.constant 0 : i32
      %cond3A_417 = arith.cmpi ne, %convert_element_type3A_415, %cond3A_416 : i32
      scf.if %cond3A_417 {
        %add3A_419 = arith.constant 1 : i32
        %add3A_420 = arith.addi %add3A_290, %add3A_419 : i32
        %mul3A_421 = arith.constant 4 : i32
        %mul3A_422 = arith.muli %add3A_420, %mul3A_421 : i32
        %add3A_423 = arith.constant 0 : i32
        %add3A_424 = arith.addi %mul3A_422, %add3A_423 : i32
        %dma_start3A_425 = arith.constant 0 : i32
        %dma_start3A_426 = arith.constant 0 : i32
        %dma_start3A_427 = arith.constant 0 : i32
        %dma_start3A_428 = arith.constant 0 : i32
        %dma_start3A_429 = tpu.memref_slice %arg8[%dma_start3A_425, %dma_start3A_426, %dma_start3A_427, %dma_start3A_428] : memref<2x4x128x16xf32, #tpu.memory_space<vmem>> -> memref<1x1x128x16xf32, #tpu.memory_space<vmem>>
        %dma_start3A_430 = tpu.memref_squeeze %dma_start3A_429 : memref<1x1x128x16xf32, #tpu.memory_space<vmem>> -> memref<128x16xf32, #tpu.memory_space<vmem>>
        %dma_start3A_431 = arith.constant 0 : i32
        %dma_start3A_432 = tpu.memref_slice %arg6[%add3A_424, %dma_start3A_431] : memref<80x128xi32, #tpu.memory_space<vmem>> -> memref<1x128xi32, #tpu.memory_space<vmem>>
        %dma_start3A_433 = tpu.memref_squeeze %dma_start3A_432 : memref<1x128xi32, #tpu.memory_space<vmem>> -> memref<128xi32, #tpu.memory_space<vmem>>
        %dma_start3A_434 = arith.constant 0 : i32
        %dma_start3A_435 = arith.constant 0 : i32
        %dma_start3A_436 = tpu.memref_slice %arg11[%dma_start3A_434, %dma_start3A_435] : memref<10000x16xf32, #tpu.memory_space<vmem_shared>> -> memref<10000x16xf32, #tpu.memory_space<vmem_shared>>
        tpu.enqueue_indirect_dma source(%dma_start3A_436 : memref<10000x16xf32, #tpu.memory_space<vmem_shared>>) target(%dma_start3A_430 : memref<128x16xf32, #tpu.memory_space<vmem>>) offsets(%dma_start3A_433 : memref<128xi32, #tpu.memory_space<vmem>>) semaphore(%arg12 : memref<!tpu.dma_semaphore, #tpu.memory_space<semaphore_mem>>)
        %add3A_437 = arith.constant 1 : i32
        %add3A_438 = arith.addi %add3A_290, %add3A_437 : i32
        %mul3A_439 = arith.constant 4 : i32
        %mul3A_440 = arith.muli %add3A_438, %mul3A_439 : i32
        %add3A_441 = arith.constant 1 : i32
        %add3A_442 = arith.addi %mul3A_440, %add3A_441 : i32
        %dma_start3A_443 = arith.constant 0 : i32
        %dma_start3A_444 = arith.constant 1 : i32
        %dma_start3A_445 = arith.constant 0 : i32
        %dma_start3A_446 = arith.constant 0 : i32
        %dma_start3A_447 = tpu.memref_slice %arg8[%dma_start3A_443, %dma_start3A_444, %dma_start3A_445, %dma_start3A_446] : memref<2x4x128x16xf32, #tpu.memory_space<vmem>> -> memref<1x1x128x16xf32, #tpu.memory_space<vmem>>
        %dma_start3A_448 = tpu.memref_squeeze %dma_start3A_447 : memref<1x1x128x16xf32, #tpu.memory_space<vmem>> -> memref<128x16xf32, #tpu.memory_space<vmem>>
        %dma_start3A_449 = arith.constant 0 : i32
        %dma_start3A_450 = tpu.memref_slice %arg6[%add3A_442, %dma_start3A_449] : memref<80x128xi32, #tpu.memory_space<vmem>> -> memref<1x128xi32, #tpu.memory_space<vmem>>
        %dma_start3A_451 = tpu.memref_squeeze %dma_start3A_450 : memref<1x128xi32, #tpu.memory_space<vmem>> -> memref<128xi32, #tpu.memory_space<vmem>>
        %dma_start3A_452 = arith.constant 0 : i32
        %dma_start3A_453 = arith.constant 0 : i32
        %dma_start3A_454 = tpu.memref_slice %arg11[%dma_start3A_452, %dma_start3A_453] : memref<10000x16xf32, #tpu.memory_space<vmem_shared>> -> memref<10000x16xf32, #tpu.memory_space<vmem_shared>>
        tpu.enqueue_indirect_dma source(%dma_start3A_454 : memref<10000x16xf32, #tpu.memory_space<vmem_shared>>) target(%dma_start3A_448 : memref<128x16xf32, #tpu.memory_space<vmem>>) offsets(%dma_start3A_451 : memref<128xi32, #tpu.memory_space<vmem>>) semaphore(%arg12 : memref<!tpu.dma_semaphore, #tpu.memory_space<semaphore_mem>>)
        %add3A_455 = arith.constant 1 : i32
        %add3A_456 = arith.addi %add3A_290, %add3A_455 : i32
        %mul3A_457 = arith.constant 4 : i32
        %mul3A_458 = arith.muli %add3A_456, %mul3A_457 : i32
        %add3A_459 = arith.constant 2 : i32
        %add3A_460 = arith.addi %mul3A_458, %add3A_459 : i32
        %dma_start3A_461 = arith.constant 0 : i32
        %dma_start3A_462 = arith.constant 2 : i32
        %dma_start3A_463 = arith.constant 0 : i32
        %dma_start3A_464 = arith.constant 0 : i32
        %dma_start3A_465 = tpu.memref_slice %arg8[%dma_start3A_461, %dma_start3A_462, %dma_start3A_463, %dma_start3A_464] : memref<2x4x128x16xf32, #tpu.memory_space<vmem>> -> memref<1x1x128x16xf32, #tpu.memory_space<vmem>>
        %dma_start3A_466 = tpu.memref_squeeze %dma_start3A_465 : memref<1x1x128x16xf32, #tpu.memory_space<vmem>> -> memref<128x16xf32, #tpu.memory_space<vmem>>
        %dma_start3A_467 = arith.constant 0 : i32
        %dma_start3A_468 = tpu.memref_slice %arg6[%add3A_460, %dma_start3A_467] : memref<80x128xi32, #tpu.memory_space<vmem>> -> memref<1x128xi32, #tpu.memory_space<vmem>>
        %dma_start3A_469 = tpu.memref_squeeze %dma_start3A_468 : memref<1x128xi32, #tpu.memory_space<vmem>> -> memref<128xi32, #tpu.memory_space<vmem>>
        %dma_start3A_470 = arith.constant 0 : i32
        %dma_start3A_471 = arith.constant 0 : i32
        %dma_start3A_472 = tpu.memref_slice %arg11[%dma_start3A_470, %dma_start3A_471] : memref<10000x16xf32, #tpu.memory_space<vmem_shared>> -> memref<10000x16xf32, #tpu.memory_space<vmem_shared>>
        tpu.enqueue_indirect_dma source(%dma_start3A_472 : memref<10000x16xf32, #tpu.memory_space<vmem_shared>>) target(%dma_start3A_466 : memref<128x16xf32, #tpu.memory_space<vmem>>) offsets(%dma_start3A_469 : memref<128xi32, #tpu.memory_space<vmem>>) semaphore(%arg12 : memref<!tpu.dma_semaphore, #tpu.memory_space<semaphore_mem>>)
        %add3A_473 = arith.constant 1 : i32
        %add3A_474 = arith.addi %add3A_290, %add3A_473 : i32
        %mul3A_475 = arith.constant 4 : i32
        %mul3A_476 = arith.muli %add3A_474, %mul3A_475 : i32
        %add3A_477 = arith.constant 3 : i32
        %add3A_478 = arith.addi %mul3A_476, %add3A_477 : i32
        %dma_start3A_479 = arith.constant 0 : i32
        %dma_start3A_480 = arith.constant 3 : i32
        %dma_start3A_481 = arith.constant 0 : i32
        %dma_start3A_482 = arith.constant 0 : i32
        %dma_start3A_483 = tpu.memref_slice %arg8[%dma_start3A_479, %dma_start3A_480, %dma_start3A_481, %dma_start3A_482] : memref<2x4x128x16xf32, #tpu.memory_space<vmem>> -> memref<1x1x128x16xf32, #tpu.memory_space<vmem>>
        %dma_start3A_484 = tpu.memref_squeeze %dma_start3A_483 : memref<1x1x128x16xf32, #tpu.memory_space<vmem>> -> memref<128x16xf32, #tpu.memory_space<vmem>>
        %dma_start3A_485 = arith.constant 0 : i32
        %dma_start3A_486 = tpu.memref_slice %arg6[%add3A_478, %dma_start3A_485] : memref<80x128xi32, #tpu.memory_space<vmem>> -> memref<1x128xi32, #tpu.memory_space<vmem>>
        %dma_start3A_487 = tpu.memref_squeeze %dma_start3A_486 : memref<1x128xi32, #tpu.memory_space<vmem>> -> memref<128xi32, #tpu.memory_space<vmem>>
        %dma_start3A_488 = arith.constant 0 : i32
        %dma_start3A_489 = arith.constant 0 : i32
        %dma_start3A_490 = tpu.memref_slice %arg11[%dma_start3A_488, %dma_start3A_489] : memref<10000x16xf32, #tpu.memory_space<vmem_shared>> -> memref<10000x16xf32, #tpu.memory_space<vmem_shared>>
        tpu.enqueue_indirect_dma source(%dma_start3A_490 : memref<10000x16xf32, #tpu.memory_space<vmem_shared>>) target(%dma_start3A_484 : memref<128x16xf32, #tpu.memory_space<vmem>>) offsets(%dma_start3A_487 : memref<128xi32, #tpu.memory_space<vmem>>) semaphore(%arg12 : memref<!tpu.dma_semaphore, #tpu.memory_space<semaphore_mem>>)
      } else {
      }
      %while3A_418 = arith.constant 0 : i32
      scf.yield %while3A_418 : i32
    }
    %while3A_100 = arith.constant 1 : i32
    %while3A_101 = scf.for %while3A_158 = %while3A_97 to %while3A_93 step %while3A_100 iter_args(%while3A_159 = %while3A_99) -> (i32)  : i32 {
      %mul3A_160 = arith.constant 2 : i32
      %mul3A_161 = arith.muli %while3A_158, %mul3A_160 : i32
      %add3A_162 = arith.constant 0 : i32
      %add3A_163 = arith.addi %mul3A_161, %add3A_162 : i32
      %dma_wait3A_164 = arith.constant 0 : i32
      %dma_wait3A_165 = arith.constant 0 : i32
      %dma_wait3A_166 = arith.constant 0 : i32
      %dma_wait3A_167 = arith.constant 0 : i32
      %dma_wait3A_168 = arith.constant 0 : i32
      %dma_wait3A_169 = tpu.memref_slice %arg8[%dma_wait3A_165, %dma_wait3A_166, %dma_wait3A_167, %dma_wait3A_168] : memref<2x4x128x16xf32, #tpu.memory_space<vmem>> -> memref<1x1x128x16xf32, #tpu.memory_space<vmem>>
      %dma_wait3A_170 = tpu.memref_squeeze %dma_wait3A_169 : memref<1x1x128x16xf32, #tpu.memory_space<vmem>> -> memref<128x16xf32, #tpu.memory_space<vmem>>
      %dma_wait3A_171 = arith.constant 0 : i32
      %dma_wait3A_172 = tpu.memref_slice %arg6[%dma_wait3A_164, %dma_wait3A_171] : memref<80x128xi32, #tpu.memory_space<vmem>> -> memref<1x128xi32, #tpu.memory_space<vmem>>
      %dma_wait3A_173 = tpu.memref_squeeze %dma_wait3A_172 : memref<1x128xi32, #tpu.memory_space<vmem>> -> memref<128xi32, #tpu.memory_space<vmem>>
      %dma_wait3A_174 = arith.constant 0 : i32
      %dma_wait3A_175 = arith.constant 0 : i32
      %dma_wait3A_176 = tpu.memref_slice %arg2[%dma_wait3A_174, %dma_wait3A_175] : memref<10000x16xf32, #tpu.memory_space<hbm>> -> memref<10000x16xf32, #tpu.memory_space<hbm>>
      tpu.wait_indirect_dma semaphore(%arg12 : memref<!tpu.dma_semaphore, #tpu.memory_space<semaphore_mem>>) src(%dma_wait3A_176 : memref<10000x16xf32, #tpu.memory_space<hbm>>) dst(%dma_wait3A_170 : memref<128x16xf32, #tpu.memory_space<vmem>>)
      %dma_wait3A_177 = arith.constant 0 : i32
      %dma_wait3A_178 = arith.constant 0 : i32
      %dma_wait3A_179 = arith.constant 1 : i32
      %dma_wait3A_180 = arith.constant 0 : i32
      %dma_wait3A_181 = arith.constant 0 : i32
      %dma_wait3A_182 = tpu.memref_slice %arg8[%dma_wait3A_178, %dma_wait3A_179, %dma_wait3A_180, %dma_wait3A_181] : memref<2x4x128x16xf32, #tpu.memory_space<vmem>> -> memref<1x1x128x16xf32, #tpu.memory_space<vmem>>
      %dma_wait3A_183 = tpu.memref_squeeze %dma_wait3A_182 : memref<1x1x128x16xf32, #tpu.memory_space<vmem>> -> memref<128x16xf32, #tpu.memory_space<vmem>>
      %dma_wait3A_184 = arith.constant 0 : i32
      %dma_wait3A_185 = tpu.memref_slice %arg6[%dma_wait3A_177, %dma_wait3A_184] : memref<80x128xi32, #tpu.memory_space<vmem>> -> memref<1x128xi32, #tpu.memory_space<vmem>>
      %dma_wait3A_186 = tpu.memref_squeeze %dma_wait3A_185 : memref<1x128xi32, #tpu.memory_space<vmem>> -> memref<128xi32, #tpu.memory_space<vmem>>
      %dma_wait3A_187 = arith.constant 0 : i32
      %dma_wait3A_188 = arith.constant 0 : i32
      %dma_wait3A_189 = tpu.memref_slice %arg2[%dma_wait3A_187, %dma_wait3A_188] : memref<10000x16xf32, #tpu.memory_space<hbm>> -> memref<10000x16xf32, #tpu.memory_space<hbm>>
      tpu.wait_indirect_dma semaphore(%arg12 : memref<!tpu.dma_semaphore, #tpu.memory_space<semaphore_mem>>) src(%dma_wait3A_189 : memref<10000x16xf32, #tpu.memory_space<hbm>>) dst(%dma_wait3A_183 : memref<128x16xf32, #tpu.memory_space<vmem>>)
      %dma_wait3A_190 = arith.constant 0 : i32
      %dma_wait3A_191 = arith.constant 0 : i32
      %dma_wait3A_192 = arith.constant 2 : i32
      %dma_wait3A_193 = arith.constant 0 : i32
      %dma_wait3A_194 = arith.constant 0 : i32
      %dma_wait3A_195 = tpu.memref_slice %arg8[%dma_wait3A_191, %dma_wait3A_192, %dma_wait3A_193, %dma_wait3A_194] : memref<2x4x128x16xf32, #tpu.memory_space<vmem>> -> memref<1x1x128x16xf32, #tpu.memory_space<vmem>>
      %dma_wait3A_196 = tpu.memref_squeeze %dma_wait3A_195 : memref<1x1x128x16xf32, #tpu.memory_space<vmem>> -> memref<128x16xf32, #tpu.memory_space<vmem>>
      %dma_wait3A_197 = arith.constant 0 : i32
      %dma_wait3A_198 = tpu.memref_slice %arg6[%dma_wait3A_190, %dma_wait3A_197] : memref<80x128xi32, #tpu.memory_space<vmem>> -> memref<1x128xi32, #tpu.memory_space<vmem>>
      %dma_wait3A_199 = tpu.memref_squeeze %dma_wait3A_198 : memref<1x128xi32, #tpu.memory_space<vmem>> -> memref<128xi32, #tpu.memory_space<vmem>>
      %dma_wait3A_200 = arith.constant 0 : i32
      %dma_wait3A_201 = arith.constant 0 : i32
      %dma_wait3A_202 = tpu.memref_slice %arg2[%dma_wait3A_200, %dma_wait3A_201] : memref<10000x16xf32, #tpu.memory_space<hbm>> -> memref<10000x16xf32, #tpu.memory_space<hbm>>
      tpu.wait_indirect_dma semaphore(%arg12 : memref<!tpu.dma_semaphore, #tpu.memory_space<semaphore_mem>>) src(%dma_wait3A_202 : memref<10000x16xf32, #tpu.memory_space<hbm>>) dst(%dma_wait3A_196 : memref<128x16xf32, #tpu.memory_space<vmem>>)
      %dma_wait3A_203 = arith.constant 0 : i32
      %dma_wait3A_204 = arith.constant 0 : i32
      %dma_wait3A_205 = arith.constant 3 : i32
      %dma_wait3A_206 = arith.constant 0 : i32
      %dma_wait3A_207 = arith.constant 0 : i32
      %dma_wait3A_208 = tpu.memref_slice %arg8[%dma_wait3A_204, %dma_wait3A_205, %dma_wait3A_206, %dma_wait3A_207] : memref<2x4x128x16xf32, #tpu.memory_space<vmem>> -> memref<1x1x128x16xf32, #tpu.memory_space<vmem>>
      %dma_wait3A_209 = tpu.memref_squeeze %dma_wait3A_208 : memref<1x1x128x16xf32, #tpu.memory_space<vmem>> -> memref<128x16xf32, #tpu.memory_space<vmem>>
      %dma_wait3A_210 = arith.constant 0 : i32
      %dma_wait3A_211 = tpu.memref_slice %arg6[%dma_wait3A_203, %dma_wait3A_210] : memref<80x128xi32, #tpu.memory_space<vmem>> -> memref<1x128xi32, #tpu.memory_space<vmem>>
      %dma_wait3A_212 = tpu.memref_squeeze %dma_wait3A_211 : memref<1x128xi32, #tpu.memory_space<vmem>> -> memref<128xi32, #tpu.memory_space<vmem>>
      %dma_wait3A_213 = arith.constant 0 : i32
      %dma_wait3A_214 = arith.constant 0 : i32
      %dma_wait3A_215 = tpu.memref_slice %arg2[%dma_wait3A_213, %dma_wait3A_214] : memref<10000x16xf32, #tpu.memory_space<hbm>> -> memref<10000x16xf32, #tpu.memory_space<hbm>>
      tpu.wait_indirect_dma semaphore(%arg12 : memref<!tpu.dma_semaphore, #tpu.memory_space<semaphore_mem>>) src(%dma_wait3A_215 : memref<10000x16xf32, #tpu.memory_space<hbm>>) dst(%dma_wait3A_209 : memref<128x16xf32, #tpu.memory_space<vmem>>)
      %mul3A_216 = arith.constant 4 : i32
      %mul3A_217 = arith.muli %add3A_163, %mul3A_216 : i32
      %add3A_218 = arith.constant 0 : i32
      %add3A_219 = arith.addi %mul3A_217, %add3A_218 : i32
      %dma_start3A_220 = arith.constant 0 : i32
      %dma_start3A_221 = arith.constant 0 : i32
      %dma_start3A_222 = arith.constant 0 : i32
      %dma_start3A_223 = arith.constant 0 : i32
      %dma_start3A_224 = tpu.memref_slice %arg8[%dma_start3A_220, %dma_start3A_221, %dma_start3A_222, %dma_start3A_223] : memref<2x4x128x16xf32, #tpu.memory_space<vmem>> -> memref<1x1x128x16xf32, #tpu.memory_space<vmem>>
      %dma_start3A_225 = tpu.memref_squeeze %dma_start3A_224 : memref<1x1x128x16xf32, #tpu.memory_space<vmem>> -> memref<128x16xf32, #tpu.memory_space<vmem>>
      %dma_start3A_226 = arith.constant 0 : i32
      %dma_start3A_227 = tpu.memref_slice %arg7[%add3A_219, %dma_start3A_226] : memref<80x128xi32, #tpu.memory_space<vmem>> -> memref<1x128xi32, #tpu.memory_space<vmem>>
      %dma_start3A_228 = tpu.memref_squeeze %dma_start3A_227 : memref<1x128xi32, #tpu.memory_space<vmem>> -> memref<128xi32, #tpu.memory_space<vmem>>
      %dma_start3A_229 = arith.constant 0 : i32
      %dma_start3A_230 = arith.constant 0 : i32
      %dma_start3A_231 = tpu.memref_slice %arg10[%dma_start3A_229, %dma_start3A_230] : memref<10240x16xf32, #tpu.memory_space<vmem_shared>> -> memref<10240x16xf32, #tpu.memory_space<vmem_shared>>
      tpu.enqueue_indirect_dma source(%dma_start3A_225 : memref<128x16xf32, #tpu.memory_space<vmem>>) target(%dma_start3A_231 : memref<10240x16xf32, #tpu.memory_space<vmem_shared>>) offsets(%dma_start3A_228 : memref<128xi32, #tpu.memory_space<vmem>>) semaphore(%arg13 : memref<!tpu.dma_semaphore, #tpu.memory_space<semaphore_mem>>) {add = true}
      %mul3A_232 = arith.constant 4 : i32
      %mul3A_233 = arith.muli %add3A_163, %mul3A_232 : i32
      %add3A_234 = arith.constant 1 : i32
      %add3A_235 = arith.addi %mul3A_233, %add3A_234 : i32
      %dma_start3A_236 = arith.constant 0 : i32
      %dma_start3A_237 = arith.constant 1 : i32
      %dma_start3A_238 = arith.constant 0 : i32
      %dma_start3A_239 = arith.constant 0 : i32
      %dma_start3A_240 = tpu.memref_slice %arg8[%dma_start3A_236, %dma_start3A_237, %dma_start3A_238, %dma_start3A_239] : memref<2x4x128x16xf32, #tpu.memory_space<vmem>> -> memref<1x1x128x16xf32, #tpu.memory_space<vmem>>
      %dma_start3A_241 = tpu.memref_squeeze %dma_start3A_240 : memref<1x1x128x16xf32, #tpu.memory_space<vmem>> -> memref<128x16xf32, #tpu.memory_space<vmem>>
      %dma_start3A_242 = arith.constant 0 : i32
      %dma_start3A_243 = tpu.memref_slice %arg7[%add3A_235, %dma_start3A_242] : memref<80x128xi32, #tpu.memory_space<vmem>> -> memref<1x128xi32, #tpu.memory_space<vmem>>
      %dma_start3A_244 = tpu.memref_squeeze %dma_start3A_243 : memref<1x128xi32, #tpu.memory_space<vmem>> -> memref<128xi32, #tpu.memory_space<vmem>>
      %dma_start3A_245 = arith.constant 0 : i32
      %dma_start3A_246 = arith.constant 0 : i32
      %dma_start3A_247 = tpu.memref_slice %arg10[%dma_start3A_245, %dma_start3A_246] : memref<10240x16xf32, #tpu.memory_space<vmem_shared>> -> memref<10240x16xf32, #tpu.memory_space<vmem_shared>>
      tpu.enqueue_indirect_dma source(%dma_start3A_241 : memref<128x16xf32, #tpu.memory_space<vmem>>) target(%dma_start3A_247 : memref<10240x16xf32, #tpu.memory_space<vmem_shared>>) offsets(%dma_start3A_244 : memref<128xi32, #tpu.memory_space<vmem>>) semaphore(%arg13 : memref<!tpu.dma_semaphore, #tpu.memory_space<semaphore_mem>>) {add = true}
      %mul3A_248 = arith.constant 4 : i32
      %mul3A_249 = arith.muli %add3A_163, %mul3A_248 : i32
      %add3A_250 = arith.constant 2 : i32
      %add3A_251 = arith.addi %mul3A_249, %add3A_250 : i32
      %dma_start3A_252 = arith.constant 0 : i32
      %dma_start3A_253 = arith.constant 2 : i32
      %dma_start3A_254 = arith.constant 0 : i32
      %dma_start3A_255 = arith.constant 0 : i32
      %dma_start3A_256 = tpu.memref_slice %arg8[%dma_start3A_252, %dma_start3A_253, %dma_start3A_254, %dma_start3A_255] : memref<2x4x128x16xf32, #tpu.memory_space<vmem>> -> memref<1x1x128x16xf32, #tpu.memory_space<vmem>>
      %dma_start3A_257 = tpu.memref_squeeze %dma_start3A_256 : memref<1x1x128x16xf32, #tpu.memory_space<vmem>> -> memref<128x16xf32, #tpu.memory_space<vmem>>
      %dma_start3A_258 = arith.constant 0 : i32
      %dma_start3A_259 = tpu.memref_slice %arg7[%add3A_251, %dma_start3A_258] : memref<80x128xi32, #tpu.memory_space<vmem>> -> memref<1x128xi32, #tpu.memory_space<vmem>>
      %dma_start3A_260 = tpu.memref_squeeze %dma_start3A_259 : memref<1x128xi32, #tpu.memory_space<vmem>> -> memref<128xi32, #tpu.memory_space<vmem>>
      %dma_start3A_261 = arith.constant 0 : i32
      %dma_start3A_262 = arith.constant 0 : i32
      %dma_start3A_263 = tpu.memref_slice %arg10[%dma_start3A_261, %dma_start3A_262] : memref<10240x16xf32, #tpu.memory_space<vmem_shared>> -> memref<10240x16xf32, #tpu.memory_space<vmem_shared>>
      tpu.enqueue_indirect_dma source(%dma_start3A_257 : memref<128x16xf32, #tpu.memory_space<vmem>>) target(%dma_start3A_263 : memref<10240x16xf32, #tpu.memory_space<vmem_shared>>) offsets(%dma_start3A_260 : memref<128xi32, #tpu.memory_space<vmem>>) semaphore(%arg13 : memref<!tpu.dma_semaphore, #tpu.memory_space<semaphore_mem>>) {add = true}
      %mul3A_264 = arith.constant 4 : i32
      %mul3A_265 = arith.muli %add3A_163, %mul3A_264 : i32
      %add3A_266 = arith.constant 3 : i32
      %add3A_267 = arith.addi %mul3A_265, %add3A_266 : i32
      %dma_start3A_268 = arith.constant 0 : i32
      %dma_start3A_269 = arith.constant 3 : i32
      %dma_start3A_270 = arith.constant 0 : i32
      %dma_start3A_271 = arith.constant 0 : i32
      %dma_start3A_272 = tpu.memref_slice %arg8[%dma_start3A_268, %dma_start3A_269, %dma_start3A_270, %dma_start3A_271] : memref<2x4x128x16xf32, #tpu.memory_space<vmem>> -> memref<1x1x128x16xf32, #tpu.memory_space<vmem>>
      %dma_start3A_273 = tpu.memref_squeeze %dma_start3A_272 : memref<1x1x128x16xf32, #tpu.memory_space<vmem>> -> memref<128x16xf32, #tpu.memory_space<vmem>>
      %dma_start3A_274 = arith.constant 0 : i32
      %dma_start3A_275 = tpu.memref_slice %arg7[%add3A_267, %dma_start3A_274] : memref<80x128xi32, #tpu.memory_space<vmem>> -> memref<1x128xi32, #tpu.memory_space<vmem>>
      %dma_start3A_276 = tpu.memref_squeeze %dma_start3A_275 : memref<1x128xi32, #tpu.memory_space<vmem>> -> memref<128xi32, #tpu.memory_space<vmem>>
      %dma_start3A_277 = arith.constant 0 : i32
      %dma_start3A_278 = arith.constant 0 : i32
      %dma_start3A_279 = tpu.memref_slice %arg10[%dma_start3A_277, %dma_start3A_278] : memref<10240x16xf32, #tpu.memory_space<vmem_shared>> -> memref<10240x16xf32, #tpu.memory_space<vmem_shared>>
      tpu.enqueue_indirect_dma source(%dma_start3A_273 : memref<128x16xf32, #tpu.memory_space<vmem>>) target(%dma_start3A_279 : memref<10240x16xf32, #tpu.memory_space<vmem_shared>>) offsets(%dma_start3A_276 : memref<128xi32, #tpu.memory_space<vmem>>) semaphore(%arg13 : memref<!tpu.dma_semaphore, #tpu.memory_space<semaphore_mem>>) {add = true}
      %ge3A = arith.constant 1 : i32
      %ge3A_280 = arith.cmpi sge, %add3A_163, %ge3A : i32
      %convert_element_type3A = arith.extui %ge3A_280 : i1 to i32
      %cond3A = arith.constant 0 : i32
      %cond3A_281 = arith.cmpi ne, %convert_element_type3A, %cond3A : i32
      scf.if %cond3A_281 {
        %dma_wait3A_419 = arith.constant 0 : i32
        %dma_wait3A_420 = arith.constant 1 : i32
        %dma_wait3A_421 = arith.constant 0 : i32
        %dma_wait3A_422 = arith.constant 0 : i32
        %dma_wait3A_423 = arith.constant 0 : i32
        %dma_wait3A_424 = tpu.memref_slice %arg8[%dma_wait3A_420, %dma_wait3A_421, %dma_wait3A_422, %dma_wait3A_423] : memref<2x4x128x16xf32, #tpu.memory_space<vmem>> -> memref<1x1x128x16xf32, #tpu.memory_space<vmem>>
        %dma_wait3A_425 = tpu.memref_squeeze %dma_wait3A_424 : memref<1x1x128x16xf32, #tpu.memory_space<vmem>> -> memref<128x16xf32, #tpu.memory_space<vmem>>
        %dma_wait3A_426 = arith.constant 0 : i32
        %dma_wait3A_427 = tpu.memref_slice %arg6[%dma_wait3A_419, %dma_wait3A_426] : memref<80x128xi32, #tpu.memory_space<vmem>> -> memref<1x128xi32, #tpu.memory_space<vmem>>
        %dma_wait3A_428 = tpu.memref_squeeze %dma_wait3A_427 : memref<1x128xi32, #tpu.memory_space<vmem>> -> memref<128xi32, #tpu.memory_space<vmem>>
        %dma_wait3A_429 = arith.constant 0 : i32
        %dma_wait3A_430 = arith.constant 0 : i32
        %dma_wait3A_431 = tpu.memref_slice %arg2[%dma_wait3A_429, %dma_wait3A_430] : memref<10000x16xf32, #tpu.memory_space<hbm>> -> memref<10000x16xf32, #tpu.memory_space<hbm>>
        tpu.wait_indirect_dma semaphore(%arg13 : memref<!tpu.dma_semaphore, #tpu.memory_space<semaphore_mem>>) src(%dma_wait3A_431 : memref<10000x16xf32, #tpu.memory_space<hbm>>) dst(%dma_wait3A_425 : memref<128x16xf32, #tpu.memory_space<vmem>>)
        %dma_wait3A_432 = arith.constant 0 : i32
        %dma_wait3A_433 = arith.constant 1 : i32
        %dma_wait3A_434 = arith.constant 1 : i32
        %dma_wait3A_435 = arith.constant 0 : i32
        %dma_wait3A_436 = arith.constant 0 : i32
        %dma_wait3A_437 = tpu.memref_slice %arg8[%dma_wait3A_433, %dma_wait3A_434, %dma_wait3A_435, %dma_wait3A_436] : memref<2x4x128x16xf32, #tpu.memory_space<vmem>> -> memref<1x1x128x16xf32, #tpu.memory_space<vmem>>
        %dma_wait3A_438 = tpu.memref_squeeze %dma_wait3A_437 : memref<1x1x128x16xf32, #tpu.memory_space<vmem>> -> memref<128x16xf32, #tpu.memory_space<vmem>>
        %dma_wait3A_439 = arith.constant 0 : i32
        %dma_wait3A_440 = tpu.memref_slice %arg6[%dma_wait3A_432, %dma_wait3A_439] : memref<80x128xi32, #tpu.memory_space<vmem>> -> memref<1x128xi32, #tpu.memory_space<vmem>>
        %dma_wait3A_441 = tpu.memref_squeeze %dma_wait3A_440 : memref<1x128xi32, #tpu.memory_space<vmem>> -> memref<128xi32, #tpu.memory_space<vmem>>
        %dma_wait3A_442 = arith.constant 0 : i32
        %dma_wait3A_443 = arith.constant 0 : i32
        %dma_wait3A_444 = tpu.memref_slice %arg2[%dma_wait3A_442, %dma_wait3A_443] : memref<10000x16xf32, #tpu.memory_space<hbm>> -> memref<10000x16xf32, #tpu.memory_space<hbm>>
        tpu.wait_indirect_dma semaphore(%arg13 : memref<!tpu.dma_semaphore, #tpu.memory_space<semaphore_mem>>) src(%dma_wait3A_444 : memref<10000x16xf32, #tpu.memory_space<hbm>>) dst(%dma_wait3A_438 : memref<128x16xf32, #tpu.memory_space<vmem>>)
        %dma_wait3A_445 = arith.constant 0 : i32
        %dma_wait3A_446 = arith.constant 1 : i32
        %dma_wait3A_447 = arith.constant 2 : i32
        %dma_wait3A_448 = arith.constant 0 : i32
        %dma_wait3A_449 = arith.constant 0 : i32
        %dma_wait3A_450 = tpu.memref_slice %arg8[%dma_wait3A_446, %dma_wait3A_447, %dma_wait3A_448, %dma_wait3A_449] : memref<2x4x128x16xf32, #tpu.memory_space<vmem>> -> memref<1x1x128x16xf32, #tpu.memory_space<vmem>>
        %dma_wait3A_451 = tpu.memref_squeeze %dma_wait3A_450 : memref<1x1x128x16xf32, #tpu.memory_space<vmem>> -> memref<128x16xf32, #tpu.memory_space<vmem>>
        %dma_wait3A_452 = arith.constant 0 : i32
        %dma_wait3A_453 = tpu.memref_slice %arg6[%dma_wait3A_445, %dma_wait3A_452] : memref<80x128xi32, #tpu.memory_space<vmem>> -> memref<1x128xi32, #tpu.memory_space<vmem>>
        %dma_wait3A_454 = tpu.memref_squeeze %dma_wait3A_453 : memref<1x128xi32, #tpu.memory_space<vmem>> -> memref<128xi32, #tpu.memory_space<vmem>>
        %dma_wait3A_455 = arith.constant 0 : i32
        %dma_wait3A_456 = arith.constant 0 : i32
        %dma_wait3A_457 = tpu.memref_slice %arg2[%dma_wait3A_455, %dma_wait3A_456] : memref<10000x16xf32, #tpu.memory_space<hbm>> -> memref<10000x16xf32, #tpu.memory_space<hbm>>
        tpu.wait_indirect_dma semaphore(%arg13 : memref<!tpu.dma_semaphore, #tpu.memory_space<semaphore_mem>>) src(%dma_wait3A_457 : memref<10000x16xf32, #tpu.memory_space<hbm>>) dst(%dma_wait3A_451 : memref<128x16xf32, #tpu.memory_space<vmem>>)
        %dma_wait3A_458 = arith.constant 0 : i32
        %dma_wait3A_459 = arith.constant 1 : i32
        %dma_wait3A_460 = arith.constant 3 : i32
        %dma_wait3A_461 = arith.constant 0 : i32
        %dma_wait3A_462 = arith.constant 0 : i32
        %dma_wait3A_463 = tpu.memref_slice %arg8[%dma_wait3A_459, %dma_wait3A_460, %dma_wait3A_461, %dma_wait3A_462] : memref<2x4x128x16xf32, #tpu.memory_space<vmem>> -> memref<1x1x128x16xf32, #tpu.memory_space<vmem>>
        %dma_wait3A_464 = tpu.memref_squeeze %dma_wait3A_463 : memref<1x1x128x16xf32, #tpu.memory_space<vmem>> -> memref<128x16xf32, #tpu.memory_space<vmem>>
        %dma_wait3A_465 = arith.constant 0 : i32
        %dma_wait3A_466 = tpu.memref_slice %arg6[%dma_wait3A_458, %dma_wait3A_465] : memref<80x128xi32, #tpu.memory_space<vmem>> -> memref<1x128xi32, #tpu.memory_space<vmem>>
        %dma_wait3A_467 = tpu.memref_squeeze %dma_wait3A_466 : memref<1x128xi32, #tpu.memory_space<vmem>> -> memref<128xi32, #tpu.memory_space<vmem>>
        %dma_wait3A_468 = arith.constant 0 : i32
        %dma_wait3A_469 = arith.constant 0 : i32
        %dma_wait3A_470 = tpu.memref_slice %arg2[%dma_wait3A_468, %dma_wait3A_469] : memref<10000x16xf32, #tpu.memory_space<hbm>> -> memref<10000x16xf32, #tpu.memory_space<hbm>>
        tpu.wait_indirect_dma semaphore(%arg13 : memref<!tpu.dma_semaphore, #tpu.memory_space<semaphore_mem>>) src(%dma_wait3A_470 : memref<10000x16xf32, #tpu.memory_space<hbm>>) dst(%dma_wait3A_464 : memref<128x16xf32, #tpu.memory_space<vmem>>)
      } else {
      }
      %add3A_282 = arith.constant 1 : i32
      %add3A_283 = arith.addi %add3A_163, %add3A_282 : i32
      %lt3A = arith.cmpi slt, %add3A_283, %select_n3A : i32
      %convert_element_type3A_284 = arith.extui %lt3A : i1 to i32
      %cond3A_285 = arith.constant 0 : i32
      %cond3A_286 = arith.cmpi ne, %convert_element_type3A_284, %cond3A_285 : i32
      scf.if %cond3A_286 {
        %add3A_419 = arith.constant 1 : i32
        %add3A_420 = arith.addi %add3A_163, %add3A_419 : i32
        %mul3A_421 = arith.constant 4 : i32
        %mul3A_422 = arith.muli %add3A_420, %mul3A_421 : i32
        %add3A_423 = arith.constant 0 : i32
        %add3A_424 = arith.addi %mul3A_422, %add3A_423 : i32
        %dma_start3A_425 = arith.constant 1 : i32
        %dma_start3A_426 = arith.constant 0 : i32
        %dma_start3A_427 = arith.constant 0 : i32
        %dma_start3A_428 = arith.constant 0 : i32
        %dma_start3A_429 = tpu.memref_slice %arg8[%dma_start3A_425, %dma_start3A_426, %dma_start3A_427, %dma_start3A_428] : memref<2x4x128x16xf32, #tpu.memory_space<vmem>> -> memref<1x1x128x16xf32, #tpu.memory_space<vmem>>
        %dma_start3A_430 = tpu.memref_squeeze %dma_start3A_429 : memref<1x1x128x16xf32, #tpu.memory_space<vmem>> -> memref<128x16xf32, #tpu.memory_space<vmem>>
        %dma_start3A_431 = arith.constant 0 : i32
        %dma_start3A_432 = tpu.memref_slice %arg6[%add3A_424, %dma_start3A_431] : memref<80x128xi32, #tpu.memory_space<vmem>> -> memref<1x128xi32, #tpu.memory_space<vmem>>
        %dma_start3A_433 = tpu.memref_squeeze %dma_start3A_432 : memref<1x128xi32, #tpu.memory_space<vmem>> -> memref<128xi32, #tpu.memory_space<vmem>>
        %dma_start3A_434 = arith.constant 0 : i32
        %dma_start3A_435 = arith.constant 0 : i32
        %dma_start3A_436 = tpu.memref_slice %arg11[%dma_start3A_434, %dma_start3A_435] : memref<10000x16xf32, #tpu.memory_space<vmem_shared>> -> memref<10000x16xf32, #tpu.memory_space<vmem_shared>>
        tpu.enqueue_indirect_dma source(%dma_start3A_436 : memref<10000x16xf32, #tpu.memory_space<vmem_shared>>) target(%dma_start3A_430 : memref<128x16xf32, #tpu.memory_space<vmem>>) offsets(%dma_start3A_433 : memref<128xi32, #tpu.memory_space<vmem>>) semaphore(%arg12 : memref<!tpu.dma_semaphore, #tpu.memory_space<semaphore_mem>>)
        %add3A_437 = arith.constant 1 : i32
        %add3A_438 = arith.addi %add3A_163, %add3A_437 : i32
        %mul3A_439 = arith.constant 4 : i32
        %mul3A_440 = arith.muli %add3A_438, %mul3A_439 : i32
        %add3A_441 = arith.constant 1 : i32
        %add3A_442 = arith.addi %mul3A_440, %add3A_441 : i32
        %dma_start3A_443 = arith.constant 1 : i32
        %dma_start3A_444 = arith.constant 1 : i32
        %dma_start3A_445 = arith.constant 0 : i32
        %dma_start3A_446 = arith.constant 0 : i32
        %dma_start3A_447 = tpu.memref_slice %arg8[%dma_start3A_443, %dma_start3A_444, %dma_start3A_445, %dma_start3A_446] : memref<2x4x128x16xf32, #tpu.memory_space<vmem>> -> memref<1x1x128x16xf32, #tpu.memory_space<vmem>>
        %dma_start3A_448 = tpu.memref_squeeze %dma_start3A_447 : memref<1x1x128x16xf32, #tpu.memory_space<vmem>> -> memref<128x16xf32, #tpu.memory_space<vmem>>
        %dma_start3A_449 = arith.constant 0 : i32
        %dma_start3A_450 = tpu.memref_slice %arg6[%add3A_442, %dma_start3A_449] : memref<80x128xi32, #tpu.memory_space<vmem>> -> memref<1x128xi32, #tpu.memory_space<vmem>>
        %dma_start3A_451 = tpu.memref_squeeze %dma_start3A_450 : memref<1x128xi32, #tpu.memory_space<vmem>> -> memref<128xi32, #tpu.memory_space<vmem>>
        %dma_start3A_452 = arith.constant 0 : i32
        %dma_start3A_453 = arith.constant 0 : i32
        %dma_start3A_454 = tpu.memref_slice %arg11[%dma_start3A_452, %dma_start3A_453] : memref<10000x16xf32, #tpu.memory_space<vmem_shared>> -> memref<10000x16xf32, #tpu.memory_space<vmem_shared>>
        tpu.enqueue_indirect_dma source(%dma_start3A_454 : memref<10000x16xf32, #tpu.memory_space<vmem_shared>>) target(%dma_start3A_448 : memref<128x16xf32, #tpu.memory_space<vmem>>) offsets(%dma_start3A_451 : memref<128xi32, #tpu.memory_space<vmem>>) semaphore(%arg12 : memref<!tpu.dma_semaphore, #tpu.memory_space<semaphore_mem>>)
        %add3A_455 = arith.constant 1 : i32
        %add3A_456 = arith.addi %add3A_163, %add3A_455 : i32
        %mul3A_457 = arith.constant 4 : i32
        %mul3A_458 = arith.muli %add3A_456, %mul3A_457 : i32
        %add3A_459 = arith.constant 2 : i32
        %add3A_460 = arith.addi %mul3A_458, %add3A_459 : i32
        %dma_start3A_461 = arith.constant 1 : i32
        %dma_start3A_462 = arith.constant 2 : i32
        %dma_start3A_463 = arith.constant 0 : i32
        %dma_start3A_464 = arith.constant 0 : i32
        %dma_start3A_465 = tpu.memref_slice %arg8[%dma_start3A_461, %dma_start3A_462, %dma_start3A_463, %dma_start3A_464] : memref<2x4x128x16xf32, #tpu.memory_space<vmem>> -> memref<1x1x128x16xf32, #tpu.memory_space<vmem>>
        %dma_start3A_466 = tpu.memref_squeeze %dma_start3A_465 : memref<1x1x128x16xf32, #tpu.memory_space<vmem>> -> memref<128x16xf32, #tpu.memory_space<vmem>>
        %dma_start3A_467 = arith.constant 0 : i32
        %dma_start3A_468 = tpu.memref_slice %arg6[%add3A_460, %dma_start3A_467] : memref<80x128xi32, #tpu.memory_space<vmem>> -> memref<1x128xi32, #tpu.memory_space<vmem>>
        %dma_start3A_469 = tpu.memref_squeeze %dma_start3A_468 : memref<1x128xi32, #tpu.memory_space<vmem>> -> memref<128xi32, #tpu.memory_space<vmem>>
        %dma_start3A_470 = arith.constant 0 : i32
        %dma_start3A_471 = arith.constant 0 : i32
        %dma_start3A_472 = tpu.memref_slice %arg11[%dma_start3A_470, %dma_start3A_471] : memref<10000x16xf32, #tpu.memory_space<vmem_shared>> -> memref<10000x16xf32, #tpu.memory_space<vmem_shared>>
        tpu.enqueue_indirect_dma source(%dma_start3A_472 : memref<10000x16xf32, #tpu.memory_space<vmem_shared>>) target(%dma_start3A_466 : memref<128x16xf32, #tpu.memory_space<vmem>>) offsets(%dma_start3A_469 : memref<128xi32, #tpu.memory_space<vmem>>) semaphore(%arg12 : memref<!tpu.dma_semaphore, #tpu.memory_space<semaphore_mem>>)
        %add3A_473 = arith.constant 1 : i32
        %add3A_474 = arith.addi %add3A_163, %add3A_473 : i32
        %mul3A_475 = arith.constant 4 : i32
        %mul3A_476 = arith.muli %add3A_474, %mul3A_475 : i32
        %add3A_477 = arith.constant 3 : i32
        %add3A_478 = arith.addi %mul3A_476, %add3A_477 : i32
        %dma_start3A_479 = arith.constant 1 : i32
        %dma_start3A_480 = arith.constant 3 : i32
        %dma_start3A_481 = arith.constant 0 : i32
        %dma_start3A_482 = arith.constant 0 : i32
        %dma_start3A_483 = tpu.memref_slice %arg8[%dma_start3A_479, %dma_start3A_480, %dma_start3A_481, %dma_start3A_482] : memref<2x4x128x16xf32, #tpu.memory_space<vmem>> -> memref<1x1x128x16xf32, #tpu.memory_space<vmem>>
        %dma_start3A_484 = tpu.memref_squeeze %dma_start3A_483 : memref<1x1x128x16xf32, #tpu.memory_space<vmem>> -> memref<128x16xf32, #tpu.memory_space<vmem>>
        %dma_start3A_485 = arith.constant 0 : i32
        %dma_start3A_486 = tpu.memref_slice %arg6[%add3A_478, %dma_start3A_485] : memref<80x128xi32, #tpu.memory_space<vmem>> -> memref<1x128xi32, #tpu.memory_space<vmem>>
        %dma_start3A_487 = tpu.memref_squeeze %dma_start3A_486 : memref<1x128xi32, #tpu.memory_space<vmem>> -> memref<128xi32, #tpu.memory_space<vmem>>
        %dma_start3A_488 = arith.constant 0 : i32
        %dma_start3A_489 = arith.constant 0 : i32
        %dma_start3A_490 = tpu.memref_slice %arg11[%dma_start3A_488, %dma_start3A_489] : memref<10000x16xf32, #tpu.memory_space<vmem_shared>> -> memref<10000x16xf32, #tpu.memory_space<vmem_shared>>
        tpu.enqueue_indirect_dma source(%dma_start3A_490 : memref<10000x16xf32, #tpu.memory_space<vmem_shared>>) target(%dma_start3A_484 : memref<128x16xf32, #tpu.memory_space<vmem>>) offsets(%dma_start3A_487 : memref<128xi32, #tpu.memory_space<vmem>>) semaphore(%arg12 : memref<!tpu.dma_semaphore, #tpu.memory_space<semaphore_mem>>)
      } else {
      }
      %mul3A_287 = arith.constant 2 : i32
      %mul3A_288 = arith.muli %while3A_158, %mul3A_287 : i32
      %add3A_289 = arith.constant 1 : i32
      %add3A_290 = arith.addi %mul3A_288, %add3A_289 : i32
      %dma_wait3A_291 = arith.constant 0 : i32
      %dma_wait3A_292 = arith.constant 1 : i32
      %dma_wait3A_293 = arith.constant 0 : i32
      %dma_wait3A_294 = arith.constant 0 : i32
      %dma_wait3A_295 = arith.constant 0 : i32
      %dma_wait3A_296 = tpu.memref_slice %arg8[%dma_wait3A_292, %dma_wait3A_293, %dma_wait3A_294, %dma_wait3A_295] : memref<2x4x128x16xf32, #tpu.memory_space<vmem>> -> memref<1x1x128x16xf32, #tpu.memory_space<vmem>>
      %dma_wait3A_297 = tpu.memref_squeeze %dma_wait3A_296 : memref<1x1x128x16xf32, #tpu.memory_space<vmem>> -> memref<128x16xf32, #tpu.memory_space<vmem>>
      %dma_wait3A_298 = arith.constant 0 : i32
      %dma_wait3A_299 = tpu.memref_slice %arg6[%dma_wait3A_291, %dma_wait3A_298] : memref<80x128xi32, #tpu.memory_space<vmem>> -> memref<1x128xi32, #tpu.memory_space<vmem>>
      %dma_wait3A_300 = tpu.memref_squeeze %dma_wait3A_299 : memref<1x128xi32, #tpu.memory_space<vmem>> -> memref<128xi32, #tpu.memory_space<vmem>>
      %dma_wait3A_301 = arith.constant 0 : i32
      %dma_wait3A_302 = arith.constant 0 : i32
      %dma_wait3A_303 = tpu.memref_slice %arg2[%dma_wait3A_301, %dma_wait3A_302] : memref<10000x16xf32, #tpu.memory_space<hbm>> -> memref<10000x16xf32, #tpu.memory_space<hbm>>
      tpu.wait_indirect_dma semaphore(%arg12 : memref<!tpu.dma_semaphore, #tpu.memory_space<semaphore_mem>>) src(%dma_wait3A_303 : memref<10000x16xf32, #tpu.memory_space<hbm>>) dst(%dma_wait3A_297 : memref<128x16xf32, #tpu.memory_space<vmem>>)
      %dma_wait3A_304 = arith.constant 0 : i32
      %dma_wait3A_305 = arith.constant 1 : i32
      %dma_wait3A_306 = arith.constant 1 : i32
      %dma_wait3A_307 = arith.constant 0 : i32
      %dma_wait3A_308 = arith.constant 0 : i32
      %dma_wait3A_309 = tpu.memref_slice %arg8[%dma_wait3A_305, %dma_wait3A_306, %dma_wait3A_307, %dma_wait3A_308] : memref<2x4x128x16xf32, #tpu.memory_space<vmem>> -> memref<1x1x128x16xf32, #tpu.memory_space<vmem>>
      %dma_wait3A_310 = tpu.memref_squeeze %dma_wait3A_309 : memref<1x1x128x16xf32, #tpu.memory_space<vmem>> -> memref<128x16xf32, #tpu.memory_space<vmem>>
      %dma_wait3A_311 = arith.constant 0 : i32
      %dma_wait3A_312 = tpu.memref_slice %arg6[%dma_wait3A_304, %dma_wait3A_311] : memref<80x128xi32, #tpu.memory_space<vmem>> -> memref<1x128xi32, #tpu.memory_space<vmem>>
      %dma_wait3A_313 = tpu.memref_squeeze %dma_wait3A_312 : memref<1x128xi32, #tpu.memory_space<vmem>> -> memref<128xi32, #tpu.memory_space<vmem>>
      %dma_wait3A_314 = arith.constant 0 : i32
      %dma_wait3A_315 = arith.constant 0 : i32
      %dma_wait3A_316 = tpu.memref_slice %arg2[%dma_wait3A_314, %dma_wait3A_315] : memref<10000x16xf32, #tpu.memory_space<hbm>> -> memref<10000x16xf32, #tpu.memory_space<hbm>>
      tpu.wait_indirect_dma semaphore(%arg12 : memref<!tpu.dma_semaphore, #tpu.memory_space<semaphore_mem>>) src(%dma_wait3A_316 : memref<10000x16xf32, #tpu.memory_space<hbm>>) dst(%dma_wait3A_310 : memref<128x16xf32, #tpu.memory_space<vmem>>)
      %dma_wait3A_317 = arith.constant 0 : i32
      %dma_wait3A_318 = arith.constant 1 : i32
      %dma_wait3A_319 = arith.constant 2 : i32
      %dma_wait3A_320 = arith.constant 0 : i32
      %dma_wait3A_321 = arith.constant 0 : i32
      %dma_wait3A_322 = tpu.memref_slice %arg8[%dma_wait3A_318, %dma_wait3A_319, %dma_wait3A_320, %dma_wait3A_321] : memref<2x4x128x16xf32, #tpu.memory_space<vmem>> -> memref<1x1x128x16xf32, #tpu.memory_space<vmem>>
      %dma_wait3A_323 = tpu.memref_squeeze %dma_wait3A_322 : memref<1x1x128x16xf32, #tpu.memory_space<vmem>> -> memref<128x16xf32, #tpu.memory_space<vmem>>
      %dma_wait3A_324 = arith.constant 0 : i32
      %dma_wait3A_325 = tpu.memref_slice %arg6[%dma_wait3A_317, %dma_wait3A_324] : memref<80x128xi32, #tpu.memory_space<vmem>> -> memref<1x128xi32, #tpu.memory_space<vmem>>
      %dma_wait3A_326 = tpu.memref_squeeze %dma_wait3A_325 : memref<1x128xi32, #tpu.memory_space<vmem>> -> memref<128xi32, #tpu.memory_space<vmem>>
      %dma_wait3A_327 = arith.constant 0 : i32
      %dma_wait3A_328 = arith.constant 0 : i32
      %dma_wait3A_329 = tpu.memref_slice %arg2[%dma_wait3A_327, %dma_wait3A_328] : memref<10000x16xf32, #tpu.memory_space<hbm>> -> memref<10000x16xf32, #tpu.memory_space<hbm>>
      tpu.wait_indirect_dma semaphore(%arg12 : memref<!tpu.dma_semaphore, #tpu.memory_space<semaphore_mem>>) src(%dma_wait3A_329 : memref<10000x16xf32, #tpu.memory_space<hbm>>) dst(%dma_wait3A_323 : memref<128x16xf32, #tpu.memory_space<vmem>>)
      %dma_wait3A_330 = arith.constant 0 : i32
      %dma_wait3A_331 = arith.constant 1 : i32
      %dma_wait3A_332 = arith.constant 3 : i32
      %dma_wait3A_333 = arith.constant 0 : i32
      %dma_wait3A_334 = arith.constant 0 : i32
      %dma_wait3A_335 = tpu.memref_slice %arg8[%dma_wait3A_331, %dma_wait3A_332, %dma_wait3A_333, %dma_wait3A_334] : memref<2x4x128x16xf32, #tpu.memory_space<vmem>> -> memref<1x1x128x16xf32, #tpu.memory_space<vmem>>
      %dma_wait3A_336 = tpu.memref_squeeze %dma_wait3A_335 : memref<1x1x128x16xf32, #tpu.memory_space<vmem>> -> memref<128x16xf32, #tpu.memory_space<vmem>>
      %dma_wait3A_337 = arith.constant 0 : i32
      %dma_wait3A_338 = tpu.memref_slice %arg6[%dma_wait3A_330, %dma_wait3A_337] : memref<80x128xi32, #tpu.memory_space<vmem>> -> memref<1x128xi32, #tpu.memory_space<vmem>>
      %dma_wait3A_339 = tpu.memref_squeeze %dma_wait3A_338 : memref<1x128xi32, #tpu.memory_space<vmem>> -> memref<128xi32, #tpu.memory_space<vmem>>
      %dma_wait3A_340 = arith.constant 0 : i32
      %dma_wait3A_341 = arith.constant 0 : i32
      %dma_wait3A_342 = tpu.memref_slice %arg2[%dma_wait3A_340, %dma_wait3A_341] : memref<10000x16xf32, #tpu.memory_space<hbm>> -> memref<10000x16xf32, #tpu.memory_space<hbm>>
      tpu.wait_indirect_dma semaphore(%arg12 : memref<!tpu.dma_semaphore, #tpu.memory_space<semaphore_mem>>) src(%dma_wait3A_342 : memref<10000x16xf32, #tpu.memory_space<hbm>>) dst(%dma_wait3A_336 : memref<128x16xf32, #tpu.memory_space<vmem>>)
      %mul3A_343 = arith.constant 4 : i32
      %mul3A_344 = arith.muli %add3A_290, %mul3A_343 : i32
      %add3A_345 = arith.constant 0 : i32
      %add3A_346 = arith.addi %mul3A_344, %add3A_345 : i32
      %dma_start3A_347 = arith.constant 1 : i32
      %dma_start3A_348 = arith.constant 0 : i32
      %dma_start3A_349 = arith.constant 0 : i32
      %dma_start3A_350 = arith.constant 0 : i32
      %dma_start3A_351 = tpu.memref_slice %arg8[%dma_start3A_347, %dma_start3A_348, %dma_start3A_349, %dma_start3A_350] : memref<2x4x128x16xf32, #tpu.memory_space<vmem>> -> memref<1x1x128x16xf32, #tpu.memory_space<vmem>>
      %dma_start3A_352 = tpu.memref_squeeze %dma_start3A_351 : memref<1x1x128x16xf32, #tpu.memory_space<vmem>> -> memref<128x16xf32, #tpu.memory_space<vmem>>
      %dma_start3A_353 = arith.constant 0 : i32
      %dma_start3A_354 = tpu.memref_slice %arg7[%add3A_346, %dma_start3A_353] : memref<80x128xi32, #tpu.memory_space<vmem>> -> memref<1x128xi32, #tpu.memory_space<vmem>>
      %dma_start3A_355 = tpu.memref_squeeze %dma_start3A_354 : memref<1x128xi32, #tpu.memory_space<vmem>> -> memref<128xi32, #tpu.memory_space<vmem>>
      %dma_start3A_356 = arith.constant 0 : i32
      %dma_start3A_357 = arith.constant 0 : i32
      %dma_start3A_358 = tpu.memref_slice %arg10[%dma_start3A_356, %dma_start3A_357] : memref<10240x16xf32, #tpu.memory_space<vmem_shared>> -> memref<10240x16xf32, #tpu.memory_space<vmem_shared>>
      tpu.enqueue_indirect_dma source(%dma_start3A_352 : memref<128x16xf32, #tpu.memory_space<vmem>>) target(%dma_start3A_358 : memref<10240x16xf32, #tpu.memory_space<vmem_shared>>) offsets(%dma_start3A_355 : memref<128xi32, #tpu.memory_space<vmem>>) semaphore(%arg13 : memref<!tpu.dma_semaphore, #tpu.memory_space<semaphore_mem>>) {add = true}
      %mul3A_359 = arith.constant 4 : i32
      %mul3A_360 = arith.muli %add3A_290, %mul3A_359 : i32
      %add3A_361 = arith.constant 1 : i32
      %add3A_362 = arith.addi %mul3A_360, %add3A_361 : i32
      %dma_start3A_363 = arith.constant 1 : i32
      %dma_start3A_364 = arith.constant 1 : i32
      %dma_start3A_365 = arith.constant 0 : i32
      %dma_start3A_366 = arith.constant 0 : i32
      %dma_start3A_367 = tpu.memref_slice %arg8[%dma_start3A_363, %dma_start3A_364, %dma_start3A_365, %dma_start3A_366] : memref<2x4x128x16xf32, #tpu.memory_space<vmem>> -> memref<1x1x128x16xf32, #tpu.memory_space<vmem>>
      %dma_start3A_368 = tpu.memref_squeeze %dma_start3A_367 : memref<1x1x128x16xf32, #tpu.memory_space<vmem>> -> memref<128x16xf32, #tpu.memory_space<vmem>>
      %dma_start3A_369 = arith.constant 0 : i32
      %dma_start3A_370 = tpu.memref_slice %arg7[%add3A_362, %dma_start3A_369] : memref<80x128xi32, #tpu.memory_space<vmem>> -> memref<1x128xi32, #tpu.memory_space<vmem>>
      %dma_start3A_371 = tpu.memref_squeeze %dma_start3A_370 : memref<1x128xi32, #tpu.memory_space<vmem>> -> memref<128xi32, #tpu.memory_space<vmem>>
      %dma_start3A_372 = arith.constant 0 : i32
      %dma_start3A_373 = arith.constant 0 : i32
      %dma_start3A_374 = tpu.memref_slice %arg10[%dma_start3A_372, %dma_start3A_373] : memref<10240x16xf32, #tpu.memory_space<vmem_shared>> -> memref<10240x16xf32, #tpu.memory_space<vmem_shared>>
      tpu.enqueue_indirect_dma source(%dma_start3A_368 : memref<128x16xf32, #tpu.memory_space<vmem>>) target(%dma_start3A_374 : memref<10240x16xf32, #tpu.memory_space<vmem_shared>>) offsets(%dma_start3A_371 : memref<128xi32, #tpu.memory_space<vmem>>) semaphore(%arg13 : memref<!tpu.dma_semaphore, #tpu.memory_space<semaphore_mem>>) {add = true}
      %mul3A_375 = arith.constant 4 : i32
      %mul3A_376 = arith.muli %add3A_290, %mul3A_375 : i32
      %add3A_377 = arith.constant 2 : i32
      %add3A_378 = arith.addi %mul3A_376, %add3A_377 : i32
      %dma_start3A_379 = arith.constant 1 : i32
      %dma_start3A_380 = arith.constant 2 : i32
      %dma_start3A_381 = arith.constant 0 : i32
      %dma_start3A_382 = arith.constant 0 : i32
      %dma_start3A_383 = tpu.memref_slice %arg8[%dma_start3A_379, %dma_start3A_380, %dma_start3A_381, %dma_start3A_382] : memref<2x4x128x16xf32, #tpu.memory_space<vmem>> -> memref<1x1x128x16xf32, #tpu.memory_space<vmem>>
      %dma_start3A_384 = tpu.memref_squeeze %dma_start3A_383 : memref<1x1x128x16xf32, #tpu.memory_space<vmem>> -> memref<128x16xf32, #tpu.memory_space<vmem>>
      %dma_start3A_385 = arith.constant 0 : i32
      %dma_start3A_386 = tpu.memref_slice %arg7[%add3A_378, %dma_start3A_385] : memref<80x128xi32, #tpu.memory_space<vmem>> -> memref<1x128xi32, #tpu.memory_space<vmem>>
      %dma_start3A_387 = tpu.memref_squeeze %dma_start3A_386 : memref<1x128xi32, #tpu.memory_space<vmem>> -> memref<128xi32, #tpu.memory_space<vmem>>
      %dma_start3A_388 = arith.constant 0 : i32
      %dma_start3A_389 = arith.constant 0 : i32
      %dma_start3A_390 = tpu.memref_slice %arg10[%dma_start3A_388, %dma_start3A_389] : memref<10240x16xf32, #tpu.memory_space<vmem_shared>> -> memref<10240x16xf32, #tpu.memory_space<vmem_shared>>
      tpu.enqueue_indirect_dma source(%dma_start3A_384 : memref<128x16xf32, #tpu.memory_space<vmem>>) target(%dma_start3A_390 : memref<10240x16xf32, #tpu.memory_space<vmem_shared>>) offsets(%dma_start3A_387 : memref<128xi32, #tpu.memory_space<vmem>>) semaphore(%arg13 : memref<!tpu.dma_semaphore, #tpu.memory_space<semaphore_mem>>) {add = true}
      %mul3A_391 = arith.constant 4 : i32
      %mul3A_392 = arith.muli %add3A_290, %mul3A_391 : i32
      %add3A_393 = arith.constant 3 : i32
      %add3A_394 = arith.addi %mul3A_392, %add3A_393 : i32
      %dma_start3A_395 = arith.constant 1 : i32
      %dma_start3A_396 = arith.constant 3 : i32
      %dma_start3A_397 = arith.constant 0 : i32
      %dma_start3A_398 = arith.constant 0 : i32
      %dma_start3A_399 = tpu.memref_slice %arg8[%dma_start3A_395, %dma_start3A_396, %dma_start3A_397, %dma_start3A_398] : memref<2x4x128x16xf32, #tpu.memory_space<vmem>> -> memref<1x1x128x16xf32, #tpu.memory_space<vmem>>
      %dma_start3A_400 = tpu.memref_squeeze %dma_start3A_399 : memref<1x1x128x16xf32, #tpu.memory_space<vmem>> -> memref<128x16xf32, #tpu.memory_space<vmem>>
      %dma_start3A_401 = arith.constant 0 : i32
      %dma_start3A_402 = tpu.memref_slice %arg7[%add3A_394, %dma_start3A_401] : memref<80x128xi32, #tpu.memory_space<vmem>> -> memref<1x128xi32, #tpu.memory_space<vmem>>
      %dma_start3A_403 = tpu.memref_squeeze %dma_start3A_402 : memref<1x128xi32, #tpu.memory_space<vmem>> -> memref<128xi32, #tpu.memory_space<vmem>>
      %dma_start3A_404 = arith.constant 0 : i32
      %dma_start3A_405 = arith.constant 0 : i32
      %dma_start3A_406 = tpu.memref_slice %arg10[%dma_start3A_404, %dma_start3A_405] : memref<10240x16xf32, #tpu.memory_space<vmem_shared>> -> memref<10240x16xf32, #tpu.memory_space<vmem_shared>>
      tpu.enqueue_indirect_dma source(%dma_start3A_400 : memref<128x16xf32, #tpu.memory_space<vmem>>) target(%dma_start3A_406 : memref<10240x16xf32, #tpu.memory_space<vmem_shared>>) offsets(%dma_start3A_403 : memref<128xi32, #tpu.memory_space<vmem>>) semaphore(%arg13 : memref<!tpu.dma_semaphore, #tpu.memory_space<semaphore_mem>>) {add = true}
      %ge3A_407 = arith.constant 1 : i32
      %ge3A_408 = arith.cmpi sge, %add3A_290, %ge3A_407 : i32
      %convert_element_type3A_409 = arith.extui %ge3A_408 : i1 to i32
      %cond3A_410 = arith.constant 0 : i32
      %cond3A_411 = arith.cmpi ne, %convert_element_type3A_409, %cond3A_410 : i32
      scf.if %cond3A_411 {
        %dma_wait3A_419 = arith.constant 0 : i32
        %dma_wait3A_420 = arith.constant 0 : i32
        %dma_wait3A_421 = arith.constant 0 : i32
        %dma_wait3A_422 = arith.constant 0 : i32
        %dma_wait3A_423 = arith.constant 0 : i32
        %dma_wait3A_424 = tpu.memref_slice %arg8[%dma_wait3A_420, %dma_wait3A_421, %dma_wait3A_422, %dma_wait3A_423] : memref<2x4x128x16xf32, #tpu.memory_space<vmem>> -> memref<1x1x128x16xf32, #tpu.memory_space<vmem>>
        %dma_wait3A_425 = tpu.memref_squeeze %dma_wait3A_424 : memref<1x1x128x16xf32, #tpu.memory_space<vmem>> -> memref<128x16xf32, #tpu.memory_space<vmem>>
        %dma_wait3A_426 = arith.constant 0 : i32
        %dma_wait3A_427 = tpu.memref_slice %arg6[%dma_wait3A_419, %dma_wait3A_426] : memref<80x128xi32, #tpu.memory_space<vmem>> -> memref<1x128xi32, #tpu.memory_space<vmem>>
        %dma_wait3A_428 = tpu.memref_squeeze %dma_wait3A_427 : memref<1x128xi32, #tpu.memory_space<vmem>> -> memref<128xi32, #tpu.memory_space<vmem>>
        %dma_wait3A_429 = arith.constant 0 : i32
        %dma_wait3A_430 = arith.constant 0 : i32
        %dma_wait3A_431 = tpu.memref_slice %arg2[%dma_wait3A_429, %dma_wait3A_430] : memref<10000x16xf32, #tpu.memory_space<hbm>> -> memref<10000x16xf32, #tpu.memory_space<hbm>>
        tpu.wait_indirect_dma semaphore(%arg13 : memref<!tpu.dma_semaphore, #tpu.memory_space<semaphore_mem>>) src(%dma_wait3A_431 : memref<10000x16xf32, #tpu.memory_space<hbm>>) dst(%dma_wait3A_425 : memref<128x16xf32, #tpu.memory_space<vmem>>)
        %dma_wait3A_432 = arith.constant 0 : i32
        %dma_wait3A_433 = arith.constant 0 : i32
        %dma_wait3A_434 = arith.constant 1 : i32
        %dma_wait3A_435 = arith.constant 0 : i32
        %dma_wait3A_436 = arith.constant 0 : i32
        %dma_wait3A_437 = tpu.memref_slice %arg8[%dma_wait3A_433, %dma_wait3A_434, %dma_wait3A_435, %dma_wait3A_436] : memref<2x4x128x16xf32, #tpu.memory_space<vmem>> -> memref<1x1x128x16xf32, #tpu.memory_space<vmem>>
        %dma_wait3A_438 = tpu.memref_squeeze %dma_wait3A_437 : memref<1x1x128x16xf32, #tpu.memory_space<vmem>> -> memref<128x16xf32, #tpu.memory_space<vmem>>
        %dma_wait3A_439 = arith.constant 0 : i32
        %dma_wait3A_440 = tpu.memref_slice %arg6[%dma_wait3A_432, %dma_wait3A_439] : memref<80x128xi32, #tpu.memory_space<vmem>> -> memref<1x128xi32, #tpu.memory_space<vmem>>
        %dma_wait3A_441 = tpu.memref_squeeze %dma_wait3A_440 : memref<1x128xi32, #tpu.memory_space<vmem>> -> memref<128xi32, #tpu.memory_space<vmem>>
        %dma_wait3A_442 = arith.constant 0 : i32
        %dma_wait3A_443 = arith.constant 0 : i32
        %dma_wait3A_444 = tpu.memref_slice %arg2[%dma_wait3A_442, %dma_wait3A_443] : memref<10000x16xf32, #tpu.memory_space<hbm>> -> memref<10000x16xf32, #tpu.memory_space<hbm>>
        tpu.wait_indirect_dma semaphore(%arg13 : memref<!tpu.dma_semaphore, #tpu.memory_space<semaphore_mem>>) src(%dma_wait3A_444 : memref<10000x16xf32, #tpu.memory_space<hbm>>) dst(%dma_wait3A_438 : memref<128x16xf32, #tpu.memory_space<vmem>>)
        %dma_wait3A_445 = arith.constant 0 : i32
        %dma_wait3A_446 = arith.constant 0 : i32
        %dma_wait3A_447 = arith.constant 2 : i32
        %dma_wait3A_448 = arith.constant 0 : i32
        %dma_wait3A_449 = arith.constant 0 : i32
        %dma_wait3A_450 = tpu.memref_slice %arg8[%dma_wait3A_446, %dma_wait3A_447, %dma_wait3A_448, %dma_wait3A_449] : memref<2x4x128x16xf32, #tpu.memory_space<vmem>> -> memref<1x1x128x16xf32, #tpu.memory_space<vmem>>
        %dma_wait3A_451 = tpu.memref_squeeze %dma_wait3A_450 : memref<1x1x128x16xf32, #tpu.memory_space<vmem>> -> memref<128x16xf32, #tpu.memory_space<vmem>>
        %dma_wait3A_452 = arith.constant 0 : i32
        %dma_wait3A_453 = tpu.memref_slice %arg6[%dma_wait3A_445, %dma_wait3A_452] : memref<80x128xi32, #tpu.memory_space<vmem>> -> memref<1x128xi32, #tpu.memory_space<vmem>>
        %dma_wait3A_454 = tpu.memref_squeeze %dma_wait3A_453 : memref<1x128xi32, #tpu.memory_space<vmem>> -> memref<128xi32, #tpu.memory_space<vmem>>
        %dma_wait3A_455 = arith.constant 0 : i32
        %dma_wait3A_456 = arith.constant 0 : i32
        %dma_wait3A_457 = tpu.memref_slice %arg2[%dma_wait3A_455, %dma_wait3A_456] : memref<10000x16xf32, #tpu.memory_space<hbm>> -> memref<10000x16xf32, #tpu.memory_space<hbm>>
        tpu.wait_indirect_dma semaphore(%arg13 : memref<!tpu.dma_semaphore, #tpu.memory_space<semaphore_mem>>) src(%dma_wait3A_457 : memref<10000x16xf32, #tpu.memory_space<hbm>>) dst(%dma_wait3A_451 : memref<128x16xf32, #tpu.memory_space<vmem>>)
        %dma_wait3A_458 = arith.constant 0 : i32
        %dma_wait3A_459 = arith.constant 0 : i32
        %dma_wait3A_460 = arith.constant 3 : i32
        %dma_wait3A_461 = arith.constant 0 : i32
        %dma_wait3A_462 = arith.constant 0 : i32
        %dma_wait3A_463 = tpu.memref_slice %arg8[%dma_wait3A_459, %dma_wait3A_460, %dma_wait3A_461, %dma_wait3A_462] : memref<2x4x128x16xf32, #tpu.memory_space<vmem>> -> memref<1x1x128x16xf32, #tpu.memory_space<vmem>>
        %dma_wait3A_464 = tpu.memref_squeeze %dma_wait3A_463 : memref<1x1x128x16xf32, #tpu.memory_space<vmem>> -> memref<128x16xf32, #tpu.memory_space<vmem>>
        %dma_wait3A_465 = arith.constant 0 : i32
        %dma_wait3A_466 = tpu.memref_slice %arg6[%dma_wait3A_458, %dma_wait3A_465] : memref<80x128xi32, #tpu.memory_space<vmem>> -> memref<1x128xi32, #tpu.memory_space<vmem>>
        %dma_wait3A_467 = tpu.memref_squeeze %dma_wait3A_466 : memref<1x128xi32, #tpu.memory_space<vmem>> -> memref<128xi32, #tpu.memory_space<vmem>>
        %dma_wait3A_468 = arith.constant 0 : i32
        %dma_wait3A_469 = arith.constant 0 : i32
        %dma_wait3A_470 = tpu.memref_slice %arg2[%dma_wait3A_468, %dma_wait3A_469] : memref<10000x16xf32, #tpu.memory_space<hbm>> -> memref<10000x16xf32, #tpu.memory_space<hbm>>
        tpu.wait_indirect_dma semaphore(%arg13 : memref<!tpu.dma_semaphore, #tpu.memory_space<semaphore_mem>>) src(%dma_wait3A_470 : memref<10000x16xf32, #tpu.memory_space<hbm>>) dst(%dma_wait3A_464 : memref<128x16xf32, #tpu.memory_space<vmem>>)
      } else {
      }
      %add3A_412 = arith.constant 1 : i32
      %add3A_413 = arith.addi %add3A_290, %add3A_412 : i32
      %lt3A_414 = arith.cmpi slt, %add3A_413, %select_n3A : i32
      %convert_element_type3A_415 = arith.extui %lt3A_414 : i1 to i32
      %cond3A_416 = arith.constant 0 : i32
      %cond3A_417 = arith.cmpi ne, %convert_element_type3A_415, %cond3A_416 : i32
      scf.if %cond3A_417 {
        %add3A_419 = arith.constant 1 : i32
        %add3A_420 = arith.addi %add3A_290, %add3A_419 : i32
        %mul3A_421 = arith.constant 4 : i32
        %mul3A_422 = arith.muli %add3A_420, %mul3A_421 : i32
        %add3A_423 = arith.constant 0 : i32
        %add3A_424 = arith.addi %mul3A_422, %add3A_423 : i32
        %dma_start3A_425 = arith.constant 0 : i32
        %dma_start3A_426 = arith.constant 0 : i32
        %dma_start3A_427 = arith.constant 0 : i32
        %dma_start3A_428 = arith.constant 0 : i32
        %dma_start3A_429 = tpu.memref_slice %arg8[%dma_start3A_425, %dma_start3A_426, %dma_start3A_427, %dma_start3A_428] : memref<2x4x128x16xf32, #tpu.memory_space<vmem>> -> memref<1x1x128x16xf32, #tpu.memory_space<vmem>>
        %dma_start3A_430 = tpu.memref_squeeze %dma_start3A_429 : memref<1x1x128x16xf32, #tpu.memory_space<vmem>> -> memref<128x16xf32, #tpu.memory_space<vmem>>
        %dma_start3A_431 = arith.constant 0 : i32
        %dma_start3A_432 = tpu.memref_slice %arg6[%add3A_424, %dma_start3A_431] : memref<80x128xi32, #tpu.memory_space<vmem>> -> memref<1x128xi32, #tpu.memory_space<vmem>>
        %dma_start3A_433 = tpu.memref_squeeze %dma_start3A_432 : memref<1x128xi32, #tpu.memory_space<vmem>> -> memref<128xi32, #tpu.memory_space<vmem>>
        %dma_start3A_434 = arith.constant 0 : i32
        %dma_start3A_435 = arith.constant 0 : i32
        %dma_start3A_436 = tpu.memref_slice %arg11[%dma_start3A_434, %dma_start3A_435] : memref<10000x16xf32, #tpu.memory_space<vmem_shared>> -> memref<10000x16xf32, #tpu.memory_space<vmem_shared>>
        tpu.enqueue_indirect_dma source(%dma_start3A_436 : memref<10000x16xf32, #tpu.memory_space<vmem_shared>>) target(%dma_start3A_430 : memref<128x16xf32, #tpu.memory_space<vmem>>) offsets(%dma_start3A_433 : memref<128xi32, #tpu.memory_space<vmem>>) semaphore(%arg12 : memref<!tpu.dma_semaphore, #tpu.memory_space<semaphore_mem>>)
        %add3A_437 = arith.constant 1 : i32
        %add3A_438 = arith.addi %add3A_290, %add3A_437 : i32
        %mul3A_439 = arith.constant 4 : i32
        %mul3A_440 = arith.muli %add3A_438, %mul3A_439 : i32
        %add3A_441 = arith.constant 1 : i32
        %add3A_442 = arith.addi %mul3A_440, %add3A_441 : i32
        %dma_start3A_443 = arith.constant 0 : i32
        %dma_start3A_444 = arith.constant 1 : i32
        %dma_start3A_445 = arith.constant 0 : i32
        %dma_start3A_446 = arith.constant 0 : i32
        %dma_start3A_447 = tpu.memref_slice %arg8[%dma_start3A_443, %dma_start3A_444, %dma_start3A_445, %dma_start3A_446] : memref<2x4x128x16xf32, #tpu.memory_space<vmem>> -> memref<1x1x128x16xf32, #tpu.memory_space<vmem>>
        %dma_start3A_448 = tpu.memref_squeeze %dma_start3A_447 : memref<1x1x128x16xf32, #tpu.memory_space<vmem>> -> memref<128x16xf32, #tpu.memory_space<vmem>>
        %dma_start3A_449 = arith.constant 0 : i32
        %dma_start3A_450 = tpu.memref_slice %arg6[%add3A_442, %dma_start3A_449] : memref<80x128xi32, #tpu.memory_space<vmem>> -> memref<1x128xi32, #tpu.memory_space<vmem>>
        %dma_start3A_451 = tpu.memref_squeeze %dma_start3A_450 : memref<1x128xi32, #tpu.memory_space<vmem>> -> memref<128xi32, #tpu.memory_space<vmem>>
        %dma_start3A_452 = arith.constant 0 : i32
        %dma_start3A_453 = arith.constant 0 : i32
        %dma_start3A_454 = tpu.memref_slice %arg11[%dma_start3A_452, %dma_start3A_453] : memref<10000x16xf32, #tpu.memory_space<vmem_shared>> -> memref<10000x16xf32, #tpu.memory_space<vmem_shared>>
        tpu.enqueue_indirect_dma source(%dma_start3A_454 : memref<10000x16xf32, #tpu.memory_space<vmem_shared>>) target(%dma_start3A_448 : memref<128x16xf32, #tpu.memory_space<vmem>>) offsets(%dma_start3A_451 : memref<128xi32, #tpu.memory_space<vmem>>) semaphore(%arg12 : memref<!tpu.dma_semaphore, #tpu.memory_space<semaphore_mem>>)
        %add3A_455 = arith.constant 1 : i32
        %add3A_456 = arith.addi %add3A_290, %add3A_455 : i32
        %mul3A_457 = arith.constant 4 : i32
        %mul3A_458 = arith.muli %add3A_456, %mul3A_457 : i32
        %add3A_459 = arith.constant 2 : i32
        %add3A_460 = arith.addi %mul3A_458, %add3A_459 : i32
        %dma_start3A_461 = arith.constant 0 : i32
        %dma_start3A_462 = arith.constant 2 : i32
        %dma_start3A_463 = arith.constant 0 : i32
        %dma_start3A_464 = arith.constant 0 : i32
        %dma_start3A_465 = tpu.memref_slice %arg8[%dma_start3A_461, %dma_start3A_462, %dma_start3A_463, %dma_start3A_464] : memref<2x4x128x16xf32, #tpu.memory_space<vmem>> -> memref<1x1x128x16xf32, #tpu.memory_space<vmem>>
        %dma_start3A_466 = tpu.memref_squeeze %dma_start3A_465 : memref<1x1x128x16xf32, #tpu.memory_space<vmem>> -> memref<128x16xf32, #tpu.memory_space<vmem>>
        %dma_start3A_467 = arith.constant 0 : i32
        %dma_start3A_468 = tpu.memref_slice %arg6[%add3A_460, %dma_start3A_467] : memref<80x128xi32, #tpu.memory_space<vmem>> -> memref<1x128xi32, #tpu.memory_space<vmem>>
        %dma_start3A_469 = tpu.memref_squeeze %dma_start3A_468 : memref<1x128xi32, #tpu.memory_space<vmem>> -> memref<128xi32, #tpu.memory_space<vmem>>
        %dma_start3A_470 = arith.constant 0 : i32
        %dma_start3A_471 = arith.constant 0 : i32
        %dma_start3A_472 = tpu.memref_slice %arg11[%dma_start3A_470, %dma_start3A_471] : memref<10000x16xf32, #tpu.memory_space<vmem_shared>> -> memref<10000x16xf32, #tpu.memory_space<vmem_shared>>
        tpu.enqueue_indirect_dma source(%dma_start3A_472 : memref<10000x16xf32, #tpu.memory_space<vmem_shared>>) target(%dma_start3A_466 : memref<128x16xf32, #tpu.memory_space<vmem>>) offsets(%dma_start3A_469 : memref<128xi32, #tpu.memory_space<vmem>>) semaphore(%arg12 : memref<!tpu.dma_semaphore, #tpu.memory_space<semaphore_mem>>)
        %add3A_473 = arith.constant 1 : i32
        %add3A_474 = arith.addi %add3A_290, %add3A_473 : i32
        %mul3A_475 = arith.constant 4 : i32
        %mul3A_476 = arith.muli %add3A_474, %mul3A_475 : i32
        %add3A_477 = arith.constant 3 : i32
        %add3A_478 = arith.addi %mul3A_476, %add3A_477 : i32
        %dma_start3A_479 = arith.constant 0 : i32
        %dma_start3A_480 = arith.constant 3 : i32
        %dma_start3A_481 = arith.constant 0 : i32
        %dma_start3A_482 = arith.constant 0 : i32
        %dma_start3A_483 = tpu.memref_slice %arg8[%dma_start3A_479, %dma_start3A_480, %dma_start3A_481, %dma_start3A_482] : memref<2x4x128x16xf32, #tpu.memory_space<vmem>> -> memref<1x1x128x16xf32, #tpu.memory_space<vmem>>
        %dma_start3A_484 = tpu.memref_squeeze %dma_start3A_483 : memref<1x1x128x16xf32, #tpu.memory_space<vmem>> -> memref<128x16xf32, #tpu.memory_space<vmem>>
        %dma_start3A_485 = arith.constant 0 : i32
        %dma_start3A_486 = tpu.memref_slice %arg6[%add3A_478, %dma_start3A_485] : memref<80x128xi32, #tpu.memory_space<vmem>> -> memref<1x128xi32, #tpu.memory_space<vmem>>
        %dma_start3A_487 = tpu.memref_squeeze %dma_start3A_486 : memref<1x128xi32, #tpu.memory_space<vmem>> -> memref<128xi32, #tpu.memory_space<vmem>>
        %dma_start3A_488 = arith.constant 0 : i32
        %dma_start3A_489 = arith.constant 0 : i32
        %dma_start3A_490 = tpu.memref_slice %arg11[%dma_start3A_488, %dma_start3A_489] : memref<10000x16xf32, #tpu.memory_space<vmem_shared>> -> memref<10000x16xf32, #tpu.memory_space<vmem_shared>>
        tpu.enqueue_indirect_dma source(%dma_start3A_490 : memref<10000x16xf32, #tpu.memory_space<vmem_shared>>) target(%dma_start3A_484 : memref<128x16xf32, #tpu.memory_space<vmem>>) offsets(%dma_start3A_487 : memref<128xi32, #tpu.memory_space<vmem>>) semaphore(%arg12 : memref<!tpu.dma_semaphore, #tpu.memory_space<semaphore_mem>>)
      } else {
      }
      %while3A_418 = arith.constant 0 : i32
      scf.yield %while3A_418 : i32
    }
    %dma_wait3A = arith.constant 0 : i32
    %dma_wait3A_102 = arith.constant 0 : i32
    %dma_wait3A_103 = arith.constant 0 : i32
    %dma_wait3A_104 = arith.constant 0 : i32
    %dma_wait3A_105 = arith.constant 0 : i32
    %dma_wait3A_106 = tpu.memref_slice %arg8[%dma_wait3A_102, %dma_wait3A_103, %dma_wait3A_104, %dma_wait3A_105] : memref<2x4x128x16xf32, #tpu.memory_space<vmem>> -> memref<1x1x128x16xf32, #tpu.memory_space<vmem>>
    %dma_wait3A_107 = tpu.memref_squeeze %dma_wait3A_106 : memref<1x1x128x16xf32, #tpu.memory_space<vmem>> -> memref<128x16xf32, #tpu.memory_space<vmem>>
    %dma_wait3A_108 = arith.constant 0 : i32
    %dma_wait3A_109 = tpu.memref_slice %arg6[%dma_wait3A, %dma_wait3A_108] : memref<80x128xi32, #tpu.memory_space<vmem>> -> memref<1x128xi32, #tpu.memory_space<vmem>>
    %dma_wait3A_110 = tpu.memref_squeeze %dma_wait3A_109 : memref<1x128xi32, #tpu.memory_space<vmem>> -> memref<128xi32, #tpu.memory_space<vmem>>
    %dma_wait3A_111 = arith.constant 0 : i32
    %dma_wait3A_112 = arith.constant 0 : i32
    %dma_wait3A_113 = tpu.memref_slice %arg2[%dma_wait3A_111, %dma_wait3A_112] : memref<10000x16xf32, #tpu.memory_space<hbm>> -> memref<10000x16xf32, #tpu.memory_space<hbm>>
    tpu.wait_indirect_dma semaphore(%arg13 : memref<!tpu.dma_semaphore, #tpu.memory_space<semaphore_mem>>) src(%dma_wait3A_113 : memref<10000x16xf32, #tpu.memory_space<hbm>>) dst(%dma_wait3A_107 : memref<128x16xf32, #tpu.memory_space<vmem>>)
    %dma_wait3A_114 = arith.constant 0 : i32
    %dma_wait3A_115 = arith.constant 0 : i32
    %dma_wait3A_116 = arith.constant 1 : i32
    %dma_wait3A_117 = arith.constant 0 : i32
    %dma_wait3A_118 = arith.constant 0 : i32
    %dma_wait3A_119 = tpu.memref_slice %arg8[%dma_wait3A_115, %dma_wait3A_116, %dma_wait3A_117, %dma_wait3A_118] : memref<2x4x128x16xf32, #tpu.memory_space<vmem>> -> memref<1x1x128x16xf32, #tpu.memory_space<vmem>>
    %dma_wait3A_120 = tpu.memref_squeeze %dma_wait3A_119 : memref<1x1x128x16xf32, #tpu.memory_space<vmem>> -> memref<128x16xf32, #tpu.memory_space<vmem>>
    %dma_wait3A_121 = arith.constant 0 : i32
    %dma_wait3A_122 = tpu.memref_slice %arg6[%dma_wait3A_114, %dma_wait3A_121] : memref<80x128xi32, #tpu.memory_space<vmem>> -> memref<1x128xi32, #tpu.memory_space<vmem>>
    %dma_wait3A_123 = tpu.memref_squeeze %dma_wait3A_122 : memref<1x128xi32, #tpu.memory_space<vmem>> -> memref<128xi32, #tpu.memory_space<vmem>>
    %dma_wait3A_124 = arith.constant 0 : i32
    %dma_wait3A_125 = arith.constant 0 : i32
    %dma_wait3A_126 = tpu.memref_slice %arg2[%dma_wait3A_124, %dma_wait3A_125] : memref<10000x16xf32, #tpu.memory_space<hbm>> -> memref<10000x16xf32, #tpu.memory_space<hbm>>
    tpu.wait_indirect_dma semaphore(%arg13 : memref<!tpu.dma_semaphore, #tpu.memory_space<semaphore_mem>>) src(%dma_wait3A_126 : memref<10000x16xf32, #tpu.memory_space<hbm>>) dst(%dma_wait3A_120 : memref<128x16xf32, #tpu.memory_space<vmem>>)
    %dma_wait3A_127 = arith.constant 0 : i32
    %dma_wait3A_128 = arith.constant 0 : i32
    %dma_wait3A_129 = arith.constant 2 : i32
    %dma_wait3A_130 = arith.constant 0 : i32
    %dma_wait3A_131 = arith.constant 0 : i32
    %dma_wait3A_132 = tpu.memref_slice %arg8[%dma_wait3A_128, %dma_wait3A_129, %dma_wait3A_130, %dma_wait3A_131] : memref<2x4x128x16xf32, #tpu.memory_space<vmem>> -> memref<1x1x128x16xf32, #tpu.memory_space<vmem>>
    %dma_wait3A_133 = tpu.memref_squeeze %dma_wait3A_132 : memref<1x1x128x16xf32, #tpu.memory_space<vmem>> -> memref<128x16xf32, #tpu.memory_space<vmem>>
    %dma_wait3A_134 = arith.constant 0 : i32
    %dma_wait3A_135 = tpu.memref_slice %arg6[%dma_wait3A_127, %dma_wait3A_134] : memref<80x128xi32, #tpu.memory_space<vmem>> -> memref<1x128xi32, #tpu.memory_space<vmem>>
    %dma_wait3A_136 = tpu.memref_squeeze %dma_wait3A_135 : memref<1x128xi32, #tpu.memory_space<vmem>> -> memref<128xi32, #tpu.memory_space<vmem>>
    %dma_wait3A_137 = arith.constant 0 : i32
    %dma_wait3A_138 = arith.constant 0 : i32
    %dma_wait3A_139 = tpu.memref_slice %arg2[%dma_wait3A_137, %dma_wait3A_138] : memref<10000x16xf32, #tpu.memory_space<hbm>> -> memref<10000x16xf32, #tpu.memory_space<hbm>>
    tpu.wait_indirect_dma semaphore(%arg13 : memref<!tpu.dma_semaphore, #tpu.memory_space<semaphore_mem>>) src(%dma_wait3A_139 : memref<10000x16xf32, #tpu.memory_space<hbm>>) dst(%dma_wait3A_133 : memref<128x16xf32, #tpu.memory_space<vmem>>)
    %dma_wait3A_140 = arith.constant 0 : i32
    %dma_wait3A_141 = arith.constant 0 : i32
    %dma_wait3A_142 = arith.constant 3 : i32
    %dma_wait3A_143 = arith.constant 0 : i32
    %dma_wait3A_144 = arith.constant 0 : i32
    %dma_wait3A_145 = tpu.memref_slice %arg8[%dma_wait3A_141, %dma_wait3A_142, %dma_wait3A_143, %dma_wait3A_144] : memref<2x4x128x16xf32, #tpu.memory_space<vmem>> -> memref<1x1x128x16xf32, #tpu.memory_space<vmem>>
    %dma_wait3A_146 = tpu.memref_squeeze %dma_wait3A_145 : memref<1x1x128x16xf32, #tpu.memory_space<vmem>> -> memref<128x16xf32, #tpu.memory_space<vmem>>
    %dma_wait3A_147 = arith.constant 0 : i32
    %dma_wait3A_148 = tpu.memref_slice %arg6[%dma_wait3A_140, %dma_wait3A_147] : memref<80x128xi32, #tpu.memory_space<vmem>> -> memref<1x128xi32, #tpu.memory_space<vmem>>
    %dma_wait3A_149 = tpu.memref_squeeze %dma_wait3A_148 : memref<1x128xi32, #tpu.memory_space<vmem>> -> memref<128xi32, #tpu.memory_space<vmem>>
    %dma_wait3A_150 = arith.constant 0 : i32
    %dma_wait3A_151 = arith.constant 0 : i32
    %dma_wait3A_152 = tpu.memref_slice %arg2[%dma_wait3A_150, %dma_wait3A_151] : memref<10000x16xf32, #tpu.memory_space<hbm>> -> memref<10000x16xf32, #tpu.memory_space<hbm>>
    tpu.wait_indirect_dma semaphore(%arg13 : memref<!tpu.dma_semaphore, #tpu.memory_space<semaphore_mem>>) src(%dma_wait3A_152 : memref<10000x16xf32, #tpu.memory_space<hbm>>) dst(%dma_wait3A_146 : memref<128x16xf32, #tpu.memory_space<vmem>>)
    %barrier3A_153 = arith.constant 0 : index
    tpu.barrier barrier_id(%barrier3A_153)
    %mul3A_154 = arith.constant 640 : i32
    %mul3A_155 = arith.muli %arg1, %mul3A_154 : i32
    "tpu.region"() ({
      %run_scoped3A = tpu.sem_alloc : memref<!tpu.dma_semaphore, #tpu.memory_space<semaphore_mem>>
      %dma_start3A_158 = arith.constant 0 : i32
      %dma_start3A_159 = tpu.memref_slice %arg10[%mul3A_155, %dma_start3A_158] : memref<10240x16xf32, #tpu.memory_space<vmem_shared>> -> memref<640x16xf32, #tpu.memory_space<vmem_shared>>
      %dma_start3A_160 = arith.constant 0 : i32
      %dma_start3A_161 = tpu.memref_slice %arg10[%mul3A_155, %dma_start3A_160] : memref<10240x16xf32, #tpu.memory_space<vmem_shared>> -> memref<640x16xf32, #tpu.memory_space<vmem_shared>>
      tpu.enqueue_dma source(%dma_start3A_161 : memref<640x16xf32, #tpu.memory_space<vmem_shared>>) target(%arg9 : memref<640x16xf32, #tpu.memory_space<vmem>>) target_semaphore(%run_scoped3A : memref<!tpu.dma_semaphore, #tpu.memory_space<semaphore_mem>>)
      %dma_wait3A_162 = arith.constant 0 : i32
      %dma_wait3A_163 = tpu.memref_slice %arg10[%mul3A_155, %dma_wait3A_162] : memref<10240x16xf32, #tpu.memory_space<vmem_shared>> -> memref<640x16xf32, #tpu.memory_space<vmem_shared>>
      %dma_wait3A_164 = arith.constant 0 : i32
      %dma_wait3A_165 = tpu.memref_slice %arg10[%mul3A_155, %dma_wait3A_164] : memref<10240x16xf32, #tpu.memory_space<vmem_shared>> -> memref<640x16xf32, #tpu.memory_space<vmem_shared>>
      tpu.wait_dma2 semaphore(%run_scoped3A : memref<!tpu.dma_semaphore, #tpu.memory_space<semaphore_mem>>) src(%dma_wait3A_165 : memref<640x16xf32, #tpu.memory_space<vmem_shared>>) dst(%arg9 : memref<640x16xf32, #tpu.memory_space<vmem>>)
      tpu.yield
    }) : () -> ()
    %mul3A_156 = arith.constant 640 : i32
    %mul3A_157 = arith.muli %arg1, %mul3A_156 : i32
    "tpu.region"() ({
      %run_scoped3A = tpu.sem_alloc : memref<!tpu.dma_semaphore, #tpu.memory_space<semaphore_mem>>
      %dma_start3A_158 = arith.constant 0 : i32
      %dma_start3A_159 = tpu.memref_slice %arg5[%arg0, %mul3A_157, %dma_start3A_158] : memref<2x10240x16xf32, #tpu.memory_space<hbm>> -> memref<1x640x16xf32, #tpu.memory_space<hbm>>
      %dma_start3A_160 = tpu.memref_squeeze %dma_start3A_159 : memref<1x640x16xf32, #tpu.memory_space<hbm>> -> memref<640x16xf32, #tpu.memory_space<hbm>>
      %dma_start3A_161 = arith.constant 0 : i32
      %dma_start3A_162 = tpu.memref_slice %arg5[%arg0, %mul3A_157, %dma_start3A_161] : memref<2x10240x16xf32, #tpu.memory_space<hbm>> -> memref<1x640x16xf32, #tpu.memory_space<hbm>>
      %dma_start3A_163 = tpu.memref_squeeze %dma_start3A_162 : memref<1x640x16xf32, #tpu.memory_space<hbm>> -> memref<640x16xf32, #tpu.memory_space<hbm>>
      tpu.enqueue_dma source(%arg9 : memref<640x16xf32, #tpu.memory_space<vmem>>) target(%dma_start3A_163 : memref<640x16xf32, #tpu.memory_space<hbm>>) target_semaphore(%run_scoped3A : memref<!tpu.dma_semaphore, #tpu.memory_space<semaphore_mem>>)
      %dma_wait3A_164 = arith.constant 0 : i32
      %dma_wait3A_165 = tpu.memref_slice %arg5[%arg0, %mul3A_157, %dma_wait3A_164] : memref<2x10240x16xf32, #tpu.memory_space<hbm>> -> memref<1x640x16xf32, #tpu.memory_space<hbm>>
      %dma_wait3A_166 = tpu.memref_squeeze %dma_wait3A_165 : memref<1x640x16xf32, #tpu.memory_space<hbm>> -> memref<640x16xf32, #tpu.memory_space<hbm>>
      %dma_wait3A_167 = arith.constant 0 : i32
      %dma_wait3A_168 = tpu.memref_slice %arg5[%arg0, %mul3A_157, %dma_wait3A_167] : memref<2x10240x16xf32, #tpu.memory_space<hbm>> -> memref<1x640x16xf32, #tpu.memory_space<hbm>>
      %dma_wait3A_169 = tpu.memref_squeeze %dma_wait3A_168 : memref<1x640x16xf32, #tpu.memory_space<hbm>> -> memref<640x16xf32, #tpu.memory_space<hbm>>
      tpu.wait_dma2 semaphore(%run_scoped3A : memref<!tpu.dma_semaphore, #tpu.memory_space<semaphore_mem>>) src(%arg9 : memref<640x16xf32, #tpu.memory_space<vmem>>) dst(%dma_wait3A_169 : memref<640x16xf32, #tpu.memory_space<hbm>>)
      tpu.yield
    }) : () -> ()
    return
  }
}

module attributes {stable_mosaic.version = 14 : i64} {
  func.func @_mm1_body(%arg0: memref<10000x128xf32, #tpu.memory_space<vmem>>, %arg1: memref<128x16xf32, #tpu.memory_space<vmem>>, %arg2: memref<10000x16xf32, #tpu.memory_space<vmem>>) attributes {dimension_semantics = [], scalar_prefetch = 0 : i64, scratch_operands = 0 : i64, tpu.core_type = #tpu.core_type<tc>} {
    %get3A = arith.constant 0 : index
    %get3A_0 = arith.constant 0 : index
    %get3A_1 = vector.load %arg0[%get3A, %get3A_0] : memref<10000x128xf32, #tpu.memory_space<vmem>>, vector<10000x128xf32>
    %get3A_2 = arith.constant 0 : index
    %get3A_3 = arith.constant 0 : index
    %get3A_4 = vector.load %arg1[%get3A_2, %get3A_3] : memref<128x16xf32, #tpu.memory_space<vmem>>, vector<128x16xf32>
    %dot_general3A = arith.constant dense<0.000000e+00> : vector<10000x16xf32>
    %dot_general3A_5 = tpu.matmul %get3A_1, %get3A_4, %dot_general3A {dimension_numbers = #tpu.dot_dimension_numbers<[1], [0], [0], [1], [0, 0, 1, 1], [], []>, transpose_lhs_hint = false} : vector<10000x128xf32>, vector<128x16xf32>, vector<10000x16xf32> -> vector<10000x16xf32>
    %swap3A = arith.constant 0 : index
    %swap3A_6 = arith.constant 0 : index
    %swap3A_7 = vector.load %arg2[%swap3A, %swap3A_6] : memref<10000x16xf32, #tpu.memory_space<vmem>>, vector<10000x16xf32>
    tpu.vector_store %arg2[%swap3A, %swap3A_6], %dot_general3A_5 {strides = array<i32>} : memref<10000x16xf32, #tpu.memory_space<vmem>>, vector<10000x16xf32>,
    return
  }
}

module attributes {stable_mosaic.version = 14 : i64} {
  func.func @_dinv_g1_body(%arg0: memref<2x10240xf32, #tpu.memory_space<vmem>>, %arg1: memref<10000x16xf32, #tpu.memory_space<vmem>>, %arg2: memref<10000x1xf32, #tpu.memory_space<vmem>>, %arg3: memref<10000x16xf32, #tpu.memory_space<vmem>>) attributes {dimension_semantics = [], scalar_prefetch = 0 : i64, scratch_operands = 0 : i64, tpu.core_type = #tpu.core_type<tc>} {
    %get3A = arith.constant 0 : index
    %get3A_0 = arith.constant 0 : index
    %get3A_1 = vector.load %arg0[%get3A, %get3A_0] : memref<2x10240xf32, #tpu.memory_space<vmem>>, vector<1x10000xf32>
    %get3A_2 = vector.shape_cast %get3A_1 : vector<1x10000xf32> to vector<10000xf32>
    %get3A_3 = arith.constant 1 : index
    %get3A_4 = arith.constant 0 : index
    %get3A_5 = vector.load %arg0[%get3A_3, %get3A_4] : memref<2x10240xf32, #tpu.memory_space<vmem>>, vector<1x10000xf32>
    %get3A_6 = vector.shape_cast %get3A_5 : vector<1x10000xf32> to vector<10000xf32>
    %add3A = arith.addf %get3A_2, %get3A_6 : vector<10000xf32>
    %add3A_7 = arith.constant 1.000000e+00 : f32
    %add3A_8 = vector.broadcast %add3A_7 : f32 to vector<10000xf32>
    %add3A_9 = arith.addf %add3A, %add3A_8 : vector<10000xf32>
    %rsqrt3A = math.rsqrt %add3A_9 : vector<10000xf32>
    %reshape3A = vector.shape_cast %rsqrt3A : vector<10000xf32> to vector<10000x1xf32>
    %swap3A = arith.constant 0 : index
    %swap3A_10 = arith.constant 0 : index
    %swap3A_11 = vector.load %arg2[%swap3A, %swap3A_10] : memref<10000x1xf32, #tpu.memory_space<vmem>>, vector<10000x1xf32>
    tpu.vector_store %arg2[%swap3A, %swap3A_10], %reshape3A {strides = array<i32>} : memref<10000x1xf32, #tpu.memory_space<vmem>>, vector<10000x1xf32>,
    %get3A_12 = arith.constant 0 : index
    %get3A_13 = arith.constant 0 : index
    %get3A_14 = vector.load %arg1[%get3A_12, %get3A_13] : memref<10000x16xf32, #tpu.memory_space<vmem>>, vector<10000x16xf32>
    %mul3A = vector.broadcast %reshape3A : vector<10000x1xf32> to vector<10000x16xf32>
    %mul3A_15 = arith.mulf %get3A_14, %mul3A : vector<10000x16xf32>
    %swap3A_16 = arith.constant 0 : index
    %swap3A_17 = arith.constant 0 : index
    %swap3A_18 = vector.load %arg3[%swap3A_16, %swap3A_17] : memref<10000x16xf32, #tpu.memory_space<vmem>>, vector<10000x16xf32>
    tpu.vector_store %arg3[%swap3A_16, %swap3A_17], %mul3A_15 {strides = array<i32>} : memref<10000x16xf32, #tpu.memory_space<vmem>>, vector<10000x16xf32>,
    return
  }
}

module attributes {stable_mosaic.version = 14 : i64} {
  func.func @_mid_body(%arg0: memref<2x10240x16xf32, #tpu.memory_space<vmem>>, %arg1: memref<10000x16xf32, #tpu.memory_space<vmem>>, %arg2: memref<10000x1xf32, #tpu.memory_space<vmem>>, %arg3: memref<1x16xf32, #tpu.memory_space<vmem>>, %arg4: memref<10000x16xf32, #tpu.memory_space<vmem>>) attributes {dimension_semantics = [], scalar_prefetch = 0 : i64, scratch_operands = 0 : i64, tpu.core_type = #tpu.core_type<tc>} {
    %get3A = arith.constant 0 : index
    %get3A_0 = arith.constant 0 : index
    %get3A_1 = arith.constant 0 : index
    %get3A_2 = vector.load %arg0[%get3A, %get3A_0, %get3A_1] : memref<2x10240x16xf32, #tpu.memory_space<vmem>>, vector<1x10240x16xf32>
    %get3A_3 = vector.shape_cast %get3A_2 : vector<1x10240x16xf32> to vector<10240x16xf32>
    %get3A_4 = arith.constant 1 : index
    %get3A_5 = arith.constant 0 : index
    %get3A_6 = arith.constant 0 : index
    %get3A_7 = vector.load %arg0[%get3A_4, %get3A_5, %get3A_6] : memref<2x10240x16xf32, #tpu.memory_space<vmem>>, vector<1x10240x16xf32>
    %get3A_8 = vector.shape_cast %get3A_7 : vector<1x10240x16xf32> to vector<10240x16xf32>
    %add3A = arith.addf %get3A_3, %get3A_8 : vector<10240x16xf32>
    %slice3A = vector.extract_strided_slice %add3A {offsets = [0, 0], sizes = [10000, 16], strides = [1, 1]} : vector<10240x16xf32> to vector<10000x16xf32>
    %get3A_9 = arith.constant 0 : index
    %get3A_10 = arith.constant 0 : index
    %get3A_11 = vector.load %arg1[%get3A_9, %get3A_10] : memref<10000x16xf32, #tpu.memory_space<vmem>>, vector<10000x16xf32>
    %add3A_12 = arith.addf %slice3A, %get3A_11 : vector<10000x16xf32>
    %get3A_13 = arith.constant 0 : index
    %get3A_14 = arith.constant 0 : index
    %get3A_15 = vector.load %arg2[%get3A_13, %get3A_14] : memref<10000x1xf32, #tpu.memory_space<vmem>>, vector<10000x1xf32>
    %mul3A = vector.broadcast %get3A_15 : vector<10000x1xf32> to vector<10000x16xf32>
    %mul3A_16 = arith.mulf %add3A_12, %mul3A : vector<10000x16xf32>
    %get3A_17 = arith.constant 0 : index
    %get3A_18 = arith.constant 0 : index
    %get3A_19 = vector.load %arg3[%get3A_17, %get3A_18] : memref<1x16xf32, #tpu.memory_space<vmem>>, vector<1x16xf32>
    %add3A_20 = vector.broadcast %get3A_19 : vector<1x16xf32> to vector<10000x16xf32>
    %add3A_21 = arith.addf %mul3A_16, %add3A_20 : vector<10000x16xf32>
    %max3A = arith.constant 0.000000e+00 : f32
    %max3A_22 = vector.broadcast %max3A : f32 to vector<10000x16xf32>
    %max3A_23 = arith.maximumf %add3A_21, %max3A_22 : vector<10000x16xf32>
    %get3A_24 = arith.constant 0 : index
    %get3A_25 = arith.constant 0 : index
    %get3A_26 = vector.load %arg2[%get3A_24, %get3A_25] : memref<10000x1xf32, #tpu.memory_space<vmem>>, vector<10000x1xf32>
    %mul3A_27 = vector.broadcast %get3A_26 : vector<10000x1xf32> to vector<10000x16xf32>
    %mul3A_28 = arith.mulf %max3A_23, %mul3A_27 : vector<10000x16xf32>
    %swap3A = arith.constant 0 : index
    %swap3A_29 = arith.constant 0 : index
    %swap3A_30 = vector.load %arg4[%swap3A, %swap3A_29] : memref<10000x16xf32, #tpu.memory_space<vmem>>, vector<10000x16xf32>
    tpu.vector_store %arg4[%swap3A, %swap3A_29], %mul3A_28 {strides = array<i32>} : memref<10000x16xf32, #tpu.memory_space<vmem>>, vector<10000x16xf32>,
    return
  }
}

module attributes {stable_mosaic.version = 14 : i64} {
  func.func @_out_body(%arg0: memref<2x10240x16xf32, #tpu.memory_space<vmem>>, %arg1: memref<10000x16xf32, #tpu.memory_space<vmem>>, %arg2: memref<10000x1xf32, #tpu.memory_space<vmem>>, %arg3: memref<1x64xf32, #tpu.memory_space<vmem>>, %arg4: memref<16x64xf32, #tpu.memory_space<vmem>>, %arg5: memref<10000x64xf32, #tpu.memory_space<vmem>>) attributes {dimension_semantics = [], scalar_prefetch = 0 : i64, scratch_operands = 0 : i64, tpu.core_type = #tpu.core_type<tc>} {
    %get3A = arith.constant 0 : index
    %get3A_0 = arith.constant 0 : index
    %get3A_1 = arith.constant 0 : index
    %get3A_2 = vector.load %arg0[%get3A, %get3A_0, %get3A_1] : memref<2x10240x16xf32, #tpu.memory_space<vmem>>, vector<1x10240x16xf32>
    %get3A_3 = vector.shape_cast %get3A_2 : vector<1x10240x16xf32> to vector<10240x16xf32>
    %get3A_4 = arith.constant 1 : index
    %get3A_5 = arith.constant 0 : index
    %get3A_6 = arith.constant 0 : index
    %get3A_7 = vector.load %arg0[%get3A_4, %get3A_5, %get3A_6] : memref<2x10240x16xf32, #tpu.memory_space<vmem>>, vector<1x10240x16xf32>
    %get3A_8 = vector.shape_cast %get3A_7 : vector<1x10240x16xf32> to vector<10240x16xf32>
    %add3A = arith.addf %get3A_3, %get3A_8 : vector<10240x16xf32>
    %slice3A = vector.extract_strided_slice %add3A {offsets = [0, 0], sizes = [10000, 16], strides = [1, 1]} : vector<10240x16xf32> to vector<10000x16xf32>
    %get3A_9 = arith.constant 0 : index
    %get3A_10 = arith.constant 0 : index
    %get3A_11 = vector.load %arg1[%get3A_9, %get3A_10] : memref<10000x16xf32, #tpu.memory_space<vmem>>, vector<10000x16xf32>
    %add3A_12 = arith.addf %slice3A, %get3A_11 : vector<10000x16xf32>
    %get3A_13 = arith.constant 0 : index
    %get3A_14 = arith.constant 0 : index
    %get3A_15 = vector.load %arg4[%get3A_13, %get3A_14] : memref<16x64xf32, #tpu.memory_space<vmem>>, vector<16x64xf32>
    %dot_general3A = arith.constant dense<0.000000e+00> : vector<10000x64xf32>
    %dot_general3A_16 = tpu.matmul %add3A_12, %get3A_15, %dot_general3A {dimension_numbers = #tpu.dot_dimension_numbers<[1], [0], [0], [1], [0, 0, 1, 1], [], []>, transpose_lhs_hint = false} : vector<10000x16xf32>, vector<16x64xf32>, vector<10000x64xf32> -> vector<10000x64xf32>
    %get3A_17 = arith.constant 0 : index
    %get3A_18 = arith.constant 0 : index
    %get3A_19 = vector.load %arg2[%get3A_17, %get3A_18] : memref<10000x1xf32, #tpu.memory_space<vmem>>, vector<10000x1xf32>
    %mul3A = vector.broadcast %get3A_19 : vector<10000x1xf32> to vector<10000x64xf32>
    %mul3A_20 = arith.mulf %dot_general3A_16, %mul3A : vector<10000x64xf32>
    %get3A_21 = arith.constant 0 : index
    %get3A_22 = arith.constant 0 : index
    %get3A_23 = vector.load %arg3[%get3A_21, %get3A_22] : memref<1x64xf32, #tpu.memory_space<vmem>>, vector<1x64xf32>
    %add3A_24 = vector.broadcast %get3A_23 : vector<1x64xf32> to vector<10000x64xf32>
    %add3A_25 = arith.addf %mul3A_20, %add3A_24 : vector<10000x64xf32>
    %swap3A = arith.constant 0 : index
    %swap3A_26 = arith.constant 0 : index
    %swap3A_27 = vector.load %arg5[%swap3A, %swap3A_26] : memref<10000x64xf32, #tpu.memory_space<vmem>>, vector<10000x64xf32>
    tpu.vector_store %arg5[%swap3A, %swap3A_26], %add3A_25 {strides = array<i32>} : memref<10000x64xf32, #tpu.memory_space<vmem>>, vector<10000x64xf32>,
    return
  }
}

</mosaic_0001>

<sc_bundles>
// kernel: kernel.12.cloned.1.call-start
scs
__scs_entry_jumppad:
0x0: {  	(pc) =	sbr.rel $0x88, $3  }
0x1: {  	(tag) =	ssettag $0x0;
	lr =	simm.s32 $0x1  }
0x2: {  	[smem:$0x3F9B] =	sst lr;
	_ =	strace $0xD0000000  }
0x3: {  	_ = 	snop  }
0x4: {  	_ = 	snop  }
0x5: {  	_ = 	snop  }
0x6: {  	_ = 	snop  }
0x7: {  	_ = 	snop  }
__scs_overlays_trampoline_lowered:
0x8: {  	[smem:$0x3FAA] =	sst s0  }
0x9: {  	[smem:$0x3FAB] =	sst s1  }
0xa: {  	[smem:$0x3FAC] =	sst s2  }
0xb: {  	[smem:$0x3FAD] =	sst s3  }
0xc: {  	[smem:$0x3FAE] =	sst s4  }
0xd: {  	[smem:$0x3FAF] =	sst s5  }
0xe: {  	[smem:$0x3FB0] =	sst s6  }
0xf: {  	[smem:$0x3FB1] =	sst s7  }
0x10: {  	[smem:$0x3FB2] =	sst s8  }
0x11: {  	[smem:$0x3FB3] =	sst s9;
	s0 =	simm.s32 @!p0 $0x0  }
0x12: {  	s1 =	sld [smem:$0x3F99];
	s0 =	simm.s32 @p0 $0x1  }
0x13: {  	[smem:$0x3FB4] =	sst s0;
	s0 =	simm.s32 @!p1 $0x0  }
0x14: {  	s2 =	sld [smem:$0x3F98];
	s0 =	simm.s32 @p1 $0x1  }
0x15: {  	[smem:$0x3FB5] =	sst s0;
	s0 =	simm.s32 @!p2 $0x0  }
0x16: {  	s3 =	sld [smem:$0x3FDB];
	s0 =	simm.s32 @p2 $0x1  }
0x17: {  	s4 =	simm.s32 $0x1BF5;
	[smem:$0x3FB7] =	sst s0  }
0x18: {  	s0 =	sld [smem:$0x3F9A];
	_ =	swait.ge [sflag:s4], $0x0  }
0x19: {  	s7 =	sld [smem:$0x3F9B]  }
0x1a: {  	s8 =	sadd.s32 $0xFFFFE003, lr  }
0x1b: {  	s9 =	sadd.s32 $0xFFFFFEF7, lr;
	s5 =	simm.s32 $0xFFFFFFFF;
	p2 =	slt.u32 s8, $0xFFFFF086  }
0x1c: {  	p1 =	slt.u32 s9, $0xF7A;
	s5 =	simm.s32 @!p2 $0x0  }
0x1d: {  	s5 =	simm.s32 @p1 $0x1;
	p0 =	seq.s32 s7, s2  }
0x1e: {  	s7 =	smul.u32 @!p0 $0xF7A, s2;
	p2 =	seq.s32 @!p0 s5, $0x0  }
0x1f: {  	s9 =	smul.u32 $0xF7A, s1;
	s8 =	simm.s32 @!p0 $0x1BF5;
	p2 =	por !p2, p0  }
0x20: {  	[sflag:s8] =	ssyncset.s32 @!p0 $0xFFFFF086;
	s6 =	sadd.s32 @!p0 s3, s7;
	s7 =	simm.s32 @!p0 $0x108  }
0x21: {  	s3 =	sadd.s32 s3, s9;
	s6 =	sadd.s32 @!p0 $0x88, s6;
	s7 =	simm.s32 @p2 $0x1082  }
0x22: {  	[simem:s7], [sflag:s8] =	dma.local @!p0 [hbm:s6], $0xF7A  }
0x23: {  	s9 =	sor.u32 $0xD0000000, s2;
	s6 =	simm.s32 $0x108;
	_ =	swait.ge @!p0 [sflag:s8], $0x0  }
0x24: {  	s3 =	sadd.s32 $0x88, s3;
	s6 =	simm.s32 @!p1 $0x1082;
	[sflag:s4] =	ssyncset.s32 $0xFFFFF086  }
0x25: {  	[simem:s6], [sflag:s4] =	dma.local [hbm:s3], $0xF7A  }
0x26: {  	[smem:$0x3F9B] =	sst s1;
	(tag) =	ssettag s2;
	_ =	strace s9  }
0x27: {  	s1 =	sld [smem:$0x3FAB]  }
0x28: {  	s2 =	sld [smem:$0x3FAC]  }
0x29: {  	s4 =	sld [smem:$0x3FAE]  }
0x2a: {  	p0 =	seq.s32 s5, $0x0;
	s5 =	sld [smem:$0x3FAF]  }
0x2b: {  	s6 =	sld [smem:$0x3FB0]  }
0x2c: {  	s7 =	sld [smem:$0x3FB1]  }
0x2d: {  	s3 =	simm.s32 $0x108;
	s8 =	sld [smem:$0x3FB2]  }
0x2e: {  	s3 =	simm.s32 @!p0 $0x1082;
	s9 =	sld [smem:$0x3FB3]  }
0x2f: {  	lr =	sadd.s32 s0, s3;
	s0 =	sld [smem:$0x3FAA]  }
0x30: {  	s3 =	sld [smem:$0x3FAD]  }
0x31: {  	[smem:$0x3FB6] =	sst s10  }
0x32: {  	s10 =	sld [smem:$0x3FB4];
	_ =	sdelay $0x3  }
0x33: {  	p0 =	seq.s32 s10, $0x1;
	s10 =	sld [smem:$0x3FB6];
	_ =	sdelay $0x3  }
0x34: {  	[smem:$0x3FB6] =	sst s10  }
0x35: {  	s10 =	sld [smem:$0x3FB5];
	_ =	sdelay $0x3  }
0x36: {  	p1 =	seq.s32 s10, $0x1;
	s10 =	sld [smem:$0x3FB6];
	_ =	sdelay $0x3  }
0x37: {  	[smem:$0x3FB6] =	sst s10  }
0x38: {  	s10 =	sld [smem:$0x3FB7]  }
0x39: {  	_ = 	snop;
	(pc) =	sbr.ind lr, $3  }
0x3a: {  	_ = 	snop  }
0x3b: {  	_ = 	snop  }
0x3c: {  	p2 =	seq.s32 s10, $0x1;
	s10 =	sld [smem:$0x3FB6]  }
0x3d: {  	_ =	shalt  }
0x3e: {  	_ =	shalt  }
0x3f: {  	_ =	shalt  }
0x40: {  	_ =	shalt  }
0x41: {  	_ =	shalt  }
0x42: {  	_ =	shalt  }
0x43: {  	_ =	shalt  }
0x44: {  	_ =	shalt  }
0x45: {  	_ =	shalt  }
0x46: {  	_ =	shalt  }
0x47: {  	_ =	shalt  }
0x48: {  	_ =	shalt  }
0x49: {  	_ =	shalt  }
0x4a: {  	_ =	shalt  }
0x4b: {  	_ =	shalt  }
0x4c: {  	_ =	shalt  }
0x4d: {  	_ =	shalt  }
0x4e: {  	_ =	shalt  }
0x4f: {  	_ =	shalt  }
0x50: {  	_ =	shalt  }
0x51: {  	_ =	shalt  }
0x52: {  	_ =	shalt  }
0x53: {  	_ =	shalt  }
0x54: {  	_ =	shalt  }
0x55: {  	_ =	shalt  }
0x56: {  	_ =	shalt  }
0x57: {  	_ =	shalt  }
0x58: {  	_ =	shalt  }
0x59: {  	_ =	shalt  }
0x5a: {  	_ =	shalt  }
0x5b: {  	_ =	shalt  }
0x5c: {  	_ =	shalt  }
0x5d: {  	_ =	shalt  }
0x5e: {  	_ =	shalt  }
0x5f: {  	_ =	shalt  }
0x60: {  	_ =	shalt  }
0x61: {  	_ =	shalt  }
0x62: {  	_ =	shalt  }
0x63: {  	_ =	shalt  }
0x64: {  	_ =	shalt  }
0x65: {  	_ =	shalt  }
0x66: {  	_ =	shalt  }
0x67: {  	_ =	shalt  }
0x68: {  	_ =	shalt  }
0x69: {  	_ =	shalt  }
0x6a: {  	_ =	shalt  }
0x6b: {  	_ =	shalt  }
0x6c: {  	_ =	shalt  }
0x6d: {  	_ =	shalt  }
0x6e: {  	_ =	shalt  }
0x6f: {  	_ =	shalt  }
0x70: {  	_ =	shalt  }
0x71: {  	_ =	shalt  }
0x72: {  	_ =	shalt  }
0x73: {  	_ =	shalt  }
0x74: {  	_ =	shalt  }
0x75: {  	_ =	shalt  }
0x76: {  	_ =	shalt  }
0x77: {  	_ =	shalt  }
0x78: {  	_ =	shalt  }
0x79: {  	_ =	shalt  }
0x7a: {  	_ =	shalt  }
0x7b: {  	_ =	shalt  }
0x7c: {  	_ =	shalt  }
0x7d: {  	_ =	shalt  }
0x7e: {  	_ =	shalt  }
0x7f: {  	_ =	shalt  }
0x80: {  	_ =	shalt  }
0x81: {  	_ =	shalt  }
0x82: {  	_ =	shalt  }
0x83: {  	_ =	shalt  }
0x84: {  	_ =	shalt  }
0x85: {  	_ =	shalt  }
0x86: {  	_ =	shalt  }
0x87: {  	_ =	shalt  }
.Lfunc_end0:
.L_simem_size_0:
called_computation.1_lowered:
.L_overlay_start_0:
0x88: {  	s2 =	sld [smem:$0x3FD9]  }
0x89: {  	s3 =	sld [smem:$0x3FFE];
	_ =	sdelay $0x1  }
0x8a: {  	s1 =	srdreg.scid  }
0x8b: {  	s0 =	sand.u32 $0x1, s1  }
0x8c: {  	s17 =	sshll.u32 s0, $0xA;
	s2 =	sadd.s32 s3, s2  }
0x8d: {  	s2 =	sadd.s32 s2, s17  }
0x8e: {  	[smem:$0x3FC2] =	sst s2  }
0x8f: {  	_ = 	snop  }
0x90: {  	s2 =	sld [smem:$0x3FD0];
	(tm) =	ssettm $0x1  }
0x91: {  	s18 =	sld [smem:$0x3FFB];
	_ =	sdelay $0x3  }
0x92: {  	_ =	strace s18  }
0x93: {  	s3 =	sld [smem:$0x3FFC];
	_ =	sdelay $0x3  }
0x94: {  	_ =	strace s3  }
0x95: {  	s3 =	sld [smem:$0x3FFD];
	_ =	sdelay $0x3  }
0x96: {  	_ =	strace s3  }
0x97: {  	_ =	strace $0x8FFFFFFF  }
0x98: {  	s19 =	sld [smem:$0x3FDB];
	_ =	sdelay $0x1  }
0x99: {  	s4 =	simm.s32 $_scs_section_size  }
0x9a: {  	s5 =	simm.s32 $_size__tile_overlayer_lowered;
	s6 =	simm.s32 $_tile_overlayer_lowered  }
0x9b: {  	s22 =	simm.s32 $0x1BFF;
	s21 =	sshll.u32 s6, $0x1;
	s3 =	sadd.s32 s4, s19  }
0x9c: {  	s7 =	simm.s32 $0x0;
	s20 =	sshll.u32 s5, $0x1;
	s5 =	sadd.s32 s21, s3  }
0x9d: {  	[timem:s7], [sflag:s22] =	dma.local [hbm:s5], s20  }
0x9e: {  	_ =	swait.ge [sflag:s22], s20  }
0x9f: {  	s4 =	ssub.s32 $0x0, s20;
	[sflag:s22] =	ssyncset.done $0x0  }
0xa0: {  	[sflag:s22] =	ssyncadd.s32 s4;
	_ =	sdelay $0x1  }
0xa1: {  	s23 =	simm.s32 $0x1B8B  }
0xa2: {  	_ =	swait.ge [sflag:s23], $0x1  }
0xa3: {  	[sflag:s23] =	ssyncset.done $0x0  }
0xa4: {  	s25 =	simm.s32 $0x1B8E;
	s24 =	sld [smem:$0x3FFE];
	[sflag:s23] =	ssyncadd.s32 $0xFFFFFFFF  }
0xa5: {  	s26 =	simm.s32 $execute0_lowered;
	[smem:$0x3FD2] =	sst s25  }
0xa6: {  	s5 =	sshll.u32 s26, $0x1;
	_ =	strace $0x80000049;
	[dreg:$0x1] =	wrdreg $0xFFFFFFFF  }
0xa7: {  	s28 =	simm.s32 $_size_execute0_lowered;
	s3 =	sadd.s32 s3, s5;
	[dreg:$0x0] =	wrdreg $0x0  }
0xa8: {  	s5 =	sshll.u32 s28, $0x1;
	[dreg:$0x2] =	wrdreg s3  }
0xa9: {  	[dreg:$0x3] =	wrdreg s5  }
0xaa: {  	[dreg:$0x4] =	wrdreg $0xC0  }
0xab: {  	_ =	task [dreg:s7], $0x5FFFF  }
0xac: {  	[dreg:$0x1] =	wrdreg $0xFFFFFFFF  }
0xad: {  	[dreg:$0x0] =	wrdreg $0x60  }
0xae: {  	[dreg:$0x2] =	wrdreg s24  }
0xaf: {  	[dreg:$0x3] =	wrdreg s2  }
0xb0: {  	[dreg:$0x4] =	wrdreg $0xE0000  }
0xb1: {  	[dreg:$0x5] =	wrdreg $0xB8000  }
0xb2: {  	[dreg:$0x6] =	wrdreg $0x9  }
0xb3: {  	_ =	task.clear_ibuf [dreg:s7], $0x7FFFF;
	_ =	strace $0x90000049  }
0xb4: {  	s29 =	simm.s32 $0x9;
	_ =	strace $0x8000004B  }
0xb5: {  	_ =	swait.ge [sflag:s29], $0x1  }
0xb6: {  	[sflag:s29] =	ssyncadd.s32 $0xFFFFFFFF  }
0xb7: {  	_ =	strace $0x9000004B  }
0xb8: {  	_ =	sfence  }
0xb9: {  	s30 =	sld [smem:$0x0];
	_ =	sdelay $0x2  }
0xba: {  	s31 =	sshll.u32 s1, $0xD;
	s1 =	sshrl.u32 s1, $0x2  }
0xbb: {  	s3 =	sand.u32 $0x4000, s31;
	s1 =	sadd.s32 s1, s30  }
0xbc: {  	s0 =	sor.u32 s3, s0;
	s1 =	sshll.u32 s1, $0x11  }
0xbd: {  	s0 =	sor.u32 s1, s0  }
0xbe: {  	s0 =	sadd.s32 $0x8F2B, s0  }
0xbf: {  	[sflag:s0] =	ssyncadd.remote.s32 $0x1  }
0xc0: {  	_ =	sfence.sel $0xFFFF  }
0xc1: {  	[dreg:$0x0] =	wrdreg $0xFFFFFFFF;
	(pc) =	sbr.abs _section_cstart, $3  }
0xc2: {  	[dreg:$0x1] =	wrdreg $0xFFFFFFFF  }
0xc3: {  	_ =	task.clear_ibuf [dreg:s7], $0x2FFFF;
	_ =	strace $0x9FFFFFFF  }
0xc4: {  	(tm) =	ssettm $0x7FFFFFFF  }
0xc5: {  	_ =	shalt  }
tec
execute0_lowered:
.L_overlay_start_1:
0x0: {  	(tag) =	ssettag $0x1  }
0x1: {  	s0 =	rddreg [dreg:$0x0]  }
0x2: {  	s1 =	rddreg [dreg:$0x1]  }
0x3: {  	s2 =	rddreg [dreg:$0x2]  }
0x4: {  	s3 =	rddreg [dreg:$0x3];
	s13 =	stileid.u32;
	s4 =	simm.s32 $0x0  }
0x5: {  	s5 =	srdreg.scid;
	s15 =	simm.s32 $0x9000;
	s16 =	simm.s32 $0x80  }
0x6: {  	s17 =	simm.s32 $0x5000;
	s18 =	simm.s32 $0x5800;
	s20 =	simm.s32 $0x6000  }
0x7: {  	s22 =	simm.s32 $0x6800;
	s23 =	simm.s32 $0x1;
	s29 =	simm.s32 $0x7000  }
0x8: {  	s31 =	simm.s32 $0x7800;
	s21 =	simm.s32 $0x8800;
	s30 =	simm.s32 $0x2  }
0x9: {  	s24 =	simm.s32 $0x500;
	s25 =	simm.s32 $0x580;
	s7 =	smul.u32 $0x2710, s13  }
0xa: {  	[smem:$0x7FF] =	sst s4;
	s5 =	sand.u32 $0x1, s5;
	s8 =	smul.u32 $0x2800, s13  }
0xb: {  	s28 =	sshll.u32 s13, $0x6;
	_ =	strace $0x8000004A;
	s9 =	smul.u32 $0x28000, s5  }
0xc: {  	p0 =	seq.s32 s5, $0x0;
	s5 =	ssub.s32 $0x2, s5;
	s13 =	sor.u32 $0x1C03, s28  }
0xd: {  	s6 =	sshrl.u32 s7, $0x3;
	s11 =	sshrl.u32 s5, $0x1;
	s26 =	sadd.s32 s7, s2  }
0xe: {  	s10 =	sadd.s32 s6, s0;
	s6 =	sadd.s32 $0x28000, s8;
	s9 =	sadd.s32 s8, s9  }
0xf: {  	s11 =	ssub.s32 s5, s11;
	s14 =	sshrl.u32 s26, $0x3;
	s26 =	simm.s32 $0x0  }
.Ltmp0:
0x10: {  	s6 =	smov.u32 @p0 s8;
	s9 =	sshrl.u32 s9, $0x3;
	(pc) =	sbr.rel .LBB2_1-.Ltmp0, $4  }
0x11: {  	s7 =	sadd.s32 $0xC400, s10;
	s8 =	sadd.s32 s8, s3;
	s6 =	sshrl.u32 s6, $0x3  }
0x12: {  	s10 =	smax.u32 s11, $0x1;
	s11 =	simm.s32 $0x3;
	s12 =	sadd.s32 s6, s0  }
0x13: {  	s0 =	sadd.s32 s9, s0;
	s6 =	sadd.s32 s1, s6;
	s1 =	simm.s32 $0x8000  }
0x14: {  	v0 =	vimm.f32 $0.0e+00;
	s5 =	sadd.s32 $0x2000, s12;
	s9 =	sadd.s32 $0x11400, s0;
	s12 =	simm.s32 $0x2800  }
.LBB2_6:
0x15: {  	_ =	swait.ge [sflag:s30], $0x800  }
0x16: {  	[sflag:s30] =	ssyncset.done $0x0  }
0x17: {  	[sflag:s30] =	ssyncadd.s32 $0xFFFFF800  }
0x18: {  	_ =	swait.ge [sflag:s30], $0x800  }
0x19: {  	[sflag:s30] =	ssyncset.done $0x0  }
0x1a: {  	[sflag:s30] =	ssyncadd.s32 $0xFFFFF800  }
0x1b: {  	_ =	swait.ge [sflag:s30], $0x800  }
0x1c: {  	[sflag:s30] =	ssyncset.done $0x0  }
0x1d: {  	[sflag:s30] =	ssyncadd.s32 $0xFFFFF800  }
0x1e: {  	_ =	swait.ge [sflag:s30], $0x800  }
0x1f: {  	[sflag:s30] =	ssyncset.done $0x0  }
0x20: {  	[sflag:s30] =	ssyncadd.s32 $0xFFFFF800  }
0x21: {  	[bflag:$0x0] =	sbarrier.arrive $0xFFFF  }
0x22: {  	[tilespmem:s15], [sflag:$0x3] =	stream.linear.gather [spmem:s8], $0x2800, $0x38;
	[tilespmem:$0x10710] =	vst v63  }
0x23: {  	s26 =	sadd.s32 $0x1, s26;
	_ =	swait.ge [sflag:s11], $0x2800  }
0x24: {  	p0 =	sne.s32 s26, s10;
	[sflag:s11] =	ssyncset.done $0x0  }
.Ltmp1:
0x25: {  	[sflag:s11] =	ssyncadd.s32 $0xFFFFD800;
	(pc) =	sbr.rel @!p0 .LBB2_7-.Ltmp1, $4  }
0x26: {  	[hbm4b:s9+s4] =	stream.linear.scatter [tilespmem:s15], [sflag:$0x3], $0x2800, $0x38;
	[tilespmem:$0x10710] =	vst v63  }
0x27: {  	_ =	swait.ge [sflag:s11], $0x2800  }
0x28: {  	[sflag:s11] =	ssyncset.done $0x0  }
0x29: {  	[sflag:s11] =	ssyncadd.s32 $0xFFFFD800  }
.LBB2_1:
0x2a: {  	[tilespmem:s4], [sflag:$0x3] =	stream.linear.gather [hbm4b:s5+s4], $0x2800, $0x38;
	[tilespmem:$0x10710] =	vst v63  }
0x2b: {  	_ =	swait.ge [sflag:s11], $0x2800  }
0x2c: {  	[sflag:s11] =	ssyncset.done $0x0  }
0x2d: {  	[sflag:s11] =	ssyncadd.s32 $0xFFFFD800  }
0x2e: {  	[tilespmem:s12], [sflag:$0x3] =	stream.linear.gather [hbm4b:s6+s4], $0x2800, $0x38;
	[tilespmem:$0x10710] =	vst v63  }
0x2f: {  	_ =	swait.ge [sflag:s11], $0x2800  }
0x30: {  	[sflag:s11] =	ssyncset.done $0x0  }
0x31: {  	[sflag:s11] =	ssyncadd.s32 $0xFFFFD800  }
0x32: {  	[spmem:s14], [sflag:s13] =	dma.local [hbm:s7], $0x4E2  }
0x33: {  	_ =	swait.ge [sflag:s11], $0x4E2  }
0x34: {  	[sflag:s11] =	ssyncset.done $0x0  }
0x35: {  	s0 =	simm.s32 $0x40;
	s28 =	simm.s32 $0x0;
	[sflag:s11] =	ssyncadd.s32 $0xFFFFFB1E  }
.LBB2_2:
0x36: {  	p0 =	sne.s32 s0, $0x9FC0;
	[tilespmem:s28+$0x9000] =	vst v0;
	s28 =	smov.u32 s0;
	s0 =	sadd.s32 $0x40, s0  }
.Ltmp2:
0x37: {  	(pc) =	sbr.rel @p0 .LBB2_2-.Ltmp2, $2  }
0x38: {  	_ =	sdelay $0x2  }
0x39: {  	s28 =	sshra.s32 s28, $0x2  }
0x3a: {  	[tilespmem:s28+$0x9000] =	vst v0  }
0x3b: {  	[spmem:s8] =	stream.linear.scatter [tilespmem:s15], [sflag:$0x3], $0x2800, $0x38;
	[tilespmem:$0x10710] =	vst v63  }
0x3c: {  	_ =	swait.ge [sflag:s11], $0x2800  }
0x3d: {  	[sflag:s11] =	ssyncset.done $0x0  }
0x3e: {  	[sflag:s11] =	ssyncadd.s32 $0xFFFFD800  }
0x3f: {  	s28 =	simm.s32 $0x0;
	[bflag:$0x0] =	sbarrier.arrive $0xFFFF  }
0x40: {  	[tilespmem:s17], [sflag:$0x1] =	stream.indirect.gather [spmem:s2], $0x10, s28, s16, $0xb8;
	[tilespmem:$0x10710] =	vst v63  }
0x41: {  	_ = 	snop  }
0x42: {  	[tilespmem:s18], [sflag:$0x1] =	stream.indirect.gather [spmem:s2], $0x10, s16, s16, $0xb8;
	[tilespmem:$0x10710] =	vst v63  }
0x43: {  	s0 =	simm.s32 $0x100  }
0x44: {  	[tilespmem:s20], [sflag:$0x1] =	stream.indirect.gather [spmem:s2], $0x10, s0, s16, $0xb8;
	[tilespmem:$0x10710] =	vst v63  }
0x45: {  	s19 =	simm.s32 $0x180  }
0x46: {  	[tilespmem:s22], [sflag:$0x1] =	stream.indirect.gather [spmem:s2], $0x10, s19, s16, $0xb8;
	[tilespmem:$0x10710] =	vst v63  }
0x47: {  	_ =	swait.ge [sflag:s23], $0x800  }
0x48: {  	[sflag:s23] =	ssyncset.done $0x0  }
0x49: {  	[sflag:s23] =	ssyncadd.s32 $0xFFFFF800  }
0x4a: {  	_ =	swait.ge [sflag:s23], $0x800  }
0x4b: {  	[sflag:s23] =	ssyncset.done $0x0  }
0x4c: {  	[sflag:s23] =	ssyncadd.s32 $0xFFFFF800  }
0x4d: {  	_ =	swait.ge [sflag:s23], $0x800  }
0x4e: {  	[sflag:s23] =	ssyncset.done $0x0  }
0x4f: {  	[sflag:s23] =	ssyncadd.s32 $0xFFFFF800  }
0x50: {  	_ =	swait.ge [sflag:s23], $0x800  }
0x51: {  	[sflag:s23] =	ssyncset.done $0x0  }
0x52: {  	[sflag:s23] =	ssyncadd.s32 $0xFFFFF800  }
0x53: {  	[spmem:s3] =	stream.indirect.scatter.add.f32 [tilespmem:s17], [sflag:$0x2], $0x10, s12, s16, $0xb8;
	[tilespmem:$0x10710] =	vst v63  }
0x54: {  	s19 =	simm.s32 $0x2880  }
0x55: {  	[spmem:s3] =	stream.indirect.scatter.add.f32 [tilespmem:s18], [sflag:$0x2], $0x10, s19, s16, $0xb8;
	[tilespmem:$0x10710] =	vst v63  }
0x56: {  	s19 =	simm.s32 $0x2900  }
0x57: {  	[spmem:s3] =	stream.indirect.scatter.add.f32 [tilespmem:s20], [sflag:$0x2], $0x10, s19, s16, $0xb8;
	[tilespmem:$0x10710] =	vst v63  }
0x58: {  	s19 =	simm.s32 $0x2980  }
0x59: {  	[spmem:s3] =	stream.indirect.scatter.add.f32 [tilespmem:s22], [sflag:$0x2], $0x10, s19, s16, $0xb8;
	[tilespmem:$0x10710] =	vst v63  }
0x5a: {  	s19 =	simm.s32 $0x200  }
0x5b: {  	[tilespmem:s29], [sflag:$0x1] =	stream.indirect.gather [spmem:s2], $0x10, s19, s16, $0xb8;
	[tilespmem:$0x10710] =	vst v63  }
0x5c: {  	s19 =	simm.s32 $0x280  }
0x5d: {  	[tilespmem:s31], [sflag:$0x1] =	stream.indirect.gather [spmem:s2], $0x10, s19, s16, $0xb8;
	[tilespmem:$0x10710] =	vst v63  }
0x5e: {  	s19 =	simm.s32 $0x300  }
0x5f: {  	[tilespmem:s1], [sflag:$0x1] =	stream.indirect.gather [spmem:s2], $0x10, s19, s16, $0xb8;
	[tilespmem:$0x10710] =	vst v63  }
0x60: {  	s19 =	simm.s32 $0x380  }
0x61: {  	[tilespmem:s21], [sflag:$0x1] =	stream.indirect.gather [spmem:s2], $0x10, s19, s16, $0xb8;
	[tilespmem:$0x10710] =	vst v63  }
0x62: {  	_ =	swait.ge [sflag:s23], $0x800  }
0x63: {  	[sflag:s23] =	ssyncset.done $0x0  }
0x64: {  	[sflag:s23] =	ssyncadd.s32 $0xFFFFF800  }
0x65: {  	_ =	swait.ge [sflag:s23], $0x800  }
0x66: {  	[sflag:s23] =	ssyncset.done $0x0  }
0x67: {  	[sflag:s23] =	ssyncadd.s32 $0xFFFFF800  }
0x68: {  	_ =	swait.ge [sflag:s23], $0x800  }
0x69: {  	[sflag:s23] =	ssyncset.done $0x0  }
0x6a: {  	[sflag:s23] =	ssyncadd.s32 $0xFFFFF800  }
0x6b: {  	_ =	swait.ge [sflag:s23], $0x800  }
0x6c: {  	[sflag:s23] =	ssyncset.done $0x0  }
0x6d: {  	s19 =	simm.s32 $0x2A00;
	[sflag:s23] =	ssyncadd.s32 $0xFFFFF800  }
0x6e: {  	[spmem:s3] =	stream.indirect.scatter.add.f32 [tilespmem:s29], [sflag:$0x2], $0x10, s19, s16, $0xb8;
	[tilespmem:$0x10710] =	vst v63  }
0x6f: {  	s19 =	simm.s32 $0x2A80  }
0x70: {  	[spmem:s3] =	stream.indirect.scatter.add.f32 [tilespmem:s31], [sflag:$0x2], $0x10, s19, s16, $0xb8;
	[tilespmem:$0x10710] =	vst v63  }
0x71: {  	s19 =	simm.s32 $0x2B00  }
0x72: {  	[spmem:s3] =	stream.indirect.scatter.add.f32 [tilespmem:s1], [sflag:$0x2], $0x10, s19, s16, $0xb8;
	[tilespmem:$0x10710] =	vst v63  }
0x73: {  	s19 =	simm.s32 $0x2B80  }
0x74: {  	[spmem:s3] =	stream.indirect.scatter.add.f32 [tilespmem:s21], [sflag:$0x2], $0x10, s19, s16, $0xb8;
	[tilespmem:$0x10710] =	vst v63  }
0x75: {  	_ =	swait.ge [sflag:s30], $0x800  }
0x76: {  	[sflag:s30] =	ssyncset.done $0x0  }
0x77: {  	[sflag:s30] =	ssyncadd.s32 $0xFFFFF800  }
0x78: {  	_ =	swait.ge [sflag:s30], $0x800  }
0x79: {  	[sflag:s30] =	ssyncset.done $0x0  }
0x7a: {  	[sflag:s30] =	ssyncadd.s32 $0xFFFFF800  }
0x7b: {  	_ =	swait.ge [sflag:s30], $0x800  }
0x7c: {  	[sflag:s30] =	ssyncset.done $0x0  }
0x7d: {  	[sflag:s30] =	ssyncadd.s32 $0xFFFFF800  }
0x7e: {  	_ =	swait.ge [sflag:s30], $0x800  }
0x7f: {  	[sflag:s30] =	ssyncset.done $0x0  }
0x80: {  	s19 =	simm.s32 $0x400;
	[sflag:s30] =	ssyncadd.s32 $0xFFFFF800  }
0x81: {  	[tilespmem:s17], [sflag:$0x1] =	stream.indirect.gather [spmem:s2], $0x10, s19, s16, $0xb8;
	[tilespmem:$0x10710] =	vst v63  }
0x82: {  	s19 =	simm.s32 $0x480  }
0x83: {  	[tilespmem:s18], [sflag:$0x1] =	stream.indirect.gather [spmem:s2], $0x10, s19, s16, $0xb8;
	[tilespmem:$0x10710] =	vst v63  }
0x84: {  	_ = 	snop  }
0x85: {  	[tilespmem:s20], [sflag:$0x1] =	stream.indirect.gather [spmem:s2], $0x10, s24, s16, $0xb8;
	[tilespmem:$0x10710] =	vst v63  }
0x86: {  	_ = 	snop  }
0x87: {  	[tilespmem:s22], [sflag:$0x1] =	stream.indirect.gather [spmem:s2], $0x10, s25, s16, $0xb8;
	[tilespmem:$0x10710] =	vst v63  }
.LBB2_4:
0x88: {  	_ =	swait.ge [sflag:s23], $0x800  }
0x89: {  	[sflag:s23] =	ssyncset.done $0x0  }
0x8a: {  	[sflag:s23] =	ssyncadd.s32 $0xFFFFF800  }
0x8b: {  	_ =	swait.ge [sflag:s23], $0x800  }
0x8c: {  	[sflag:s23] =	ssyncset.done $0x0  }
0x8d: {  	[sflag:s23] =	ssyncadd.s32 $0xFFFFF800  }
0x8e: {  	_ =	swait.ge [sflag:s23], $0x800  }
0x8f: {  	[sflag:s23] =	ssyncset.done $0x0  }
0x90: {  	[sflag:s23] =	ssyncadd.s32 $0xFFFFF800  }
0x91: {  	_ =	swait.ge [sflag:s23], $0x800  }
0x92: {  	s0 =	sshra.s32 s28, $0x2;
	[sflag:s23] =	ssyncset.done $0x0  }
0x93: {  	s19 =	sadd.s32 $0x2C00, s0;
	[sflag:s23] =	ssyncadd.s32 $0xFFFFF800  }
0x94: {  	[spmem:s3] =	stream.indirect.scatter.add.f32 [tilespmem:s17], [sflag:$0x2], $0x10, s19, s16, $0xb8;
	[tilespmem:$0x10710] =	vst v63  }
0x95: {  	s19 =	sadd.s32 $0x2C80, s0  }
0x96: {  	[spmem:s3] =	stream.indirect.scatter.add.f32 [tilespmem:s18], [sflag:$0x2], $0x10, s19, s16, $0xb8;
	[tilespmem:$0x10710] =	vst v63  }
0x97: {  	s19 =	sadd.s32 $0x2D00, s0  }
0x98: {  	[spmem:s3] =	stream.indirect.scatter.add.f32 [tilespmem:s20], [sflag:$0x2], $0x10, s19, s16, $0xb8;
	[tilespmem:$0x10710] =	vst v63  }
0x99: {  	s19 =	sadd.s32 $0x2D80, s0  }
0x9a: {  	[spmem:s3] =	stream.indirect.scatter.add.f32 [tilespmem:s22], [sflag:$0x2], $0x10, s19, s16, $0xb8;
	[tilespmem:$0x10710] =	vst v63  }
0x9b: {  	_ =	swait.ge [sflag:s30], $0x800  }
0x9c: {  	[sflag:s30] =	ssyncset.done $0x0  }
0x9d: {  	[sflag:s30] =	ssyncadd.s32 $0xFFFFF800  }
0x9e: {  	_ =	swait.ge [sflag:s30], $0x800  }
0x9f: {  	[sflag:s30] =	ssyncset.done $0x0  }
0xa0: {  	[sflag:s30] =	ssyncadd.s32 $0xFFFFF800  }
0xa1: {  	_ =	swait.ge [sflag:s30], $0x800  }
0xa2: {  	[sflag:s30] =	ssyncset.done $0x0  }
0xa3: {  	[sflag:s30] =	ssyncadd.s32 $0xFFFFF800  }
0xa4: {  	_ =	swait.ge [sflag:s30], $0x800  }
0xa5: {  	[sflag:s30] =	ssyncset.done $0x0  }
0xa6: {  	s19 =	sadd.s32 $0x600, s0;
	[sflag:s30] =	ssyncadd.s32 $0xFFFFF800  }
0xa7: {  	[tilespmem:s29], [sflag:$0x1] =	stream.indirect.gather [spmem:s2], $0x10, s19, s16, $0xb8;
	[tilespmem:$0x10710] =	vst v63  }
0xa8: {  	s19 =	sadd.s32 $0x680, s0  }
0xa9: {  	[tilespmem:s31], [sflag:$0x1] =	stream.indirect.gather [spmem:s2], $0x10, s19, s16, $0xb8;
	[tilespmem:$0x10710] =	vst v63  }
0xaa: {  	s19 =	sadd.s32 $0x700, s0  }
0xab: {  	[tilespmem:s1], [sflag:$0x1] =	stream.indirect.gather [spmem:s2], $0x10, s19, s16, $0xb8;
	[tilespmem:$0x10710] =	vst v63  }
0xac: {  	s19 =	sadd.s32 $0x780, s0  }
0xad: {  	[tilespmem:s21], [sflag:$0x1] =	stream.indirect.gather [spmem:s2], $0x10, s19, s16, $0xb8;
	[tilespmem:$0x10710] =	vst v63  }
0xae: {  	_ =	swait.ge [sflag:s23], $0x800  }
0xaf: {  	[sflag:s23] =	ssyncset.done $0x0  }
0xb0: {  	[sflag:s23] =	ssyncadd.s32 $0xFFFFF800  }
0xb1: {  	_ =	swait.ge [sflag:s23], $0x800  }
0xb2: {  	[sflag:s23] =	ssyncset.done $0x0  }
0xb3: {  	[sflag:s23] =	ssyncadd.s32 $0xFFFFF800  }
0xb4: {  	_ =	swait.ge [sflag:s23], $0x800  }
0xb5: {  	[sflag:s23] =	ssyncset.done $0x0  }
0xb6: {  	[sflag:s23] =	ssyncadd.s32 $0xFFFFF800  }
0xb7: {  	_ =	swait.ge [sflag:s23], $0x800  }
0xb8: {  	[sflag:s23] =	ssyncset.done $0x0  }
0xb9: {  	s19 =	sadd.s32 $0x2E00, s0;
	[sflag:s23] =	ssyncadd.s32 $0xFFFFF800  }
0xba: {  	[spmem:s3] =	stream.indirect.scatter.add.f32 [tilespmem:s29], [sflag:$0x2], $0x10, s19, s16, $0xb8;
	[tilespmem:$0x10710] =	vst v63  }
0xbb: {  	s19 =	sadd.s32 $0x2E80, s0  }
0xbc: {  	[spmem:s3] =	stream.indirect.scatter.add.f32 [tilespmem:s31], [sflag:$0x2], $0x10, s19, s16, $0xb8;
	[tilespmem:$0x10710] =	vst v63  }
0xbd: {  	s19 =	sadd.s32 $0x2F00, s0  }
0xbe: {  	[spmem:s3] =	stream.indirect.scatter.add.f32 [tilespmem:s1], [sflag:$0x2], $0x10, s19, s16, $0xb8;
	[tilespmem:$0x10710] =	vst v63  }
0xbf: {  	s19 =	sadd.s32 $0x2F80, s0  }
0xc0: {  	[spmem:s3] =	stream.indirect.scatter.add.f32 [tilespmem:s21], [sflag:$0x2], $0x10, s19, s16, $0xb8;
	[tilespmem:$0x10710] =	vst v63  }
0xc1: {  	_ =	swait.ge [sflag:s30], $0x800  }
0xc2: {  	[sflag:s30] =	ssyncset.done $0x0  }
0xc3: {  	[sflag:s30] =	ssyncadd.s32 $0xFFFFF800  }
0xc4: {  	_ =	swait.ge [sflag:s30], $0x800  }
0xc5: {  	[sflag:s30] =	ssyncset.done $0x0  }
0xc6: {  	[sflag:s30] =	ssyncadd.s32 $0xFFFFF800  }
0xc7: {  	p0 =	seq.s32 s28, $0x8000;
	_ =	swait.ge [sflag:s30], $0x800  }
.Ltmp3:
0xc8: {  	[sflag:s30] =	ssyncset.done $0x0;
	(pc) =	sbr.rel @p0 .LBB2_6-.Ltmp3, $4  }
0xc9: {  	[sflag:s30] =	ssyncadd.s32 $0xFFFFF800  }
0xca: {  	_ =	swait.ge [sflag:s30], $0x800  }
0xcb: {  	[sflag:s30] =	ssyncset.done $0x0  }
0xcc: {  	[sflag:s30] =	ssyncadd.s32 $0xFFFFF800  }
0xcd: {  	s19 =	sadd.s32 $0x800, s0  }
0xce: {  	[tilespmem:s17], [sflag:$0x1] =	stream.indirect.gather [spmem:s2], $0x10, s19, s16, $0xb8;
	[tilespmem:$0x10710] =	vst v63  }
0xcf: {  	s19 =	sadd.s32 $0x880, s0  }
0xd0: {  	[tilespmem:s18], [sflag:$0x1] =	stream.indirect.gather [spmem:s2], $0x10, s19, s16, $0xb8;
	[tilespmem:$0x10710] =	vst v63  }
.Ltmp4:
0xd1: {  	_ = 	snop;
	(pc) =	sbr.rel .LBB2_4-.Ltmp4, $4  }
0xd2: {  	s19 =	sadd.s32 $0x900, s0  }
0xd3: {  	[tilespmem:s20], [sflag:$0x1] =	stream.indirect.gather [spmem:s2], $0x10, s19, s16, $0xb8;
	[tilespmem:$0x10710] =	vst v63  }
0xd4: {  	s28 =	sadd.s32 $0x1000, s28;
	s19 =	sadd.s32 $0x980, s0  }
0xd5: {  	[tilespmem:s22], [sflag:$0x1] =	stream.indirect.gather [spmem:s2], $0x10, s19, s16, $0xb8;
	[tilespmem:$0x10710] =	vst v63  }
.LBB2_7:
0xd6: {  	_ =	sfence.sel $0x180000  }
0xd7: {  	[bflag:$0x0] =	sbarrier.arrive $0xFFFF  }
0xd8: {  	_ =	strace $0x9000004A  }
0xd9: {  	s0 =	stileid.u32;
	[bflag:$0x2] =	sbarrier.arrive $0xFFFF  }
0xda: {  	p0 =	sne.s32 s0, $0x0;
	s0 =	rddreg [dreg:$0x4]  }
0xdb: {  	s0 =	sadd.s32 @!p0 $0x100000, s0  }
0xdc: {  	[sflag:s0] =	ssyncadd.tile.s32 @!p0 $0x1;
	_ =	shalt  }
.Lfunc_end2:
_tile_overlayer_lowered:
.L_overlay_start_2:
0xdd: {  	(tag) =	ssettag $0x2  }
0xde: {  	s0 =	rddreg [dreg:$0x0];
	s2 =	stileid.u32  }
0xdf: {  	s1 =	rddreg [dreg:$0x1];
	p0 =	sne.s32 s2, $0x0  }
0xe0: {  	s3 =	rddreg [dreg:$0x2];
	[bflag:$0x3] =	sbarrier.arrive $0xFFFF;
	s2 =	simm.s32 @!p0 $0x1C03  }
0xe1: {  	[timem:s3], [sflag:s2] =	dma.local @!p0 [hbm:s0], s1  }
0xe2: {  	s0 =	simm.s32 @!p0 $0x3  }
0xe3: {  	_ =	swait.ge @!p0 [sflag:s0], s1  }
0xe4: {  	s1 =	ssub.s32 @!p0 $0x0, s1;
	[sflag:s0] =	ssyncset.done @!p0 $0x0  }
0xe5: {  	[sflag:s0] =	ssyncadd.s32 @!p0 s1  }
0xe6: {  	[bflag:$0x3] =	sbarrier.arrive $0xFFFF  }
0xe7: {  	_ =	shalt  }

// kernel: kernel.15.cloned.1.call-start
scs
__scs_entry_jumppad:
0x0: {  	(pc) =	sbr.rel $0x88, $3  }
0x1: {  	(tag) =	ssettag $0x0;
	lr =	simm.s32 $0x1  }
0x2: {  	[smem:$0x3F9B] =	sst lr;
	_ =	strace $0xD0000000  }
0x3: {  	_ = 	snop  }
0x4: {  	_ = 	snop  }
0x5: {  	_ = 	snop  }
0x6: {  	_ = 	snop  }
0x7: {  	_ = 	snop  }
__scs_overlays_trampoline_lowered:
0x8: {  	[smem:$0x3FAA] =	sst s0  }
0x9: {  	[smem:$0x3FAB] =	sst s1  }
0xa: {  	[smem:$0x3FAC] =	sst s2  }
0xb: {  	[smem:$0x3FAD] =	sst s3  }
0xc: {  	[smem:$0x3FAE] =	sst s4  }
0xd: {  	[smem:$0x3FAF] =	sst s5  }
0xe: {  	[smem:$0x3FB0] =	sst s6  }
0xf: {  	[smem:$0x3FB1] =	sst s7  }
0x10: {  	[smem:$0x3FB2] =	sst s8  }
0x11: {  	[smem:$0x3FB3] =	sst s9;
	s0 =	simm.s32 @!p0 $0x0  }
0x12: {  	s1 =	sld [smem:$0x3F99];
	s0 =	simm.s32 @p0 $0x1  }
0x13: {  	[smem:$0x3FB4] =	sst s0;
	s0 =	simm.s32 @!p1 $0x0  }
0x14: {  	s2 =	sld [smem:$0x3F98];
	s0 =	simm.s32 @p1 $0x1  }
0x15: {  	[smem:$0x3FB5] =	sst s0;
	s0 =	simm.s32 @!p2 $0x0  }
0x16: {  	s3 =	sld [smem:$0x3FDB];
	s0 =	simm.s32 @p2 $0x1  }
0x17: {  	s4 =	simm.s32 $0x1BF5;
	[smem:$0x3FB7] =	sst s0  }
0x18: {  	s0 =	sld [smem:$0x3F9A];
	_ =	swait.ge [sflag:s4], $0x0  }
0x19: {  	s7 =	sld [smem:$0x3F9B]  }
0x1a: {  	s8 =	sadd.s32 $0xFFFFE003, lr  }
0x1b: {  	s9 =	sadd.s32 $0xFFFFFEF7, lr;
	s5 =	simm.s32 $0xFFFFFFFF;
	p2 =	slt.u32 s8, $0xFFFFF086  }
0x1c: {  	p1 =	slt.u32 s9, $0xF7A;
	s5 =	simm.s32 @!p2 $0x0  }
0x1d: {  	s5 =	simm.s32 @p1 $0x1;
	p0 =	seq.s32 s7, s2  }
0x1e: {  	s7 =	smul.u32 @!p0 $0xF7A, s2;
	p2 =	seq.s32 @!p0 s5, $0x0  }
0x1f: {  	s9 =	smul.u32 $0xF7A, s1;
	s8 =	simm.s32 @!p0 $0x1BF5;
	p2 =	por !p2, p0  }
0x20: {  	[sflag:s8] =	ssyncset.s32 @!p0 $0xFFFFF086;
	s6 =	sadd.s32 @!p0 s3, s7;
	s7 =	simm.s32 @!p0 $0x108  }
0x21: {  	s3 =	sadd.s32 s3, s9;
	s6 =	sadd.s32 @!p0 $0x88, s6;
	s7 =	simm.s32 @p2 $0x1082  }
0x22: {  	[simem:s7], [sflag:s8] =	dma.local @!p0 [hbm:s6], $0xF7A  }
0x23: {  	s9 =	sor.u32 $0xD0000000, s2;
	s6 =	simm.s32 $0x108;
	_ =	swait.ge @!p0 [sflag:s8], $0x0  }
0x24: {  	s3 =	sadd.s32 $0x88, s3;
	s6 =	simm.s32 @!p1 $0x1082;
	[sflag:s4] =	ssyncset.s32 $0xFFFFF086  }
0x25: {  	[simem:s6], [sflag:s4] =	dma.local [hbm:s3], $0xF7A  }
0x26: {  	[smem:$0x3F9B] =	sst s1;
	(tag) =	ssettag s2;
	_ =	strace s9  }
0x27: {  	s1 =	sld [smem:$0x3FAB]  }
0x28: {  	s2 =	sld [smem:$0x3FAC]  }
0x29: {  	s4 =	sld [smem:$0x3FAE]  }
0x2a: {  	p0 =	seq.s32 s5, $0x0;
	s5 =	sld [smem:$0x3FAF]  }
0x2b: {  	s6 =	sld [smem:$0x3FB0]  }
0x2c: {  	s7 =	sld [smem:$0x3FB1]  }
0x2d: {  	s3 =	simm.s32 $0x108;
	s8 =	sld [smem:$0x3FB2]  }
0x2e: {  	s3 =	simm.s32 @!p0 $0x1082;
	s9 =	sld [smem:$0x3FB3]  }
0x2f: {  	lr =	sadd.s32 s0, s3;
	s0 =	sld [smem:$0x3FAA]  }
0x30: {  	s3 =	sld [smem:$0x3FAD]  }
0x31: {  	[smem:$0x3FB6] =	sst s10  }
0x32: {  	s10 =	sld [smem:$0x3FB4];
	_ =	sdelay $0x3  }
0x33: {  	p0 =	seq.s32 s10, $0x1;
	s10 =	sld [smem:$0x3FB6];
	_ =	sdelay $0x3  }
0x34: {  	[smem:$0x3FB6] =	sst s10  }
0x35: {  	s10 =	sld [smem:$0x3FB5];
	_ =	sdelay $0x3  }
0x36: {  	p1 =	seq.s32 s10, $0x1;
	s10 =	sld [smem:$0x3FB6];
	_ =	sdelay $0x3  }
0x37: {  	[smem:$0x3FB6] =	sst s10  }
0x38: {  	s10 =	sld [smem:$0x3FB7]  }
0x39: {  	_ = 	snop;
	(pc) =	sbr.ind lr, $3  }
0x3a: {  	_ = 	snop  }
0x3b: {  	_ = 	snop  }
0x3c: {  	p2 =	seq.s32 s10, $0x1;
	s10 =	sld [smem:$0x3FB6]  }
0x3d: {  	_ =	shalt  }
0x3e: {  	_ =	shalt  }
0x3f: {  	_ =	shalt  }
0x40: {  	_ =	shalt  }
0x41: {  	_ =	shalt  }
0x42: {  	_ =	shalt  }
0x43: {  	_ =	shalt  }
0x44: {  	_ =	shalt  }
0x45: {  	_ =	shalt  }
0x46: {  	_ =	shalt  }
0x47: {  	_ =	shalt  }
0x48: {  	_ =	shalt  }
0x49: {  	_ =	shalt  }
0x4a: {  	_ =	shalt  }
0x4b: {  	_ =	shalt  }
0x4c: {  	_ =	shalt  }
0x4d: {  	_ =	shalt  }
0x4e: {  	_ =	shalt  }
0x4f: {  	_ =	shalt  }
0x50: {  	_ =	shalt  }
0x51: {  	_ =	shalt  }
0x52: {  	_ =	shalt  }
0x53: {  	_ =	shalt  }
0x54: {  	_ =	shalt  }
0x55: {  	_ =	shalt  }
0x56: {  	_ =	shalt  }
0x57: {  	_ =	shalt  }
0x58: {  	_ =	shalt  }
0x59: {  	_ =	shalt  }
0x5a: {  	_ =	shalt  }
0x5b: {  	_ =	shalt  }
0x5c: {  	_ =	shalt  }
0x5d: {  	_ =	shalt  }
0x5e: {  	_ =	shalt  }
0x5f: {  	_ =	shalt  }
0x60: {  	_ =	shalt  }
0x61: {  	_ =	shalt  }
0x62: {  	_ =	shalt  }
0x63: {  	_ =	shalt  }
0x64: {  	_ =	shalt  }
0x65: {  	_ =	shalt  }
0x66: {  	_ =	shalt  }
0x67: {  	_ =	shalt  }
0x68: {  	_ =	shalt  }
0x69: {  	_ =	shalt  }
0x6a: {  	_ =	shalt  }
0x6b: {  	_ =	shalt  }
0x6c: {  	_ =	shalt  }
0x6d: {  	_ =	shalt  }
0x6e: {  	_ =	shalt  }
0x6f: {  	_ =	shalt  }
0x70: {  	_ =	shalt  }
0x71: {  	_ =	shalt  }
0x72: {  	_ =	shalt  }
0x73: {  	_ =	shalt  }
0x74: {  	_ =	shalt  }
0x75: {  	_ =	shalt  }
0x76: {  	_ =	shalt  }
0x77: {  	_ =	shalt  }
0x78: {  	_ =	shalt  }
0x79: {  	_ =	shalt  }
0x7a: {  	_ =	shalt  }
0x7b: {  	_ =	shalt  }
0x7c: {  	_ =	shalt  }
0x7d: {  	_ =	shalt  }
0x7e: {  	_ =	shalt  }
0x7f: {  	_ =	shalt  }
0x80: {  	_ =	shalt  }
0x81: {  	_ =	shalt  }
0x82: {  	_ =	shalt  }
0x83: {  	_ =	shalt  }
0x84: {  	_ =	shalt  }
0x85: {  	_ =	shalt  }
0x86: {  	_ =	shalt  }
0x87: {  	_ =	shalt  }
.Lfunc_end0:
.L_simem_size_0:
called_computation.2_lowered:
.L_overlay_start_0:
0x88: {  	s2 =	sld [smem:$0x3FD9]  }
0x89: {  	s3 =	sld [smem:$0x3FFE];
	_ =	sdelay $0x1  }
0x8a: {  	s1 =	srdreg.scid  }
0x8b: {  	s0 =	sand.u32 $0x1, s1  }
0x8c: {  	s17 =	sshll.u32 s0, $0xA;
	s2 =	sadd.s32 s3, s2  }
0x8d: {  	s2 =	sadd.s32 s2, s17  }
0x8e: {  	[smem:$0x3FC2] =	sst s2  }
0x8f: {  	_ = 	snop  }
0x90: {  	s2 =	sld [smem:$0x3FD0];
	(tm) =	ssettm $0x1  }
0x91: {  	s18 =	sld [smem:$0x3FFB];
	_ =	sdelay $0x3  }
0x92: {  	_ =	strace s18  }
0x93: {  	s3 =	sld [smem:$0x3FFC];
	_ =	sdelay $0x3  }
0x94: {  	_ =	strace s3  }
0x95: {  	s3 =	sld [smem:$0x3FFD];
	_ =	sdelay $0x3  }
0x96: {  	_ =	strace s3  }
0x97: {  	_ =	strace $0x8FFFFFFF  }
0x98: {  	s19 =	sld [smem:$0x3FDB];
	_ =	sdelay $0x1  }
0x99: {  	s4 =	simm.s32 $_scs_section_size  }
0x9a: {  	s5 =	simm.s32 $_size__tile_overlayer_lowered;
	s6 =	simm.s32 $_tile_overlayer_lowered  }
0x9b: {  	s22 =	simm.s32 $0x1BFF;
	s21 =	sshll.u32 s6, $0x1;
	s3 =	sadd.s32 s4, s19  }
0x9c: {  	s7 =	simm.s32 $0x0;
	s20 =	sshll.u32 s5, $0x1;
	s5 =	sadd.s32 s21, s3  }
0x9d: {  	[timem:s7], [sflag:s22] =	dma.local [hbm:s5], s20  }
0x9e: {  	_ =	swait.ge [sflag:s22], s20  }
0x9f: {  	s4 =	ssub.s32 $0x0, s20;
	[sflag:s22] =	ssyncset.done $0x0  }
0xa0: {  	[sflag:s22] =	ssyncadd.s32 s4;
	_ =	sdelay $0x1  }
0xa1: {  	s23 =	simm.s32 $0x1B8B  }
0xa2: {  	_ =	swait.ge [sflag:s23], $0x1  }
0xa3: {  	[sflag:s23] =	ssyncset.done $0x0  }
0xa4: {  	s25 =	simm.s32 $0x1B8E;
	s24 =	sld [smem:$0x3FFE];
	[sflag:s23] =	ssyncadd.s32 $0xFFFFFFFF  }
0xa5: {  	s26 =	simm.s32 $execute0_lowered;
	[smem:$0x3FD2] =	sst s25  }
0xa6: {  	s5 =	sshll.u32 s26, $0x1;
	_ =	strace $0x8000004C;
	[dreg:$0x1] =	wrdreg $0xFFFFFFFF  }
0xa7: {  	s28 =	simm.s32 $_size_execute0_lowered;
	s3 =	sadd.s32 s3, s5;
	[dreg:$0x0] =	wrdreg $0x0  }
0xa8: {  	s5 =	sshll.u32 s28, $0x1;
	[dreg:$0x2] =	wrdreg s3  }
0xa9: {  	[dreg:$0x3] =	wrdreg s5  }
0xaa: {  	[dreg:$0x4] =	wrdreg $0xC0  }
0xab: {  	_ =	task [dreg:s7], $0x5FFFF  }
0xac: {  	[dreg:$0x1] =	wrdreg $0xFFFFFFFF  }
0xad: {  	[dreg:$0x0] =	wrdreg $0x60  }
0xae: {  	[dreg:$0x2] =	wrdreg s24  }
0xaf: {  	[dreg:$0x3] =	wrdreg s2  }
0xb0: {  	[dreg:$0x4] =	wrdreg $0xE0000  }
0xb1: {  	[dreg:$0x5] =	wrdreg $0xB8000  }
0xb2: {  	[dreg:$0x6] =	wrdreg $0x9  }
0xb3: {  	_ =	task.clear_ibuf [dreg:s7], $0x7FFFF;
	_ =	strace $0x9000004C  }
0xb4: {  	s29 =	simm.s32 $0x9;
	_ =	strace $0x8000004E  }
0xb5: {  	_ =	swait.ge [sflag:s29], $0x1  }
0xb6: {  	[sflag:s29] =	ssyncadd.s32 $0xFFFFFFFF  }
0xb7: {  	_ =	strace $0x9000004E  }
0xb8: {  	_ =	sfence  }
0xb9: {  	s30 =	sld [smem:$0x0];
	_ =	sdelay $0x2  }
0xba: {  	s31 =	sshll.u32 s1, $0xD;
	s1 =	sshrl.u32 s1, $0x2  }
0xbb: {  	s3 =	sand.u32 $0x4000, s31;
	s1 =	sadd.s32 s1, s30  }
0xbc: {  	s0 =	sor.u32 s3, s0;
	s1 =	sshll.u32 s1, $0x11  }
0xbd: {  	s0 =	sor.u32 s1, s0  }
0xbe: {  	s0 =	sadd.s32 $0x8F2B, s0  }
0xbf: {  	[sflag:s0] =	ssyncadd.remote.s32 $0x1  }
0xc0: {  	_ =	sfence.sel $0xFFFF  }
0xc1: {  	[dreg:$0x0] =	wrdreg $0xFFFFFFFF;
	(pc) =	sbr.abs _section_cstart, $3  }
0xc2: {  	[dreg:$0x1] =	wrdreg $0xFFFFFFFF  }
0xc3: {  	_ =	task.clear_ibuf [dreg:s7], $0x2FFFF;
	_ =	strace $0x9FFFFFFF  }
0xc4: {  	(tm) =	ssettm $0x7FFFFFFF  }
0xc5: {  	_ =	shalt  }
tec
execute0_lowered:
.L_overlay_start_1:
0x0: {  	(tag) =	ssettag $0x1  }
0x1: {  	s0 =	rddreg [dreg:$0x0]  }
0x2: {  	s1 =	rddreg [dreg:$0x1]  }
0x3: {  	s2 =	rddreg [dreg:$0x2]  }
0x4: {  	s3 =	rddreg [dreg:$0x3];
	s13 =	stileid.u32;
	s4 =	simm.s32 $0x0  }
0x5: {  	s5 =	srdreg.scid;
	s15 =	simm.s32 $0x9000;
	s16 =	simm.s32 $0x80  }
0x6: {  	s17 =	simm.s32 $0x5000;
	s18 =	simm.s32 $0x5800;
	s20 =	simm.s32 $0x6000  }
0x7: {  	s22 =	simm.s32 $0x6800;
	s23 =	simm.s32 $0x1;
	s29 =	simm.s32 $0x7000  }
0x8: {  	s31 =	simm.s32 $0x7800;
	s21 =	simm.s32 $0x8800;
	s30 =	simm.s32 $0x2  }
0x9: {  	s24 =	simm.s32 $0x500;
	s25 =	simm.s32 $0x580;
	s7 =	smul.u32 $0x2710, s13  }
0xa: {  	[smem:$0x7FF] =	sst s4;
	s5 =	sand.u32 $0x1, s5;
	s8 =	smul.u32 $0x2800, s13  }
0xb: {  	s28 =	sshll.u32 s13, $0x6;
	_ =	strace $0x8000004D;
	s9 =	smul.u32 $0x28000, s5  }
0xc: {  	p0 =	seq.s32 s5, $0x0;
	s5 =	ssub.s32 $0x2, s5;
	s13 =	sor.u32 $0x1C03, s28  }
0xd: {  	s6 =	sshrl.u32 s7, $0x3;
	s11 =	sshrl.u32 s5, $0x1;
	s26 =	sadd.s32 s7, s2  }
0xe: {  	s10 =	sadd.s32 s6, s0;
	s6 =	sadd.s32 $0x28000, s8;
	s9 =	sadd.s32 s8, s9  }
0xf: {  	s11 =	ssub.s32 s5, s11;
	s14 =	sshrl.u32 s26, $0x3;
	s26 =	simm.s32 $0x0  }
.Ltmp0:
0x10: {  	s6 =	smov.u32 @p0 s8;
	s9 =	sshrl.u32 s9, $0x3;
	(pc) =	sbr.rel .LBB2_1-.Ltmp0, $4  }
0x11: {  	s7 =	sadd.s32 $0xC400, s10;
	s8 =	sadd.s32 s8, s3;
	s6 =	sshrl.u32 s6, $0x3  }
0x12: {  	s10 =	smax.u32 s11, $0x1;
	s11 =	simm.s32 $0x3;
	s12 =	sadd.s32 s6, s0  }
0x13: {  	s0 =	sadd.s32 s9, s0;
	s6 =	sadd.s32 s1, s6;
	s1 =	simm.s32 $0x8000  }
0x14: {  	v0 =	vimm.f32 $0.0e+00;
	s5 =	sadd.s32 $0x2000, s12;
	s9 =	sadd.s32 $0x11400, s0;
	s12 =	simm.s32 $0x2800  }
.LBB2_6:
0x15: {  	_ =	swait.ge [sflag:s30], $0x800  }
0x16: {  	[sflag:s30] =	ssyncset.done $0x0  }
0x17: {  	[sflag:s30] =	ssyncadd.s32 $0xFFFFF800  }
0x18: {  	_ =	swait.ge [sflag:s30], $0x800  }
0x19: {  	[sflag:s30] =	ssyncset.done $0x0  }
0x1a: {  	[sflag:s30] =	ssyncadd.s32 $0xFFFFF800  }
0x1b: {  	_ =	swait.ge [sflag:s30], $0x800  }
0x1c: {  	[sflag:s30] =	ssyncset.done $0x0  }
0x1d: {  	[sflag:s30] =	ssyncadd.s32 $0xFFFFF800  }
0x1e: {  	_ =	swait.ge [sflag:s30], $0x800  }
0x1f: {  	[sflag:s30] =	ssyncset.done $0x0  }
0x20: {  	[sflag:s30] =	ssyncadd.s32 $0xFFFFF800  }
0x21: {  	[bflag:$0x0] =	sbarrier.arrive $0xFFFF  }
0x22: {  	[tilespmem:s15], [sflag:$0x3] =	stream.linear.gather [spmem:s8], $0x2800, $0x38;
	[tilespmem:$0x10710] =	vst v63  }
0x23: {  	s26 =	sadd.s32 $0x1, s26;
	_ =	swait.ge [sflag:s11], $0x2800  }
0x24: {  	p0 =	sne.s32 s26, s10;
	[sflag:s11] =	ssyncset.done $0x0  }
.Ltmp1:
0x25: {  	[sflag:s11] =	ssyncadd.s32 $0xFFFFD800;
	(pc) =	sbr.rel @!p0 .LBB2_7-.Ltmp1, $4  }
0x26: {  	[hbm4b:s9+s4] =	stream.linear.scatter [tilespmem:s15], [sflag:$0x3], $0x2800, $0x38;
	[tilespmem:$0x10710] =	vst v63  }
0x27: {  	_ =	swait.ge [sflag:s11], $0x2800  }
0x28: {  	[sflag:s11] =	ssyncset.done $0x0  }
0x29: {  	[sflag:s11] =	ssyncadd.s32 $0xFFFFD800  }
.LBB2_1:
0x2a: {  	[tilespmem:s4], [sflag:$0x3] =	stream.linear.gather [hbm4b:s5+s4], $0x2800, $0x38;
	[tilespmem:$0x10710] =	vst v63  }
0x2b: {  	_ =	swait.ge [sflag:s11], $0x2800  }
0x2c: {  	[sflag:s11] =	ssyncset.done $0x0  }
0x2d: {  	[sflag:s11] =	ssyncadd.s32 $0xFFFFD800  }
0x2e: {  	[tilespmem:s12], [sflag:$0x3] =	stream.linear.gather [hbm4b:s6+s4], $0x2800, $0x38;
	[tilespmem:$0x10710] =	vst v63  }
0x2f: {  	_ =	swait.ge [sflag:s11], $0x2800  }
0x30: {  	[sflag:s11] =	ssyncset.done $0x0  }
0x31: {  	[sflag:s11] =	ssyncadd.s32 $0xFFFFD800  }
0x32: {  	[spmem:s14], [sflag:s13] =	dma.local [hbm:s7], $0x4E2  }
0x33: {  	_ =	swait.ge [sflag:s11], $0x4E2  }
0x34: {  	[sflag:s11] =	ssyncset.done $0x0  }
0x35: {  	s0 =	simm.s32 $0x40;
	s28 =	simm.s32 $0x0;
	[sflag:s11] =	ssyncadd.s32 $0xFFFFFB1E  }
.LBB2_2:
0x36: {  	p0 =	sne.s32 s0, $0x9FC0;
	[tilespmem:s28+$0x9000] =	vst v0;
	s28 =	smov.u32 s0;
	s0 =	sadd.s32 $0x40, s0  }
.Ltmp2:
0x37: {  	(pc) =	sbr.rel @p0 .LBB2_2-.Ltmp2, $2  }
0x38: {  	_ =	sdelay $0x2  }
0x39: {  	s28 =	sshra.s32 s28, $0x2  }
0x3a: {  	[tilespmem:s28+$0x9000] =	vst v0  }
0x3b: {  	[spmem:s8] =	stream.linear.scatter [tilespmem:s15], [sflag:$0x3], $0x2800, $0x38;
	[tilespmem:$0x10710] =	vst v63  }
0x3c: {  	_ =	swait.ge [sflag:s11], $0x2800  }
0x3d: {  	[sflag:s11] =	ssyncset.done $0x0  }
0x3e: {  	[sflag:s11] =	ssyncadd.s32 $0xFFFFD800  }
0x3f: {  	s28 =	simm.s32 $0x0;
	[bflag:$0x0] =	sbarrier.arrive $0xFFFF  }
0x40: {  	[tilespmem:s17], [sflag:$0x1] =	stream.indirect.gather [spmem:s2], $0x10, s28, s16, $0xb8;
	[tilespmem:$0x10710] =	vst v63  }
0x41: {  	_ = 	snop  }
0x42: {  	[tilespmem:s18], [sflag:$0x1] =	stream.indirect.gather [spmem:s2], $0x10, s16, s16, $0xb8;
	[tilespmem:$0x10710] =	vst v63  }
0x43: {  	s0 =	simm.s32 $0x100  }
0x44: {  	[tilespmem:s20], [sflag:$0x1] =	stream.indirect.gather [spmem:s2], $0x10, s0, s16, $0xb8;
	[tilespmem:$0x10710] =	vst v63  }
0x45: {  	s19 =	simm.s32 $0x180  }
0x46: {  	[tilespmem:s22], [sflag:$0x1] =	stream.indirect.gather [spmem:s2], $0x10, s19, s16, $0xb8;
	[tilespmem:$0x10710] =	vst v63  }
0x47: {  	_ =	swait.ge [sflag:s23], $0x800  }
0x48: {  	[sflag:s23] =	ssyncset.done $0x0  }
0x49: {  	[sflag:s23] =	ssyncadd.s32 $0xFFFFF800  }
0x4a: {  	_ =	swait.ge [sflag:s23], $0x800  }
0x4b: {  	[sflag:s23] =	ssyncset.done $0x0  }
0x4c: {  	[sflag:s23] =	ssyncadd.s32 $0xFFFFF800  }
0x4d: {  	_ =	swait.ge [sflag:s23], $0x800  }
0x4e: {  	[sflag:s23] =	ssyncset.done $0x0  }
0x4f: {  	[sflag:s23] =	ssyncadd.s32 $0xFFFFF800  }
0x50: {  	_ =	swait.ge [sflag:s23], $0x800  }
0x51: {  	[sflag:s23] =	ssyncset.done $0x0  }
0x52: {  	[sflag:s23] =	ssyncadd.s32 $0xFFFFF800  }
0x53: {  	[spmem:s3] =	stream.indirect.scatter.add.f32 [tilespmem:s17], [sflag:$0x2], $0x10, s12, s16, $0xb8;
	[tilespmem:$0x10710] =	vst v63  }
0x54: {  	s19 =	simm.s32 $0x2880  }
0x55: {  	[spmem:s3] =	stream.indirect.scatter.add.f32 [tilespmem:s18], [sflag:$0x2], $0x10, s19, s16, $0xb8;
	[tilespmem:$0x10710] =	vst v63  }
0x56: {  	s19 =	simm.s32 $0x2900  }
0x57: {  	[spmem:s3] =	stream.indirect.scatter.add.f32 [tilespmem:s20], [sflag:$0x2], $0x10, s19, s16, $0xb8;
	[tilespmem:$0x10710] =	vst v63  }
0x58: {  	s19 =	simm.s32 $0x2980  }
0x59: {  	[spmem:s3] =	stream.indirect.scatter.add.f32 [tilespmem:s22], [sflag:$0x2], $0x10, s19, s16, $0xb8;
	[tilespmem:$0x10710] =	vst v63  }
0x5a: {  	s19 =	simm.s32 $0x200  }
0x5b: {  	[tilespmem:s29], [sflag:$0x1] =	stream.indirect.gather [spmem:s2], $0x10, s19, s16, $0xb8;
	[tilespmem:$0x10710] =	vst v63  }
0x5c: {  	s19 =	simm.s32 $0x280  }
0x5d: {  	[tilespmem:s31], [sflag:$0x1] =	stream.indirect.gather [spmem:s2], $0x10, s19, s16, $0xb8;
	[tilespmem:$0x10710] =	vst v63  }
0x5e: {  	s19 =	simm.s32 $0x300  }
0x5f: {  	[tilespmem:s1], [sflag:$0x1] =	stream.indirect.gather [spmem:s2], $0x10, s19, s16, $0xb8;
	[tilespmem:$0x10710] =	vst v63  }
0x60: {  	s19 =	simm.s32 $0x380  }
0x61: {  	[tilespmem:s21], [sflag:$0x1] =	stream.indirect.gather [spmem:s2], $0x10, s19, s16, $0xb8;
	[tilespmem:$0x10710] =	vst v63  }
0x62: {  	_ =	swait.ge [sflag:s23], $0x800  }
0x63: {  	[sflag:s23] =	ssyncset.done $0x0  }
0x64: {  	[sflag:s23] =	ssyncadd.s32 $0xFFFFF800  }
0x65: {  	_ =	swait.ge [sflag:s23], $0x800  }
0x66: {  	[sflag:s23] =	ssyncset.done $0x0  }
0x67: {  	[sflag:s23] =	ssyncadd.s32 $0xFFFFF800  }
0x68: {  	_ =	swait.ge [sflag:s23], $0x800  }
0x69: {  	[sflag:s23] =	ssyncset.done $0x0  }
0x6a: {  	[sflag:s23] =	ssyncadd.s32 $0xFFFFF800  }
0x6b: {  	_ =	swait.ge [sflag:s23], $0x800  }
0x6c: {  	[sflag:s23] =	ssyncset.done $0x0  }
0x6d: {  	s19 =	simm.s32 $0x2A00;
	[sflag:s23] =	ssyncadd.s32 $0xFFFFF800  }
0x6e: {  	[spmem:s3] =	stream.indirect.scatter.add.f32 [tilespmem:s29], [sflag:$0x2], $0x10, s19, s16, $0xb8;
	[tilespmem:$0x10710] =	vst v63  }
0x6f: {  	s19 =	simm.s32 $0x2A80  }
0x70: {  	[spmem:s3] =	stream.indirect.scatter.add.f32 [tilespmem:s31], [sflag:$0x2], $0x10, s19, s16, $0xb8;
	[tilespmem:$0x10710] =	vst v63  }
0x71: {  	s19 =	simm.s32 $0x2B00  }
0x72: {  	[spmem:s3] =	stream.indirect.scatter.add.f32 [tilespmem:s1], [sflag:$0x2], $0x10, s19, s16, $0xb8;
	[tilespmem:$0x10710] =	vst v63  }
0x73: {  	s19 =	simm.s32 $0x2B80  }
0x74: {  	[spmem:s3] =	stream.indirect.scatter.add.f32 [tilespmem:s21], [sflag:$0x2], $0x10, s19, s16, $0xb8;
	[tilespmem:$0x10710] =	vst v63  }
0x75: {  	_ =	swait.ge [sflag:s30], $0x800  }
0x76: {  	[sflag:s30] =	ssyncset.done $0x0  }
0x77: {  	[sflag:s30] =	ssyncadd.s32 $0xFFFFF800  }
0x78: {  	_ =	swait.ge [sflag:s30], $0x800  }
0x79: {  	[sflag:s30] =	ssyncset.done $0x0  }
0x7a: {  	[sflag:s30] =	ssyncadd.s32 $0xFFFFF800  }
0x7b: {  	_ =	swait.ge [sflag:s30], $0x800  }
0x7c: {  	[sflag:s30] =	ssyncset.done $0x0  }
0x7d: {  	[sflag:s30] =	ssyncadd.s32 $0xFFFFF800  }
0x7e: {  	_ =	swait.ge [sflag:s30], $0x800  }
0x7f: {  	[sflag:s30] =	ssyncset.done $0x0  }
0x80: {  	s19 =	simm.s32 $0x400;
	[sflag:s30] =	ssyncadd.s32 $0xFFFFF800  }
0x81: {  	[tilespmem:s17], [sflag:$0x1] =	stream.indirect.gather [spmem:s2], $0x10, s19, s16, $0xb8;
	[tilespmem:$0x10710] =	vst v63  }
0x82: {  	s19 =	simm.s32 $0x480  }
0x83: {  	[tilespmem:s18], [sflag:$0x1] =	stream.indirect.gather [spmem:s2], $0x10, s19, s16, $0xb8;
	[tilespmem:$0x10710] =	vst v63  }
0x84: {  	_ = 	snop  }
0x85: {  	[tilespmem:s20], [sflag:$0x1] =	stream.indirect.gather [spmem:s2], $0x10, s24, s16, $0xb8;
	[tilespmem:$0x10710] =	vst v63  }
0x86: {  	_ = 	snop  }
0x87: {  	[tilespmem:s22], [sflag:$0x1] =	stream.indirect.gather [spmem:s2], $0x10, s25, s16, $0xb8;
	[tilespmem:$0x10710] =	vst v63  }
.LBB2_4:
0x88: {  	_ =	swait.ge [sflag:s23], $0x800  }
0x89: {  	[sflag:s23] =	ssyncset.done $0x0  }
0x8a: {  	[sflag:s23] =	ssyncadd.s32 $0xFFFFF800  }
0x8b: {  	_ =	swait.ge [sflag:s23], $0x800  }
0x8c: {  	[sflag:s23] =	ssyncset.done $0x0  }
0x8d: {  	[sflag:s23] =	ssyncadd.s32 $0xFFFFF800  }
0x8e: {  	_ =	swait.ge [sflag:s23], $0x800  }
0x8f: {  	[sflag:s23] =	ssyncset.done $0x0  }
0x90: {  	[sflag:s23] =	ssyncadd.s32 $0xFFFFF800  }
0x91: {  	_ =	swait.ge [sflag:s23], $0x800  }
0x92: {  	s0 =	sshra.s32 s28, $0x2;
	[sflag:s23] =	ssyncset.done $0x0  }
0x93: {  	s19 =	sadd.s32 $0x2C00, s0;
	[sflag:s23] =	ssyncadd.s32 $0xFFFFF800  }
0x94: {  	[spmem:s3] =	stream.indirect.scatter.add.f32 [tilespmem:s17], [sflag:$0x2], $0x10, s19, s16, $0xb8;
	[tilespmem:$0x10710] =	vst v63  }
0x95: {  	s19 =	sadd.s32 $0x2C80, s0  }
0x96: {  	[spmem:s3] =	stream.indirect.scatter.add.f32 [tilespmem:s18], [sflag:$0x2], $0x10, s19, s16, $0xb8;
	[tilespmem:$0x10710] =	vst v63  }
0x97: {  	s19 =	sadd.s32 $0x2D00, s0  }
0x98: {  	[spmem:s3] =	stream.indirect.scatter.add.f32 [tilespmem:s20], [sflag:$0x2], $0x10, s19, s16, $0xb8;
	[tilespmem:$0x10710] =	vst v63  }
0x99: {  	s19 =	sadd.s32 $0x2D80, s0  }
0x9a: {  	[spmem:s3] =	stream.indirect.scatter.add.f32 [tilespmem:s22], [sflag:$0x2], $0x10, s19, s16, $0xb8;
	[tilespmem:$0x10710] =	vst v63  }
0x9b: {  	_ =	swait.ge [sflag:s30], $0x800  }
0x9c: {  	[sflag:s30] =	ssyncset.done $0x0  }
0x9d: {  	[sflag:s30] =	ssyncadd.s32 $0xFFFFF800  }
0x9e: {  	_ =	swait.ge [sflag:s30], $0x800  }
0x9f: {  	[sflag:s30] =	ssyncset.done $0x0  }
0xa0: {  	[sflag:s30] =	ssyncadd.s32 $0xFFFFF800  }
0xa1: {  	_ =	swait.ge [sflag:s30], $0x800  }
0xa2: {  	[sflag:s30] =	ssyncset.done $0x0  }
0xa3: {  	[sflag:s30] =	ssyncadd.s32 $0xFFFFF800  }
0xa4: {  	_ =	swait.ge [sflag:s30], $0x800  }
0xa5: {  	[sflag:s30] =	ssyncset.done $0x0  }
0xa6: {  	s19 =	sadd.s32 $0x600, s0;
	[sflag:s30] =	ssyncadd.s32 $0xFFFFF800  }
0xa7: {  	[tilespmem:s29], [sflag:$0x1] =	stream.indirect.gather [spmem:s2], $0x10, s19, s16, $0xb8;
	[tilespmem:$0x10710] =	vst v63  }
0xa8: {  	s19 =	sadd.s32 $0x680, s0  }
0xa9: {  	[tilespmem:s31], [sflag:$0x1] =	stream.indirect.gather [spmem:s2], $0x10, s19, s16, $0xb8;
	[tilespmem:$0x10710] =	vst v63  }
0xaa: {  	s19 =	sadd.s32 $0x700, s0  }
0xab: {  	[tilespmem:s1], [sflag:$0x1] =	stream.indirect.gather [spmem:s2], $0x10, s19, s16, $0xb8;
	[tilespmem:$0x10710] =	vst v63  }
0xac: {  	s19 =	sadd.s32 $0x780, s0  }
0xad: {  	[tilespmem:s21], [sflag:$0x1] =	stream.indirect.gather [spmem:s2], $0x10, s19, s16, $0xb8;
	[tilespmem:$0x10710] =	vst v63  }
0xae: {  	_ =	swait.ge [sflag:s23], $0x800  }
0xaf: {  	[sflag:s23] =	ssyncset.done $0x0  }
0xb0: {  	[sflag:s23] =	ssyncadd.s32 $0xFFFFF800  }
0xb1: {  	_ =	swait.ge [sflag:s23], $0x800  }
0xb2: {  	[sflag:s23] =	ssyncset.done $0x0  }
0xb3: {  	[sflag:s23] =	ssyncadd.s32 $0xFFFFF800  }
0xb4: {  	_ =	swait.ge [sflag:s23], $0x800  }
0xb5: {  	[sflag:s23] =	ssyncset.done $0x0  }
0xb6: {  	[sflag:s23] =	ssyncadd.s32 $0xFFFFF800  }
0xb7: {  	_ =	swait.ge [sflag:s23], $0x800  }
0xb8: {  	[sflag:s23] =	ssyncset.done $0x0  }
0xb9: {  	s19 =	sadd.s32 $0x2E00, s0;
	[sflag:s23] =	ssyncadd.s32 $0xFFFFF800  }
0xba: {  	[spmem:s3] =	stream.indirect.scatter.add.f32 [tilespmem:s29], [sflag:$0x2], $0x10, s19, s16, $0xb8;
	[tilespmem:$0x10710] =	vst v63  }
0xbb: {  	s19 =	sadd.s32 $0x2E80, s0  }
0xbc: {  	[spmem:s3] =	stream.indirect.scatter.add.f32 [tilespmem:s31], [sflag:$0x2], $0x10, s19, s16, $0xb8;
	[tilespmem:$0x10710] =	vst v63  }
0xbd: {  	s19 =	sadd.s32 $0x2F00, s0  }
0xbe: {  	[spmem:s3] =	stream.indirect.scatter.add.f32 [tilespmem:s1], [sflag:$0x2], $0x10, s19, s16, $0xb8;
	[tilespmem:$0x10710] =	vst v63  }
0xbf: {  	s19 =	sadd.s32 $0x2F80, s0  }
0xc0: {  	[spmem:s3] =	stream.indirect.scatter.add.f32 [tilespmem:s21], [sflag:$0x2], $0x10, s19, s16, $0xb8;
	[tilespmem:$0x10710] =	vst v63  }
0xc1: {  	_ =	swait.ge [sflag:s30], $0x800  }
0xc2: {  	[sflag:s30] =	ssyncset.done $0x0  }
0xc3: {  	[sflag:s30] =	ssyncadd.s32 $0xFFFFF800  }
0xc4: {  	_ =	swait.ge [sflag:s30], $0x800  }
0xc5: {  	[sflag:s30] =	ssyncset.done $0x0  }
0xc6: {  	[sflag:s30] =	ssyncadd.s32 $0xFFFFF800  }
0xc7: {  	p0 =	seq.s32 s28, $0x8000;
	_ =	swait.ge [sflag:s30], $0x800  }
.Ltmp3:
0xc8: {  	[sflag:s30] =	ssyncset.done $0x0;
	(pc) =	sbr.rel @p0 .LBB2_6-.Ltmp3, $4  }
0xc9: {  	[sflag:s30] =	ssyncadd.s32 $0xFFFFF800  }
0xca: {  	_ =	swait.ge [sflag:s30], $0x800  }
0xcb: {  	[sflag:s30] =	ssyncset.done $0x0  }
0xcc: {  	[sflag:s30] =	ssyncadd.s32 $0xFFFFF800  }
0xcd: {  	s19 =	sadd.s32 $0x800, s0  }
0xce: {  	[tilespmem:s17], [sflag:$0x1] =	stream.indirect.gather [spmem:s2], $0x10, s19, s16, $0xb8;
	[tilespmem:$0x10710] =	vst v63  }
0xcf: {  	s19 =	sadd.s32 $0x880, s0  }
0xd0: {  	[tilespmem:s18], [sflag:$0x1] =	stream.indirect.gather [spmem:s2], $0x10, s19, s16, $0xb8;
	[tilespmem:$0x10710] =	vst v63  }
.Ltmp4:
0xd1: {  	_ = 	snop;
	(pc) =	sbr.rel .LBB2_4-.Ltmp4, $4  }
0xd2: {  	s19 =	sadd.s32 $0x900, s0  }
0xd3: {  	[tilespmem:s20], [sflag:$0x1] =	stream.indirect.gather [spmem:s2], $0x10, s19, s16, $0xb8;
	[tilespmem:$0x10710] =	vst v63  }
0xd4: {  	s28 =	sadd.s32 $0x1000, s28;
	s19 =	sadd.s32 $0x980, s0  }
0xd5: {  	[tilespmem:s22], [sflag:$0x1] =	stream.indirect.gather [spmem:s2], $0x10, s19, s16, $0xb8;
	[tilespmem:$0x10710] =	vst v63  }
.LBB2_7:
0xd6: {  	_ =	sfence.sel $0x180000  }
0xd7: {  	[bflag:$0x0] =	sbarrier.arrive $0xFFFF  }
0xd8: {  	_ =	strace $0x9000004D  }
0xd9: {  	s0 =	stileid.u32;
	[bflag:$0x2] =	sbarrier.arrive $0xFFFF  }
0xda: {  	p0 =	sne.s32 s0, $0x0;
	s0 =	rddreg [dreg:$0x4]  }
0xdb: {  	s0 =	sadd.s32 @!p0 $0x100000, s0  }
0xdc: {  	[sflag:s0] =	ssyncadd.tile.s32 @!p0 $0x1;
	_ =	shalt  }
.Lfunc_end2:
_tile_overlayer_lowered:
.L_overlay_start_2:
0xdd: {  	(tag) =	ssettag $0x2  }
0xde: {  	s0 =	rddreg [dreg:$0x0];
	s2 =	stileid.u32  }
0xdf: {  	s1 =	rddreg [dreg:$0x1];
	p0 =	sne.s32 s2, $0x0  }
0xe0: {  	s3 =	rddreg [dreg:$0x2];
	[bflag:$0x3] =	sbarrier.arrive $0xFFFF;
	s2 =	simm.s32 @!p0 $0x1C03  }
0xe1: {  	[timem:s3], [sflag:s2] =	dma.local @!p0 [hbm:s0], s1  }
0xe2: {  	s0 =	simm.s32 @!p0 $0x3  }
0xe3: {  	_ =	swait.ge @!p0 [sflag:s0], s1  }
0xe4: {  	s1 =	ssub.s32 @!p0 $0x0, s1;
	[sflag:s0] =	ssyncset.done @!p0 $0x0  }
0xe5: {  	[sflag:s0] =	ssyncadd.s32 @!p0 s1  }
0xe6: {  	[bflag:$0x3] =	sbarrier.arrive $0xFFFF  }
0xe7: {  	_ =	shalt  }

// kernel: kernel.9.cloned.1.call-start
scs
__scs_entry_jumppad:
0x0: {  	(pc) =	sbr.rel $0x88, $3  }
0x1: {  	(tag) =	ssettag $0x0;
	lr =	simm.s32 $0x1  }
0x2: {  	[smem:$0x3F9B] =	sst lr;
	_ =	strace $0xD0000000  }
0x3: {  	_ = 	snop  }
0x4: {  	_ = 	snop  }
0x5: {  	_ = 	snop  }
0x6: {  	_ = 	snop  }
0x7: {  	_ = 	snop  }
__scs_overlays_trampoline_lowered:
0x8: {  	[smem:$0x3FAA] =	sst s0  }
0x9: {  	[smem:$0x3FAB] =	sst s1  }
0xa: {  	[smem:$0x3FAC] =	sst s2  }
0xb: {  	[smem:$0x3FAD] =	sst s3  }
0xc: {  	[smem:$0x3FAE] =	sst s4  }
0xd: {  	[smem:$0x3FAF] =	sst s5  }
0xe: {  	[smem:$0x3FB0] =	sst s6  }
0xf: {  	[smem:$0x3FB1] =	sst s7  }
0x10: {  	[smem:$0x3FB2] =	sst s8  }
0x11: {  	[smem:$0x3FB3] =	sst s9;
	s0 =	simm.s32 @!p0 $0x0  }
0x12: {  	s1 =	sld [smem:$0x3F99];
	s0 =	simm.s32 @p0 $0x1  }
0x13: {  	[smem:$0x3FB4] =	sst s0;
	s0 =	simm.s32 @!p1 $0x0  }
0x14: {  	s2 =	sld [smem:$0x3F98];
	s0 =	simm.s32 @p1 $0x1  }
0x15: {  	[smem:$0x3FB5] =	sst s0;
	s0 =	simm.s32 @!p2 $0x0  }
0x16: {  	s3 =	sld [smem:$0x3FDB];
	s0 =	simm.s32 @p2 $0x1  }
0x17: {  	s4 =	simm.s32 $0x1BF5;
	[smem:$0x3FB7] =	sst s0  }
0x18: {  	s0 =	sld [smem:$0x3F9A];
	_ =	swait.ge [sflag:s4], $0x0  }
0x19: {  	s7 =	sld [smem:$0x3F9B]  }
0x1a: {  	s8 =	sadd.s32 $0xFFFFE003, lr  }
0x1b: {  	s9 =	sadd.s32 $0xFFFFFEF7, lr;
	s5 =	simm.s32 $0xFFFFFFFF;
	p2 =	slt.u32 s8, $0xFFFFF086  }
0x1c: {  	p1 =	slt.u32 s9, $0xF7A;
	s5 =	simm.s32 @!p2 $0x0  }
0x1d: {  	s5 =	simm.s32 @p1 $0x1;
	p0 =	seq.s32 s7, s2  }
0x1e: {  	s7 =	smul.u32 @!p0 $0xF7A, s2;
	p2 =	seq.s32 @!p0 s5, $0x0  }
0x1f: {  	s9 =	smul.u32 $0xF7A, s1;
	s8 =	simm.s32 @!p0 $0x1BF5;
	p2 =	por !p2, p0  }
0x20: {  	[sflag:s8] =	ssyncset.s32 @!p0 $0xFFFFF086;
	s6 =	sadd.s32 @!p0 s3, s7;
	s7 =	simm.s32 @!p0 $0x108  }
0x21: {  	s3 =	sadd.s32 s3, s9;
	s6 =	sadd.s32 @!p0 $0x88, s6;
	s7 =	simm.s32 @p2 $0x1082  }
0x22: {  	[simem:s7], [sflag:s8] =	dma.local @!p0 [hbm:s6], $0xF7A  }
0x23: {  	s9 =	sor.u32 $0xD0000000, s2;
	s6 =	simm.s32 $0x108;
	_ =	swait.ge @!p0 [sflag:s8], $0x0  }
0x24: {  	s3 =	sadd.s32 $0x88, s3;
	s6 =	simm.s32 @!p1 $0x1082;
	[sflag:s4] =	ssyncset.s32 $0xFFFFF086  }
0x25: {  	[simem:s6], [sflag:s4] =	dma.local [hbm:s3], $0xF7A  }
0x26: {  	[smem:$0x3F9B] =	sst s1;
	(tag) =	ssettag s2;
	_ =	strace s9  }
0x27: {  	s1 =	sld [smem:$0x3FAB]  }
0x28: {  	s2 =	sld [smem:$0x3FAC]  }
0x29: {  	s4 =	sld [smem:$0x3FAE]  }
0x2a: {  	p0 =	seq.s32 s5, $0x0;
	s5 =	sld [smem:$0x3FAF]  }
0x2b: {  	s6 =	sld [smem:$0x3FB0]  }
0x2c: {  	s7 =	sld [smem:$0x3FB1]  }
0x2d: {  	s3 =	simm.s32 $0x108;
	s8 =	sld [smem:$0x3FB2]  }
0x2e: {  	s3 =	simm.s32 @!p0 $0x1082;
	s9 =	sld [smem:$0x3FB3]  }
0x2f: {  	lr =	sadd.s32 s0, s3;
	s0 =	sld [smem:$0x3FAA]  }
0x30: {  	s3 =	sld [smem:$0x3FAD]  }
0x31: {  	[smem:$0x3FB6] =	sst s10  }
0x32: {  	s10 =	sld [smem:$0x3FB4];
	_ =	sdelay $0x3  }
0x33: {  	p0 =	seq.s32 s10, $0x1;
	s10 =	sld [smem:$0x3FB6];
	_ =	sdelay $0x3  }
0x34: {  	[smem:$0x3FB6] =	sst s10  }
0x35: {  	s10 =	sld [smem:$0x3FB5];
	_ =	sdelay $0x3  }
0x36: {  	p1 =	seq.s32 s10, $0x1;
	s10 =	sld [smem:$0x3FB6];
	_ =	sdelay $0x3  }
0x37: {  	[smem:$0x3FB6] =	sst s10  }
0x38: {  	s10 =	sld [smem:$0x3FB7]  }
0x39: {  	_ = 	snop;
	(pc) =	sbr.ind lr, $3  }
0x3a: {  	_ = 	snop  }
0x3b: {  	_ = 	snop  }
0x3c: {  	p2 =	seq.s32 s10, $0x1;
	s10 =	sld [smem:$0x3FB6]  }
0x3d: {  	_ =	shalt  }
0x3e: {  	_ =	shalt  }
0x3f: {  	_ =	shalt  }
0x40: {  	_ =	shalt  }
0x41: {  	_ =	shalt  }
0x42: {  	_ =	shalt  }
0x43: {  	_ =	shalt  }
0x44: {  	_ =	shalt  }
0x45: {  	_ =	shalt  }
0x46: {  	_ =	shalt  }
0x47: {  	_ =	shalt  }
0x48: {  	_ =	shalt  }
0x49: {  	_ =	shalt  }
0x4a: {  	_ =	shalt  }
0x4b: {  	_ =	shalt  }
0x4c: {  	_ =	shalt  }
0x4d: {  	_ =	shalt  }
0x4e: {  	_ =	shalt  }
0x4f: {  	_ =	shalt  }
0x50: {  	_ =	shalt  }
0x51: {  	_ =	shalt  }
0x52: {  	_ =	shalt  }
0x53: {  	_ =	shalt  }
0x54: {  	_ =	shalt  }
0x55: {  	_ =	shalt  }
0x56: {  	_ =	shalt  }
0x57: {  	_ =	shalt  }
0x58: {  	_ =	shalt  }
0x59: {  	_ =	shalt  }
0x5a: {  	_ =	shalt  }
0x5b: {  	_ =	shalt  }
0x5c: {  	_ =	shalt  }
0x5d: {  	_ =	shalt  }
0x5e: {  	_ =	shalt  }
0x5f: {  	_ =	shalt  }
0x60: {  	_ =	shalt  }
0x61: {  	_ =	shalt  }
0x62: {  	_ =	shalt  }
0x63: {  	_ =	shalt  }
0x64: {  	_ =	shalt  }
0x65: {  	_ =	shalt  }
0x66: {  	_ =	shalt  }
0x67: {  	_ =	shalt  }
0x68: {  	_ =	shalt  }
0x69: {  	_ =	shalt  }
0x6a: {  	_ =	shalt  }
0x6b: {  	_ =	shalt  }
0x6c: {  	_ =	shalt  }
0x6d: {  	_ =	shalt  }
0x6e: {  	_ =	shalt  }
0x6f: {  	_ =	shalt  }
0x70: {  	_ =	shalt  }
0x71: {  	_ =	shalt  }
0x72: {  	_ =	shalt  }
0x73: {  	_ =	shalt  }
0x74: {  	_ =	shalt  }
0x75: {  	_ =	shalt  }
0x76: {  	_ =	shalt  }
0x77: {  	_ =	shalt  }
0x78: {  	_ =	shalt  }
0x79: {  	_ =	shalt  }
0x7a: {  	_ =	shalt  }
0x7b: {  	_ =	shalt  }
0x7c: {  	_ =	shalt  }
0x7d: {  	_ =	shalt  }
0x7e: {  	_ =	shalt  }
0x7f: {  	_ =	shalt  }
0x80: {  	_ =	shalt  }
0x81: {  	_ =	shalt  }
0x82: {  	_ =	shalt  }
0x83: {  	_ =	shalt  }
0x84: {  	_ =	shalt  }
0x85: {  	_ =	shalt  }
0x86: {  	_ =	shalt  }
0x87: {  	_ =	shalt  }
.Lfunc_end0:
.L_simem_size_0:
called_computation_lowered:
.L_overlay_start_0:
0x88: {  	s2 =	sld [smem:$0x3FD9]  }
0x89: {  	s3 =	sld [smem:$0x3FFE];
	_ =	sdelay $0x1  }
0x8a: {  	s1 =	srdreg.scid  }
0x8b: {  	s0 =	sand.u32 $0x1, s1  }
0x8c: {  	s17 =	sshll.u32 s0, $0xA;
	s2 =	sadd.s32 s3, s2  }
0x8d: {  	s2 =	sadd.s32 s2, s17  }
0x8e: {  	[smem:$0x3FC2] =	sst s2  }
0x8f: {  	_ = 	snop  }
0x90: {  	s2 =	sld [smem:$0x3FD0];
	(tm) =	ssettm $0x1  }
0x91: {  	s18 =	sld [smem:$0x3FFB];
	_ =	sdelay $0x3  }
0x92: {  	_ =	strace s18  }
0x93: {  	s3 =	sld [smem:$0x3FFC];
	_ =	sdelay $0x3  }
0x94: {  	_ =	strace s3  }
0x95: {  	s3 =	sld [smem:$0x3FFD];
	_ =	sdelay $0x3  }
0x96: {  	_ =	strace s3  }
0x97: {  	_ =	strace $0x8FFFFFFF  }
0x98: {  	s19 =	sld [smem:$0x3FDB];
	_ =	sdelay $0x1  }
0x99: {  	s4 =	simm.s32 $_scs_section_size  }
0x9a: {  	s5 =	simm.s32 $_size__tile_overlayer_lowered;
	s6 =	simm.s32 $_tile_overlayer_lowered  }
0x9b: {  	s22 =	simm.s32 $0x1BFF;
	s21 =	sshll.u32 s6, $0x1;
	s3 =	sadd.s32 s4, s19  }
0x9c: {  	s7 =	simm.s32 $0x0;
	s20 =	sshll.u32 s5, $0x1;
	s5 =	sadd.s32 s21, s3  }
0x9d: {  	[timem:s7], [sflag:s22] =	dma.local [hbm:s5], s20  }
0x9e: {  	_ =	swait.ge [sflag:s22], s20  }
0x9f: {  	s4 =	ssub.s32 $0x0, s20;
	[sflag:s22] =	ssyncset.done $0x0  }
0xa0: {  	[sflag:s22] =	ssyncadd.s32 s4;
	_ =	sdelay $0x1  }
0xa1: {  	s23 =	simm.s32 $0x1B8B  }
0xa2: {  	_ =	swait.ge [sflag:s23], $0x1  }
0xa3: {  	[sflag:s23] =	ssyncset.done $0x0  }
0xa4: {  	s25 =	simm.s32 $0x1B8E;
	s24 =	sld [smem:$0x3FFE];
	[sflag:s23] =	ssyncadd.s32 $0xFFFFFFFF  }
0xa5: {  	s26 =	simm.s32 $execute0_lowered;
	[smem:$0x3FD2] =	sst s25  }
0xa6: {  	s5 =	sshll.u32 s26, $0x1;
	_ =	strace $0x80000046;
	[dreg:$0x1] =	wrdreg $0xFFFFFFFF  }
0xa7: {  	s28 =	simm.s32 $_size_execute0_lowered;
	s3 =	sadd.s32 s3, s5;
	[dreg:$0x0] =	wrdreg $0x0  }
0xa8: {  	s5 =	sshll.u32 s28, $0x1;
	[dreg:$0x2] =	wrdreg s3  }
0xa9: {  	[dreg:$0x3] =	wrdreg s5  }
0xaa: {  	[dreg:$0x4] =	wrdreg $0xC0  }
0xab: {  	_ =	task [dreg:s7], $0x5FFFF  }
0xac: {  	[dreg:$0x1] =	wrdreg $0xFFFFFFFF  }
0xad: {  	[dreg:$0x0] =	wrdreg $0x60  }
0xae: {  	[dreg:$0x2] =	wrdreg s2  }
0xaf: {  	[dreg:$0x3] =	wrdreg s24  }
0xb0: {  	[dreg:$0x4] =	wrdreg $0x2C000  }
0xb1: {  	[dreg:$0x5] =	wrdreg $0x9  }
0xb2: {  	_ =	task.clear_ibuf [dreg:s7], $0x6FFFF;
	_ =	strace $0x90000046  }
0xb3: {  	s29 =	simm.s32 $0x9;
	_ =	strace $0x80000048  }
0xb4: {  	_ =	swait.ge [sflag:s29], $0x1  }
0xb5: {  	[sflag:s29] =	ssyncadd.s32 $0xFFFFFFFF  }
0xb6: {  	_ =	strace $0x90000048  }
0xb7: {  	_ =	sfence  }
0xb8: {  	s30 =	sld [smem:$0x0];
	_ =	sdelay $0x2  }
0xb9: {  	s31 =	sshll.u32 s1, $0xD;
	s1 =	sshrl.u32 s1, $0x2  }
0xba: {  	s3 =	sand.u32 $0x4000, s31;
	s1 =	sadd.s32 s1, s30  }
0xbb: {  	s0 =	sor.u32 s3, s0;
	s1 =	sshll.u32 s1, $0x11  }
0xbc: {  	s0 =	sor.u32 s1, s0  }
0xbd: {  	s0 =	sadd.s32 $0x8F2B, s0  }
0xbe: {  	[sflag:s0] =	ssyncadd.remote.s32 $0x1  }
0xbf: {  	_ =	sfence.sel $0xFFFF  }
0xc0: {  	[dreg:$0x0] =	wrdreg $0xFFFFFFFF;
	(pc) =	sbr.abs _section_cstart, $3  }
0xc1: {  	[dreg:$0x1] =	wrdreg $0xFFFFFFFF  }
0xc2: {  	_ =	task.clear_ibuf [dreg:s7], $0x2FFFF;
	_ =	strace $0x9FFFFFFF  }
0xc3: {  	(tm) =	ssettm $0x7FFFFFFF  }
tec
execute0_lowered:
.L_overlay_start_1:
0x0: {  	(tag) =	ssettag $0x1  }
0x1: {  	s5 =	rddreg [dreg:$0x0];
	s1 =	srdreg.scid  }
0x2: {  	s0 =	stileid.u32;
	s6 =	rddreg [dreg:$0x1]  }
0x3: {  	s2 =	rddreg [dreg:$0x2];
	s3 =	simm.s32 $0x0;
	s11 =	simm.s32 $0x80  }
0x4: {  	s12 =	simm.s32 $0x2900;
	s13 =	simm.s32 $0x1;
	s7 =	smul.u32 $0x280, s0  }
0x5: {  	s4 =	sand.u32 $0x1, s1;
	s1 =	rddreg [dreg:$0x3];
	s9 =	smul.u32 $0x51, s0  }
0x6: {  	s14 =	simm.s32 $0x0;
	[smem:$0x7FF] =	sst s3;
	s8 =	smul.u32 $0x2800, s4  }
0x7: {  	s10 =	smul.u32 $0x52, s0;
	_ =	strace $0x80000047;
	p0 =	seq.s32 s4, $0x0  }
0x8: {  	s4 =	ssub.s32 $0x2, s4;
	s9 =	sadd.s32 $0x520, s9;
	s8 =	sadd.s32 s7, s8  }
0x9: {  	s31 =	sshrl.u32 s4, $0x1;
	s9 =	smov.u32 @p0 s10;
	s8 =	sshrl.u32 s8, $0x3  }
0xa: {  	s10 =	ssub.s32 s4, s31;
	s9 =	sshll.u32 s9, $0x4;
	s8 =	sadd.s32 s8, s6  }
0xb: {  	s5 =	sadd.s32 s5, s9;
	s6 =	sadd.s32 s7, s2;
	s9 =	simm.s32 $0x2  }
0xc: {  	v0 =	vimm.f32 $1.000000000e+00;
	v1 =	vimm.f32 $0.0e+00;
	s7 =	sadd.s32 $0x1600, s8;
	s8 =	smax.u32 s10, $0x1;
	s10 =	simm.s32 $0x2980  }
.LBB2_1:
0xd: {  	[tilespmem:s3], [sflag:$0x2] =	stream.linear.gather [hbm4b:s5+s3], $0x2900, $0x38;
	[tilespmem:$0x2E80] =	vst v63  }
0xe: {  	_ =	swait.ge [sflag:s9], $0x2900  }
0xf: {  	[sflag:s9] =	ssyncset.done $0x0  }
0x10: {  	[sflag:s9] =	ssyncadd.s32 $0xFFFFD700  }
0x11: {  	[tilespmem:$0x2900] =	vst v0  }
0x12: {  	[tilespmem:$0x2910] =	vst v0  }
0x13: {  	[tilespmem:$0x2920] =	vst v0  }
0x14: {  	[tilespmem:$0x2930] =	vst v0  }
0x15: {  	[tilespmem:$0x2940] =	vst v0  }
0x16: {  	[tilespmem:$0x2950] =	vst v0  }
0x17: {  	[tilespmem:$0x2960] =	vst v0  }
0x18: {  	[tilespmem:$0x2970] =	vst v0  }
0x19: {  	[tilespmem:$0x2980] =	vst v1  }
0x1a: {  	[tilespmem:$0x2990] =	vst v1  }
0x1b: {  	[tilespmem:$0x29A0] =	vst v1  }
0x1c: {  	[tilespmem:$0x29B0] =	vst v1  }
0x1d: {  	[tilespmem:$0x29C0] =	vst v1  }
0x1e: {  	[tilespmem:$0x29D0] =	vst v1  }
0x1f: {  	[tilespmem:$0x29E0] =	vst v1  }
0x20: {  	[tilespmem:$0x29F0] =	vst v1  }
0x21: {  	[tilespmem:$0x2A00] =	vst v1  }
0x22: {  	[tilespmem:$0x2A10] =	vst v1  }
0x23: {  	[tilespmem:$0x2A20] =	vst v1  }
0x24: {  	[tilespmem:$0x2A30] =	vst v1  }
0x25: {  	[tilespmem:$0x2A40] =	vst v1  }
0x26: {  	[tilespmem:$0x2A50] =	vst v1  }
0x27: {  	[tilespmem:$0x2A60] =	vst v1  }
0x28: {  	[tilespmem:$0x2A70] =	vst v1  }
0x29: {  	[tilespmem:$0x2A80] =	vst v1  }
0x2a: {  	[tilespmem:$0x2A90] =	vst v1  }
0x2b: {  	[tilespmem:$0x2AA0] =	vst v1  }
0x2c: {  	[tilespmem:$0x2AB0] =	vst v1  }
0x2d: {  	[tilespmem:$0x2AC0] =	vst v1  }
0x2e: {  	[tilespmem:$0x2AD0] =	vst v1  }
0x2f: {  	[tilespmem:$0x2AE0] =	vst v1  }
0x30: {  	[tilespmem:$0x2AF0] =	vst v1  }
0x31: {  	[tilespmem:$0x2B00] =	vst v1  }
0x32: {  	[tilespmem:$0x2B10] =	vst v1  }
0x33: {  	[tilespmem:$0x2B20] =	vst v1  }
0x34: {  	[tilespmem:$0x2B30] =	vst v1  }
0x35: {  	[tilespmem:$0x2B40] =	vst v1  }
0x36: {  	[tilespmem:$0x2B50] =	vst v1  }
0x37: {  	[tilespmem:$0x2B60] =	vst v1  }
0x38: {  	[tilespmem:$0x2B70] =	vst v1  }
0x39: {  	[tilespmem:$0x2B80] =	vst v1  }
0x3a: {  	[tilespmem:$0x2B90] =	vst v1  }
0x3b: {  	[tilespmem:$0x2BA0] =	vst v1  }
0x3c: {  	[tilespmem:$0x2BB0] =	vst v1  }
0x3d: {  	[tilespmem:$0x2BC0] =	vst v1  }
0x3e: {  	[tilespmem:$0x2BD0] =	vst v1  }
0x3f: {  	[tilespmem:$0x2BE0] =	vst v1  }
0x40: {  	[tilespmem:$0x2BF0] =	vst v1  }
0x41: {  	[spmem:s6] =	stream.linear.scatter [tilespmem:s10], [sflag:$0x2], $0x280, $0x38;
	[tilespmem:$0x2E80] =	vst v63  }
0x42: {  	_ =	swait.ge [sflag:s9], $0x280  }
0x43: {  	[sflag:s9] =	ssyncset.done $0x0  }
0x44: {  	[sflag:s9] =	ssyncadd.s32 $0xFFFFFD80  }
0x45: {  	s15 =	simm.s32 $0x0;
	[bflag:$0x0] =	sbarrier.arrive $0xFFFF  }
0x46: {  	[spmem:s2] =	stream.indirect.scatter.add.f32 [tilespmem:s12], [sflag:$0x1], $0x1, s15, s11, $0xb8;
	[tilespmem:$0x2E80] =	vst v63  }
0x47: {  	s24 =	simm.s32 $0x80  }
0x48: {  	[spmem:s2] =	stream.indirect.scatter.add.f32 [tilespmem:s12], [sflag:$0x1], $0x1, s24, s11, $0xb8;
	[tilespmem:$0x2E80] =	vst v63  }
0x49: {  	s25 =	simm.s32 $0x100  }
0x4a: {  	[spmem:s2] =	stream.indirect.scatter.add.f32 [tilespmem:s12], [sflag:$0x1], $0x1, s25, s11, $0xb8;
	[tilespmem:$0x2E80] =	vst v63  }
0x4b: {  	s26 =	simm.s32 $0x180  }
0x4c: {  	[spmem:s2] =	stream.indirect.scatter.add.f32 [tilespmem:s12], [sflag:$0x1], $0x1, s26, s11, $0xb8;
	[tilespmem:$0x2E80] =	vst v63  }
0x4d: {  	s28 =	simm.s32 $0x200  }
0x4e: {  	[spmem:s2] =	stream.indirect.scatter.add.f32 [tilespmem:s12], [sflag:$0x1], $0x1, s28, s11, $0xb8;
	[tilespmem:$0x2E80] =	vst v63  }
0x4f: {  	s29 =	simm.s32 $0x280  }
0x50: {  	[spmem:s2] =	stream.indirect.scatter.add.f32 [tilespmem:s12], [sflag:$0x1], $0x1, s29, s11, $0xb8;
	[tilespmem:$0x2E80] =	vst v63  }
0x51: {  	s30 =	simm.s32 $0x300  }
0x52: {  	[spmem:s2] =	stream.indirect.scatter.add.f32 [tilespmem:s12], [sflag:$0x1], $0x1, s30, s11, $0xb8;
	[tilespmem:$0x2E80] =	vst v63  }
0x53: {  	s31 =	simm.s32 $0x380  }
0x54: {  	[spmem:s2] =	stream.indirect.scatter.add.f32 [tilespmem:s12], [sflag:$0x1], $0x1, s31, s11, $0xb8;
	[tilespmem:$0x2E80] =	vst v63  }
0x55: {  	_ =	swait.ge [sflag:s13], $0x80  }
0x56: {  	[sflag:s13] =	ssyncset.done $0x0  }
0x57: {  	[sflag:s13] =	ssyncadd.s32 $0xFFFFFF80  }
0x58: {  	_ =	swait.ge [sflag:s13], $0x80  }
0x59: {  	[sflag:s13] =	ssyncset.done $0x0  }
0x5a: {  	[sflag:s13] =	ssyncadd.s32 $0xFFFFFF80  }
0x5b: {  	_ =	swait.ge [sflag:s13], $0x80  }
0x5c: {  	[sflag:s13] =	ssyncset.done $0x0  }
0x5d: {  	[sflag:s13] =	ssyncadd.s32 $0xFFFFFF80  }
0x5e: {  	_ =	swait.ge [sflag:s13], $0x80  }
0x5f: {  	[sflag:s13] =	ssyncset.done $0x0  }
0x60: {  	[sflag:s13] =	ssyncadd.s32 $0xFFFFFF80  }
0x61: {  	_ =	swait.ge [sflag:s13], $0x80  }
0x62: {  	[sflag:s13] =	ssyncset.done $0x0  }
0x63: {  	[sflag:s13] =	ssyncadd.s32 $0xFFFFFF80  }
0x64: {  	_ =	swait.ge [sflag:s13], $0x80  }
0x65: {  	[sflag:s13] =	ssyncset.done $0x0  }
0x66: {  	[sflag:s13] =	ssyncadd.s32 $0xFFFFFF80  }
0x67: {  	_ =	swait.ge [sflag:s13], $0x80  }
0x68: {  	[sflag:s13] =	ssyncset.done $0x0  }
0x69: {  	[sflag:s13] =	ssyncadd.s32 $0xFFFFFF80  }
0x6a: {  	_ =	swait.ge [sflag:s13], $0x80  }
0x6b: {  	s17 =	simm.s32 $0x2000;
	s15 =	simm.s32 $0x1000;
	[sflag:s13] =	ssyncset.done $0x0  }
.LBB2_2:
0x6c: {  	s18 =	sshra.s32 s15, $0x2  }
0x6d: {  	[sflag:s13] =	ssyncadd.s32 $0xFFFFFF80;
	s15 =	smov.u32 s17;
	s16 =	sadd.s32 $0x1000, s17  }
0x6e: {  	[spmem:s2] =	stream.indirect.scatter.add.f32 [tilespmem:s12], [sflag:$0x1], $0x1, s18, s11, $0xb8;
	[tilespmem:$0x2E80] =	vst v63  }
0x6f: {  	p0 =	sne.s32 s17, $0x9000;
	s17 =	sadd.s32 $0x80, s18  }
0x70: {  	[spmem:s2] =	stream.indirect.scatter.add.f32 [tilespmem:s12], [sflag:$0x1], $0x1, s17, s11, $0xb8;
	[tilespmem:$0x2E80] =	vst v63  }
0x71: {  	s17 =	sadd.s32 $0x100, s18  }
0x72: {  	[spmem:s2] =	stream.indirect.scatter.add.f32 [tilespmem:s12], [sflag:$0x1], $0x1, s17, s11, $0xb8;
	[tilespmem:$0x2E80] =	vst v63  }
0x73: {  	s17 =	sadd.s32 $0x180, s18  }
0x74: {  	[spmem:s2] =	stream.indirect.scatter.add.f32 [tilespmem:s12], [sflag:$0x1], $0x1, s17, s11, $0xb8;
	[tilespmem:$0x2E80] =	vst v63  }
0x75: {  	s17 =	sadd.s32 $0x200, s18  }
0x76: {  	[spmem:s2] =	stream.indirect.scatter.add.f32 [tilespmem:s12], [sflag:$0x1], $0x1, s17, s11, $0xb8;
	[tilespmem:$0x2E80] =	vst v63  }
0x77: {  	s17 =	sadd.s32 $0x280, s18  }
0x78: {  	[spmem:s2] =	stream.indirect.scatter.add.f32 [tilespmem:s12], [sflag:$0x1], $0x1, s17, s11, $0xb8;
	[tilespmem:$0x2E80] =	vst v63  }
0x79: {  	s17 =	sadd.s32 $0x300, s18  }
0x7a: {  	[spmem:s2] =	stream.indirect.scatter.add.f32 [tilespmem:s12], [sflag:$0x1], $0x1, s17, s11, $0xb8;
	[tilespmem:$0x2E80] =	vst v63  }
0x7b: {  	s17 =	sadd.s32 $0x380, s18  }
0x7c: {  	[spmem:s2] =	stream.indirect.scatter.add.f32 [tilespmem:s12], [sflag:$0x1], $0x1, s17, s11, $0xb8;
	[tilespmem:$0x2E80] =	vst v63  }
0x7d: {  	_ =	swait.ge [sflag:s13], $0x80  }
0x7e: {  	[sflag:s13] =	ssyncset.done $0x0  }
0x7f: {  	[sflag:s13] =	ssyncadd.s32 $0xFFFFFF80  }
0x80: {  	_ =	swait.ge [sflag:s13], $0x80  }
0x81: {  	[sflag:s13] =	ssyncset.done $0x0  }
0x82: {  	[sflag:s13] =	ssyncadd.s32 $0xFFFFFF80  }
0x83: {  	_ =	swait.ge [sflag:s13], $0x80  }
0x84: {  	[sflag:s13] =	ssyncset.done $0x0  }
0x85: {  	[sflag:s13] =	ssyncadd.s32 $0xFFFFFF80  }
0x86: {  	_ =	swait.ge [sflag:s13], $0x80  }
0x87: {  	[sflag:s13] =	ssyncset.done $0x0  }
0x88: {  	[sflag:s13] =	ssyncadd.s32 $0xFFFFFF80  }
0x89: {  	_ =	swait.ge [sflag:s13], $0x80  }
0x8a: {  	[sflag:s13] =	ssyncset.done $0x0  }
0x8b: {  	[sflag:s13] =	ssyncadd.s32 $0xFFFFFF80  }
0x8c: {  	_ =	swait.ge [sflag:s13], $0x80  }
0x8d: {  	[sflag:s13] =	ssyncset.done $0x0  }
0x8e: {  	[sflag:s13] =	ssyncadd.s32 $0xFFFFFF80  }
.Ltmp0:
0x8f: {  	_ =	swait.ge [sflag:s13], $0x80;
	(pc) =	sbr.rel @p0 .LBB2_2-.Ltmp0, $4  }
0x90: {  	[sflag:s13] =	ssyncset.done $0x0  }
0x91: {  	[sflag:s13] =	ssyncadd.s32 $0xFFFFFF80  }
0x92: {  	_ =	swait.ge [sflag:s13], $0x80  }
0x93: {  	s17 =	smov.u32 s16;
	[sflag:s13] =	ssyncset.done $0x0  }
0x94: {  	s15 =	sshra.s32 s15, $0x2;
	[sflag:s13] =	ssyncadd.s32 $0xFFFFFF80  }
0x95: {  	[spmem:s2] =	stream.indirect.scatter.add.f32 [tilespmem:s12], [sflag:$0x1], $0x1, s15, s11, $0xb8;
	[tilespmem:$0x2E80] =	vst v63  }
0x96: {  	s16 =	sadd.s32 $0x80, s15  }
0x97: {  	[spmem:s2] =	stream.indirect.scatter.add.f32 [tilespmem:s12], [sflag:$0x1], $0x1, s16, s11, $0xb8;
	[tilespmem:$0x2E80] =	vst v63  }
0x98: {  	s26 =	sadd.s32 $0x100, s15  }
0x99: {  	[spmem:s2] =	stream.indirect.scatter.add.f32 [tilespmem:s12], [sflag:$0x1], $0x1, s26, s11, $0xb8;
	[tilespmem:$0x2E80] =	vst v63  }
0x9a: {  	s28 =	sadd.s32 $0x180, s15  }
0x9b: {  	[spmem:s2] =	stream.indirect.scatter.add.f32 [tilespmem:s12], [sflag:$0x1], $0x1, s28, s11, $0xb8;
	[tilespmem:$0x2E80] =	vst v63  }
0x9c: {  	s29 =	sadd.s32 $0x200, s15  }
0x9d: {  	[spmem:s2] =	stream.indirect.scatter.add.f32 [tilespmem:s12], [sflag:$0x1], $0x1, s29, s11, $0xb8;
	[tilespmem:$0x2E80] =	vst v63  }
0x9e: {  	s30 =	sadd.s32 $0x280, s15  }
0x9f: {  	[spmem:s2] =	stream.indirect.scatter.add.f32 [tilespmem:s12], [sflag:$0x1], $0x1, s30, s11, $0xb8;
	[tilespmem:$0x2E80] =	vst v63  }
0xa0: {  	s31 =	sadd.s32 $0x300, s15  }
0xa1: {  	[spmem:s2] =	stream.indirect.scatter.add.f32 [tilespmem:s12], [sflag:$0x1], $0x1, s31, s11, $0xb8;
	[tilespmem:$0x2E80] =	vst v63  }
0xa2: {  	s15 =	sadd.s32 $0x380, s15  }
0xa3: {  	[spmem:s2] =	stream.indirect.scatter.add.f32 [tilespmem:s12], [sflag:$0x1], $0x1, s15, s11, $0xb8;
	[tilespmem:$0x2E80] =	vst v63  }
0xa4: {  	_ =	swait.ge [sflag:s13], $0x80  }
0xa5: {  	[sflag:s13] =	ssyncset.done $0x0  }
0xa6: {  	[sflag:s13] =	ssyncadd.s32 $0xFFFFFF80  }
0xa7: {  	_ =	swait.ge [sflag:s13], $0x80  }
0xa8: {  	[sflag:s13] =	ssyncset.done $0x0  }
0xa9: {  	[sflag:s13] =	ssyncadd.s32 $0xFFFFFF80  }
0xaa: {  	_ =	swait.ge [sflag:s13], $0x80  }
0xab: {  	[sflag:s13] =	ssyncset.done $0x0  }
0xac: {  	[sflag:s13] =	ssyncadd.s32 $0xFFFFFF80  }
0xad: {  	_ =	swait.ge [sflag:s13], $0x80  }
0xae: {  	[sflag:s13] =	ssyncset.done $0x0  }
0xaf: {  	[sflag:s13] =	ssyncadd.s32 $0xFFFFFF80  }
0xb0: {  	_ =	swait.ge [sflag:s13], $0x80  }
0xb1: {  	[sflag:s13] =	ssyncset.done $0x0  }
0xb2: {  	[sflag:s13] =	ssyncadd.s32 $0xFFFFFF80  }
0xb3: {  	_ =	swait.ge [sflag:s13], $0x80  }
0xb4: {  	[sflag:s13] =	ssyncset.done $0x0  }
0xb5: {  	[sflag:s13] =	ssyncadd.s32 $0xFFFFFF80  }
0xb6: {  	_ =	swait.ge [sflag:s13], $0x80  }
0xb7: {  	[sflag:s13] =	ssyncset.done $0x0  }
0xb8: {  	[sflag:s13] =	ssyncadd.s32 $0xFFFFFF80  }
0xb9: {  	p0 =	sne.s32 s4, $0x1;
	_ =	swait.ge [sflag:s13], $0x80  }
.Ltmp1:
0xba: {  	[sflag:s13] =	ssyncset.done $0x0;
	(pc) =	sbr.rel @!p0 .LBB2_5-.Ltmp1, $4  }
0xbb: {  	s15 =	simm.s32 $0x2800;
	[sflag:s13] =	ssyncadd.s32 $0xFFFFFF80  }
0xbc: {  	[spmem:s2] =	stream.indirect.scatter.add.f32 [tilespmem:s12], [sflag:$0x2], $0x1, s15, s11, $0xb8;
	[tilespmem:$0x2E80] =	vst v63  }
0xbd: {  	_ =	swait.ge [sflag:s9], $0x80  }
0xbe: {  	s16 =	sadd.s32 $0xFFFFFFFF, s4;
	[sflag:s9] =	ssyncset.done $0x0  }
.LBB2_4:
0xbf: {  	p0 =	sne.s32 s16, $0x1;
	[sflag:s9] =	ssyncadd.s32 $0xFFFFFF80;
	s15 =	sadd.s32 $0x80, s15  }
.Ltmp2:
0xc0: {  	s16 =	sadd.s32 $0xFFFFFFFF, s16;
	(pc) =	sbr.rel @p0 .LBB2_4-.Ltmp2, $4  }
0xc1: {  	_ = 	snop  }
0xc2: {  	[spmem:s2] =	stream.indirect.scatter.add.f32 [tilespmem:s12], [sflag:$0x2], $0x1, s15, s11, $0xb8;
	[tilespmem:$0x2E80] =	vst v63  }
0xc3: {  	_ =	swait.ge [sflag:s9], $0x80  }
0xc4: {  	[sflag:s9] =	ssyncset.done $0x0  }
.LBB2_5:
0xc5: {  	[sflag:s9] =	ssyncadd.s32 $0xFFFFFF80  }
0xc6: {  	[bflag:$0x0] =	sbarrier.arrive $0xFFFF  }
0xc7: {  	[tilespmem:s10], [sflag:$0x2] =	stream.linear.gather [spmem:s6], $0x280, $0x38;
	[tilespmem:$0x2E80] =	vst v63  }
0xc8: {  	s14 =	sadd.s32 $0x1, s14;
	_ =	swait.ge [sflag:s9], $0x280  }
0xc9: {  	p0 =	sne.s32 s14, s8;
	[sflag:s9] =	ssyncset.done $0x0  }
.Ltmp3:
0xca: {  	[sflag:s9] =	ssyncadd.s32 $0xFFFFFD80;
	(pc) =	sbr.rel @p0 .LBB2_1-.Ltmp3, $4  }
0xcb: {  	[hbm4b:s7+s3] =	stream.linear.scatter [tilespmem:s10], [sflag:$0x2], $0x280, $0x38;
	[tilespmem:$0x2E80] =	vst v63  }
0xcc: {  	_ =	swait.ge [sflag:s9], $0x280  }
0xcd: {  	[sflag:s9] =	ssyncset.done $0x0  }
0xce: {  	[sflag:s9] =	ssyncadd.s32 $0xFFFFFD80  }
0xcf: {  	_ =	sfence.sel $0x180000  }
0xd0: {  	[bflag:$0x0] =	sbarrier.arrive $0xFFFF  }
0xd1: {  	p0 =	sne.s32 s0, $0x0;
	_ =	strace $0x90000047  }
0xd2: {  	s0 =	sadd.s32 @!p0 $0x100000, s1;
	[bflag:$0x2] =	sbarrier.arrive $0xFFFF  }
0xd3: {  	[sflag:s0] =	ssyncadd.tile.s32 @!p0 $0x1;
	_ =	shalt  }
.Lfunc_end2:
_tile_overlayer_lowered:
.L_overlay_start_2:
0xd4: {  	(tag) =	ssettag $0x2  }
0xd5: {  	s0 =	rddreg [dreg:$0x0];
	s2 =	stileid.u32  }
0xd6: {  	s1 =	rddreg [dreg:$0x1];
	p0 =	sne.s32 s2, $0x0  }
0xd7: {  	s3 =	rddreg [dreg:$0x2];
	[bflag:$0x3] =	sbarrier.arrive $0xFFFF;
	s2 =	simm.s32 @!p0 $0x1C02  }
0xd8: {  	[timem:s3], [sflag:s2] =	dma.local @!p0 [hbm:s0], s1  }
0xd9: {  	s0 =	simm.s32 @!p0 $0x2  }
0xda: {  	_ =	swait.ge @!p0 [sflag:s0], s1  }
0xdb: {  	s1 =	ssub.s32 @!p0 $0x0, s1;
	[sflag:s0] =	ssyncset.done @!p0 $0x0  }
0xdc: {  	[sflag:s0] =	ssyncadd.s32 @!p0 s1  }
0xdd: {  	[bflag:$0x3] =	sbarrier.arrive $0xFFFF  }
0xde: {  	_ =	shalt  }

</sc_bundles>
